<compile_context>
chip_gen: v7x
topology: tpu7x:2x2x1
jax: 0.10.2.dev20260603
libtpu: 0.0.44.dev20260713+nightly
codegen_flags: <defaults>
</compile_context>

<pallas_src>
import functools

import jax
import jax.numpy as jnp
from jax import lax
from jax.experimental import pallas as pl
from jax.experimental.pallas import tpu as pltpu
from jax.experimental.pallas import tpu_sc as plsc

NC = 2
NS = 16
LN = 16


def _make_chase(B, S):
    G = B // LN
    mesh = plsc.VectorSubcoreMesh(core_axis_name="c", subcore_axis_name="s")

    @functools.partial(
        pl.kernel,
        mesh=mesh,
        out_type=jax.ShapeDtypeStruct((B, S), jnp.int32),
        scratch_types=[
            pltpu.VMEM((LN * S,), jnp.int32),
            pltpu.VMEM((LN * S,), jnp.int32),
            pltpu.SemaphoreType.DMA,
        ],
        compiler_params=pltpu.CompilerParams(needs_layout_passes=False),
    )
    def chase(sol_hbm, zer_hbm, vis_hbm, sol_v, vis_v, sem):
        wid = lax.axis_index("s") * NC + lax.axis_index("c")

        @pl.when(wid < G)
        def _():
            base = wid * LN
            for r in range(LN):
                pltpu.async_copy(
                    sol_hbm.at[base + r], sol_v.at[pl.ds(r * S, S)], sem
                )
                pltpu.async_copy(
                    zer_hbm.at[base + r], vis_v.at[pl.ds(r * S, S)], sem
                )
            for r in range(LN):
                pltpu.make_async_copy(
                    sol_hbm.at[base + r], sol_v.at[pl.ds(r * S, S)], sem
                ).wait()
                pltpu.make_async_copy(
                    zer_hbm.at[base + r], vis_v.at[pl.ds(r * S, S)], sem
                ).wait()

            rowbase = lax.iota(jnp.int32, LN) * S
            ones = jnp.full((LN,), 1, jnp.int32)

            def step(i, carry):
                del i
                addr, stepv = carry
                nxt = plsc.load_gather(sol_v, [addr])
                plsc.store_scatter(vis_v, [nxt], stepv)
                return (nxt, stepv + ones)

            lax.fori_loop(0, S, step, (rowbase, ones), unroll=8)

            for r in range(LN):
                pltpu.async_copy(
                    vis_v.at[pl.ds(r * S, S)], vis_hbm.at[base + r], sem
                )
            for r in range(LN):
                pltpu.make_async_copy(
                    vis_v.at[pl.ds(r * S, S)], vis_hbm.at[base + r], sem
                ).wait()

    return chase


def _make_gather(R, E, NROW):
    W = NC * NS
    PERW = R // W
    CH = 64
    NCHUNK = PERW // CH
    NBUF = 8
    LAG = 2
    TROW = NROW - 1
    STG = TROW // NS
    mesh = plsc.VectorSubcoreMesh(core_axis_name="c", subcore_axis_name="s")

    @functools.partial(
        pl.kernel,
        mesh=mesh,
        out_type=jax.ShapeDtypeStruct((R, E), jnp.float32),
        scratch_types=[
            pltpu.VMEM((PERW // TROW, TROW), jnp.int32),
            pltpu.VMEM((NBUF, CH, E), jnp.float32),
            pltpu.VMEM_SHARED((NROW, E), jnp.float32),
            [pltpu.SemaphoreType.DMA] * NBUF,
            [pltpu.SemaphoreType.DMA] * NBUF,
        ],
    )
    def gather(idx_hbm, tab_hbm, out_hbm, idx_v, rows_v, tab_s, gsem, ssem):
        sid = lax.axis_index("s")
        wid = sid * NC + lax.axis_index("c")
        base = wid * PERW

        pltpu.sync_copy(
            tab_hbm.at[pl.ds(sid * STG, STG), :], tab_s.at[pl.ds(sid * STG, STG), :]
        )

        @pl.when(sid == 0)
        def _():
            pltpu.sync_copy(
                tab_hbm.at[pl.ds(0, 1), :], tab_s.at[pl.ds(TROW, 1), :]
            )

        NBW = PERW // TROW
        pltpu.sync_copy(idx_hbm.at[pl.ds(wid * NBW, NBW), :], idx_v)
        plsc.subcore_barrier()

        PR = TROW // CH

        def idxsl(c):
            return idx_v.at[c // PR, pl.ds((c % PR) * CH, CH)]

        def gat(c, b):
            pltpu.async_copy(tab_s.at[idxsl(c)], rows_v.at[b], gsem[b])

        def scat(c, b):
            pltpu.async_copy(
                rows_v.at[b], out_hbm.at[pl.ds(base + c * CH, CH), :], ssem[b]
            )

        for b in range(NBUF):
            gat(b, b)

        def body(i, carry):
            for b in range(NBUF):
                c = i * NBUF + b
                pltpu.make_async_copy(
                    tab_s.at[idxsl(c)], rows_v.at[b], gsem[b]
                ).wait()
                scat(c, b)
                r = c + NBUF - LAG
                bb = (b + NBUF - LAG) % NBUF

                @pl.when(jnp.logical_and(r >= NBUF, r < NCHUNK))
                def _():
                    pltpu.make_async_copy(
                        rows_v.at[bb],
                        out_hbm.at[pl.ds(base + (r - NBUF) * CH, CH), :],
                        ssem[bb],
                    ).wait()
                    gat(r, bb)
            return carry

        lax.fori_loop(0, NCHUNK // NBUF, body, 0)

        for b in range(NBUF):
            c = NCHUNK - NBUF + b
            pltpu.make_async_copy(
                rows_v.at[b % NBUF],
                out_hbm.at[pl.ds(base + c * CH, CH), :],
                ssem[b % NBUF],
            ).wait()

    return gather


def _matmul(xt, Wm, B, S, E):
    NB = 8

    def mm(x_ref, w_ref, o_ref):
        for j in range(NB):
            o_ref[j] = lax.dot_general(
                x_ref[j],
                w_ref[...],
                dimension_numbers=(((0,), (0,)), ((), ())),
                preferred_element_type=jnp.float32,
            )

    return pl.pallas_call(
        mm,
        grid=(B // NB,),
        in_specs=[
            pl.BlockSpec((NB, 2, S), lambda i: (i, 0, 0)),
            pl.BlockSpec((2, E), lambda i: (0, 0)),
        ],
        out_specs=pl.BlockSpec((NB, S, E), lambda i: (i, 0, 0)),
        out_shape=jax.ShapeDtypeStruct((B, S, E), jnp.float32),
    )(xt, Wm)


def kernel(x, solutions, W, pattern):
    solutions = solutions.astype(jnp.int32)
    B, S = solutions.shape
    E = pattern.shape[1]
    R = B * S

    zer = jnp.zeros((B, S), jnp.int32)
    lane_off = (jnp.arange(B, dtype=jnp.int32) % LN)[:, None] * S
    visited_time = _make_chase(B, S)(solutions + lane_off, zer)

    pos_enc = _make_gather(R, E, S + 1)(visited_time, pattern).reshape(B, S, E)

    x_embedding = _matmul(jnp.swapaxes(x, 1, 2), W, B, S, E)

    return (x_embedding, pos_enc, visited_time)

# --- scband reference (transcript-rebuilt; emitter-appended) ---
"""Pipeline reference for scband-embedding-net-87205015978174 (READ-ONLY COPY).

The authoritative reference and input builder live on the scoring server;
editing this copy changes nothing except your own understanding.
"""

import jax, jax.numpy as jnp
import numpy as np


def basesin(x, T, fai=0.0):
    return np.sin(2 * np.pi / T * np.abs(np.mod(x, 2 * T) - T) + fai)


def basecos(x, T, fai=0.0):
    return np.cos(2 * np.pi / T * np.abs(np.mod(x, 2 * T) - T) + fai)


def cyclic_position_encoding_pattern(n_position, emb_dim, mean_pooling=True):
    Td_set = np.linspace(np.power(n_position, 1 / (emb_dim // 2)), n_position, emb_dim // 2, dtype='int')
    x = np.zeros((n_position, emb_dim))
    for i in range(emb_dim):
        Td = Td_set[i // 3 * 3 + 1] if i // 3 * 3 + 1 < emb_dim // 2 else Td_set[-1]
        fai = 0 if i <= emb_dim // 2 else 2 * np.pi * ((-i + emb_dim // 2) / (emb_dim // 2))
        longer_pattern = np.arange(0, np.ceil(n_position / Td) * Td, 0.01)
        idx = np.linspace(0, len(longer_pattern), n_position, dtype='int', endpoint=False)
        if i % 2 == 1:
            x[:, i] = basecos(longer_pattern, Td, fai)[idx]
        else:
            x[:, i] = basesin(longer_pattern, Td, fai)[idx]
    pattern = x.astype(np.float32)
    pattern_sum = np.zeros_like(pattern)
    arange = np.arange(n_position)
    pooling = [-2, -1, 0, 1, 2] if mean_pooling else [0]
    time = 0
    for i in pooling:
        time += 1
        index = (arange + i + n_position) % n_position
        pattern_sum += pattern[index]
    pattern = 1.0 / time * pattern_sum - pattern.mean(0)
    return jnp.asarray(pattern, dtype=jnp.float32)


def setup_inputs(seed: int = 0):
    key = jax.random.key(seed)
    B, S, node_dim, E = 64, 2048, 2, 128
    k1, k2, k3 = jax.random.split(key, 3)
    x = jax.random.normal(k1, (B, S, node_dim), dtype=jnp.float32)
    solutions = jax.random.randint(k2, (B, S), 0, S, dtype=jnp.int32)
    stdv = 1.0 / np.sqrt(node_dim)
    W = jax.random.uniform(k3, (node_dim, E), minval=-stdv, maxval=stdv, dtype=jnp.float32)
    pattern = cyclic_position_encoding_pattern(S, E)
    return {"x": x, "solutions": solutions, "W": W, "pattern": pattern}


def reference(x, solutions, W, pattern):
    solutions = solutions.astype(jnp.int32)
    B, S = solutions.shape
    arange = jnp.arange(B)

    def body(i, carry):
        visited_time, pre = carry
        current = solutions[arange, pre]
        visited_time = visited_time.at[arange, current].set(i + 1)
        return (visited_time, current)

    visited_time, _ = jax.lax.fori_loop(
        0, S, body, (jnp.zeros((B, S), jnp.int32), jnp.zeros((B,), jnp.int32))
    )
    index = jnp.mod(visited_time, S)
    pos_enc = pattern[index]
    x_embedding = jnp.einsum('bsn,ne->bse', x, W)
    return (x_embedding, pos_enc, visited_time)

if __name__ == "__main__":
    import jax
    _d = setup_inputs()
    print(jax.jit(kernel)(*tuple(_d.values())))

</pallas_src>

<mosaic_0001>
#map = affine_map<(d0, d1) -> (0, 0)>
module attributes {stable_mosaic.version = 14 : i64} {
  func.func @gather(%arg0: i32, %arg1: i32, %arg2: memref<64x2048xi32, #tpu.memory_space<hbm>>, %arg3: memref<2048x128xf32, #tpu.memory_space<hbm>>, %arg4: memref<131072x128xf32, #tpu.memory_space<hbm>>, %arg5: memref<2x2048xi32, #tpu.memory_space<vmem>>, %arg6: memref<8x64x128xf32, #tpu.memory_space<vmem>>, %arg7: memref<2049x128xf32, #tpu.memory_space<vmem_shared>>, %arg8: memref<!tpu.dma_semaphore, #tpu.memory_space<semaphore_mem>>, %arg9: memref<!tpu.dma_semaphore, #tpu.memory_space<semaphore_mem>>, %arg10: memref<!tpu.dma_semaphore, #tpu.memory_space<semaphore_mem>>, %arg11: memref<!tpu.dma_semaphore, #tpu.memory_space<semaphore_mem>>, %arg12: memref<!tpu.dma_semaphore, #tpu.memory_space<semaphore_mem>>, %arg13: memref<!tpu.dma_semaphore, #tpu.memory_space<semaphore_mem>>, %arg14: memref<!tpu.dma_semaphore, #tpu.memory_space<semaphore_mem>>, %arg15: memref<!tpu.dma_semaphore, #tpu.memory_space<semaphore_mem>>, %arg16: memref<!tpu.dma_semaphore, #tpu.memory_space<semaphore_mem>>, %arg17: memref<!tpu.dma_semaphore, #tpu.memory_space<semaphore_mem>>, %arg18: memref<!tpu.dma_semaphore, #tpu.memory_space<semaphore_mem>>, %arg19: memref<!tpu.dma_semaphore, #tpu.memory_space<semaphore_mem>>, %arg20: memref<!tpu.dma_semaphore, #tpu.memory_space<semaphore_mem>>, %arg21: memref<!tpu.dma_semaphore, #tpu.memory_space<semaphore_mem>>, %arg22: memref<!tpu.dma_semaphore, #tpu.memory_space<semaphore_mem>>, %arg23: memref<!tpu.dma_semaphore, #tpu.memory_space<semaphore_mem>>) attributes {dimension_semantics = [#tpu.dimension_semantics<core_parallel>, #tpu.dimension_semantics<subcore_parallel>], iteration_bounds = array<i64: 2, 16>, scalar_prefetch = 0 : i64, scratch_operands = 19 : i64, tpu.core_type = #tpu.core_type<sc_vector_subcore>, window_params = [{transform_indices = #map}, {transform_indices = #map}, {transform_indices = #map}]} {
    %mul3A = arith.constant 2 : i32
    %mul3A_0 = arith.muli %arg1, %mul3A : i32
    %add3A = arith.addi %mul3A_0, %arg0 : i32
    %mul3A_1 = arith.constant 4096 : i32
    %mul3A_2 = arith.muli %add3A, %mul3A_1 : i32
    %mul3A_3 = arith.constant 128 : i32
    %mul3A_4 = arith.muli %arg1, %mul3A_3 : i32
    %mul3A_5 = arith.constant 128 : i32
    %mul3A_6 = arith.muli %arg1, %mul3A_5 : i32
    "tpu.region"() ({
      %run_scoped3A = tpu.sem_alloc : memref<!tpu.dma_semaphore, #tpu.memory_space<semaphore_mem>>
      %dma_start3A_230 = arith.constant 0 : i32
      %dma_start3A_231 = tpu.memref_slice %arg7[%mul3A_6, %dma_start3A_230] : memref<2049x128xf32, #tpu.memory_space<vmem_shared>> -> memref<128x128xf32, #tpu.memory_space<vmem_shared>>
      %dma_start3A_232 = arith.constant 0 : i32
      %dma_start3A_233 = tpu.memref_slice %arg3[%mul3A_4, %dma_start3A_232] : memref<2048x128xf32, #tpu.memory_space<hbm>> -> memref<128x128xf32, #tpu.memory_space<hbm>>
      tpu.enqueue_dma source(%dma_start3A_233 : memref<128x128xf32, #tpu.memory_space<hbm>>) target(%dma_start3A_231 : memref<128x128xf32, #tpu.memory_space<vmem_shared>>) target_semaphore(%run_scoped3A : memref<!tpu.dma_semaphore, #tpu.memory_space<semaphore_mem>>)
      %dma_wait3A_234 = arith.constant 0 : i32
      %dma_wait3A_235 = tpu.memref_slice %arg7[%mul3A_6, %dma_wait3A_234] : memref<2049x128xf32, #tpu.memory_space<vmem_shared>> -> memref<128x128xf32, #tpu.memory_space<vmem_shared>>
      %dma_wait3A_236 = arith.constant 0 : i32
      %dma_wait3A_237 = tpu.memref_slice %arg3[%mul3A_4, %dma_wait3A_236] : memref<2048x128xf32, #tpu.memory_space<hbm>> -> memref<128x128xf32, #tpu.memory_space<hbm>>
      tpu.wait_dma2 semaphore(%run_scoped3A : memref<!tpu.dma_semaphore, #tpu.memory_space<semaphore_mem>>) src(%dma_wait3A_237 : memref<128x128xf32, #tpu.memory_space<hbm>>) dst(%dma_wait3A_235 : memref<128x128xf32, #tpu.memory_space<vmem_shared>>)
      tpu.yield
    }) : () -> ()
    %eq3A = arith.constant 0 : i32
    %eq3A_7 = arith.cmpi eq, %arg1, %eq3A : i32
    %convert_element_type3A = arith.extui %eq3A_7 : i1 to i32
    %cond3A = arith.constant 0 : i32
    %cond3A_8 = arith.cmpi ne, %convert_element_type3A, %cond3A : i32
    scf.if %cond3A_8 {
      "tpu.region"() ({
        %run_scoped3A = tpu.sem_alloc : memref<!tpu.dma_semaphore, #tpu.memory_space<semaphore_mem>>
        %dma_start3A_230 = arith.constant 2048 : i32
        %dma_start3A_231 = arith.constant 0 : i32
        %dma_start3A_232 = tpu.memref_slice %arg7[%dma_start3A_230, %dma_start3A_231] : memref<2049x128xf32, #tpu.memory_space<vmem_shared>> -> memref<1x128xf32, #tpu.memory_space<vmem_shared>>
        %dma_start3A_233 = arith.constant 0 : i32
        %dma_start3A_234 = arith.constant 0 : i32
        %dma_start3A_235 = tpu.memref_slice %arg3[%dma_start3A_233, %dma_start3A_234] : memref<2048x128xf32, #tpu.memory_space<hbm>> -> memref<1x128xf32, #tpu.memory_space<hbm>>
        tpu.enqueue_dma source(%dma_start3A_235 : memref<1x128xf32, #tpu.memory_space<hbm>>) target(%dma_start3A_232 : memref<1x128xf32, #tpu.memory_space<vmem_shared>>) target_semaphore(%run_scoped3A : memref<!tpu.dma_semaphore, #tpu.memory_space<semaphore_mem>>)
        %dma_wait3A_236 = arith.constant 2048 : i32
        %dma_wait3A_237 = arith.constant 0 : i32
        %dma_wait3A_238 = tpu.memref_slice %arg7[%dma_wait3A_236, %dma_wait3A_237] : memref<2049x128xf32, #tpu.memory_space<vmem_shared>> -> memref<1x128xf32, #tpu.memory_space<vmem_shared>>
        %dma_wait3A_239 = arith.constant 0 : i32
        %dma_wait3A_240 = arith.constant 0 : i32
        %dma_wait3A_241 = tpu.memref_slice %arg3[%dma_wait3A_239, %dma_wait3A_240] : memref<2048x128xf32, #tpu.memory_space<hbm>> -> memref<1x128xf32, #tpu.memory_space<hbm>>
        tpu.wait_dma2 semaphore(%run_scoped3A : memref<!tpu.dma_semaphore, #tpu.memory_space<semaphore_mem>>) src(%dma_wait3A_241 : memref<1x128xf32, #tpu.memory_space<hbm>>) dst(%dma_wait3A_238 : memref<1x128xf32, #tpu.memory_space<vmem_shared>>)
        tpu.yield
      }) : () -> ()
    } else {
    }
    %mul3A_9 = arith.constant 2 : i32
    %mul3A_10 = arith.muli %add3A, %mul3A_9 : i32
    "tpu.region"() ({
      %run_scoped3A = tpu.sem_alloc : memref<!tpu.dma_semaphore, #tpu.memory_space<semaphore_mem>>
      %dma_start3A_230 = arith.constant 0 : i32
      %dma_start3A_231 = tpu.memref_slice %arg2[%mul3A_10, %dma_start3A_230] : memref<64x2048xi32, #tpu.memory_space<hbm>> -> memref<2x2048xi32, #tpu.memory_space<hbm>>
      %dma_start3A_232 = arith.constant 0 : i32
      %dma_start3A_233 = tpu.memref_slice %arg2[%mul3A_10, %dma_start3A_232] : memref<64x2048xi32, #tpu.memory_space<hbm>> -> memref<2x2048xi32, #tpu.memory_space<hbm>>
      tpu.enqueue_dma source(%dma_start3A_233 : memref<2x2048xi32, #tpu.memory_space<hbm>>) target(%arg5 : memref<2x2048xi32, #tpu.memory_space<vmem>>) target_semaphore(%run_scoped3A : memref<!tpu.dma_semaphore, #tpu.memory_space<semaphore_mem>>)
      %dma_wait3A_234 = arith.constant 0 : i32
      %dma_wait3A_235 = tpu.memref_slice %arg2[%mul3A_10, %dma_wait3A_234] : memref<64x2048xi32, #tpu.memory_space<hbm>> -> memref<2x2048xi32, #tpu.memory_space<hbm>>
      %dma_wait3A_236 = arith.constant 0 : i32
      %dma_wait3A_237 = tpu.memref_slice %arg2[%mul3A_10, %dma_wait3A_236] : memref<64x2048xi32, #tpu.memory_space<hbm>> -> memref<2x2048xi32, #tpu.memory_space<hbm>>
      tpu.wait_dma2 semaphore(%run_scoped3A : memref<!tpu.dma_semaphore, #tpu.memory_space<semaphore_mem>>) src(%dma_wait3A_237 : memref<2x2048xi32, #tpu.memory_space<hbm>>) dst(%arg5 : memref<2x2048xi32, #tpu.memory_space<vmem>>)
      tpu.yield
    }) : () -> ()
    %barrier3A = arith.constant 0 : index
    tpu.barrier barrier_id(%barrier3A)
    %dma_start3A = arith.constant 0 : i32
    %dma_start3A_11 = arith.constant 0 : i32
    %dma_start3A_12 = arith.constant 0 : i32
    %dma_start3A_13 = arith.constant 0 : i32
    %dma_start3A_14 = tpu.memref_slice %arg6[%dma_start3A_11, %dma_start3A_12, %dma_start3A_13] : memref<8x64x128xf32, #tpu.memory_space<vmem>> -> memref<1x64x128xf32, #tpu.memory_space<vmem>>
    %dma_start3A_15 = tpu.memref_squeeze %dma_start3A_14 : memref<1x64x128xf32, #tpu.memory_space<vmem>> -> memref<64x128xf32, #tpu.memory_space<vmem>>
    %dma_start3A_16 = arith.constant 0 : i32
    %dma_start3A_17 = tpu.memref_slice %arg5[%dma_start3A, %dma_start3A_16] : memref<2x2048xi32, #tpu.memory_space<vmem>> -> memref<1x64xi32, #tpu.memory_space<vmem>>
    %dma_start3A_18 = tpu.memref_squeeze %dma_start3A_17 : memref<1x64xi32, #tpu.memory_space<vmem>> -> memref<64xi32, #tpu.memory_space<vmem>>
    %dma_start3A_19 = arith.constant 0 : i32
    %dma_start3A_20 = arith.constant 0 : i32
    %dma_start3A_21 = tpu.memref_slice %arg7[%dma_start3A_19, %dma_start3A_20] : memref<2049x128xf32, #tpu.memory_space<vmem_shared>> -> memref<2049x128xf32, #tpu.memory_space<vmem_shared>>
    tpu.enqueue_indirect_dma source(%dma_start3A_21 : memref<2049x128xf32, #tpu.memory_space<vmem_shared>>) target(%dma_start3A_15 : memref<64x128xf32, #tpu.memory_space<vmem>>) offsets(%dma_start3A_18 : memref<64xi32, #tpu.memory_space<vmem>>) semaphore(%arg8 : memref<!tpu.dma_semaphore, #tpu.memory_space<semaphore_mem>>)
    %dma_start3A_22 = arith.constant 0 : i32
    %dma_start3A_23 = arith.constant 1 : i32
    %dma_start3A_24 = arith.constant 0 : i32
    %dma_start3A_25 = arith.constant 0 : i32
    %dma_start3A_26 = tpu.memref_slice %arg6[%dma_start3A_23, %dma_start3A_24, %dma_start3A_25] : memref<8x64x128xf32, #tpu.memory_space<vmem>> -> memref<1x64x128xf32, #tpu.memory_space<vmem>>
    %dma_start3A_27 = tpu.memref_squeeze %dma_start3A_26 : memref<1x64x128xf32, #tpu.memory_space<vmem>> -> memref<64x128xf32, #tpu.memory_space<vmem>>
    %dma_start3A_28 = arith.constant 64 : i32
    %dma_start3A_29 = tpu.memref_slice %arg5[%dma_start3A_22, %dma_start3A_28] : memref<2x2048xi32, #tpu.memory_space<vmem>> -> memref<1x64xi32, #tpu.memory_space<vmem>>
    %dma_start3A_30 = tpu.memref_squeeze %dma_start3A_29 : memref<1x64xi32, #tpu.memory_space<vmem>> -> memref<64xi32, #tpu.memory_space<vmem>>
    %dma_start3A_31 = arith.constant 0 : i32
    %dma_start3A_32 = arith.constant 0 : i32
    %dma_start3A_33 = tpu.memref_slice %arg7[%dma_start3A_31, %dma_start3A_32] : memref<2049x128xf32, #tpu.memory_space<vmem_shared>> -> memref<2049x128xf32, #tpu.memory_space<vmem_shared>>
    tpu.enqueue_indirect_dma source(%dma_start3A_33 : memref<2049x128xf32, #tpu.memory_space<vmem_shared>>) target(%dma_start3A_27 : memref<64x128xf32, #tpu.memory_space<vmem>>) offsets(%dma_start3A_30 : memref<64xi32, #tpu.memory_space<vmem>>) semaphore(%arg9 : memref<!tpu.dma_semaphore, #tpu.memory_space<semaphore_mem>>)
    %dma_start3A_34 = arith.constant 0 : i32
    %dma_start3A_35 = arith.constant 2 : i32
    %dma_start3A_36 = arith.constant 0 : i32
    %dma_start3A_37 = arith.constant 0 : i32
    %dma_start3A_38 = tpu.memref_slice %arg6[%dma_start3A_35, %dma_start3A_36, %dma_start3A_37] : memref<8x64x128xf32, #tpu.memory_space<vmem>> -> memref<1x64x128xf32, #tpu.memory_space<vmem>>
    %dma_start3A_39 = tpu.memref_squeeze %dma_start3A_38 : memref<1x64x128xf32, #tpu.memory_space<vmem>> -> memref<64x128xf32, #tpu.memory_space<vmem>>
    %dma_start3A_40 = arith.constant 128 : i32
    %dma_start3A_41 = tpu.memref_slice %arg5[%dma_start3A_34, %dma_start3A_40] : memref<2x2048xi32, #tpu.memory_space<vmem>> -> memref<1x64xi32, #tpu.memory_space<vmem>>
    %dma_start3A_42 = tpu.memref_squeeze %dma_start3A_41 : memref<1x64xi32, #tpu.memory_space<vmem>> -> memref<64xi32, #tpu.memory_space<vmem>>
    %dma_start3A_43 = arith.constant 0 : i32
    %dma_start3A_44 = arith.constant 0 : i32
    %dma_start3A_45 = tpu.memref_slice %arg7[%dma_start3A_43, %dma_start3A_44] : memref<2049x128xf32, #tpu.memory_space<vmem_shared>> -> memref<2049x128xf32, #tpu.memory_space<vmem_shared>>
    tpu.enqueue_indirect_dma source(%dma_start3A_45 : memref<2049x128xf32, #tpu.memory_space<vmem_shared>>) target(%dma_start3A_39 : memref<64x128xf32, #tpu.memory_space<vmem>>) offsets(%dma_start3A_42 : memref<64xi32, #tpu.memory_space<vmem>>) semaphore(%arg10 : memref<!tpu.dma_semaphore, #tpu.memory_space<semaphore_mem>>)
    %dma_start3A_46 = arith.constant 0 : i32
    %dma_start3A_47 = arith.constant 3 : i32
    %dma_start3A_48 = arith.constant 0 : i32
    %dma_start3A_49 = arith.constant 0 : i32
    %dma_start3A_50 = tpu.memref_slice %arg6[%dma_start3A_47, %dma_start3A_48, %dma_start3A_49] : memref<8x64x128xf32, #tpu.memory_space<vmem>> -> memref<1x64x128xf32, #tpu.memory_space<vmem>>
    %dma_start3A_51 = tpu.memref_squeeze %dma_start3A_50 : memref<1x64x128xf32, #tpu.memory_space<vmem>> -> memref<64x128xf32, #tpu.memory_space<vmem>>
    %dma_start3A_52 = arith.constant 192 : i32
    %dma_start3A_53 = tpu.memref_slice %arg5[%dma_start3A_46, %dma_start3A_52] : memref<2x2048xi32, #tpu.memory_space<vmem>> -> memref<1x64xi32, #tpu.memory_space<vmem>>
    %dma_start3A_54 = tpu.memref_squeeze %dma_start3A_53 : memref<1x64xi32, #tpu.memory_space<vmem>> -> memref<64xi32, #tpu.memory_space<vmem>>
    %dma_start3A_55 = arith.constant 0 : i32
    %dma_start3A_56 = arith.constant 0 : i32
    %dma_start3A_57 = tpu.memref_slice %arg7[%dma_start3A_55, %dma_start3A_56] : memref<2049x128xf32, #tpu.memory_space<vmem_shared>> -> memref<2049x128xf32, #tpu.memory_space<vmem_shared>>
    tpu.enqueue_indirect_dma source(%dma_start3A_57 : memref<2049x128xf32, #tpu.memory_space<vmem_shared>>) target(%dma_start3A_51 : memref<64x128xf32, #tpu.memory_space<vmem>>) offsets(%dma_start3A_54 : memref<64xi32, #tpu.memory_space<vmem>>) semaphore(%arg11 : memref<!tpu.dma_semaphore, #tpu.memory_space<semaphore_mem>>)
    %dma_start3A_58 = arith.constant 0 : i32
    %dma_start3A_59 = arith.constant 4 : i32
    %dma_start3A_60 = arith.constant 0 : i32
    %dma_start3A_61 = arith.constant 0 : i32
    %dma_start3A_62 = tpu.memref_slice %arg6[%dma_start3A_59, %dma_start3A_60, %dma_start3A_61] : memref<8x64x128xf32, #tpu.memory_space<vmem>> -> memref<1x64x128xf32, #tpu.memory_space<vmem>>
    %dma_start3A_63 = tpu.memref_squeeze %dma_start3A_62 : memref<1x64x128xf32, #tpu.memory_space<vmem>> -> memref<64x128xf32, #tpu.memory_space<vmem>>
    %dma_start3A_64 = arith.constant 256 : i32
    %dma_start3A_65 = tpu.memref_slice %arg5[%dma_start3A_58, %dma_start3A_64] : memref<2x2048xi32, #tpu.memory_space<vmem>> -> memref<1x64xi32, #tpu.memory_space<vmem>>
    %dma_start3A_66 = tpu.memref_squeeze %dma_start3A_65 : memref<1x64xi32, #tpu.memory_space<vmem>> -> memref<64xi32, #tpu.memory_space<vmem>>
    %dma_start3A_67 = arith.constant 0 : i32
    %dma_start3A_68 = arith.constant 0 : i32
    %dma_start3A_69 = tpu.memref_slice %arg7[%dma_start3A_67, %dma_start3A_68] : memref<2049x128xf32, #tpu.memory_space<vmem_shared>> -> memref<2049x128xf32, #tpu.memory_space<vmem_shared>>
    tpu.enqueue_indirect_dma source(%dma_start3A_69 : memref<2049x128xf32, #tpu.memory_space<vmem_shared>>) target(%dma_start3A_63 : memref<64x128xf32, #tpu.memory_space<vmem>>) offsets(%dma_start3A_66 : memref<64xi32, #tpu.memory_space<vmem>>) semaphore(%arg12 : memref<!tpu.dma_semaphore, #tpu.memory_space<semaphore_mem>>)
    %dma_start3A_70 = arith.constant 0 : i32
    %dma_start3A_71 = arith.constant 5 : i32
    %dma_start3A_72 = arith.constant 0 : i32
    %dma_start3A_73 = arith.constant 0 : i32
    %dma_start3A_74 = tpu.memref_slice %arg6[%dma_start3A_71, %dma_start3A_72, %dma_start3A_73] : memref<8x64x128xf32, #tpu.memory_space<vmem>> -> memref<1x64x128xf32, #tpu.memory_space<vmem>>
    %dma_start3A_75 = tpu.memref_squeeze %dma_start3A_74 : memref<1x64x128xf32, #tpu.memory_space<vmem>> -> memref<64x128xf32, #tpu.memory_space<vmem>>
    %dma_start3A_76 = arith.constant 320 : i32
    %dma_start3A_77 = tpu.memref_slice %arg5[%dma_start3A_70, %dma_start3A_76] : memref<2x2048xi32, #tpu.memory_space<vmem>> -> memref<1x64xi32, #tpu.memory_space<vmem>>
    %dma_start3A_78 = tpu.memref_squeeze %dma_start3A_77 : memref<1x64xi32, #tpu.memory_space<vmem>> -> memref<64xi32, #tpu.memory_space<vmem>>
    %dma_start3A_79 = arith.constant 0 : i32
    %dma_start3A_80 = arith.constant 0 : i32
    %dma_start3A_81 = tpu.memref_slice %arg7[%dma_start3A_79, %dma_start3A_80] : memref<2049x128xf32, #tpu.memory_space<vmem_shared>> -> memref<2049x128xf32, #tpu.memory_space<vmem_shared>>
    tpu.enqueue_indirect_dma source(%dma_start3A_81 : memref<2049x128xf32, #tpu.memory_space<vmem_shared>>) target(%dma_start3A_75 : memref<64x128xf32, #tpu.memory_space<vmem>>) offsets(%dma_start3A_78 : memref<64xi32, #tpu.memory_space<vmem>>) semaphore(%arg13 : memref<!tpu.dma_semaphore, #tpu.memory_space<semaphore_mem>>)
    %dma_start3A_82 = arith.constant 0 : i32
    %dma_start3A_83 = arith.constant 6 : i32
    %dma_start3A_84 = arith.constant 0 : i32
    %dma_start3A_85 = arith.constant 0 : i32
    %dma_start3A_86 = tpu.memref_slice %arg6[%dma_start3A_83, %dma_start3A_84, %dma_start3A_85] : memref<8x64x128xf32, #tpu.memory_space<vmem>> -> memref<1x64x128xf32, #tpu.memory_space<vmem>>
    %dma_start3A_87 = tpu.memref_squeeze %dma_start3A_86 : memref<1x64x128xf32, #tpu.memory_space<vmem>> -> memref<64x128xf32, #tpu.memory_space<vmem>>
    %dma_start3A_88 = arith.constant 384 : i32
    %dma_start3A_89 = tpu.memref_slice %arg5[%dma_start3A_82, %dma_start3A_88] : memref<2x2048xi32, #tpu.memory_space<vmem>> -> memref<1x64xi32, #tpu.memory_space<vmem>>
    %dma_start3A_90 = tpu.memref_squeeze %dma_start3A_89 : memref<1x64xi32, #tpu.memory_space<vmem>> -> memref<64xi32, #tpu.memory_space<vmem>>
    %dma_start3A_91 = arith.constant 0 : i32
    %dma_start3A_92 = arith.constant 0 : i32
    %dma_start3A_93 = tpu.memref_slice %arg7[%dma_start3A_91, %dma_start3A_92] : memref<2049x128xf32, #tpu.memory_space<vmem_shared>> -> memref<2049x128xf32, #tpu.memory_space<vmem_shared>>
    tpu.enqueue_indirect_dma source(%dma_start3A_93 : memref<2049x128xf32, #tpu.memory_space<vmem_shared>>) target(%dma_start3A_87 : memref<64x128xf32, #tpu.memory_space<vmem>>) offsets(%dma_start3A_90 : memref<64xi32, #tpu.memory_space<vmem>>) semaphore(%arg14 : memref<!tpu.dma_semaphore, #tpu.memory_space<semaphore_mem>>)
    %dma_start3A_94 = arith.constant 0 : i32
    %dma_start3A_95 = arith.constant 7 : i32
    %dma_start3A_96 = arith.constant 0 : i32
    %dma_start3A_97 = arith.constant 0 : i32
    %dma_start3A_98 = tpu.memref_slice %arg6[%dma_start3A_95, %dma_start3A_96, %dma_start3A_97] : memref<8x64x128xf32, #tpu.memory_space<vmem>> -> memref<1x64x128xf32, #tpu.memory_space<vmem>>
    %dma_start3A_99 = tpu.memref_squeeze %dma_start3A_98 : memref<1x64x128xf32, #tpu.memory_space<vmem>> -> memref<64x128xf32, #tpu.memory_space<vmem>>
    %dma_start3A_100 = arith.constant 448 : i32
    %dma_start3A_101 = tpu.memref_slice %arg5[%dma_start3A_94, %dma_start3A_100] : memref<2x2048xi32, #tpu.memory_space<vmem>> -> memref<1x64xi32, #tpu.memory_space<vmem>>
    %dma_start3A_102 = tpu.memref_squeeze %dma_start3A_101 : memref<1x64xi32, #tpu.memory_space<vmem>> -> memref<64xi32, #tpu.memory_space<vmem>>
    %dma_start3A_103 = arith.constant 0 : i32
    %dma_start3A_104 = arith.constant 0 : i32
    %dma_start3A_105 = tpu.memref_slice %arg7[%dma_start3A_103, %dma_start3A_104] : memref<2049x128xf32, #tpu.memory_space<vmem_shared>> -> memref<2049x128xf32, #tpu.memory_space<vmem_shared>>
    tpu.enqueue_indirect_dma source(%dma_start3A_105 : memref<2049x128xf32, #tpu.memory_space<vmem_shared>>) target(%dma_start3A_99 : memref<64x128xf32, #tpu.memory_space<vmem>>) offsets(%dma_start3A_102 : memref<64xi32, #tpu.memory_space<vmem>>) semaphore(%arg15 : memref<!tpu.dma_semaphore, #tpu.memory_space<semaphore_mem>>)
    %scan3A = arith.constant 0 : i32
    %scan3A_106 = arith.constant 0 : i32
    %scan3A_107 = arith.constant 8 : i32
    %scan3A_108 = arith.addi %scan3A_106, %scan3A_107 : i32
    %scan3A_109 = arith.constant 1 : i32
    scf.for %scan3A_230 = %scan3A_106 to %scan3A_108 step %scan3A_109  : i32 {
      %mul3A_231 = arith.constant 8 : i32
      %mul3A_232 = arith.muli %scan3A_230, %mul3A_231 : i32
      %add3A_233 = arith.constant 0 : i32
      %add3A_234 = arith.addi %mul3A_232, %add3A_233 : i32
      %jit3A = arith.constant 32 : i32
      %div3A = arith.divsi %add3A_234, %jit3A : i32
      %sign3A = arith.constant 0 : i32
      %sign3A_235 = arith.cmpi sgt, %add3A_234, %sign3A : i32
      %sign3A_236 = arith.extui %sign3A_235 : i1 to i32
      %sign3A_237 = arith.constant 0 : i32
      %sign3A_238 = arith.cmpi slt, %add3A_234, %sign3A_237 : i32
      %sign3A_239 = arith.extui %sign3A_238 : i1 to i32
      %sign3A_240 = arith.subi %sign3A_236, %sign3A_239 : i32
      %sign3A_241 = arith.constant 0 : i32
      %sign3A_242 = arith.cmpi sgt, %jit3A, %sign3A_241 : i32
      %sign3A_243 = arith.extui %sign3A_242 : i1 to i32
      %sign3A_244 = arith.constant 0 : i32
      %sign3A_245 = arith.cmpi slt, %jit3A, %sign3A_244 : i32
      %sign3A_246 = arith.extui %sign3A_245 : i1 to i32
      %sign3A_247 = arith.subi %sign3A_243, %sign3A_246 : i32
      %ne3A = arith.cmpi ne, %sign3A_240, %sign3A_247 : i32
      %rem3A = arith.remsi %add3A_234, %jit3A : i32
      %ne3A_248 = arith.constant 0 : i32
      %ne3A_249 = arith.cmpi ne, %rem3A, %ne3A_248 : i32
      %and3A = arith.andi %ne3A, %ne3A_249 : i1
      %sub3A = arith.constant 1 : i32
      %sub3A_250 = arith.subi %div3A, %sub3A : i32
      %select_n3A = arith.select %and3A, %sub3A_250, %div3A : i32
      %jit3A_251 = arith.constant 32 : i32
      %eq3A_252 = arith.constant 0 : i32
      %eq3A_253 = arith.cmpi eq, %jit3A_251, %eq3A_252 : i32
      %jit3A_254 = arith.constant 1 : i32
      %select_n3A_255 = arith.select %eq3A_253, %jit3A_254, %jit3A_251 : i32
      %rem3A_256 = arith.remsi %add3A_234, %select_n3A_255 : i32
      %ne3A_257 = arith.constant 0 : i32
      %ne3A_258 = arith.cmpi ne, %rem3A_256, %ne3A_257 : i32
      %lt3A = arith.constant 0 : i32
      %lt3A_259 = arith.cmpi slt, %rem3A_256, %lt3A : i32
      %lt3A_260 = arith.constant 0 : i32
      %lt3A_261 = arith.cmpi slt, %select_n3A_255, %lt3A_260 : i32
      %ne3A_262 = arith.xori %lt3A_259, %lt3A_261 : i1
      %and3A_263 = arith.andi %ne3A_262, %ne3A_258 : i1
      %add3A_264 = arith.addi %rem3A_256, %select_n3A_255 : i32
      %select_n3A_265 = arith.select %and3A_263, %add3A_264, %rem3A_256 : i32
      %mul3A_266 = arith.constant 64 : i32
      %mul3A_267 = arith.muli %select_n3A_265, %mul3A_266 : i32
      %dma_wait3A_268 = arith.constant 0 : i32
      %dma_wait3A_269 = arith.constant 0 : i32
      %dma_wait3A_270 = arith.constant 0 : i32
      %dma_wait3A_271 = tpu.memref_slice %arg6[%dma_wait3A_268, %dma_wait3A_269, %dma_wait3A_270] : memref<8x64x128xf32, #tpu.memory_space<vmem>> -> memref<1x64x128xf32, #tpu.memory_space<vmem>>
      %dma_wait3A_272 = tpu.memref_squeeze %dma_wait3A_271 : memref<1x64x128xf32, #tpu.memory_space<vmem>> -> memref<64x128xf32, #tpu.memory_space<vmem>>
      %dma_wait3A_273 = tpu.memref_slice %arg5[%select_n3A, %mul3A_267] : memref<2x2048xi32, #tpu.memory_space<vmem>> -> memref<1x64xi32, #tpu.memory_space<vmem>>
      %dma_wait3A_274 = tpu.memref_squeeze %dma_wait3A_273 : memref<1x64xi32, #tpu.memory_space<vmem>> -> memref<64xi32, #tpu.memory_space<vmem>>
      %dma_wait3A_275 = arith.constant 0 : i32
      %dma_wait3A_276 = arith.constant 0 : i32
      %dma_wait3A_277 = tpu.memref_slice %arg7[%dma_wait3A_275, %dma_wait3A_276] : memref<2049x128xf32, #tpu.memory_space<vmem_shared>> -> memref<2049x128xf32, #tpu.memory_space<vmem_shared>>
      tpu.wait_indirect_dma semaphore(%arg8 : memref<!tpu.dma_semaphore, #tpu.memory_space<semaphore_mem>>) src(%dma_wait3A_277 : memref<2049x128xf32, #tpu.memory_space<vmem_shared>>) dst(%dma_wait3A_272 : memref<64x128xf32, #tpu.memory_space<vmem>>)
      %mul3A_278 = arith.constant 64 : i32
      %mul3A_279 = arith.muli %add3A_234, %mul3A_278 : i32
      %add3A_280 = arith.addi %mul3A_2, %mul3A_279 : i32
      %dma_start3A_281 = arith.constant 0 : i32
      %dma_start3A_282 = arith.constant 0 : i32
      %dma_start3A_283 = arith.constant 0 : i32
      %dma_start3A_284 = tpu.memref_slice %arg6[%dma_start3A_281, %dma_start3A_282, %dma_start3A_283] : memref<8x64x128xf32, #tpu.memory_space<vmem>> -> memref<1x64x128xf32, #tpu.memory_space<vmem>>
      %dma_start3A_285 = tpu.memref_squeeze %dma_start3A_284 : memref<1x64x128xf32, #tpu.memory_space<vmem>> -> memref<64x128xf32, #tpu.memory_space<vmem>>
      %dma_start3A_286 = arith.constant 0 : i32
      %dma_start3A_287 = tpu.memref_slice %arg4[%add3A_280, %dma_start3A_286] : memref<131072x128xf32, #tpu.memory_space<hbm>> -> memref<64x128xf32, #tpu.memory_space<hbm>>
      %dma_start3A_288 = arith.constant 0 : i32
      %dma_start3A_289 = tpu.memref_slice %arg4[%add3A_280, %dma_start3A_288] : memref<131072x128xf32, #tpu.memory_space<hbm>> -> memref<64x128xf32, #tpu.memory_space<hbm>>
      %dma_start3A_290 = arith.constant 0 : i32
      %dma_start3A_291 = arith.constant 0 : i32
      %dma_start3A_292 = tpu.memref_slice %arg6[%dma_start3A_281, %dma_start3A_290, %dma_start3A_291] : memref<8x64x128xf32, #tpu.memory_space<vmem>> -> memref<1x64x128xf32, #tpu.memory_space<vmem>>
      %dma_start3A_293 = tpu.memref_squeeze %dma_start3A_292 : memref<1x64x128xf32, #tpu.memory_space<vmem>> -> memref<64x128xf32, #tpu.memory_space<vmem>>
      tpu.enqueue_dma source(%dma_start3A_293 : memref<64x128xf32, #tpu.memory_space<vmem>>) target(%dma_start3A_289 : memref<64x128xf32, #tpu.memory_space<hbm>>) target_semaphore(%arg16 : memref<!tpu.dma_semaphore, #tpu.memory_space<semaphore_mem>>)
      %add3A_294 = arith.constant 8 : i32
      %add3A_295 = arith.addi %add3A_234, %add3A_294 : i32
      %sub3A_296 = arith.constant 2 : i32
      %sub3A_297 = arith.subi %add3A_295, %sub3A_296 : i32
      %ge3A = arith.constant 8 : i32
      %ge3A_298 = arith.cmpi sge, %sub3A_297, %ge3A : i32
      %lt3A_299 = arith.constant 64 : i32
      %lt3A_300 = arith.cmpi slt, %sub3A_297, %lt3A_299 : i32
      %and3A_301 = arith.andi %ge3A_298, %lt3A_300 : i1
      %convert_element_type3A_302 = arith.extui %and3A_301 : i1 to i32
      %cond3A_303 = arith.constant 0 : i32
      %cond3A_304 = arith.cmpi ne, %convert_element_type3A_302, %cond3A_303 : i32
      scf.if %cond3A_304 {
        %sub3A_893 = arith.constant 8 : i32
        %sub3A_894 = arith.subi %sub3A_297, %sub3A_893 : i32
        %mul3A_895 = arith.constant 64 : i32
        %mul3A_896 = arith.muli %sub3A_894, %mul3A_895 : i32
        %add3A_897 = arith.addi %mul3A_2, %mul3A_896 : i32
        %dma_wait3A_898 = arith.constant 6 : i32
        %dma_wait3A_899 = arith.constant 0 : i32
        %dma_wait3A_900 = arith.constant 0 : i32
        %dma_wait3A_901 = tpu.memref_slice %arg6[%dma_wait3A_898, %dma_wait3A_899, %dma_wait3A_900] : memref<8x64x128xf32, #tpu.memory_space<vmem>> -> memref<1x64x128xf32, #tpu.memory_space<vmem>>
        %dma_wait3A_902 = tpu.memref_squeeze %dma_wait3A_901 : memref<1x64x128xf32, #tpu.memory_space<vmem>> -> memref<64x128xf32, #tpu.memory_space<vmem>>
        %dma_wait3A_903 = arith.constant 0 : i32
        %dma_wait3A_904 = tpu.memref_slice %arg4[%add3A_897, %dma_wait3A_903] : memref<131072x128xf32, #tpu.memory_space<hbm>> -> memref<64x128xf32, #tpu.memory_space<hbm>>
        %dma_wait3A_905 = arith.constant 0 : i32
        %dma_wait3A_906 = tpu.memref_slice %arg4[%add3A_897, %dma_wait3A_905] : memref<131072x128xf32, #tpu.memory_space<hbm>> -> memref<64x128xf32, #tpu.memory_space<hbm>>
        %dma_wait3A_907 = arith.constant 0 : i32
        %dma_wait3A_908 = arith.constant 0 : i32
        %dma_wait3A_909 = tpu.memref_slice %arg6[%dma_wait3A_898, %dma_wait3A_907, %dma_wait3A_908] : memref<8x64x128xf32, #tpu.memory_space<vmem>> -> memref<1x64x128xf32, #tpu.memory_space<vmem>>
        %dma_wait3A_910 = tpu.memref_squeeze %dma_wait3A_909 : memref<1x64x128xf32, #tpu.memory_space<vmem>> -> memref<64x128xf32, #tpu.memory_space<vmem>>
        tpu.wait_dma2 semaphore(%arg22 : memref<!tpu.dma_semaphore, #tpu.memory_space<semaphore_mem>>) src(%dma_wait3A_910 : memref<64x128xf32, #tpu.memory_space<vmem>>) dst(%dma_wait3A_906 : memref<64x128xf32, #tpu.memory_space<hbm>>)
        %jit3A_911 = arith.constant 32 : i32
        %div3A_912 = arith.divsi %sub3A_297, %jit3A_911 : i32
        %sign3A_913 = arith.constant 0 : i32
        %sign3A_914 = arith.cmpi sgt, %sub3A_297, %sign3A_913 : i32
        %sign3A_915 = arith.extui %sign3A_914 : i1 to i32
        %sign3A_916 = arith.constant 0 : i32
        %sign3A_917 = arith.cmpi slt, %sub3A_297, %sign3A_916 : i32
        %sign3A_918 = arith.extui %sign3A_917 : i1 to i32
        %sign3A_919 = arith.subi %sign3A_915, %sign3A_918 : i32
        %sign3A_920 = arith.constant 0 : i32
        %sign3A_921 = arith.cmpi sgt, %jit3A_911, %sign3A_920 : i32
        %sign3A_922 = arith.extui %sign3A_921 : i1 to i32
        %sign3A_923 = arith.constant 0 : i32
        %sign3A_924 = arith.cmpi slt, %jit3A_911, %sign3A_923 : i32
        %sign3A_925 = arith.extui %sign3A_924 : i1 to i32
        %sign3A_926 = arith.subi %sign3A_922, %sign3A_925 : i32
        %ne3A_927 = arith.cmpi ne, %sign3A_919, %sign3A_926 : i32
        %rem3A_928 = arith.remsi %sub3A_297, %jit3A_911 : i32
        %ne3A_929 = arith.constant 0 : i32
        %ne3A_930 = arith.cmpi ne, %rem3A_928, %ne3A_929 : i32
        %and3A_931 = arith.andi %ne3A_927, %ne3A_930 : i1
        %sub3A_932 = arith.constant 1 : i32
        %sub3A_933 = arith.subi %div3A_912, %sub3A_932 : i32
        %select_n3A_934 = arith.select %and3A_931, %sub3A_933, %div3A_912 : i32
        %jit3A_935 = arith.constant 32 : i32
        %eq3A_936 = arith.constant 0 : i32
        %eq3A_937 = arith.cmpi eq, %jit3A_935, %eq3A_936 : i32
        %jit3A_938 = arith.constant 1 : i32
        %select_n3A_939 = arith.select %eq3A_937, %jit3A_938, %jit3A_935 : i32
        %rem3A_940 = arith.remsi %sub3A_297, %select_n3A_939 : i32
        %ne3A_941 = arith.constant 0 : i32
        %ne3A_942 = arith.cmpi ne, %rem3A_940, %ne3A_941 : i32
        %lt3A_943 = arith.constant 0 : i32
        %lt3A_944 = arith.cmpi slt, %rem3A_940, %lt3A_943 : i32
        %lt3A_945 = arith.constant 0 : i32
        %lt3A_946 = arith.cmpi slt, %select_n3A_939, %lt3A_945 : i32
        %ne3A_947 = arith.xori %lt3A_944, %lt3A_946 : i1
        %and3A_948 = arith.andi %ne3A_947, %ne3A_942 : i1
        %add3A_949 = arith.addi %rem3A_940, %select_n3A_939 : i32
        %select_n3A_950 = arith.select %and3A_948, %add3A_949, %rem3A_940 : i32
        %mul3A_951 = arith.constant 64 : i32
        %mul3A_952 = arith.muli %select_n3A_950, %mul3A_951 : i32
        %dma_start3A_953 = arith.constant 6 : i32
        %dma_start3A_954 = arith.constant 0 : i32
        %dma_start3A_955 = arith.constant 0 : i32
        %dma_start3A_956 = tpu.memref_slice %arg6[%dma_start3A_953, %dma_start3A_954, %dma_start3A_955] : memref<8x64x128xf32, #tpu.memory_space<vmem>> -> memref<1x64x128xf32, #tpu.memory_space<vmem>>
        %dma_start3A_957 = tpu.memref_squeeze %dma_start3A_956 : memref<1x64x128xf32, #tpu.memory_space<vmem>> -> memref<64x128xf32, #tpu.memory_space<vmem>>
        %dma_start3A_958 = tpu.memref_slice %arg5[%select_n3A_934, %mul3A_952] : memref<2x2048xi32, #tpu.memory_space<vmem>> -> memref<1x64xi32, #tpu.memory_space<vmem>>
        %dma_start3A_959 = tpu.memref_squeeze %dma_start3A_958 : memref<1x64xi32, #tpu.memory_space<vmem>> -> memref<64xi32, #tpu.memory_space<vmem>>
        %dma_start3A_960 = arith.constant 0 : i32
        %dma_start3A_961 = arith.constant 0 : i32
        %dma_start3A_962 = tpu.memref_slice %arg7[%dma_start3A_960, %dma_start3A_961] : memref<2049x128xf32, #tpu.memory_space<vmem_shared>> -> memref<2049x128xf32, #tpu.memory_space<vmem_shared>>
        tpu.enqueue_indirect_dma source(%dma_start3A_962 : memref<2049x128xf32, #tpu.memory_space<vmem_shared>>) target(%dma_start3A_957 : memref<64x128xf32, #tpu.memory_space<vmem>>) offsets(%dma_start3A_959 : memref<64xi32, #tpu.memory_space<vmem>>) semaphore(%arg14 : memref<!tpu.dma_semaphore, #tpu.memory_space<semaphore_mem>>)
      } else {
      }
      %mul3A_305 = arith.constant 8 : i32
      %mul3A_306 = arith.muli %scan3A_230, %mul3A_305 : i32
      %add3A_307 = arith.constant 1 : i32
      %add3A_308 = arith.addi %mul3A_306, %add3A_307 : i32
      %jit3A_309 = arith.constant 32 : i32
      %div3A_310 = arith.divsi %add3A_308, %jit3A_309 : i32
      %sign3A_311 = arith.constant 0 : i32
      %sign3A_312 = arith.cmpi sgt, %add3A_308, %sign3A_311 : i32
      %sign3A_313 = arith.extui %sign3A_312 : i1 to i32
      %sign3A_314 = arith.constant 0 : i32
      %sign3A_315 = arith.cmpi slt, %add3A_308, %sign3A_314 : i32
      %sign3A_316 = arith.extui %sign3A_315 : i1 to i32
      %sign3A_317 = arith.subi %sign3A_313, %sign3A_316 : i32
      %sign3A_318 = arith.constant 0 : i32
      %sign3A_319 = arith.cmpi sgt, %jit3A_309, %sign3A_318 : i32
      %sign3A_320 = arith.extui %sign3A_319 : i1 to i32
      %sign3A_321 = arith.constant 0 : i32
      %sign3A_322 = arith.cmpi slt, %jit3A_309, %sign3A_321 : i32
      %sign3A_323 = arith.extui %sign3A_322 : i1 to i32
      %sign3A_324 = arith.subi %sign3A_320, %sign3A_323 : i32
      %ne3A_325 = arith.cmpi ne, %sign3A_317, %sign3A_324 : i32
      %rem3A_326 = arith.remsi %add3A_308, %jit3A_309 : i32
      %ne3A_327 = arith.constant 0 : i32
      %ne3A_328 = arith.cmpi ne, %rem3A_326, %ne3A_327 : i32
      %and3A_329 = arith.andi %ne3A_325, %ne3A_328 : i1
      %sub3A_330 = arith.constant 1 : i32
      %sub3A_331 = arith.subi %div3A_310, %sub3A_330 : i32
      %select_n3A_332 = arith.select %and3A_329, %sub3A_331, %div3A_310 : i32
      %jit3A_333 = arith.constant 32 : i32
      %eq3A_334 = arith.constant 0 : i32
      %eq3A_335 = arith.cmpi eq, %jit3A_333, %eq3A_334 : i32
      %jit3A_336 = arith.constant 1 : i32
      %select_n3A_337 = arith.select %eq3A_335, %jit3A_336, %jit3A_333 : i32
      %rem3A_338 = arith.remsi %add3A_308, %select_n3A_337 : i32
      %ne3A_339 = arith.constant 0 : i32
      %ne3A_340 = arith.cmpi ne, %rem3A_338, %ne3A_339 : i32
      %lt3A_341 = arith.constant 0 : i32
      %lt3A_342 = arith.cmpi slt, %rem3A_338, %lt3A_341 : i32
      %lt3A_343 = arith.constant 0 : i32
      %lt3A_344 = arith.cmpi slt, %select_n3A_337, %lt3A_343 : i32
      %ne3A_345 = arith.xori %lt3A_342, %lt3A_344 : i1
      %and3A_346 = arith.andi %ne3A_345, %ne3A_340 : i1
      %add3A_347 = arith.addi %rem3A_338, %select_n3A_337 : i32
      %select_n3A_348 = arith.select %and3A_346, %add3A_347, %rem3A_338 : i32
      %mul3A_349 = arith.constant 64 : i32
      %mul3A_350 = arith.muli %select_n3A_348, %mul3A_349 : i32
      %dma_wait3A_351 = arith.constant 1 : i32
      %dma_wait3A_352 = arith.constant 0 : i32
      %dma_wait3A_353 = arith.constant 0 : i32
      %dma_wait3A_354 = tpu.memref_slice %arg6[%dma_wait3A_351, %dma_wait3A_352, %dma_wait3A_353] : memref<8x64x128xf32, #tpu.memory_space<vmem>> -> memref<1x64x128xf32, #tpu.memory_space<vmem>>
      %dma_wait3A_355 = tpu.memref_squeeze %dma_wait3A_354 : memref<1x64x128xf32, #tpu.memory_space<vmem>> -> memref<64x128xf32, #tpu.memory_space<vmem>>
      %dma_wait3A_356 = tpu.memref_slice %arg5[%select_n3A_332, %mul3A_350] : memref<2x2048xi32, #tpu.memory_space<vmem>> -> memref<1x64xi32, #tpu.memory_space<vmem>>
      %dma_wait3A_357 = tpu.memref_squeeze %dma_wait3A_356 : memref<1x64xi32, #tpu.memory_space<vmem>> -> memref<64xi32, #tpu.memory_space<vmem>>
      %dma_wait3A_358 = arith.constant 0 : i32
      %dma_wait3A_359 = arith.constant 0 : i32
      %dma_wait3A_360 = tpu.memref_slice %arg7[%dma_wait3A_358, %dma_wait3A_359] : memref<2049x128xf32, #tpu.memory_space<vmem_shared>> -> memref<2049x128xf32, #tpu.memory_space<vmem_shared>>
      tpu.wait_indirect_dma semaphore(%arg9 : memref<!tpu.dma_semaphore, #tpu.memory_space<semaphore_mem>>) src(%dma_wait3A_360 : memref<2049x128xf32, #tpu.memory_space<vmem_shared>>) dst(%dma_wait3A_355 : memref<64x128xf32, #tpu.memory_space<vmem>>)
      %mul3A_361 = arith.constant 64 : i32
      %mul3A_362 = arith.muli %add3A_308, %mul3A_361 : i32
      %add3A_363 = arith.addi %mul3A_2, %mul3A_362 : i32
      %dma_start3A_364 = arith.constant 1 : i32
      %dma_start3A_365 = arith.constant 0 : i32
      %dma_start3A_366 = arith.constant 0 : i32
      %dma_start3A_367 = tpu.memref_slice %arg6[%dma_start3A_364, %dma_start3A_365, %dma_start3A_366] : memref<8x64x128xf32, #tpu.memory_space<vmem>> -> memref<1x64x128xf32, #tpu.memory_space<vmem>>
      %dma_start3A_368 = tpu.memref_squeeze %dma_start3A_367 : memref<1x64x128xf32, #tpu.memory_space<vmem>> -> memref<64x128xf32, #tpu.memory_space<vmem>>
      %dma_start3A_369 = arith.constant 0 : i32
      %dma_start3A_370 = tpu.memref_slice %arg4[%add3A_363, %dma_start3A_369] : memref<131072x128xf32, #tpu.memory_space<hbm>> -> memref<64x128xf32, #tpu.memory_space<hbm>>
      %dma_start3A_371 = arith.constant 0 : i32
      %dma_start3A_372 = tpu.memref_slice %arg4[%add3A_363, %dma_start3A_371] : memref<131072x128xf32, #tpu.memory_space<hbm>> -> memref<64x128xf32, #tpu.memory_space<hbm>>
      %dma_start3A_373 = arith.constant 0 : i32
      %dma_start3A_374 = arith.constant 0 : i32
      %dma_start3A_375 = tpu.memref_slice %arg6[%dma_start3A_364, %dma_start3A_373, %dma_start3A_374] : memref<8x64x128xf32, #tpu.memory_space<vmem>> -> memref<1x64x128xf32, #tpu.memory_space<vmem>>
      %dma_start3A_376 = tpu.memref_squeeze %dma_start3A_375 : memref<1x64x128xf32, #tpu.memory_space<vmem>> -> memref<64x128xf32, #tpu.memory_space<vmem>>
      tpu.enqueue_dma source(%dma_start3A_376 : memref<64x128xf32, #tpu.memory_space<vmem>>) target(%dma_start3A_372 : memref<64x128xf32, #tpu.memory_space<hbm>>) target_semaphore(%arg17 : memref<!tpu.dma_semaphore, #tpu.memory_space<semaphore_mem>>)
      %add3A_377 = arith.constant 8 : i32
      %add3A_378 = arith.addi %add3A_308, %add3A_377 : i32
      %sub3A_379 = arith.constant 2 : i32
      %sub3A_380 = arith.subi %add3A_378, %sub3A_379 : i32
      %ge3A_381 = arith.constant 8 : i32
      %ge3A_382 = arith.cmpi sge, %sub3A_380, %ge3A_381 : i32
      %lt3A_383 = arith.constant 64 : i32
      %lt3A_384 = arith.cmpi slt, %sub3A_380, %lt3A_383 : i32
      %and3A_385 = arith.andi %ge3A_382, %lt3A_384 : i1
      %convert_element_type3A_386 = arith.extui %and3A_385 : i1 to i32
      %cond3A_387 = arith.constant 0 : i32
      %cond3A_388 = arith.cmpi ne, %convert_element_type3A_386, %cond3A_387 : i32
      scf.if %cond3A_388 {
        %sub3A_893 = arith.constant 8 : i32
        %sub3A_894 = arith.subi %sub3A_380, %sub3A_893 : i32
        %mul3A_895 = arith.constant 64 : i32
        %mul3A_896 = arith.muli %sub3A_894, %mul3A_895 : i32
        %add3A_897 = arith.addi %mul3A_2, %mul3A_896 : i32
        %dma_wait3A_898 = arith.constant 7 : i32
        %dma_wait3A_899 = arith.constant 0 : i32
        %dma_wait3A_900 = arith.constant 0 : i32
        %dma_wait3A_901 = tpu.memref_slice %arg6[%dma_wait3A_898, %dma_wait3A_899, %dma_wait3A_900] : memref<8x64x128xf32, #tpu.memory_space<vmem>> -> memref<1x64x128xf32, #tpu.memory_space<vmem>>
        %dma_wait3A_902 = tpu.memref_squeeze %dma_wait3A_901 : memref<1x64x128xf32, #tpu.memory_space<vmem>> -> memref<64x128xf32, #tpu.memory_space<vmem>>
        %dma_wait3A_903 = arith.constant 0 : i32
        %dma_wait3A_904 = tpu.memref_slice %arg4[%add3A_897, %dma_wait3A_903] : memref<131072x128xf32, #tpu.memory_space<hbm>> -> memref<64x128xf32, #tpu.memory_space<hbm>>
        %dma_wait3A_905 = arith.constant 0 : i32
        %dma_wait3A_906 = tpu.memref_slice %arg4[%add3A_897, %dma_wait3A_905] : memref<131072x128xf32, #tpu.memory_space<hbm>> -> memref<64x128xf32, #tpu.memory_space<hbm>>
        %dma_wait3A_907 = arith.constant 0 : i32
        %dma_wait3A_908 = arith.constant 0 : i32
        %dma_wait3A_909 = tpu.memref_slice %arg6[%dma_wait3A_898, %dma_wait3A_907, %dma_wait3A_908] : memref<8x64x128xf32, #tpu.memory_space<vmem>> -> memref<1x64x128xf32, #tpu.memory_space<vmem>>
        %dma_wait3A_910 = tpu.memref_squeeze %dma_wait3A_909 : memref<1x64x128xf32, #tpu.memory_space<vmem>> -> memref<64x128xf32, #tpu.memory_space<vmem>>
        tpu.wait_dma2 semaphore(%arg23 : memref<!tpu.dma_semaphore, #tpu.memory_space<semaphore_mem>>) src(%dma_wait3A_910 : memref<64x128xf32, #tpu.memory_space<vmem>>) dst(%dma_wait3A_906 : memref<64x128xf32, #tpu.memory_space<hbm>>)
        %jit3A_911 = arith.constant 32 : i32
        %div3A_912 = arith.divsi %sub3A_380, %jit3A_911 : i32
        %sign3A_913 = arith.constant 0 : i32
        %sign3A_914 = arith.cmpi sgt, %sub3A_380, %sign3A_913 : i32
        %sign3A_915 = arith.extui %sign3A_914 : i1 to i32
        %sign3A_916 = arith.constant 0 : i32
        %sign3A_917 = arith.cmpi slt, %sub3A_380, %sign3A_916 : i32
        %sign3A_918 = arith.extui %sign3A_917 : i1 to i32
        %sign3A_919 = arith.subi %sign3A_915, %sign3A_918 : i32
        %sign3A_920 = arith.constant 0 : i32
        %sign3A_921 = arith.cmpi sgt, %jit3A_911, %sign3A_920 : i32
        %sign3A_922 = arith.extui %sign3A_921 : i1 to i32
        %sign3A_923 = arith.constant 0 : i32
        %sign3A_924 = arith.cmpi slt, %jit3A_911, %sign3A_923 : i32
        %sign3A_925 = arith.extui %sign3A_924 : i1 to i32
        %sign3A_926 = arith.subi %sign3A_922, %sign3A_925 : i32
        %ne3A_927 = arith.cmpi ne, %sign3A_919, %sign3A_926 : i32
        %rem3A_928 = arith.remsi %sub3A_380, %jit3A_911 : i32
        %ne3A_929 = arith.constant 0 : i32
        %ne3A_930 = arith.cmpi ne, %rem3A_928, %ne3A_929 : i32
        %and3A_931 = arith.andi %ne3A_927, %ne3A_930 : i1
        %sub3A_932 = arith.constant 1 : i32
        %sub3A_933 = arith.subi %div3A_912, %sub3A_932 : i32
        %select_n3A_934 = arith.select %and3A_931, %sub3A_933, %div3A_912 : i32
        %jit3A_935 = arith.constant 32 : i32
        %eq3A_936 = arith.constant 0 : i32
        %eq3A_937 = arith.cmpi eq, %jit3A_935, %eq3A_936 : i32
        %jit3A_938 = arith.constant 1 : i32
        %select_n3A_939 = arith.select %eq3A_937, %jit3A_938, %jit3A_935 : i32
        %rem3A_940 = arith.remsi %sub3A_380, %select_n3A_939 : i32
        %ne3A_941 = arith.constant 0 : i32
        %ne3A_942 = arith.cmpi ne, %rem3A_940, %ne3A_941 : i32
        %lt3A_943 = arith.constant 0 : i32
        %lt3A_944 = arith.cmpi slt, %rem3A_940, %lt3A_943 : i32
        %lt3A_945 = arith.constant 0 : i32
        %lt3A_946 = arith.cmpi slt, %select_n3A_939, %lt3A_945 : i32
        %ne3A_947 = arith.xori %lt3A_944, %lt3A_946 : i1
        %and3A_948 = arith.andi %ne3A_947, %ne3A_942 : i1
        %add3A_949 = arith.addi %rem3A_940, %select_n3A_939 : i32
        %select_n3A_950 = arith.select %and3A_948, %add3A_949, %rem3A_940 : i32
        %mul3A_951 = arith.constant 64 : i32
        %mul3A_952 = arith.muli %select_n3A_950, %mul3A_951 : i32
        %dma_start3A_953 = arith.constant 7 : i32
        %dma_start3A_954 = arith.constant 0 : i32
        %dma_start3A_955 = arith.constant 0 : i32
        %dma_start3A_956 = tpu.memref_slice %arg6[%dma_start3A_953, %dma_start3A_954, %dma_start3A_955] : memref<8x64x128xf32, #tpu.memory_space<vmem>> -> memref<1x64x128xf32, #tpu.memory_space<vmem>>
        %dma_start3A_957 = tpu.memref_squeeze %dma_start3A_956 : memref<1x64x128xf32, #tpu.memory_space<vmem>> -> memref<64x128xf32, #tpu.memory_space<vmem>>
        %dma_start3A_958 = tpu.memref_slice %arg5[%select_n3A_934, %mul3A_952] : memref<2x2048xi32, #tpu.memory_space<vmem>> -> memref<1x64xi32, #tpu.memory_space<vmem>>
        %dma_start3A_959 = tpu.memref_squeeze %dma_start3A_958 : memref<1x64xi32, #tpu.memory_space<vmem>> -> memref<64xi32, #tpu.memory_space<vmem>>
        %dma_start3A_960 = arith.constant 0 : i32
        %dma_start3A_961 = arith.constant 0 : i32
        %dma_start3A_962 = tpu.memref_slice %arg7[%dma_start3A_960, %dma_start3A_961] : memref<2049x128xf32, #tpu.memory_space<vmem_shared>> -> memref<2049x128xf32, #tpu.memory_space<vmem_shared>>
        tpu.enqueue_indirect_dma source(%dma_start3A_962 : memref<2049x128xf32, #tpu.memory_space<vmem_shared>>) target(%dma_start3A_957 : memref<64x128xf32, #tpu.memory_space<vmem>>) offsets(%dma_start3A_959 : memref<64xi32, #tpu.memory_space<vmem>>) semaphore(%arg15 : memref<!tpu.dma_semaphore, #tpu.memory_space<semaphore_mem>>)
      } else {
      }
      %mul3A_389 = arith.constant 8 : i32
      %mul3A_390 = arith.muli %scan3A_230, %mul3A_389 : i32
      %add3A_391 = arith.constant 2 : i32
      %add3A_392 = arith.addi %mul3A_390, %add3A_391 : i32
      %jit3A_393 = arith.constant 32 : i32
      %div3A_394 = arith.divsi %add3A_392, %jit3A_393 : i32
      %sign3A_395 = arith.constant 0 : i32
      %sign3A_396 = arith.cmpi sgt, %add3A_392, %sign3A_395 : i32
      %sign3A_397 = arith.extui %sign3A_396 : i1 to i32
      %sign3A_398 = arith.constant 0 : i32
      %sign3A_399 = arith.cmpi slt, %add3A_392, %sign3A_398 : i32
      %sign3A_400 = arith.extui %sign3A_399 : i1 to i32
      %sign3A_401 = arith.subi %sign3A_397, %sign3A_400 : i32
      %sign3A_402 = arith.constant 0 : i32
      %sign3A_403 = arith.cmpi sgt, %jit3A_393, %sign3A_402 : i32
      %sign3A_404 = arith.extui %sign3A_403 : i1 to i32
      %sign3A_405 = arith.constant 0 : i32
      %sign3A_406 = arith.cmpi slt, %jit3A_393, %sign3A_405 : i32
      %sign3A_407 = arith.extui %sign3A_406 : i1 to i32
      %sign3A_408 = arith.subi %sign3A_404, %sign3A_407 : i32
      %ne3A_409 = arith.cmpi ne, %sign3A_401, %sign3A_408 : i32
      %rem3A_410 = arith.remsi %add3A_392, %jit3A_393 : i32
      %ne3A_411 = arith.constant 0 : i32
      %ne3A_412 = arith.cmpi ne, %rem3A_410, %ne3A_411 : i32
      %and3A_413 = arith.andi %ne3A_409, %ne3A_412 : i1
      %sub3A_414 = arith.constant 1 : i32
      %sub3A_415 = arith.subi %div3A_394, %sub3A_414 : i32
      %select_n3A_416 = arith.select %and3A_413, %sub3A_415, %div3A_394 : i32
      %jit3A_417 = arith.constant 32 : i32
      %eq3A_418 = arith.constant 0 : i32
      %eq3A_419 = arith.cmpi eq, %jit3A_417, %eq3A_418 : i32
      %jit3A_420 = arith.constant 1 : i32
      %select_n3A_421 = arith.select %eq3A_419, %jit3A_420, %jit3A_417 : i32
      %rem3A_422 = arith.remsi %add3A_392, %select_n3A_421 : i32
      %ne3A_423 = arith.constant 0 : i32
      %ne3A_424 = arith.cmpi ne, %rem3A_422, %ne3A_423 : i32
      %lt3A_425 = arith.constant 0 : i32
      %lt3A_426 = arith.cmpi slt, %rem3A_422, %lt3A_425 : i32
      %lt3A_427 = arith.constant 0 : i32
      %lt3A_428 = arith.cmpi slt, %select_n3A_421, %lt3A_427 : i32
      %ne3A_429 = arith.xori %lt3A_426, %lt3A_428 : i1
      %and3A_430 = arith.andi %ne3A_429, %ne3A_424 : i1
      %add3A_431 = arith.addi %rem3A_422, %select_n3A_421 : i32
      %select_n3A_432 = arith.select %and3A_430, %add3A_431, %rem3A_422 : i32
      %mul3A_433 = arith.constant 64 : i32
      %mul3A_434 = arith.muli %select_n3A_432, %mul3A_433 : i32
      %dma_wait3A_435 = arith.constant 2 : i32
      %dma_wait3A_436 = arith.constant 0 : i32
      %dma_wait3A_437 = arith.constant 0 : i32
      %dma_wait3A_438 = tpu.memref_slice %arg6[%dma_wait3A_435, %dma_wait3A_436, %dma_wait3A_437] : memref<8x64x128xf32, #tpu.memory_space<vmem>> -> memref<1x64x128xf32, #tpu.memory_space<vmem>>
      %dma_wait3A_439 = tpu.memref_squeeze %dma_wait3A_438 : memref<1x64x128xf32, #tpu.memory_space<vmem>> -> memref<64x128xf32, #tpu.memory_space<vmem>>
      %dma_wait3A_440 = tpu.memref_slice %arg5[%select_n3A_416, %mul3A_434] : memref<2x2048xi32, #tpu.memory_space<vmem>> -> memref<1x64xi32, #tpu.memory_space<vmem>>
      %dma_wait3A_441 = tpu.memref_squeeze %dma_wait3A_440 : memref<1x64xi32, #tpu.memory_space<vmem>> -> memref<64xi32, #tpu.memory_space<vmem>>
      %dma_wait3A_442 = arith.constant 0 : i32
      %dma_wait3A_443 = arith.constant 0 : i32
      %dma_wait3A_444 = tpu.memref_slice %arg7[%dma_wait3A_442, %dma_wait3A_443] : memref<2049x128xf32, #tpu.memory_space<vmem_shared>> -> memref<2049x128xf32, #tpu.memory_space<vmem_shared>>
      tpu.wait_indirect_dma semaphore(%arg10 : memref<!tpu.dma_semaphore, #tpu.memory_space<semaphore_mem>>) src(%dma_wait3A_444 : memref<2049x128xf32, #tpu.memory_space<vmem_shared>>) dst(%dma_wait3A_439 : memref<64x128xf32, #tpu.memory_space<vmem>>)
      %mul3A_445 = arith.constant 64 : i32
      %mul3A_446 = arith.muli %add3A_392, %mul3A_445 : i32
      %add3A_447 = arith.addi %mul3A_2, %mul3A_446 : i32
      %dma_start3A_448 = arith.constant 2 : i32
      %dma_start3A_449 = arith.constant 0 : i32
      %dma_start3A_450 = arith.constant 0 : i32
      %dma_start3A_451 = tpu.memref_slice %arg6[%dma_start3A_448, %dma_start3A_449, %dma_start3A_450] : memref<8x64x128xf32, #tpu.memory_space<vmem>> -> memref<1x64x128xf32, #tpu.memory_space<vmem>>
      %dma_start3A_452 = tpu.memref_squeeze %dma_start3A_451 : memref<1x64x128xf32, #tpu.memory_space<vmem>> -> memref<64x128xf32, #tpu.memory_space<vmem>>
      %dma_start3A_453 = arith.constant 0 : i32
      %dma_start3A_454 = tpu.memref_slice %arg4[%add3A_447, %dma_start3A_453] : memref<131072x128xf32, #tpu.memory_space<hbm>> -> memref<64x128xf32, #tpu.memory_space<hbm>>
      %dma_start3A_455 = arith.constant 0 : i32
      %dma_start3A_456 = tpu.memref_slice %arg4[%add3A_447, %dma_start3A_455] : memref<131072x128xf32, #tpu.memory_space<hbm>> -> memref<64x128xf32, #tpu.memory_space<hbm>>
      %dma_start3A_457 = arith.constant 0 : i32
      %dma_start3A_458 = arith.constant 0 : i32
      %dma_start3A_459 = tpu.memref_slice %arg6[%dma_start3A_448, %dma_start3A_457, %dma_start3A_458] : memref<8x64x128xf32, #tpu.memory_space<vmem>> -> memref<1x64x128xf32, #tpu.memory_space<vmem>>
      %dma_start3A_460 = tpu.memref_squeeze %dma_start3A_459 : memref<1x64x128xf32, #tpu.memory_space<vmem>> -> memref<64x128xf32, #tpu.memory_space<vmem>>
      tpu.enqueue_dma source(%dma_start3A_460 : memref<64x128xf32, #tpu.memory_space<vmem>>) target(%dma_start3A_456 : memref<64x128xf32, #tpu.memory_space<hbm>>) target_semaphore(%arg18 : memref<!tpu.dma_semaphore, #tpu.memory_space<semaphore_mem>>)
      %add3A_461 = arith.constant 8 : i32
      %add3A_462 = arith.addi %add3A_392, %add3A_461 : i32
      %sub3A_463 = arith.constant 2 : i32
      %sub3A_464 = arith.subi %add3A_462, %sub3A_463 : i32
      %ge3A_465 = arith.constant 8 : i32
      %ge3A_466 = arith.cmpi sge, %sub3A_464, %ge3A_465 : i32
      %lt3A_467 = arith.constant 64 : i32
      %lt3A_468 = arith.cmpi slt, %sub3A_464, %lt3A_467 : i32
      %and3A_469 = arith.andi %ge3A_466, %lt3A_468 : i1
      %convert_element_type3A_470 = arith.extui %and3A_469 : i1 to i32
      %cond3A_471 = arith.constant 0 : i32
      %cond3A_472 = arith.cmpi ne, %convert_element_type3A_470, %cond3A_471 : i32
      scf.if %cond3A_472 {
        %sub3A_893 = arith.constant 8 : i32
        %sub3A_894 = arith.subi %sub3A_464, %sub3A_893 : i32
        %mul3A_895 = arith.constant 64 : i32
        %mul3A_896 = arith.muli %sub3A_894, %mul3A_895 : i32
        %add3A_897 = arith.addi %mul3A_2, %mul3A_896 : i32
        %dma_wait3A_898 = arith.constant 0 : i32
        %dma_wait3A_899 = arith.constant 0 : i32
        %dma_wait3A_900 = arith.constant 0 : i32
        %dma_wait3A_901 = tpu.memref_slice %arg6[%dma_wait3A_898, %dma_wait3A_899, %dma_wait3A_900] : memref<8x64x128xf32, #tpu.memory_space<vmem>> -> memref<1x64x128xf32, #tpu.memory_space<vmem>>
        %dma_wait3A_902 = tpu.memref_squeeze %dma_wait3A_901 : memref<1x64x128xf32, #tpu.memory_space<vmem>> -> memref<64x128xf32, #tpu.memory_space<vmem>>
        %dma_wait3A_903 = arith.constant 0 : i32
        %dma_wait3A_904 = tpu.memref_slice %arg4[%add3A_897, %dma_wait3A_903] : memref<131072x128xf32, #tpu.memory_space<hbm>> -> memref<64x128xf32, #tpu.memory_space<hbm>>
        %dma_wait3A_905 = arith.constant 0 : i32
        %dma_wait3A_906 = tpu.memref_slice %arg4[%add3A_897, %dma_wait3A_905] : memref<131072x128xf32, #tpu.memory_space<hbm>> -> memref<64x128xf32, #tpu.memory_space<hbm>>
        %dma_wait3A_907 = arith.constant 0 : i32
        %dma_wait3A_908 = arith.constant 0 : i32
        %dma_wait3A_909 = tpu.memref_slice %arg6[%dma_wait3A_898, %dma_wait3A_907, %dma_wait3A_908] : memref<8x64x128xf32, #tpu.memory_space<vmem>> -> memref<1x64x128xf32, #tpu.memory_space<vmem>>
        %dma_wait3A_910 = tpu.memref_squeeze %dma_wait3A_909 : memref<1x64x128xf32, #tpu.memory_space<vmem>> -> memref<64x128xf32, #tpu.memory_space<vmem>>
        tpu.wait_dma2 semaphore(%arg16 : memref<!tpu.dma_semaphore, #tpu.memory_space<semaphore_mem>>) src(%dma_wait3A_910 : memref<64x128xf32, #tpu.memory_space<vmem>>) dst(%dma_wait3A_906 : memref<64x128xf32, #tpu.memory_space<hbm>>)
        %jit3A_911 = arith.constant 32 : i32
        %div3A_912 = arith.divsi %sub3A_464, %jit3A_911 : i32
        %sign3A_913 = arith.constant 0 : i32
        %sign3A_914 = arith.cmpi sgt, %sub3A_464, %sign3A_913 : i32
        %sign3A_915 = arith.extui %sign3A_914 : i1 to i32
        %sign3A_916 = arith.constant 0 : i32
        %sign3A_917 = arith.cmpi slt, %sub3A_464, %sign3A_916 : i32
        %sign3A_918 = arith.extui %sign3A_917 : i1 to i32
        %sign3A_919 = arith.subi %sign3A_915, %sign3A_918 : i32
        %sign3A_920 = arith.constant 0 : i32
        %sign3A_921 = arith.cmpi sgt, %jit3A_911, %sign3A_920 : i32
        %sign3A_922 = arith.extui %sign3A_921 : i1 to i32
        %sign3A_923 = arith.constant 0 : i32
        %sign3A_924 = arith.cmpi slt, %jit3A_911, %sign3A_923 : i32
        %sign3A_925 = arith.extui %sign3A_924 : i1 to i32
        %sign3A_926 = arith.subi %sign3A_922, %sign3A_925 : i32
        %ne3A_927 = arith.cmpi ne, %sign3A_919, %sign3A_926 : i32
        %rem3A_928 = arith.remsi %sub3A_464, %jit3A_911 : i32
        %ne3A_929 = arith.constant 0 : i32
        %ne3A_930 = arith.cmpi ne, %rem3A_928, %ne3A_929 : i32
        %and3A_931 = arith.andi %ne3A_927, %ne3A_930 : i1
        %sub3A_932 = arith.constant 1 : i32
        %sub3A_933 = arith.subi %div3A_912, %sub3A_932 : i32
        %select_n3A_934 = arith.select %and3A_931, %sub3A_933, %div3A_912 : i32
        %jit3A_935 = arith.constant 32 : i32
        %eq3A_936 = arith.constant 0 : i32
        %eq3A_937 = arith.cmpi eq, %jit3A_935, %eq3A_936 : i32
        %jit3A_938 = arith.constant 1 : i32
        %select_n3A_939 = arith.select %eq3A_937, %jit3A_938, %jit3A_935 : i32
        %rem3A_940 = arith.remsi %sub3A_464, %select_n3A_939 : i32
        %ne3A_941 = arith.constant 0 : i32
        %ne3A_942 = arith.cmpi ne, %rem3A_940, %ne3A_941 : i32
        %lt3A_943 = arith.constant 0 : i32
        %lt3A_944 = arith.cmpi slt, %rem3A_940, %lt3A_943 : i32
        %lt3A_945 = arith.constant 0 : i32
        %lt3A_946 = arith.cmpi slt, %select_n3A_939, %lt3A_945 : i32
        %ne3A_947 = arith.xori %lt3A_944, %lt3A_946 : i1
        %and3A_948 = arith.andi %ne3A_947, %ne3A_942 : i1
        %add3A_949 = arith.addi %rem3A_940, %select_n3A_939 : i32
        %select_n3A_950 = arith.select %and3A_948, %add3A_949, %rem3A_940 : i32
        %mul3A_951 = arith.constant 64 : i32
        %mul3A_952 = arith.muli %select_n3A_950, %mul3A_951 : i32
        %dma_start3A_953 = arith.constant 0 : i32
        %dma_start3A_954 = arith.constant 0 : i32
        %dma_start3A_955 = arith.constant 0 : i32
        %dma_start3A_956 = tpu.memref_slice %arg6[%dma_start3A_953, %dma_start3A_954, %dma_start3A_955] : memref<8x64x128xf32, #tpu.memory_space<vmem>> -> memref<1x64x128xf32, #tpu.memory_space<vmem>>
        %dma_start3A_957 = tpu.memref_squeeze %dma_start3A_956 : memref<1x64x128xf32, #tpu.memory_space<vmem>> -> memref<64x128xf32, #tpu.memory_space<vmem>>
        %dma_start3A_958 = tpu.memref_slice %arg5[%select_n3A_934, %mul3A_952] : memref<2x2048xi32, #tpu.memory_space<vmem>> -> memref<1x64xi32, #tpu.memory_space<vmem>>
        %dma_start3A_959 = tpu.memref_squeeze %dma_start3A_958 : memref<1x64xi32, #tpu.memory_space<vmem>> -> memref<64xi32, #tpu.memory_space<vmem>>
        %dma_start3A_960 = arith.constant 0 : i32
        %dma_start3A_961 = arith.constant 0 : i32
        %dma_start3A_962 = tpu.memref_slice %arg7[%dma_start3A_960, %dma_start3A_961] : memref<2049x128xf32, #tpu.memory_space<vmem_shared>> -> memref<2049x128xf32, #tpu.memory_space<vmem_shared>>
        tpu.enqueue_indirect_dma source(%dma_start3A_962 : memref<2049x128xf32, #tpu.memory_space<vmem_shared>>) target(%dma_start3A_957 : memref<64x128xf32, #tpu.memory_space<vmem>>) offsets(%dma_start3A_959 : memref<64xi32, #tpu.memory_space<vmem>>) semaphore(%arg8 : memref<!tpu.dma_semaphore, #tpu.memory_space<semaphore_mem>>)
      } else {
      }
      %mul3A_473 = arith.constant 8 : i32
      %mul3A_474 = arith.muli %scan3A_230, %mul3A_473 : i32
      %add3A_475 = arith.constant 3 : i32
      %add3A_476 = arith.addi %mul3A_474, %add3A_475 : i32
      %jit3A_477 = arith.constant 32 : i32
      %div3A_478 = arith.divsi %add3A_476, %jit3A_477 : i32
      %sign3A_479 = arith.constant 0 : i32
      %sign3A_480 = arith.cmpi sgt, %add3A_476, %sign3A_479 : i32
      %sign3A_481 = arith.extui %sign3A_480 : i1 to i32
      %sign3A_482 = arith.constant 0 : i32
      %sign3A_483 = arith.cmpi slt, %add3A_476, %sign3A_482 : i32
      %sign3A_484 = arith.extui %sign3A_483 : i1 to i32
      %sign3A_485 = arith.subi %sign3A_481, %sign3A_484 : i32
      %sign3A_486 = arith.constant 0 : i32
      %sign3A_487 = arith.cmpi sgt, %jit3A_477, %sign3A_486 : i32
      %sign3A_488 = arith.extui %sign3A_487 : i1 to i32
      %sign3A_489 = arith.constant 0 : i32
      %sign3A_490 = arith.cmpi slt, %jit3A_477, %sign3A_489 : i32
      %sign3A_491 = arith.extui %sign3A_490 : i1 to i32
      %sign3A_492 = arith.subi %sign3A_488, %sign3A_491 : i32
      %ne3A_493 = arith.cmpi ne, %sign3A_485, %sign3A_492 : i32
      %rem3A_494 = arith.remsi %add3A_476, %jit3A_477 : i32
      %ne3A_495 = arith.constant 0 : i32
      %ne3A_496 = arith.cmpi ne, %rem3A_494, %ne3A_495 : i32
      %and3A_497 = arith.andi %ne3A_493, %ne3A_496 : i1
      %sub3A_498 = arith.constant 1 : i32
      %sub3A_499 = arith.subi %div3A_478, %sub3A_498 : i32
      %select_n3A_500 = arith.select %and3A_497, %sub3A_499, %div3A_478 : i32
      %jit3A_501 = arith.constant 32 : i32
      %eq3A_502 = arith.constant 0 : i32
      %eq3A_503 = arith.cmpi eq, %jit3A_501, %eq3A_502 : i32
      %jit3A_504 = arith.constant 1 : i32
      %select_n3A_505 = arith.select %eq3A_503, %jit3A_504, %jit3A_501 : i32
      %rem3A_506 = arith.remsi %add3A_476, %select_n3A_505 : i32
      %ne3A_507 = arith.constant 0 : i32
      %ne3A_508 = arith.cmpi ne, %rem3A_506, %ne3A_507 : i32
      %lt3A_509 = arith.constant 0 : i32
      %lt3A_510 = arith.cmpi slt, %rem3A_506, %lt3A_509 : i32
      %lt3A_511 = arith.constant 0 : i32
      %lt3A_512 = arith.cmpi slt, %select_n3A_505, %lt3A_511 : i32
      %ne3A_513 = arith.xori %lt3A_510, %lt3A_512 : i1
      %and3A_514 = arith.andi %ne3A_513, %ne3A_508 : i1
      %add3A_515 = arith.addi %rem3A_506, %select_n3A_505 : i32
      %select_n3A_516 = arith.select %and3A_514, %add3A_515, %rem3A_506 : i32
      %mul3A_517 = arith.constant 64 : i32
      %mul3A_518 = arith.muli %select_n3A_516, %mul3A_517 : i32
      %dma_wait3A_519 = arith.constant 3 : i32
      %dma_wait3A_520 = arith.constant 0 : i32
      %dma_wait3A_521 = arith.constant 0 : i32
      %dma_wait3A_522 = tpu.memref_slice %arg6[%dma_wait3A_519, %dma_wait3A_520, %dma_wait3A_521] : memref<8x64x128xf32, #tpu.memory_space<vmem>> -> memref<1x64x128xf32, #tpu.memory_space<vmem>>
      %dma_wait3A_523 = tpu.memref_squeeze %dma_wait3A_522 : memref<1x64x128xf32, #tpu.memory_space<vmem>> -> memref<64x128xf32, #tpu.memory_space<vmem>>
      %dma_wait3A_524 = tpu.memref_slice %arg5[%select_n3A_500, %mul3A_518] : memref<2x2048xi32, #tpu.memory_space<vmem>> -> memref<1x64xi32, #tpu.memory_space<vmem>>
      %dma_wait3A_525 = tpu.memref_squeeze %dma_wait3A_524 : memref<1x64xi32, #tpu.memory_space<vmem>> -> memref<64xi32, #tpu.memory_space<vmem>>
      %dma_wait3A_526 = arith.constant 0 : i32
      %dma_wait3A_527 = arith.constant 0 : i32
      %dma_wait3A_528 = tpu.memref_slice %arg7[%dma_wait3A_526, %dma_wait3A_527] : memref<2049x128xf32, #tpu.memory_space<vmem_shared>> -> memref<2049x128xf32, #tpu.memory_space<vmem_shared>>
      tpu.wait_indirect_dma semaphore(%arg11 : memref<!tpu.dma_semaphore, #tpu.memory_space<semaphore_mem>>) src(%dma_wait3A_528 : memref<2049x128xf32, #tpu.memory_space<vmem_shared>>) dst(%dma_wait3A_523 : memref<64x128xf32, #tpu.memory_space<vmem>>)
      %mul3A_529 = arith.constant 64 : i32
      %mul3A_530 = arith.muli %add3A_476, %mul3A_529 : i32
      %add3A_531 = arith.addi %mul3A_2, %mul3A_530 : i32
      %dma_start3A_532 = arith.constant 3 : i32
      %dma_start3A_533 = arith.constant 0 : i32
      %dma_start3A_534 = arith.constant 0 : i32
      %dma_start3A_535 = tpu.memref_slice %arg6[%dma_start3A_532, %dma_start3A_533, %dma_start3A_534] : memref<8x64x128xf32, #tpu.memory_space<vmem>> -> memref<1x64x128xf32, #tpu.memory_space<vmem>>
      %dma_start3A_536 = tpu.memref_squeeze %dma_start3A_535 : memref<1x64x128xf32, #tpu.memory_space<vmem>> -> memref<64x128xf32, #tpu.memory_space<vmem>>
      %dma_start3A_537 = arith.constant 0 : i32
      %dma_start3A_538 = tpu.memref_slice %arg4[%add3A_531, %dma_start3A_537] : memref<131072x128xf32, #tpu.memory_space<hbm>> -> memref<64x128xf32, #tpu.memory_space<hbm>>
      %dma_start3A_539 = arith.constant 0 : i32
      %dma_start3A_540 = tpu.memref_slice %arg4[%add3A_531, %dma_start3A_539] : memref<131072x128xf32, #tpu.memory_space<hbm>> -> memref<64x128xf32, #tpu.memory_space<hbm>>
      %dma_start3A_541 = arith.constant 0 : i32
      %dma_start3A_542 = arith.constant 0 : i32
      %dma_start3A_543 = tpu.memref_slice %arg6[%dma_start3A_532, %dma_start3A_541, %dma_start3A_542] : memref<8x64x128xf32, #tpu.memory_space<vmem>> -> memref<1x64x128xf32, #tpu.memory_space<vmem>>
      %dma_start3A_544 = tpu.memref_squeeze %dma_start3A_543 : memref<1x64x128xf32, #tpu.memory_space<vmem>> -> memref<64x128xf32, #tpu.memory_space<vmem>>
      tpu.enqueue_dma source(%dma_start3A_544 : memref<64x128xf32, #tpu.memory_space<vmem>>) target(%dma_start3A_540 : memref<64x128xf32, #tpu.memory_space<hbm>>) target_semaphore(%arg19 : memref<!tpu.dma_semaphore, #tpu.memory_space<semaphore_mem>>)
      %add3A_545 = arith.constant 8 : i32
      %add3A_546 = arith.addi %add3A_476, %add3A_545 : i32
      %sub3A_547 = arith.constant 2 : i32
      %sub3A_548 = arith.subi %add3A_546, %sub3A_547 : i32
      %ge3A_549 = arith.constant 8 : i32
      %ge3A_550 = arith.cmpi sge, %sub3A_548, %ge3A_549 : i32
      %lt3A_551 = arith.constant 64 : i32
      %lt3A_552 = arith.cmpi slt, %sub3A_548, %lt3A_551 : i32
      %and3A_553 = arith.andi %ge3A_550, %lt3A_552 : i1
      %convert_element_type3A_554 = arith.extui %and3A_553 : i1 to i32
      %cond3A_555 = arith.constant 0 : i32
      %cond3A_556 = arith.cmpi ne, %convert_element_type3A_554, %cond3A_555 : i32
      scf.if %cond3A_556 {
        %sub3A_893 = arith.constant 8 : i32
        %sub3A_894 = arith.subi %sub3A_548, %sub3A_893 : i32
        %mul3A_895 = arith.constant 64 : i32
        %mul3A_896 = arith.muli %sub3A_894, %mul3A_895 : i32
        %add3A_897 = arith.addi %mul3A_2, %mul3A_896 : i32
        %dma_wait3A_898 = arith.constant 1 : i32
        %dma_wait3A_899 = arith.constant 0 : i32
        %dma_wait3A_900 = arith.constant 0 : i32
        %dma_wait3A_901 = tpu.memref_slice %arg6[%dma_wait3A_898, %dma_wait3A_899, %dma_wait3A_900] : memref<8x64x128xf32, #tpu.memory_space<vmem>> -> memref<1x64x128xf32, #tpu.memory_space<vmem>>
        %dma_wait3A_902 = tpu.memref_squeeze %dma_wait3A_901 : memref<1x64x128xf32, #tpu.memory_space<vmem>> -> memref<64x128xf32, #tpu.memory_space<vmem>>
        %dma_wait3A_903 = arith.constant 0 : i32
        %dma_wait3A_904 = tpu.memref_slice %arg4[%add3A_897, %dma_wait3A_903] : memref<131072x128xf32, #tpu.memory_space<hbm>> -> memref<64x128xf32, #tpu.memory_space<hbm>>
        %dma_wait3A_905 = arith.constant 0 : i32
        %dma_wait3A_906 = tpu.memref_slice %arg4[%add3A_897, %dma_wait3A_905] : memref<131072x128xf32, #tpu.memory_space<hbm>> -> memref<64x128xf32, #tpu.memory_space<hbm>>
        %dma_wait3A_907 = arith.constant 0 : i32
        %dma_wait3A_908 = arith.constant 0 : i32
        %dma_wait3A_909 = tpu.memref_slice %arg6[%dma_wait3A_898, %dma_wait3A_907, %dma_wait3A_908] : memref<8x64x128xf32, #tpu.memory_space<vmem>> -> memref<1x64x128xf32, #tpu.memory_space<vmem>>
        %dma_wait3A_910 = tpu.memref_squeeze %dma_wait3A_909 : memref<1x64x128xf32, #tpu.memory_space<vmem>> -> memref<64x128xf32, #tpu.memory_space<vmem>>
        tpu.wait_dma2 semaphore(%arg17 : memref<!tpu.dma_semaphore, #tpu.memory_space<semaphore_mem>>) src(%dma_wait3A_910 : memref<64x128xf32, #tpu.memory_space<vmem>>) dst(%dma_wait3A_906 : memref<64x128xf32, #tpu.memory_space<hbm>>)
        %jit3A_911 = arith.constant 32 : i32
        %div3A_912 = arith.divsi %sub3A_548, %jit3A_911 : i32
        %sign3A_913 = arith.constant 0 : i32
        %sign3A_914 = arith.cmpi sgt, %sub3A_548, %sign3A_913 : i32
        %sign3A_915 = arith.extui %sign3A_914 : i1 to i32
        %sign3A_916 = arith.constant 0 : i32
        %sign3A_917 = arith.cmpi slt, %sub3A_548, %sign3A_916 : i32
        %sign3A_918 = arith.extui %sign3A_917 : i1 to i32
        %sign3A_919 = arith.subi %sign3A_915, %sign3A_918 : i32
        %sign3A_920 = arith.constant 0 : i32
        %sign3A_921 = arith.cmpi sgt, %jit3A_911, %sign3A_920 : i32
        %sign3A_922 = arith.extui %sign3A_921 : i1 to i32
        %sign3A_923 = arith.constant 0 : i32
        %sign3A_924 = arith.cmpi slt, %jit3A_911, %sign3A_923 : i32
        %sign3A_925 = arith.extui %sign3A_924 : i1 to i32
        %sign3A_926 = arith.subi %sign3A_922, %sign3A_925 : i32
        %ne3A_927 = arith.cmpi ne, %sign3A_919, %sign3A_926 : i32
        %rem3A_928 = arith.remsi %sub3A_548, %jit3A_911 : i32
        %ne3A_929 = arith.constant 0 : i32
        %ne3A_930 = arith.cmpi ne, %rem3A_928, %ne3A_929 : i32
        %and3A_931 = arith.andi %ne3A_927, %ne3A_930 : i1
        %sub3A_932 = arith.constant 1 : i32
        %sub3A_933 = arith.subi %div3A_912, %sub3A_932 : i32
        %select_n3A_934 = arith.select %and3A_931, %sub3A_933, %div3A_912 : i32
        %jit3A_935 = arith.constant 32 : i32
        %eq3A_936 = arith.constant 0 : i32
        %eq3A_937 = arith.cmpi eq, %jit3A_935, %eq3A_936 : i32
        %jit3A_938 = arith.constant 1 : i32
        %select_n3A_939 = arith.select %eq3A_937, %jit3A_938, %jit3A_935 : i32
        %rem3A_940 = arith.remsi %sub3A_548, %select_n3A_939 : i32
        %ne3A_941 = arith.constant 0 : i32
        %ne3A_942 = arith.cmpi ne, %rem3A_940, %ne3A_941 : i32
        %lt3A_943 = arith.constant 0 : i32
        %lt3A_944 = arith.cmpi slt, %rem3A_940, %lt3A_943 : i32
        %lt3A_945 = arith.constant 0 : i32
        %lt3A_946 = arith.cmpi slt, %select_n3A_939, %lt3A_945 : i32
        %ne3A_947 = arith.xori %lt3A_944, %lt3A_946 : i1
        %and3A_948 = arith.andi %ne3A_947, %ne3A_942 : i1
        %add3A_949 = arith.addi %rem3A_940, %select_n3A_939 : i32
        %select_n3A_950 = arith.select %and3A_948, %add3A_949, %rem3A_940 : i32
        %mul3A_951 = arith.constant 64 : i32
        %mul3A_952 = arith.muli %select_n3A_950, %mul3A_951 : i32
        %dma_start3A_953 = arith.constant 1 : i32
        %dma_start3A_954 = arith.constant 0 : i32
        %dma_start3A_955 = arith.constant 0 : i32
        %dma_start3A_956 = tpu.memref_slice %arg6[%dma_start3A_953, %dma_start3A_954, %dma_start3A_955] : memref<8x64x128xf32, #tpu.memory_space<vmem>> -> memref<1x64x128xf32, #tpu.memory_space<vmem>>
        %dma_start3A_957 = tpu.memref_squeeze %dma_start3A_956 : memref<1x64x128xf32, #tpu.memory_space<vmem>> -> memref<64x128xf32, #tpu.memory_space<vmem>>
        %dma_start3A_958 = tpu.memref_slice %arg5[%select_n3A_934, %mul3A_952] : memref<2x2048xi32, #tpu.memory_space<vmem>> -> memref<1x64xi32, #tpu.memory_space<vmem>>
        %dma_start3A_959 = tpu.memref_squeeze %dma_start3A_958 : memref<1x64xi32, #tpu.memory_space<vmem>> -> memref<64xi32, #tpu.memory_space<vmem>>
        %dma_start3A_960 = arith.constant 0 : i32
        %dma_start3A_961 = arith.constant 0 : i32
        %dma_start3A_962 = tpu.memref_slice %arg7[%dma_start3A_960, %dma_start3A_961] : memref<2049x128xf32, #tpu.memory_space<vmem_shared>> -> memref<2049x128xf32, #tpu.memory_space<vmem_shared>>
        tpu.enqueue_indirect_dma source(%dma_start3A_962 : memref<2049x128xf32, #tpu.memory_space<vmem_shared>>) target(%dma_start3A_957 : memref<64x128xf32, #tpu.memory_space<vmem>>) offsets(%dma_start3A_959 : memref<64xi32, #tpu.memory_space<vmem>>) semaphore(%arg9 : memref<!tpu.dma_semaphore, #tpu.memory_space<semaphore_mem>>)
      } else {
      }
      %mul3A_557 = arith.constant 8 : i32
      %mul3A_558 = arith.muli %scan3A_230, %mul3A_557 : i32
      %add3A_559 = arith.constant 4 : i32
      %add3A_560 = arith.addi %mul3A_558, %add3A_559 : i32
      %jit3A_561 = arith.constant 32 : i32
      %div3A_562 = arith.divsi %add3A_560, %jit3A_561 : i32
      %sign3A_563 = arith.constant 0 : i32
      %sign3A_564 = arith.cmpi sgt, %add3A_560, %sign3A_563 : i32
      %sign3A_565 = arith.extui %sign3A_564 : i1 to i32
      %sign3A_566 = arith.constant 0 : i32
      %sign3A_567 = arith.cmpi slt, %add3A_560, %sign3A_566 : i32
      %sign3A_568 = arith.extui %sign3A_567 : i1 to i32
      %sign3A_569 = arith.subi %sign3A_565, %sign3A_568 : i32
      %sign3A_570 = arith.constant 0 : i32
      %sign3A_571 = arith.cmpi sgt, %jit3A_561, %sign3A_570 : i32
      %sign3A_572 = arith.extui %sign3A_571 : i1 to i32
      %sign3A_573 = arith.constant 0 : i32
      %sign3A_574 = arith.cmpi slt, %jit3A_561, %sign3A_573 : i32
      %sign3A_575 = arith.extui %sign3A_574 : i1 to i32
      %sign3A_576 = arith.subi %sign3A_572, %sign3A_575 : i32
      %ne3A_577 = arith.cmpi ne, %sign3A_569, %sign3A_576 : i32
      %rem3A_578 = arith.remsi %add3A_560, %jit3A_561 : i32
      %ne3A_579 = arith.constant 0 : i32
      %ne3A_580 = arith.cmpi ne, %rem3A_578, %ne3A_579 : i32
      %and3A_581 = arith.andi %ne3A_577, %ne3A_580 : i1
      %sub3A_582 = arith.constant 1 : i32
      %sub3A_583 = arith.subi %div3A_562, %sub3A_582 : i32
      %select_n3A_584 = arith.select %and3A_581, %sub3A_583, %div3A_562 : i32
      %jit3A_585 = arith.constant 32 : i32
      %eq3A_586 = arith.constant 0 : i32
      %eq3A_587 = arith.cmpi eq, %jit3A_585, %eq3A_586 : i32
      %jit3A_588 = arith.constant 1 : i32
      %select_n3A_589 = arith.select %eq3A_587, %jit3A_588, %jit3A_585 : i32
      %rem3A_590 = arith.remsi %add3A_560, %select_n3A_589 : i32
      %ne3A_591 = arith.constant 0 : i32
      %ne3A_592 = arith.cmpi ne, %rem3A_590, %ne3A_591 : i32
      %lt3A_593 = arith.constant 0 : i32
      %lt3A_594 = arith.cmpi slt, %rem3A_590, %lt3A_593 : i32
      %lt3A_595 = arith.constant 0 : i32
      %lt3A_596 = arith.cmpi slt, %select_n3A_589, %lt3A_595 : i32
      %ne3A_597 = arith.xori %lt3A_594, %lt3A_596 : i1
      %and3A_598 = arith.andi %ne3A_597, %ne3A_592 : i1
      %add3A_599 = arith.addi %rem3A_590, %select_n3A_589 : i32
      %select_n3A_600 = arith.select %and3A_598, %add3A_599, %rem3A_590 : i32
      %mul3A_601 = arith.constant 64 : i32
      %mul3A_602 = arith.muli %select_n3A_600, %mul3A_601 : i32
      %dma_wait3A_603 = arith.constant 4 : i32
      %dma_wait3A_604 = arith.constant 0 : i32
      %dma_wait3A_605 = arith.constant 0 : i32
      %dma_wait3A_606 = tpu.memref_slice %arg6[%dma_wait3A_603, %dma_wait3A_604, %dma_wait3A_605] : memref<8x64x128xf32, #tpu.memory_space<vmem>> -> memref<1x64x128xf32, #tpu.memory_space<vmem>>
      %dma_wait3A_607 = tpu.memref_squeeze %dma_wait3A_606 : memref<1x64x128xf32, #tpu.memory_space<vmem>> -> memref<64x128xf32, #tpu.memory_space<vmem>>
      %dma_wait3A_608 = tpu.memref_slice %arg5[%select_n3A_584, %mul3A_602] : memref<2x2048xi32, #tpu.memory_space<vmem>> -> memref<1x64xi32, #tpu.memory_space<vmem>>
      %dma_wait3A_609 = tpu.memref_squeeze %dma_wait3A_608 : memref<1x64xi32, #tpu.memory_space<vmem>> -> memref<64xi32, #tpu.memory_space<vmem>>
      %dma_wait3A_610 = arith.constant 0 : i32
      %dma_wait3A_611 = arith.constant 0 : i32
      %dma_wait3A_612 = tpu.memref_slice %arg7[%dma_wait3A_610, %dma_wait3A_611] : memref<2049x128xf32, #tpu.memory_space<vmem_shared>> -> memref<2049x128xf32, #tpu.memory_space<vmem_shared>>
      tpu.wait_indirect_dma semaphore(%arg12 : memref<!tpu.dma_semaphore, #tpu.memory_space<semaphore_mem>>) src(%dma_wait3A_612 : memref<2049x128xf32, #tpu.memory_space<vmem_shared>>) dst(%dma_wait3A_607 : memref<64x128xf32, #tpu.memory_space<vmem>>)
      %mul3A_613 = arith.constant 64 : i32
      %mul3A_614 = arith.muli %add3A_560, %mul3A_613 : i32
      %add3A_615 = arith.addi %mul3A_2, %mul3A_614 : i32
      %dma_start3A_616 = arith.constant 4 : i32
      %dma_start3A_617 = arith.constant 0 : i32
      %dma_start3A_618 = arith.constant 0 : i32
      %dma_start3A_619 = tpu.memref_slice %arg6[%dma_start3A_616, %dma_start3A_617, %dma_start3A_618] : memref<8x64x128xf32, #tpu.memory_space<vmem>> -> memref<1x64x128xf32, #tpu.memory_space<vmem>>
      %dma_start3A_620 = tpu.memref_squeeze %dma_start3A_619 : memref<1x64x128xf32, #tpu.memory_space<vmem>> -> memref<64x128xf32, #tpu.memory_space<vmem>>
      %dma_start3A_621 = arith.constant 0 : i32
      %dma_start3A_622 = tpu.memref_slice %arg4[%add3A_615, %dma_start3A_621] : memref<131072x128xf32, #tpu.memory_space<hbm>> -> memref<64x128xf32, #tpu.memory_space<hbm>>
      %dma_start3A_623 = arith.constant 0 : i32
      %dma_start3A_624 = tpu.memref_slice %arg4[%add3A_615, %dma_start3A_623] : memref<131072x128xf32, #tpu.memory_space<hbm>> -> memref<64x128xf32, #tpu.memory_space<hbm>>
      %dma_start3A_625 = arith.constant 0 : i32
      %dma_start3A_626 = arith.constant 0 : i32
      %dma_start3A_627 = tpu.memref_slice %arg6[%dma_start3A_616, %dma_start3A_625, %dma_start3A_626] : memref<8x64x128xf32, #tpu.memory_space<vmem>> -> memref<1x64x128xf32, #tpu.memory_space<vmem>>
      %dma_start3A_628 = tpu.memref_squeeze %dma_start3A_627 : memref<1x64x128xf32, #tpu.memory_space<vmem>> -> memref<64x128xf32, #tpu.memory_space<vmem>>
      tpu.enqueue_dma source(%dma_start3A_628 : memref<64x128xf32, #tpu.memory_space<vmem>>) target(%dma_start3A_624 : memref<64x128xf32, #tpu.memory_space<hbm>>) target_semaphore(%arg20 : memref<!tpu.dma_semaphore, #tpu.memory_space<semaphore_mem>>)
      %add3A_629 = arith.constant 8 : i32
      %add3A_630 = arith.addi %add3A_560, %add3A_629 : i32
      %sub3A_631 = arith.constant 2 : i32
      %sub3A_632 = arith.subi %add3A_630, %sub3A_631 : i32
      %ge3A_633 = arith.constant 8 : i32
      %ge3A_634 = arith.cmpi sge, %sub3A_632, %ge3A_633 : i32
      %lt3A_635 = arith.constant 64 : i32
      %lt3A_636 = arith.cmpi slt, %sub3A_632, %lt3A_635 : i32
      %and3A_637 = arith.andi %ge3A_634, %lt3A_636 : i1
      %convert_element_type3A_638 = arith.extui %and3A_637 : i1 to i32
      %cond3A_639 = arith.constant 0 : i32
      %cond3A_640 = arith.cmpi ne, %convert_element_type3A_638, %cond3A_639 : i32
      scf.if %cond3A_640 {
        %sub3A_893 = arith.constant 8 : i32
        %sub3A_894 = arith.subi %sub3A_632, %sub3A_893 : i32
        %mul3A_895 = arith.constant 64 : i32
        %mul3A_896 = arith.muli %sub3A_894, %mul3A_895 : i32
        %add3A_897 = arith.addi %mul3A_2, %mul3A_896 : i32
        %dma_wait3A_898 = arith.constant 2 : i32
        %dma_wait3A_899 = arith.constant 0 : i32
        %dma_wait3A_900 = arith.constant 0 : i32
        %dma_wait3A_901 = tpu.memref_slice %arg6[%dma_wait3A_898, %dma_wait3A_899, %dma_wait3A_900] : memref<8x64x128xf32, #tpu.memory_space<vmem>> -> memref<1x64x128xf32, #tpu.memory_space<vmem>>
        %dma_wait3A_902 = tpu.memref_squeeze %dma_wait3A_901 : memref<1x64x128xf32, #tpu.memory_space<vmem>> -> memref<64x128xf32, #tpu.memory_space<vmem>>
        %dma_wait3A_903 = arith.constant 0 : i32
        %dma_wait3A_904 = tpu.memref_slice %arg4[%add3A_897, %dma_wait3A_903] : memref<131072x128xf32, #tpu.memory_space<hbm>> -> memref<64x128xf32, #tpu.memory_space<hbm>>
        %dma_wait3A_905 = arith.constant 0 : i32
        %dma_wait3A_906 = tpu.memref_slice %arg4[%add3A_897, %dma_wait3A_905] : memref<131072x128xf32, #tpu.memory_space<hbm>> -> memref<64x128xf32, #tpu.memory_space<hbm>>
        %dma_wait3A_907 = arith.constant 0 : i32
        %dma_wait3A_908 = arith.constant 0 : i32
        %dma_wait3A_909 = tpu.memref_slice %arg6[%dma_wait3A_898, %dma_wait3A_907, %dma_wait3A_908] : memref<8x64x128xf32, #tpu.memory_space<vmem>> -> memref<1x64x128xf32, #tpu.memory_space<vmem>>
        %dma_wait3A_910 = tpu.memref_squeeze %dma_wait3A_909 : memref<1x64x128xf32, #tpu.memory_space<vmem>> -> memref<64x128xf32, #tpu.memory_space<vmem>>
        tpu.wait_dma2 semaphore(%arg18 : memref<!tpu.dma_semaphore, #tpu.memory_space<semaphore_mem>>) src(%dma_wait3A_910 : memref<64x128xf32, #tpu.memory_space<vmem>>) dst(%dma_wait3A_906 : memref<64x128xf32, #tpu.memory_space<hbm>>)
        %jit3A_911 = arith.constant 32 : i32
        %div3A_912 = arith.divsi %sub3A_632, %jit3A_911 : i32
        %sign3A_913 = arith.constant 0 : i32
        %sign3A_914 = arith.cmpi sgt, %sub3A_632, %sign3A_913 : i32
        %sign3A_915 = arith.extui %sign3A_914 : i1 to i32
        %sign3A_916 = arith.constant 0 : i32
        %sign3A_917 = arith.cmpi slt, %sub3A_632, %sign3A_916 : i32
        %sign3A_918 = arith.extui %sign3A_917 : i1 to i32
        %sign3A_919 = arith.subi %sign3A_915, %sign3A_918 : i32
        %sign3A_920 = arith.constant 0 : i32
        %sign3A_921 = arith.cmpi sgt, %jit3A_911, %sign3A_920 : i32
        %sign3A_922 = arith.extui %sign3A_921 : i1 to i32
        %sign3A_923 = arith.constant 0 : i32
        %sign3A_924 = arith.cmpi slt, %jit3A_911, %sign3A_923 : i32
        %sign3A_925 = arith.extui %sign3A_924 : i1 to i32
        %sign3A_926 = arith.subi %sign3A_922, %sign3A_925 : i32
        %ne3A_927 = arith.cmpi ne, %sign3A_919, %sign3A_926 : i32
        %rem3A_928 = arith.remsi %sub3A_632, %jit3A_911 : i32
        %ne3A_929 = arith.constant 0 : i32
        %ne3A_930 = arith.cmpi ne, %rem3A_928, %ne3A_929 : i32
        %and3A_931 = arith.andi %ne3A_927, %ne3A_930 : i1
        %sub3A_932 = arith.constant 1 : i32
        %sub3A_933 = arith.subi %div3A_912, %sub3A_932 : i32
        %select_n3A_934 = arith.select %and3A_931, %sub3A_933, %div3A_912 : i32
        %jit3A_935 = arith.constant 32 : i32
        %eq3A_936 = arith.constant 0 : i32
        %eq3A_937 = arith.cmpi eq, %jit3A_935, %eq3A_936 : i32
        %jit3A_938 = arith.constant 1 : i32
        %select_n3A_939 = arith.select %eq3A_937, %jit3A_938, %jit3A_935 : i32
        %rem3A_940 = arith.remsi %sub3A_632, %select_n3A_939 : i32
        %ne3A_941 = arith.constant 0 : i32
        %ne3A_942 = arith.cmpi ne, %rem3A_940, %ne3A_941 : i32
        %lt3A_943 = arith.constant 0 : i32
        %lt3A_944 = arith.cmpi slt, %rem3A_940, %lt3A_943 : i32
        %lt3A_945 = arith.constant 0 : i32
        %lt3A_946 = arith.cmpi slt, %select_n3A_939, %lt3A_945 : i32
        %ne3A_947 = arith.xori %lt3A_944, %lt3A_946 : i1
        %and3A_948 = arith.andi %ne3A_947, %ne3A_942 : i1
        %add3A_949 = arith.addi %rem3A_940, %select_n3A_939 : i32
        %select_n3A_950 = arith.select %and3A_948, %add3A_949, %rem3A_940 : i32
        %mul3A_951 = arith.constant 64 : i32
        %mul3A_952 = arith.muli %select_n3A_950, %mul3A_951 : i32
        %dma_start3A_953 = arith.constant 2 : i32
        %dma_start3A_954 = arith.constant 0 : i32
        %dma_start3A_955 = arith.constant 0 : i32
        %dma_start3A_956 = tpu.memref_slice %arg6[%dma_start3A_953, %dma_start3A_954, %dma_start3A_955] : memref<8x64x128xf32, #tpu.memory_space<vmem>> -> memref<1x64x128xf32, #tpu.memory_space<vmem>>
        %dma_start3A_957 = tpu.memref_squeeze %dma_start3A_956 : memref<1x64x128xf32, #tpu.memory_space<vmem>> -> memref<64x128xf32, #tpu.memory_space<vmem>>
        %dma_start3A_958 = tpu.memref_slice %arg5[%select_n3A_934, %mul3A_952] : memref<2x2048xi32, #tpu.memory_space<vmem>> -> memref<1x64xi32, #tpu.memory_space<vmem>>
        %dma_start3A_959 = tpu.memref_squeeze %dma_start3A_958 : memref<1x64xi32, #tpu.memory_space<vmem>> -> memref<64xi32, #tpu.memory_space<vmem>>
        %dma_start3A_960 = arith.constant 0 : i32
        %dma_start3A_961 = arith.constant 0 : i32
        %dma_start3A_962 = tpu.memref_slice %arg7[%dma_start3A_960, %dma_start3A_961] : memref<2049x128xf32, #tpu.memory_space<vmem_shared>> -> memref<2049x128xf32, #tpu.memory_space<vmem_shared>>
        tpu.enqueue_indirect_dma source(%dma_start3A_962 : memref<2049x128xf32, #tpu.memory_space<vmem_shared>>) target(%dma_start3A_957 : memref<64x128xf32, #tpu.memory_space<vmem>>) offsets(%dma_start3A_959 : memref<64xi32, #tpu.memory_space<vmem>>) semaphore(%arg10 : memref<!tpu.dma_semaphore, #tpu.memory_space<semaphore_mem>>)
      } else {
      }
      %mul3A_641 = arith.constant 8 : i32
      %mul3A_642 = arith.muli %scan3A_230, %mul3A_641 : i32
      %add3A_643 = arith.constant 5 : i32
      %add3A_644 = arith.addi %mul3A_642, %add3A_643 : i32
      %jit3A_645 = arith.constant 32 : i32
      %div3A_646 = arith.divsi %add3A_644, %jit3A_645 : i32
      %sign3A_647 = arith.constant 0 : i32
      %sign3A_648 = arith.cmpi sgt, %add3A_644, %sign3A_647 : i32
      %sign3A_649 = arith.extui %sign3A_648 : i1 to i32
      %sign3A_650 = arith.constant 0 : i32
      %sign3A_651 = arith.cmpi slt, %add3A_644, %sign3A_650 : i32
      %sign3A_652 = arith.extui %sign3A_651 : i1 to i32
      %sign3A_653 = arith.subi %sign3A_649, %sign3A_652 : i32
      %sign3A_654 = arith.constant 0 : i32
      %sign3A_655 = arith.cmpi sgt, %jit3A_645, %sign3A_654 : i32
      %sign3A_656 = arith.extui %sign3A_655 : i1 to i32
      %sign3A_657 = arith.constant 0 : i32
      %sign3A_658 = arith.cmpi slt, %jit3A_645, %sign3A_657 : i32
      %sign3A_659 = arith.extui %sign3A_658 : i1 to i32
      %sign3A_660 = arith.subi %sign3A_656, %sign3A_659 : i32
      %ne3A_661 = arith.cmpi ne, %sign3A_653, %sign3A_660 : i32
      %rem3A_662 = arith.remsi %add3A_644, %jit3A_645 : i32
      %ne3A_663 = arith.constant 0 : i32
      %ne3A_664 = arith.cmpi ne, %rem3A_662, %ne3A_663 : i32
      %and3A_665 = arith.andi %ne3A_661, %ne3A_664 : i1
      %sub3A_666 = arith.constant 1 : i32
      %sub3A_667 = arith.subi %div3A_646, %sub3A_666 : i32
      %select_n3A_668 = arith.select %and3A_665, %sub3A_667, %div3A_646 : i32
      %jit3A_669 = arith.constant 32 : i32
      %eq3A_670 = arith.constant 0 : i32
      %eq3A_671 = arith.cmpi eq, %jit3A_669, %eq3A_670 : i32
      %jit3A_672 = arith.constant 1 : i32
      %select_n3A_673 = arith.select %eq3A_671, %jit3A_672, %jit3A_669 : i32
      %rem3A_674 = arith.remsi %add3A_644, %select_n3A_673 : i32
      %ne3A_675 = arith.constant 0 : i32
      %ne3A_676 = arith.cmpi ne, %rem3A_674, %ne3A_675 : i32
      %lt3A_677 = arith.constant 0 : i32
      %lt3A_678 = arith.cmpi slt, %rem3A_674, %lt3A_677 : i32
      %lt3A_679 = arith.constant 0 : i32
      %lt3A_680 = arith.cmpi slt, %select_n3A_673, %lt3A_679 : i32
      %ne3A_681 = arith.xori %lt3A_678, %lt3A_680 : i1
      %and3A_682 = arith.andi %ne3A_681, %ne3A_676 : i1
      %add3A_683 = arith.addi %rem3A_674, %select_n3A_673 : i32
      %select_n3A_684 = arith.select %and3A_682, %add3A_683, %rem3A_674 : i32
      %mul3A_685 = arith.constant 64 : i32
      %mul3A_686 = arith.muli %select_n3A_684, %mul3A_685 : i32
      %dma_wait3A_687 = arith.constant 5 : i32
      %dma_wait3A_688 = arith.constant 0 : i32
      %dma_wait3A_689 = arith.constant 0 : i32
      %dma_wait3A_690 = tpu.memref_slice %arg6[%dma_wait3A_687, %dma_wait3A_688, %dma_wait3A_689] : memref<8x64x128xf32, #tpu.memory_space<vmem>> -> memref<1x64x128xf32, #tpu.memory_space<vmem>>
      %dma_wait3A_691 = tpu.memref_squeeze %dma_wait3A_690 : memref<1x64x128xf32, #tpu.memory_space<vmem>> -> memref<64x128xf32, #tpu.memory_space<vmem>>
      %dma_wait3A_692 = tpu.memref_slice %arg5[%select_n3A_668, %mul3A_686] : memref<2x2048xi32, #tpu.memory_space<vmem>> -> memref<1x64xi32, #tpu.memory_space<vmem>>
      %dma_wait3A_693 = tpu.memref_squeeze %dma_wait3A_692 : memref<1x64xi32, #tpu.memory_space<vmem>> -> memref<64xi32, #tpu.memory_space<vmem>>
      %dma_wait3A_694 = arith.constant 0 : i32
      %dma_wait3A_695 = arith.constant 0 : i32
      %dma_wait3A_696 = tpu.memref_slice %arg7[%dma_wait3A_694, %dma_wait3A_695] : memref<2049x128xf32, #tpu.memory_space<vmem_shared>> -> memref<2049x128xf32, #tpu.memory_space<vmem_shared>>
      tpu.wait_indirect_dma semaphore(%arg13 : memref<!tpu.dma_semaphore, #tpu.memory_space<semaphore_mem>>) src(%dma_wait3A_696 : memref<2049x128xf32, #tpu.memory_space<vmem_shared>>) dst(%dma_wait3A_691 : memref<64x128xf32, #tpu.memory_space<vmem>>)
      %mul3A_697 = arith.constant 64 : i32
      %mul3A_698 = arith.muli %add3A_644, %mul3A_697 : i32
      %add3A_699 = arith.addi %mul3A_2, %mul3A_698 : i32
      %dma_start3A_700 = arith.constant 5 : i32
      %dma_start3A_701 = arith.constant 0 : i32
      %dma_start3A_702 = arith.constant 0 : i32
      %dma_start3A_703 = tpu.memref_slice %arg6[%dma_start3A_700, %dma_start3A_701, %dma_start3A_702] : memref<8x64x128xf32, #tpu.memory_space<vmem>> -> memref<1x64x128xf32, #tpu.memory_space<vmem>>
      %dma_start3A_704 = tpu.memref_squeeze %dma_start3A_703 : memref<1x64x128xf32, #tpu.memory_space<vmem>> -> memref<64x128xf32, #tpu.memory_space<vmem>>
      %dma_start3A_705 = arith.constant 0 : i32
      %dma_start3A_706 = tpu.memref_slice %arg4[%add3A_699, %dma_start3A_705] : memref<131072x128xf32, #tpu.memory_space<hbm>> -> memref<64x128xf32, #tpu.memory_space<hbm>>
      %dma_start3A_707 = arith.constant 0 : i32
      %dma_start3A_708 = tpu.memref_slice %arg4[%add3A_699, %dma_start3A_707] : memref<131072x128xf32, #tpu.memory_space<hbm>> -> memref<64x128xf32, #tpu.memory_space<hbm>>
      %dma_start3A_709 = arith.constant 0 : i32
      %dma_start3A_710 = arith.constant 0 : i32
      %dma_start3A_711 = tpu.memref_slice %arg6[%dma_start3A_700, %dma_start3A_709, %dma_start3A_710] : memref<8x64x128xf32, #tpu.memory_space<vmem>> -> memref<1x64x128xf32, #tpu.memory_space<vmem>>
      %dma_start3A_712 = tpu.memref_squeeze %dma_start3A_711 : memref<1x64x128xf32, #tpu.memory_space<vmem>> -> memref<64x128xf32, #tpu.memory_space<vmem>>
      tpu.enqueue_dma source(%dma_start3A_712 : memref<64x128xf32, #tpu.memory_space<vmem>>) target(%dma_start3A_708 : memref<64x128xf32, #tpu.memory_space<hbm>>) target_semaphore(%arg21 : memref<!tpu.dma_semaphore, #tpu.memory_space<semaphore_mem>>)
      %add3A_713 = arith.constant 8 : i32
      %add3A_714 = arith.addi %add3A_644, %add3A_713 : i32
      %sub3A_715 = arith.constant 2 : i32
      %sub3A_716 = arith.subi %add3A_714, %sub3A_715 : i32
      %ge3A_717 = arith.constant 8 : i32
      %ge3A_718 = arith.cmpi sge, %sub3A_716, %ge3A_717 : i32
      %lt3A_719 = arith.constant 64 : i32
      %lt3A_720 = arith.cmpi slt, %sub3A_716, %lt3A_719 : i32
      %and3A_721 = arith.andi %ge3A_718, %lt3A_720 : i1
      %convert_element_type3A_722 = arith.extui %and3A_721 : i1 to i32
      %cond3A_723 = arith.constant 0 : i32
      %cond3A_724 = arith.cmpi ne, %convert_element_type3A_722, %cond3A_723 : i32
      scf.if %cond3A_724 {
        %sub3A_893 = arith.constant 8 : i32
        %sub3A_894 = arith.subi %sub3A_716, %sub3A_893 : i32
        %mul3A_895 = arith.constant 64 : i32
        %mul3A_896 = arith.muli %sub3A_894, %mul3A_895 : i32
        %add3A_897 = arith.addi %mul3A_2, %mul3A_896 : i32
        %dma_wait3A_898 = arith.constant 3 : i32
        %dma_wait3A_899 = arith.constant 0 : i32
        %dma_wait3A_900 = arith.constant 0 : i32
        %dma_wait3A_901 = tpu.memref_slice %arg6[%dma_wait3A_898, %dma_wait3A_899, %dma_wait3A_900] : memref<8x64x128xf32, #tpu.memory_space<vmem>> -> memref<1x64x128xf32, #tpu.memory_space<vmem>>
        %dma_wait3A_902 = tpu.memref_squeeze %dma_wait3A_901 : memref<1x64x128xf32, #tpu.memory_space<vmem>> -> memref<64x128xf32, #tpu.memory_space<vmem>>
        %dma_wait3A_903 = arith.constant 0 : i32
        %dma_wait3A_904 = tpu.memref_slice %arg4[%add3A_897, %dma_wait3A_903] : memref<131072x128xf32, #tpu.memory_space<hbm>> -> memref<64x128xf32, #tpu.memory_space<hbm>>
        %dma_wait3A_905 = arith.constant 0 : i32
        %dma_wait3A_906 = tpu.memref_slice %arg4[%add3A_897, %dma_wait3A_905] : memref<131072x128xf32, #tpu.memory_space<hbm>> -> memref<64x128xf32, #tpu.memory_space<hbm>>
        %dma_wait3A_907 = arith.constant 0 : i32
        %dma_wait3A_908 = arith.constant 0 : i32
        %dma_wait3A_909 = tpu.memref_slice %arg6[%dma_wait3A_898, %dma_wait3A_907, %dma_wait3A_908] : memref<8x64x128xf32, #tpu.memory_space<vmem>> -> memref<1x64x128xf32, #tpu.memory_space<vmem>>
        %dma_wait3A_910 = tpu.memref_squeeze %dma_wait3A_909 : memref<1x64x128xf32, #tpu.memory_space<vmem>> -> memref<64x128xf32, #tpu.memory_space<vmem>>
        tpu.wait_dma2 semaphore(%arg19 : memref<!tpu.dma_semaphore, #tpu.memory_space<semaphore_mem>>) src(%dma_wait3A_910 : memref<64x128xf32, #tpu.memory_space<vmem>>) dst(%dma_wait3A_906 : memref<64x128xf32, #tpu.memory_space<hbm>>)
        %jit3A_911 = arith.constant 32 : i32
        %div3A_912 = arith.divsi %sub3A_716, %jit3A_911 : i32
        %sign3A_913 = arith.constant 0 : i32
        %sign3A_914 = arith.cmpi sgt, %sub3A_716, %sign3A_913 : i32
        %sign3A_915 = arith.extui %sign3A_914 : i1 to i32
        %sign3A_916 = arith.constant 0 : i32
        %sign3A_917 = arith.cmpi slt, %sub3A_716, %sign3A_916 : i32
        %sign3A_918 = arith.extui %sign3A_917 : i1 to i32
        %sign3A_919 = arith.subi %sign3A_915, %sign3A_918 : i32
        %sign3A_920 = arith.constant 0 : i32
        %sign3A_921 = arith.cmpi sgt, %jit3A_911, %sign3A_920 : i32
        %sign3A_922 = arith.extui %sign3A_921 : i1 to i32
        %sign3A_923 = arith.constant 0 : i32
        %sign3A_924 = arith.cmpi slt, %jit3A_911, %sign3A_923 : i32
        %sign3A_925 = arith.extui %sign3A_924 : i1 to i32
        %sign3A_926 = arith.subi %sign3A_922, %sign3A_925 : i32
        %ne3A_927 = arith.cmpi ne, %sign3A_919, %sign3A_926 : i32
        %rem3A_928 = arith.remsi %sub3A_716, %jit3A_911 : i32
        %ne3A_929 = arith.constant 0 : i32
        %ne3A_930 = arith.cmpi ne, %rem3A_928, %ne3A_929 : i32
        %and3A_931 = arith.andi %ne3A_927, %ne3A_930 : i1
        %sub3A_932 = arith.constant 1 : i32
        %sub3A_933 = arith.subi %div3A_912, %sub3A_932 : i32
        %select_n3A_934 = arith.select %and3A_931, %sub3A_933, %div3A_912 : i32
        %jit3A_935 = arith.constant 32 : i32
        %eq3A_936 = arith.constant 0 : i32
        %eq3A_937 = arith.cmpi eq, %jit3A_935, %eq3A_936 : i32
        %jit3A_938 = arith.constant 1 : i32
        %select_n3A_939 = arith.select %eq3A_937, %jit3A_938, %jit3A_935 : i32
        %rem3A_940 = arith.remsi %sub3A_716, %select_n3A_939 : i32
        %ne3A_941 = arith.constant 0 : i32
        %ne3A_942 = arith.cmpi ne, %rem3A_940, %ne3A_941 : i32
        %lt3A_943 = arith.constant 0 : i32
        %lt3A_944 = arith.cmpi slt, %rem3A_940, %lt3A_943 : i32
        %lt3A_945 = arith.constant 0 : i32
        %lt3A_946 = arith.cmpi slt, %select_n3A_939, %lt3A_945 : i32
        %ne3A_947 = arith.xori %lt3A_944, %lt3A_946 : i1
        %and3A_948 = arith.andi %ne3A_947, %ne3A_942 : i1
        %add3A_949 = arith.addi %rem3A_940, %select_n3A_939 : i32
        %select_n3A_950 = arith.select %and3A_948, %add3A_949, %rem3A_940 : i32
        %mul3A_951 = arith.constant 64 : i32
        %mul3A_952 = arith.muli %select_n3A_950, %mul3A_951 : i32
        %dma_start3A_953 = arith.constant 3 : i32
        %dma_start3A_954 = arith.constant 0 : i32
        %dma_start3A_955 = arith.constant 0 : i32
        %dma_start3A_956 = tpu.memref_slice %arg6[%dma_start3A_953, %dma_start3A_954, %dma_start3A_955] : memref<8x64x128xf32, #tpu.memory_space<vmem>> -> memref<1x64x128xf32, #tpu.memory_space<vmem>>
        %dma_start3A_957 = tpu.memref_squeeze %dma_start3A_956 : memref<1x64x128xf32, #tpu.memory_space<vmem>> -> memref<64x128xf32, #tpu.memory_space<vmem>>
        %dma_start3A_958 = tpu.memref_slice %arg5[%select_n3A_934, %mul3A_952] : memref<2x2048xi32, #tpu.memory_space<vmem>> -> memref<1x64xi32, #tpu.memory_space<vmem>>
        %dma_start3A_959 = tpu.memref_squeeze %dma_start3A_958 : memref<1x64xi32, #tpu.memory_space<vmem>> -> memref<64xi32, #tpu.memory_space<vmem>>
        %dma_start3A_960 = arith.constant 0 : i32
        %dma_start3A_961 = arith.constant 0 : i32
        %dma_start3A_962 = tpu.memref_slice %arg7[%dma_start3A_960, %dma_start3A_961] : memref<2049x128xf32, #tpu.memory_space<vmem_shared>> -> memref<2049x128xf32, #tpu.memory_space<vmem_shared>>
        tpu.enqueue_indirect_dma source(%dma_start3A_962 : memref<2049x128xf32, #tpu.memory_space<vmem_shared>>) target(%dma_start3A_957 : memref<64x128xf32, #tpu.memory_space<vmem>>) offsets(%dma_start3A_959 : memref<64xi32, #tpu.memory_space<vmem>>) semaphore(%arg11 : memref<!tpu.dma_semaphore, #tpu.memory_space<semaphore_mem>>)
      } else {
      }
      %mul3A_725 = arith.constant 8 : i32
      %mul3A_726 = arith.muli %scan3A_230, %mul3A_725 : i32
      %add3A_727 = arith.constant 6 : i32
      %add3A_728 = arith.addi %mul3A_726, %add3A_727 : i32
      %jit3A_729 = arith.constant 32 : i32
      %div3A_730 = arith.divsi %add3A_728, %jit3A_729 : i32
      %sign3A_731 = arith.constant 0 : i32
      %sign3A_732 = arith.cmpi sgt, %add3A_728, %sign3A_731 : i32
      %sign3A_733 = arith.extui %sign3A_732 : i1 to i32
      %sign3A_734 = arith.constant 0 : i32
      %sign3A_735 = arith.cmpi slt, %add3A_728, %sign3A_734 : i32
      %sign3A_736 = arith.extui %sign3A_735 : i1 to i32
      %sign3A_737 = arith.subi %sign3A_733, %sign3A_736 : i32
      %sign3A_738 = arith.constant 0 : i32
      %sign3A_739 = arith.cmpi sgt, %jit3A_729, %sign3A_738 : i32
      %sign3A_740 = arith.extui %sign3A_739 : i1 to i32
      %sign3A_741 = arith.constant 0 : i32
      %sign3A_742 = arith.cmpi slt, %jit3A_729, %sign3A_741 : i32
      %sign3A_743 = arith.extui %sign3A_742 : i1 to i32
      %sign3A_744 = arith.subi %sign3A_740, %sign3A_743 : i32
      %ne3A_745 = arith.cmpi ne, %sign3A_737, %sign3A_744 : i32
      %rem3A_746 = arith.remsi %add3A_728, %jit3A_729 : i32
      %ne3A_747 = arith.constant 0 : i32
      %ne3A_748 = arith.cmpi ne, %rem3A_746, %ne3A_747 : i32
      %and3A_749 = arith.andi %ne3A_745, %ne3A_748 : i1
      %sub3A_750 = arith.constant 1 : i32
      %sub3A_751 = arith.subi %div3A_730, %sub3A_750 : i32
      %select_n3A_752 = arith.select %and3A_749, %sub3A_751, %div3A_730 : i32
      %jit3A_753 = arith.constant 32 : i32
      %eq3A_754 = arith.constant 0 : i32
      %eq3A_755 = arith.cmpi eq, %jit3A_753, %eq3A_754 : i32
      %jit3A_756 = arith.constant 1 : i32
      %select_n3A_757 = arith.select %eq3A_755, %jit3A_756, %jit3A_753 : i32
      %rem3A_758 = arith.remsi %add3A_728, %select_n3A_757 : i32
      %ne3A_759 = arith.constant 0 : i32
      %ne3A_760 = arith.cmpi ne, %rem3A_758, %ne3A_759 : i32
      %lt3A_761 = arith.constant 0 : i32
      %lt3A_762 = arith.cmpi slt, %rem3A_758, %lt3A_761 : i32
      %lt3A_763 = arith.constant 0 : i32
      %lt3A_764 = arith.cmpi slt, %select_n3A_757, %lt3A_763 : i32
      %ne3A_765 = arith.xori %lt3A_762, %lt3A_764 : i1
      %and3A_766 = arith.andi %ne3A_765, %ne3A_760 : i1
      %add3A_767 = arith.addi %rem3A_758, %select_n3A_757 : i32
      %select_n3A_768 = arith.select %and3A_766, %add3A_767, %rem3A_758 : i32
      %mul3A_769 = arith.constant 64 : i32
      %mul3A_770 = arith.muli %select_n3A_768, %mul3A_769 : i32
      %dma_wait3A_771 = arith.constant 6 : i32
      %dma_wait3A_772 = arith.constant 0 : i32
      %dma_wait3A_773 = arith.constant 0 : i32
      %dma_wait3A_774 = tpu.memref_slice %arg6[%dma_wait3A_771, %dma_wait3A_772, %dma_wait3A_773] : memref<8x64x128xf32, #tpu.memory_space<vmem>> -> memref<1x64x128xf32, #tpu.memory_space<vmem>>
      %dma_wait3A_775 = tpu.memref_squeeze %dma_wait3A_774 : memref<1x64x128xf32, #tpu.memory_space<vmem>> -> memref<64x128xf32, #tpu.memory_space<vmem>>
      %dma_wait3A_776 = tpu.memref_slice %arg5[%select_n3A_752, %mul3A_770] : memref<2x2048xi32, #tpu.memory_space<vmem>> -> memref<1x64xi32, #tpu.memory_space<vmem>>
      %dma_wait3A_777 = tpu.memref_squeeze %dma_wait3A_776 : memref<1x64xi32, #tpu.memory_space<vmem>> -> memref<64xi32, #tpu.memory_space<vmem>>
      %dma_wait3A_778 = arith.constant 0 : i32
      %dma_wait3A_779 = arith.constant 0 : i32
      %dma_wait3A_780 = tpu.memref_slice %arg7[%dma_wait3A_778, %dma_wait3A_779] : memref<2049x128xf32, #tpu.memory_space<vmem_shared>> -> memref<2049x128xf32, #tpu.memory_space<vmem_shared>>
      tpu.wait_indirect_dma semaphore(%arg14 : memref<!tpu.dma_semaphore, #tpu.memory_space<semaphore_mem>>) src(%dma_wait3A_780 : memref<2049x128xf32, #tpu.memory_space<vmem_shared>>) dst(%dma_wait3A_775 : memref<64x128xf32, #tpu.memory_space<vmem>>)
      %mul3A_781 = arith.constant 64 : i32
      %mul3A_782 = arith.muli %add3A_728, %mul3A_781 : i32
      %add3A_783 = arith.addi %mul3A_2, %mul3A_782 : i32
      %dma_start3A_784 = arith.constant 6 : i32
      %dma_start3A_785 = arith.constant 0 : i32
      %dma_start3A_786 = arith.constant 0 : i32
      %dma_start3A_787 = tpu.memref_slice %arg6[%dma_start3A_784, %dma_start3A_785, %dma_start3A_786] : memref<8x64x128xf32, #tpu.memory_space<vmem>> -> memref<1x64x128xf32, #tpu.memory_space<vmem>>
      %dma_start3A_788 = tpu.memref_squeeze %dma_start3A_787 : memref<1x64x128xf32, #tpu.memory_space<vmem>> -> memref<64x128xf32, #tpu.memory_space<vmem>>
      %dma_start3A_789 = arith.constant 0 : i32
      %dma_start3A_790 = tpu.memref_slice %arg4[%add3A_783, %dma_start3A_789] : memref<131072x128xf32, #tpu.memory_space<hbm>> -> memref<64x128xf32, #tpu.memory_space<hbm>>
      %dma_start3A_791 = arith.constant 0 : i32
      %dma_start3A_792 = tpu.memref_slice %arg4[%add3A_783, %dma_start3A_791] : memref<131072x128xf32, #tpu.memory_space<hbm>> -> memref<64x128xf32, #tpu.memory_space<hbm>>
      %dma_start3A_793 = arith.constant 0 : i32
      %dma_start3A_794 = arith.constant 0 : i32
      %dma_start3A_795 = tpu.memref_slice %arg6[%dma_start3A_784, %dma_start3A_793, %dma_start3A_794] : memref<8x64x128xf32, #tpu.memory_space<vmem>> -> memref<1x64x128xf32, #tpu.memory_space<vmem>>
      %dma_start3A_796 = tpu.memref_squeeze %dma_start3A_795 : memref<1x64x128xf32, #tpu.memory_space<vmem>> -> memref<64x128xf32, #tpu.memory_space<vmem>>
      tpu.enqueue_dma source(%dma_start3A_796 : memref<64x128xf32, #tpu.memory_space<vmem>>) target(%dma_start3A_792 : memref<64x128xf32, #tpu.memory_space<hbm>>) target_semaphore(%arg22 : memref<!tpu.dma_semaphore, #tpu.memory_space<semaphore_mem>>)
      %add3A_797 = arith.constant 8 : i32
      %add3A_798 = arith.addi %add3A_728, %add3A_797 : i32
      %sub3A_799 = arith.constant 2 : i32
      %sub3A_800 = arith.subi %add3A_798, %sub3A_799 : i32
      %ge3A_801 = arith.constant 8 : i32
      %ge3A_802 = arith.cmpi sge, %sub3A_800, %ge3A_801 : i32
      %lt3A_803 = arith.constant 64 : i32
      %lt3A_804 = arith.cmpi slt, %sub3A_800, %lt3A_803 : i32
      %and3A_805 = arith.andi %ge3A_802, %lt3A_804 : i1
      %convert_element_type3A_806 = arith.extui %and3A_805 : i1 to i32
      %cond3A_807 = arith.constant 0 : i32
      %cond3A_808 = arith.cmpi ne, %convert_element_type3A_806, %cond3A_807 : i32
      scf.if %cond3A_808 {
        %sub3A_893 = arith.constant 8 : i32
        %sub3A_894 = arith.subi %sub3A_800, %sub3A_893 : i32
        %mul3A_895 = arith.constant 64 : i32
        %mul3A_896 = arith.muli %sub3A_894, %mul3A_895 : i32
        %add3A_897 = arith.addi %mul3A_2, %mul3A_896 : i32
        %dma_wait3A_898 = arith.constant 4 : i32
        %dma_wait3A_899 = arith.constant 0 : i32
        %dma_wait3A_900 = arith.constant 0 : i32
        %dma_wait3A_901 = tpu.memref_slice %arg6[%dma_wait3A_898, %dma_wait3A_899, %dma_wait3A_900] : memref<8x64x128xf32, #tpu.memory_space<vmem>> -> memref<1x64x128xf32, #tpu.memory_space<vmem>>
        %dma_wait3A_902 = tpu.memref_squeeze %dma_wait3A_901 : memref<1x64x128xf32, #tpu.memory_space<vmem>> -> memref<64x128xf32, #tpu.memory_space<vmem>>
        %dma_wait3A_903 = arith.constant 0 : i32
        %dma_wait3A_904 = tpu.memref_slice %arg4[%add3A_897, %dma_wait3A_903] : memref<131072x128xf32, #tpu.memory_space<hbm>> -> memref<64x128xf32, #tpu.memory_space<hbm>>
        %dma_wait3A_905 = arith.constant 0 : i32
        %dma_wait3A_906 = tpu.memref_slice %arg4[%add3A_897, %dma_wait3A_905] : memref<131072x128xf32, #tpu.memory_space<hbm>> -> memref<64x128xf32, #tpu.memory_space<hbm>>
        %dma_wait3A_907 = arith.constant 0 : i32
        %dma_wait3A_908 = arith.constant 0 : i32
        %dma_wait3A_909 = tpu.memref_slice %arg6[%dma_wait3A_898, %dma_wait3A_907, %dma_wait3A_908] : memref<8x64x128xf32, #tpu.memory_space<vmem>> -> memref<1x64x128xf32, #tpu.memory_space<vmem>>
        %dma_wait3A_910 = tpu.memref_squeeze %dma_wait3A_909 : memref<1x64x128xf32, #tpu.memory_space<vmem>> -> memref<64x128xf32, #tpu.memory_space<vmem>>
        tpu.wait_dma2 semaphore(%arg20 : memref<!tpu.dma_semaphore, #tpu.memory_space<semaphore_mem>>) src(%dma_wait3A_910 : memref<64x128xf32, #tpu.memory_space<vmem>>) dst(%dma_wait3A_906 : memref<64x128xf32, #tpu.memory_space<hbm>>)
        %jit3A_911 = arith.constant 32 : i32
        %div3A_912 = arith.divsi %sub3A_800, %jit3A_911 : i32
        %sign3A_913 = arith.constant 0 : i32
        %sign3A_914 = arith.cmpi sgt, %sub3A_800, %sign3A_913 : i32
        %sign3A_915 = arith.extui %sign3A_914 : i1 to i32
        %sign3A_916 = arith.constant 0 : i32
        %sign3A_917 = arith.cmpi slt, %sub3A_800, %sign3A_916 : i32
        %sign3A_918 = arith.extui %sign3A_917 : i1 to i32
        %sign3A_919 = arith.subi %sign3A_915, %sign3A_918 : i32
        %sign3A_920 = arith.constant 0 : i32
        %sign3A_921 = arith.cmpi sgt, %jit3A_911, %sign3A_920 : i32
        %sign3A_922 = arith.extui %sign3A_921 : i1 to i32
        %sign3A_923 = arith.constant 0 : i32
        %sign3A_924 = arith.cmpi slt, %jit3A_911, %sign3A_923 : i32
        %sign3A_925 = arith.extui %sign3A_924 : i1 to i32
        %sign3A_926 = arith.subi %sign3A_922, %sign3A_925 : i32
        %ne3A_927 = arith.cmpi ne, %sign3A_919, %sign3A_926 : i32
        %rem3A_928 = arith.remsi %sub3A_800, %jit3A_911 : i32
        %ne3A_929 = arith.constant 0 : i32
        %ne3A_930 = arith.cmpi ne, %rem3A_928, %ne3A_929 : i32
        %and3A_931 = arith.andi %ne3A_927, %ne3A_930 : i1
        %sub3A_932 = arith.constant 1 : i32
        %sub3A_933 = arith.subi %div3A_912, %sub3A_932 : i32
        %select_n3A_934 = arith.select %and3A_931, %sub3A_933, %div3A_912 : i32
        %jit3A_935 = arith.constant 32 : i32
        %eq3A_936 = arith.constant 0 : i32
        %eq3A_937 = arith.cmpi eq, %jit3A_935, %eq3A_936 : i32
        %jit3A_938 = arith.constant 1 : i32
        %select_n3A_939 = arith.select %eq3A_937, %jit3A_938, %jit3A_935 : i32
        %rem3A_940 = arith.remsi %sub3A_800, %select_n3A_939 : i32
        %ne3A_941 = arith.constant 0 : i32
        %ne3A_942 = arith.cmpi ne, %rem3A_940, %ne3A_941 : i32
        %lt3A_943 = arith.constant 0 : i32
        %lt3A_944 = arith.cmpi slt, %rem3A_940, %lt3A_943 : i32
        %lt3A_945 = arith.constant 0 : i32
        %lt3A_946 = arith.cmpi slt, %select_n3A_939, %lt3A_945 : i32
        %ne3A_947 = arith.xori %lt3A_944, %lt3A_946 : i1
        %and3A_948 = arith.andi %ne3A_947, %ne3A_942 : i1
        %add3A_949 = arith.addi %rem3A_940, %select_n3A_939 : i32
        %select_n3A_950 = arith.select %and3A_948, %add3A_949, %rem3A_940 : i32
        %mul3A_951 = arith.constant 64 : i32
        %mul3A_952 = arith.muli %select_n3A_950, %mul3A_951 : i32
        %dma_start3A_953 = arith.constant 4 : i32
        %dma_start3A_954 = arith.constant 0 : i32
        %dma_start3A_955 = arith.constant 0 : i32
        %dma_start3A_956 = tpu.memref_slice %arg6[%dma_start3A_953, %dma_start3A_954, %dma_start3A_955] : memref<8x64x128xf32, #tpu.memory_space<vmem>> -> memref<1x64x128xf32, #tpu.memory_space<vmem>>
        %dma_start3A_957 = tpu.memref_squeeze %dma_start3A_956 : memref<1x64x128xf32, #tpu.memory_space<vmem>> -> memref<64x128xf32, #tpu.memory_space<vmem>>
        %dma_start3A_958 = tpu.memref_slice %arg5[%select_n3A_934, %mul3A_952] : memref<2x2048xi32, #tpu.memory_space<vmem>> -> memref<1x64xi32, #tpu.memory_space<vmem>>
        %dma_start3A_959 = tpu.memref_squeeze %dma_start3A_958 : memref<1x64xi32, #tpu.memory_space<vmem>> -> memref<64xi32, #tpu.memory_space<vmem>>
        %dma_start3A_960 = arith.constant 0 : i32
        %dma_start3A_961 = arith.constant 0 : i32
        %dma_start3A_962 = tpu.memref_slice %arg7[%dma_start3A_960, %dma_start3A_961] : memref<2049x128xf32, #tpu.memory_space<vmem_shared>> -> memref<2049x128xf32, #tpu.memory_space<vmem_shared>>
        tpu.enqueue_indirect_dma source(%dma_start3A_962 : memref<2049x128xf32, #tpu.memory_space<vmem_shared>>) target(%dma_start3A_957 : memref<64x128xf32, #tpu.memory_space<vmem>>) offsets(%dma_start3A_959 : memref<64xi32, #tpu.memory_space<vmem>>) semaphore(%arg12 : memref<!tpu.dma_semaphore, #tpu.memory_space<semaphore_mem>>)
      } else {
      }
      %mul3A_809 = arith.constant 8 : i32
      %mul3A_810 = arith.muli %scan3A_230, %mul3A_809 : i32
      %add3A_811 = arith.constant 7 : i32
      %add3A_812 = arith.addi %mul3A_810, %add3A_811 : i32
      %jit3A_813 = arith.constant 32 : i32
      %div3A_814 = arith.divsi %add3A_812, %jit3A_813 : i32
      %sign3A_815 = arith.constant 0 : i32
      %sign3A_816 = arith.cmpi sgt, %add3A_812, %sign3A_815 : i32
      %sign3A_817 = arith.extui %sign3A_816 : i1 to i32
      %sign3A_818 = arith.constant 0 : i32
      %sign3A_819 = arith.cmpi slt, %add3A_812, %sign3A_818 : i32
      %sign3A_820 = arith.extui %sign3A_819 : i1 to i32
      %sign3A_821 = arith.subi %sign3A_817, %sign3A_820 : i32
      %sign3A_822 = arith.constant 0 : i32
      %sign3A_823 = arith.cmpi sgt, %jit3A_813, %sign3A_822 : i32
      %sign3A_824 = arith.extui %sign3A_823 : i1 to i32
      %sign3A_825 = arith.constant 0 : i32
      %sign3A_826 = arith.cmpi slt, %jit3A_813, %sign3A_825 : i32
      %sign3A_827 = arith.extui %sign3A_826 : i1 to i32
      %sign3A_828 = arith.subi %sign3A_824, %sign3A_827 : i32
      %ne3A_829 = arith.cmpi ne, %sign3A_821, %sign3A_828 : i32
      %rem3A_830 = arith.remsi %add3A_812, %jit3A_813 : i32
      %ne3A_831 = arith.constant 0 : i32
      %ne3A_832 = arith.cmpi ne, %rem3A_830, %ne3A_831 : i32
      %and3A_833 = arith.andi %ne3A_829, %ne3A_832 : i1
      %sub3A_834 = arith.constant 1 : i32
      %sub3A_835 = arith.subi %div3A_814, %sub3A_834 : i32
      %select_n3A_836 = arith.select %and3A_833, %sub3A_835, %div3A_814 : i32
      %jit3A_837 = arith.constant 32 : i32
      %eq3A_838 = arith.constant 0 : i32
      %eq3A_839 = arith.cmpi eq, %jit3A_837, %eq3A_838 : i32
      %jit3A_840 = arith.constant 1 : i32
      %select_n3A_841 = arith.select %eq3A_839, %jit3A_840, %jit3A_837 : i32
      %rem3A_842 = arith.remsi %add3A_812, %select_n3A_841 : i32
      %ne3A_843 = arith.constant 0 : i32
      %ne3A_844 = arith.cmpi ne, %rem3A_842, %ne3A_843 : i32
      %lt3A_845 = arith.constant 0 : i32
      %lt3A_846 = arith.cmpi slt, %rem3A_842, %lt3A_845 : i32
      %lt3A_847 = arith.constant 0 : i32
      %lt3A_848 = arith.cmpi slt, %select_n3A_841, %lt3A_847 : i32
      %ne3A_849 = arith.xori %lt3A_846, %lt3A_848 : i1
      %and3A_850 = arith.andi %ne3A_849, %ne3A_844 : i1
      %add3A_851 = arith.addi %rem3A_842, %select_n3A_841 : i32
      %select_n3A_852 = arith.select %and3A_850, %add3A_851, %rem3A_842 : i32
      %mul3A_853 = arith.constant 64 : i32
      %mul3A_854 = arith.muli %select_n3A_852, %mul3A_853 : i32
      %dma_wait3A_855 = arith.constant 7 : i32
      %dma_wait3A_856 = arith.constant 0 : i32
      %dma_wait3A_857 = arith.constant 0 : i32
      %dma_wait3A_858 = tpu.memref_slice %arg6[%dma_wait3A_855, %dma_wait3A_856, %dma_wait3A_857] : memref<8x64x128xf32, #tpu.memory_space<vmem>> -> memref<1x64x128xf32, #tpu.memory_space<vmem>>
      %dma_wait3A_859 = tpu.memref_squeeze %dma_wait3A_858 : memref<1x64x128xf32, #tpu.memory_space<vmem>> -> memref<64x128xf32, #tpu.memory_space<vmem>>
      %dma_wait3A_860 = tpu.memref_slice %arg5[%select_n3A_836, %mul3A_854] : memref<2x2048xi32, #tpu.memory_space<vmem>> -> memref<1x64xi32, #tpu.memory_space<vmem>>
      %dma_wait3A_861 = tpu.memref_squeeze %dma_wait3A_860 : memref<1x64xi32, #tpu.memory_space<vmem>> -> memref<64xi32, #tpu.memory_space<vmem>>
      %dma_wait3A_862 = arith.constant 0 : i32
      %dma_wait3A_863 = arith.constant 0 : i32
      %dma_wait3A_864 = tpu.memref_slice %arg7[%dma_wait3A_862, %dma_wait3A_863] : memref<2049x128xf32, #tpu.memory_space<vmem_shared>> -> memref<2049x128xf32, #tpu.memory_space<vmem_shared>>
      tpu.wait_indirect_dma semaphore(%arg15 : memref<!tpu.dma_semaphore, #tpu.memory_space<semaphore_mem>>) src(%dma_wait3A_864 : memref<2049x128xf32, #tpu.memory_space<vmem_shared>>) dst(%dma_wait3A_859 : memref<64x128xf32, #tpu.memory_space<vmem>>)
      %mul3A_865 = arith.constant 64 : i32
      %mul3A_866 = arith.muli %add3A_812, %mul3A_865 : i32
      %add3A_867 = arith.addi %mul3A_2, %mul3A_866 : i32
      %dma_start3A_868 = arith.constant 7 : i32
      %dma_start3A_869 = arith.constant 0 : i32
      %dma_start3A_870 = arith.constant 0 : i32
      %dma_start3A_871 = tpu.memref_slice %arg6[%dma_start3A_868, %dma_start3A_869, %dma_start3A_870] : memref<8x64x128xf32, #tpu.memory_space<vmem>> -> memref<1x64x128xf32, #tpu.memory_space<vmem>>
      %dma_start3A_872 = tpu.memref_squeeze %dma_start3A_871 : memref<1x64x128xf32, #tpu.memory_space<vmem>> -> memref<64x128xf32, #tpu.memory_space<vmem>>
      %dma_start3A_873 = arith.constant 0 : i32
      %dma_start3A_874 = tpu.memref_slice %arg4[%add3A_867, %dma_start3A_873] : memref<131072x128xf32, #tpu.memory_space<hbm>> -> memref<64x128xf32, #tpu.memory_space<hbm>>
      %dma_start3A_875 = arith.constant 0 : i32
      %dma_start3A_876 = tpu.memref_slice %arg4[%add3A_867, %dma_start3A_875] : memref<131072x128xf32, #tpu.memory_space<hbm>> -> memref<64x128xf32, #tpu.memory_space<hbm>>
      %dma_start3A_877 = arith.constant 0 : i32
      %dma_start3A_878 = arith.constant 0 : i32
      %dma_start3A_879 = tpu.memref_slice %arg6[%dma_start3A_868, %dma_start3A_877, %dma_start3A_878] : memref<8x64x128xf32, #tpu.memory_space<vmem>> -> memref<1x64x128xf32, #tpu.memory_space<vmem>>
      %dma_start3A_880 = tpu.memref_squeeze %dma_start3A_879 : memref<1x64x128xf32, #tpu.memory_space<vmem>> -> memref<64x128xf32, #tpu.memory_space<vmem>>
      tpu.enqueue_dma source(%dma_start3A_880 : memref<64x128xf32, #tpu.memory_space<vmem>>) target(%dma_start3A_876 : memref<64x128xf32, #tpu.memory_space<hbm>>) target_semaphore(%arg23 : memref<!tpu.dma_semaphore, #tpu.memory_space<semaphore_mem>>)
      %add3A_881 = arith.constant 8 : i32
      %add3A_882 = arith.addi %add3A_812, %add3A_881 : i32
      %sub3A_883 = arith.constant 2 : i32
      %sub3A_884 = arith.subi %add3A_882, %sub3A_883 : i32
      %ge3A_885 = arith.constant 8 : i32
      %ge3A_886 = arith.cmpi sge, %sub3A_884, %ge3A_885 : i32
      %lt3A_887 = arith.constant 64 : i32
      %lt3A_888 = arith.cmpi slt, %sub3A_884, %lt3A_887 : i32
      %and3A_889 = arith.andi %ge3A_886, %lt3A_888 : i1
      %convert_element_type3A_890 = arith.extui %and3A_889 : i1 to i32
      %cond3A_891 = arith.constant 0 : i32
      %cond3A_892 = arith.cmpi ne, %convert_element_type3A_890, %cond3A_891 : i32
      scf.if %cond3A_892 {
        %sub3A_893 = arith.constant 8 : i32
        %sub3A_894 = arith.subi %sub3A_884, %sub3A_893 : i32
        %mul3A_895 = arith.constant 64 : i32
        %mul3A_896 = arith.muli %sub3A_894, %mul3A_895 : i32
        %add3A_897 = arith.addi %mul3A_2, %mul3A_896 : i32
        %dma_wait3A_898 = arith.constant 5 : i32
        %dma_wait3A_899 = arith.constant 0 : i32
        %dma_wait3A_900 = arith.constant 0 : i32
        %dma_wait3A_901 = tpu.memref_slice %arg6[%dma_wait3A_898, %dma_wait3A_899, %dma_wait3A_900] : memref<8x64x128xf32, #tpu.memory_space<vmem>> -> memref<1x64x128xf32, #tpu.memory_space<vmem>>
        %dma_wait3A_902 = tpu.memref_squeeze %dma_wait3A_901 : memref<1x64x128xf32, #tpu.memory_space<vmem>> -> memref<64x128xf32, #tpu.memory_space<vmem>>
        %dma_wait3A_903 = arith.constant 0 : i32
        %dma_wait3A_904 = tpu.memref_slice %arg4[%add3A_897, %dma_wait3A_903] : memref<131072x128xf32, #tpu.memory_space<hbm>> -> memref<64x128xf32, #tpu.memory_space<hbm>>
        %dma_wait3A_905 = arith.constant 0 : i32
        %dma_wait3A_906 = tpu.memref_slice %arg4[%add3A_897, %dma_wait3A_905] : memref<131072x128xf32, #tpu.memory_space<hbm>> -> memref<64x128xf32, #tpu.memory_space<hbm>>
        %dma_wait3A_907 = arith.constant 0 : i32
        %dma_wait3A_908 = arith.constant 0 : i32
        %dma_wait3A_909 = tpu.memref_slice %arg6[%dma_wait3A_898, %dma_wait3A_907, %dma_wait3A_908] : memref<8x64x128xf32, #tpu.memory_space<vmem>> -> memref<1x64x128xf32, #tpu.memory_space<vmem>>
        %dma_wait3A_910 = tpu.memref_squeeze %dma_wait3A_909 : memref<1x64x128xf32, #tpu.memory_space<vmem>> -> memref<64x128xf32, #tpu.memory_space<vmem>>
        tpu.wait_dma2 semaphore(%arg21 : memref<!tpu.dma_semaphore, #tpu.memory_space<semaphore_mem>>) src(%dma_wait3A_910 : memref<64x128xf32, #tpu.memory_space<vmem>>) dst(%dma_wait3A_906 : memref<64x128xf32, #tpu.memory_space<hbm>>)
        %jit3A_911 = arith.constant 32 : i32
        %div3A_912 = arith.divsi %sub3A_884, %jit3A_911 : i32
        %sign3A_913 = arith.constant 0 : i32
        %sign3A_914 = arith.cmpi sgt, %sub3A_884, %sign3A_913 : i32
        %sign3A_915 = arith.extui %sign3A_914 : i1 to i32
        %sign3A_916 = arith.constant 0 : i32
        %sign3A_917 = arith.cmpi slt, %sub3A_884, %sign3A_916 : i32
        %sign3A_918 = arith.extui %sign3A_917 : i1 to i32
        %sign3A_919 = arith.subi %sign3A_915, %sign3A_918 : i32
        %sign3A_920 = arith.constant 0 : i32
        %sign3A_921 = arith.cmpi sgt, %jit3A_911, %sign3A_920 : i32
        %sign3A_922 = arith.extui %sign3A_921 : i1 to i32
        %sign3A_923 = arith.constant 0 : i32
        %sign3A_924 = arith.cmpi slt, %jit3A_911, %sign3A_923 : i32
        %sign3A_925 = arith.extui %sign3A_924 : i1 to i32
        %sign3A_926 = arith.subi %sign3A_922, %sign3A_925 : i32
        %ne3A_927 = arith.cmpi ne, %sign3A_919, %sign3A_926 : i32
        %rem3A_928 = arith.remsi %sub3A_884, %jit3A_911 : i32
        %ne3A_929 = arith.constant 0 : i32
        %ne3A_930 = arith.cmpi ne, %rem3A_928, %ne3A_929 : i32
        %and3A_931 = arith.andi %ne3A_927, %ne3A_930 : i1
        %sub3A_932 = arith.constant 1 : i32
        %sub3A_933 = arith.subi %div3A_912, %sub3A_932 : i32
        %select_n3A_934 = arith.select %and3A_931, %sub3A_933, %div3A_912 : i32
        %jit3A_935 = arith.constant 32 : i32
        %eq3A_936 = arith.constant 0 : i32
        %eq3A_937 = arith.cmpi eq, %jit3A_935, %eq3A_936 : i32
        %jit3A_938 = arith.constant 1 : i32
        %select_n3A_939 = arith.select %eq3A_937, %jit3A_938, %jit3A_935 : i32
        %rem3A_940 = arith.remsi %sub3A_884, %select_n3A_939 : i32
        %ne3A_941 = arith.constant 0 : i32
        %ne3A_942 = arith.cmpi ne, %rem3A_940, %ne3A_941 : i32
        %lt3A_943 = arith.constant 0 : i32
        %lt3A_944 = arith.cmpi slt, %rem3A_940, %lt3A_943 : i32
        %lt3A_945 = arith.constant 0 : i32
        %lt3A_946 = arith.cmpi slt, %select_n3A_939, %lt3A_945 : i32
        %ne3A_947 = arith.xori %lt3A_944, %lt3A_946 : i1
        %and3A_948 = arith.andi %ne3A_947, %ne3A_942 : i1
        %add3A_949 = arith.addi %rem3A_940, %select_n3A_939 : i32
        %select_n3A_950 = arith.select %and3A_948, %add3A_949, %rem3A_940 : i32
        %mul3A_951 = arith.constant 64 : i32
        %mul3A_952 = arith.muli %select_n3A_950, %mul3A_951 : i32
        %dma_start3A_953 = arith.constant 5 : i32
        %dma_start3A_954 = arith.constant 0 : i32
        %dma_start3A_955 = arith.constant 0 : i32
        %dma_start3A_956 = tpu.memref_slice %arg6[%dma_start3A_953, %dma_start3A_954, %dma_start3A_955] : memref<8x64x128xf32, #tpu.memory_space<vmem>> -> memref<1x64x128xf32, #tpu.memory_space<vmem>>
        %dma_start3A_957 = tpu.memref_squeeze %dma_start3A_956 : memref<1x64x128xf32, #tpu.memory_space<vmem>> -> memref<64x128xf32, #tpu.memory_space<vmem>>
        %dma_start3A_958 = tpu.memref_slice %arg5[%select_n3A_934, %mul3A_952] : memref<2x2048xi32, #tpu.memory_space<vmem>> -> memref<1x64xi32, #tpu.memory_space<vmem>>
        %dma_start3A_959 = tpu.memref_squeeze %dma_start3A_958 : memref<1x64xi32, #tpu.memory_space<vmem>> -> memref<64xi32, #tpu.memory_space<vmem>>
        %dma_start3A_960 = arith.constant 0 : i32
        %dma_start3A_961 = arith.constant 0 : i32
        %dma_start3A_962 = tpu.memref_slice %arg7[%dma_start3A_960, %dma_start3A_961] : memref<2049x128xf32, #tpu.memory_space<vmem_shared>> -> memref<2049x128xf32, #tpu.memory_space<vmem_shared>>
        tpu.enqueue_indirect_dma source(%dma_start3A_962 : memref<2049x128xf32, #tpu.memory_space<vmem_shared>>) target(%dma_start3A_957 : memref<64x128xf32, #tpu.memory_space<vmem>>) offsets(%dma_start3A_959 : memref<64xi32, #tpu.memory_space<vmem>>) semaphore(%arg13 : memref<!tpu.dma_semaphore, #tpu.memory_space<semaphore_mem>>)
      } else {
      }
    }
    %scan3A_110 = arith.constant 8 : i32
    %add3A_111 = arith.constant 3584 : i32
    %add3A_112 = arith.addi %mul3A_2, %add3A_111 : i32
    %dma_wait3A = arith.constant 0 : i32
    %dma_wait3A_113 = arith.constant 0 : i32
    %dma_wait3A_114 = arith.constant 0 : i32
    %dma_wait3A_115 = tpu.memref_slice %arg6[%dma_wait3A, %dma_wait3A_113, %dma_wait3A_114] : memref<8x64x128xf32, #tpu.memory_space<vmem>> -> memref<1x64x128xf32, #tpu.memory_space<vmem>>
    %dma_wait3A_116 = tpu.memref_squeeze %dma_wait3A_115 : memref<1x64x128xf32, #tpu.memory_space<vmem>> -> memref<64x128xf32, #tpu.memory_space<vmem>>
    %dma_wait3A_117 = arith.constant 0 : i32
    %dma_wait3A_118 = tpu.memref_slice %arg4[%add3A_112, %dma_wait3A_117] : memref<131072x128xf32, #tpu.memory_space<hbm>> -> memref<64x128xf32, #tpu.memory_space<hbm>>
    %dma_wait3A_119 = arith.constant 0 : i32
    %dma_wait3A_120 = tpu.memref_slice %arg4[%add3A_112, %dma_wait3A_119] : memref<131072x128xf32, #tpu.memory_space<hbm>> -> memref<64x128xf32, #tpu.memory_space<hbm>>
    %dma_wait3A_121 = arith.constant 0 : i32
    %dma_wait3A_122 = arith.constant 0 : i32
    %dma_wait3A_123 = tpu.memref_slice %arg6[%dma_wait3A, %dma_wait3A_121, %dma_wait3A_122] : memref<8x64x128xf32, #tpu.memory_space<vmem>> -> memref<1x64x128xf32, #tpu.memory_space<vmem>>
    %dma_wait3A_124 = tpu.memref_squeeze %dma_wait3A_123 : memref<1x64x128xf32, #tpu.memory_space<vmem>> -> memref<64x128xf32, #tpu.memory_space<vmem>>
    tpu.wait_dma2 semaphore(%arg16 : memref<!tpu.dma_semaphore, #tpu.memory_space<semaphore_mem>>) src(%dma_wait3A_124 : memref<64x128xf32, #tpu.memory_space<vmem>>) dst(%dma_wait3A_120 : memref<64x128xf32, #tpu.memory_space<hbm>>)
    %add3A_125 = arith.constant 3648 : i32
    %add3A_126 = arith.addi %mul3A_2, %add3A_125 : i32
    %dma_wait3A_127 = arith.constant 1 : i32
    %dma_wait3A_128 = arith.constant 0 : i32
    %dma_wait3A_129 = arith.constant 0 : i32
    %dma_wait3A_130 = tpu.memref_slice %arg6[%dma_wait3A_127, %dma_wait3A_128, %dma_wait3A_129] : memref<8x64x128xf32, #tpu.memory_space<vmem>> -> memref<1x64x128xf32, #tpu.memory_space<vmem>>
    %dma_wait3A_131 = tpu.memref_squeeze %dma_wait3A_130 : memref<1x64x128xf32, #tpu.memory_space<vmem>> -> memref<64x128xf32, #tpu.memory_space<vmem>>
    %dma_wait3A_132 = arith.constant 0 : i32
    %dma_wait3A_133 = tpu.memref_slice %arg4[%add3A_126, %dma_wait3A_132] : memref<131072x128xf32, #tpu.memory_space<hbm>> -> memref<64x128xf32, #tpu.memory_space<hbm>>
    %dma_wait3A_134 = arith.constant 0 : i32
    %dma_wait3A_135 = tpu.memref_slice %arg4[%add3A_126, %dma_wait3A_134] : memref<131072x128xf32, #tpu.memory_space<hbm>> -> memref<64x128xf32, #tpu.memory_space<hbm>>
    %dma_wait3A_136 = arith.constant 0 : i32
    %dma_wait3A_137 = arith.constant 0 : i32
    %dma_wait3A_138 = tpu.memref_slice %arg6[%dma_wait3A_127, %dma_wait3A_136, %dma_wait3A_137] : memref<8x64x128xf32, #tpu.memory_space<vmem>> -> memref<1x64x128xf32, #tpu.memory_space<vmem>>
    %dma_wait3A_139 = tpu.memref_squeeze %dma_wait3A_138 : memref<1x64x128xf32, #tpu.memory_space<vmem>> -> memref<64x128xf32, #tpu.memory_space<vmem>>
    tpu.wait_dma2 semaphore(%arg17 : memref<!tpu.dma_semaphore, #tpu.memory_space<semaphore_mem>>) src(%dma_wait3A_139 : memref<64x128xf32, #tpu.memory_space<vmem>>) dst(%dma_wait3A_135 : memref<64x128xf32, #tpu.memory_space<hbm>>)
    %add3A_140 = arith.constant 3712 : i32
    %add3A_141 = arith.addi %mul3A_2, %add3A_140 : i32
    %dma_wait3A_142 = arith.constant 2 : i32
    %dma_wait3A_143 = arith.constant 0 : i32
    %dma_wait3A_144 = arith.constant 0 : i32
    %dma_wait3A_145 = tpu.memref_slice %arg6[%dma_wait3A_142, %dma_wait3A_143, %dma_wait3A_144] : memref<8x64x128xf32, #tpu.memory_space<vmem>> -> memref<1x64x128xf32, #tpu.memory_space<vmem>>
    %dma_wait3A_146 = tpu.memref_squeeze %dma_wait3A_145 : memref<1x64x128xf32, #tpu.memory_space<vmem>> -> memref<64x128xf32, #tpu.memory_space<vmem>>
    %dma_wait3A_147 = arith.constant 0 : i32
    %dma_wait3A_148 = tpu.memref_slice %arg4[%add3A_141, %dma_wait3A_147] : memref<131072x128xf32, #tpu.memory_space<hbm>> -> memref<64x128xf32, #tpu.memory_space<hbm>>
    %dma_wait3A_149 = arith.constant 0 : i32
    %dma_wait3A_150 = tpu.memref_slice %arg4[%add3A_141, %dma_wait3A_149] : memref<131072x128xf32, #tpu.memory_space<hbm>> -> memref<64x128xf32, #tpu.memory_space<hbm>>
    %dma_wait3A_151 = arith.constant 0 : i32
    %dma_wait3A_152 = arith.constant 0 : i32
    %dma_wait3A_153 = tpu.memref_slice %arg6[%dma_wait3A_142, %dma_wait3A_151, %dma_wait3A_152] : memref<8x64x128xf32, #tpu.memory_space<vmem>> -> memref<1x64x128xf32, #tpu.memory_space<vmem>>
    %dma_wait3A_154 = tpu.memref_squeeze %dma_wait3A_153 : memref<1x64x128xf32, #tpu.memory_space<vmem>> -> memref<64x128xf32, #tpu.memory_space<vmem>>
    tpu.wait_dma2 semaphore(%arg18 : memref<!tpu.dma_semaphore, #tpu.memory_space<semaphore_mem>>) src(%dma_wait3A_154 : memref<64x128xf32, #tpu.memory_space<vmem>>) dst(%dma_wait3A_150 : memref<64x128xf32, #tpu.memory_space<hbm>>)
    %add3A_155 = arith.constant 3776 : i32
    %add3A_156 = arith.addi %mul3A_2, %add3A_155 : i32
    %dma_wait3A_157 = arith.constant 3 : i32
    %dma_wait3A_158 = arith.constant 0 : i32
    %dma_wait3A_159 = arith.constant 0 : i32
    %dma_wait3A_160 = tpu.memref_slice %arg6[%dma_wait3A_157, %dma_wait3A_158, %dma_wait3A_159] : memref<8x64x128xf32, #tpu.memory_space<vmem>> -> memref<1x64x128xf32, #tpu.memory_space<vmem>>
    %dma_wait3A_161 = tpu.memref_squeeze %dma_wait3A_160 : memref<1x64x128xf32, #tpu.memory_space<vmem>> -> memref<64x128xf32, #tpu.memory_space<vmem>>
    %dma_wait3A_162 = arith.constant 0 : i32
    %dma_wait3A_163 = tpu.memref_slice %arg4[%add3A_156, %dma_wait3A_162] : memref<131072x128xf32, #tpu.memory_space<hbm>> -> memref<64x128xf32, #tpu.memory_space<hbm>>
    %dma_wait3A_164 = arith.constant 0 : i32
    %dma_wait3A_165 = tpu.memref_slice %arg4[%add3A_156, %dma_wait3A_164] : memref<131072x128xf32, #tpu.memory_space<hbm>> -> memref<64x128xf32, #tpu.memory_space<hbm>>
    %dma_wait3A_166 = arith.constant 0 : i32
    %dma_wait3A_167 = arith.constant 0 : i32
    %dma_wait3A_168 = tpu.memref_slice %arg6[%dma_wait3A_157, %dma_wait3A_166, %dma_wait3A_167] : memref<8x64x128xf32, #tpu.memory_space<vmem>> -> memref<1x64x128xf32, #tpu.memory_space<vmem>>
    %dma_wait3A_169 = tpu.memref_squeeze %dma_wait3A_168 : memref<1x64x128xf32, #tpu.memory_space<vmem>> -> memref<64x128xf32, #tpu.memory_space<vmem>>
    tpu.wait_dma2 semaphore(%arg19 : memref<!tpu.dma_semaphore, #tpu.memory_space<semaphore_mem>>) src(%dma_wait3A_169 : memref<64x128xf32, #tpu.memory_space<vmem>>) dst(%dma_wait3A_165 : memref<64x128xf32, #tpu.memory_space<hbm>>)
    %add3A_170 = arith.constant 3840 : i32
    %add3A_171 = arith.addi %mul3A_2, %add3A_170 : i32
    %dma_wait3A_172 = arith.constant 4 : i32
    %dma_wait3A_173 = arith.constant 0 : i32
    %dma_wait3A_174 = arith.constant 0 : i32
    %dma_wait3A_175 = tpu.memref_slice %arg6[%dma_wait3A_172, %dma_wait3A_173, %dma_wait3A_174] : memref<8x64x128xf32, #tpu.memory_space<vmem>> -> memref<1x64x128xf32, #tpu.memory_space<vmem>>
    %dma_wait3A_176 = tpu.memref_squeeze %dma_wait3A_175 : memref<1x64x128xf32, #tpu.memory_space<vmem>> -> memref<64x128xf32, #tpu.memory_space<vmem>>
    %dma_wait3A_177 = arith.constant 0 : i32
    %dma_wait3A_178 = tpu.memref_slice %arg4[%add3A_171, %dma_wait3A_177] : memref<131072x128xf32, #tpu.memory_space<hbm>> -> memref<64x128xf32, #tpu.memory_space<hbm>>
    %dma_wait3A_179 = arith.constant 0 : i32
    %dma_wait3A_180 = tpu.memref_slice %arg4[%add3A_171, %dma_wait3A_179] : memref<131072x128xf32, #tpu.memory_space<hbm>> -> memref<64x128xf32, #tpu.memory_space<hbm>>
    %dma_wait3A_181 = arith.constant 0 : i32
    %dma_wait3A_182 = arith.constant 0 : i32
    %dma_wait3A_183 = tpu.memref_slice %arg6[%dma_wait3A_172, %dma_wait3A_181, %dma_wait3A_182] : memref<8x64x128xf32, #tpu.memory_space<vmem>> -> memref<1x64x128xf32, #tpu.memory_space<vmem>>
    %dma_wait3A_184 = tpu.memref_squeeze %dma_wait3A_183 : memref<1x64x128xf32, #tpu.memory_space<vmem>> -> memref<64x128xf32, #tpu.memory_space<vmem>>
    tpu.wait_dma2 semaphore(%arg20 : memref<!tpu.dma_semaphore, #tpu.memory_space<semaphore_mem>>) src(%dma_wait3A_184 : memref<64x128xf32, #tpu.memory_space<vmem>>) dst(%dma_wait3A_180 : memref<64x128xf32, #tpu.memory_space<hbm>>)
    %add3A_185 = arith.constant 3904 : i32
    %add3A_186 = arith.addi %mul3A_2, %add3A_185 : i32
    %dma_wait3A_187 = arith.constant 5 : i32
    %dma_wait3A_188 = arith.constant 0 : i32
    %dma_wait3A_189 = arith.constant 0 : i32
    %dma_wait3A_190 = tpu.memref_slice %arg6[%dma_wait3A_187, %dma_wait3A_188, %dma_wait3A_189] : memref<8x64x128xf32, #tpu.memory_space<vmem>> -> memref<1x64x128xf32, #tpu.memory_space<vmem>>
    %dma_wait3A_191 = tpu.memref_squeeze %dma_wait3A_190 : memref<1x64x128xf32, #tpu.memory_space<vmem>> -> memref<64x128xf32, #tpu.memory_space<vmem>>
    %dma_wait3A_192 = arith.constant 0 : i32
    %dma_wait3A_193 = tpu.memref_slice %arg4[%add3A_186, %dma_wait3A_192] : memref<131072x128xf32, #tpu.memory_space<hbm>> -> memref<64x128xf32, #tpu.memory_space<hbm>>
    %dma_wait3A_194 = arith.constant 0 : i32
    %dma_wait3A_195 = tpu.memref_slice %arg4[%add3A_186, %dma_wait3A_194] : memref<131072x128xf32, #tpu.memory_space<hbm>> -> memref<64x128xf32, #tpu.memory_space<hbm>>
    %dma_wait3A_196 = arith.constant 0 : i32
    %dma_wait3A_197 = arith.constant 0 : i32
    %dma_wait3A_198 = tpu.memref_slice %arg6[%dma_wait3A_187, %dma_wait3A_196, %dma_wait3A_197] : memref<8x64x128xf32, #tpu.memory_space<vmem>> -> memref<1x64x128xf32, #tpu.memory_space<vmem>>
    %dma_wait3A_199 = tpu.memref_squeeze %dma_wait3A_198 : memref<1x64x128xf32, #tpu.memory_space<vmem>> -> memref<64x128xf32, #tpu.memory_space<vmem>>
    tpu.wait_dma2 semaphore(%arg21 : memref<!tpu.dma_semaphore, #tpu.memory_space<semaphore_mem>>) src(%dma_wait3A_199 : memref<64x128xf32, #tpu.memory_space<vmem>>) dst(%dma_wait3A_195 : memref<64x128xf32, #tpu.memory_space<hbm>>)
    %add3A_200 = arith.constant 3968 : i32
    %add3A_201 = arith.addi %mul3A_2, %add3A_200 : i32
    %dma_wait3A_202 = arith.constant 6 : i32
    %dma_wait3A_203 = arith.constant 0 : i32
    %dma_wait3A_204 = arith.constant 0 : i32
    %dma_wait3A_205 = tpu.memref_slice %arg6[%dma_wait3A_202, %dma_wait3A_203, %dma_wait3A_204] : memref<8x64x128xf32, #tpu.memory_space<vmem>> -> memref<1x64x128xf32, #tpu.memory_space<vmem>>
    %dma_wait3A_206 = tpu.memref_squeeze %dma_wait3A_205 : memref<1x64x128xf32, #tpu.memory_space<vmem>> -> memref<64x128xf32, #tpu.memory_space<vmem>>
    %dma_wait3A_207 = arith.constant 0 : i32
    %dma_wait3A_208 = tpu.memref_slice %arg4[%add3A_201, %dma_wait3A_207] : memref<131072x128xf32, #tpu.memory_space<hbm>> -> memref<64x128xf32, #tpu.memory_space<hbm>>
    %dma_wait3A_209 = arith.constant 0 : i32
    %dma_wait3A_210 = tpu.memref_slice %arg4[%add3A_201, %dma_wait3A_209] : memref<131072x128xf32, #tpu.memory_space<hbm>> -> memref<64x128xf32, #tpu.memory_space<hbm>>
    %dma_wait3A_211 = arith.constant 0 : i32
    %dma_wait3A_212 = arith.constant 0 : i32
    %dma_wait3A_213 = tpu.memref_slice %arg6[%dma_wait3A_202, %dma_wait3A_211, %dma_wait3A_212] : memref<8x64x128xf32, #tpu.memory_space<vmem>> -> memref<1x64x128xf32, #tpu.memory_space<vmem>>
    %dma_wait3A_214 = tpu.memref_squeeze %dma_wait3A_213 : memref<1x64x128xf32, #tpu.memory_space<vmem>> -> memref<64x128xf32, #tpu.memory_space<vmem>>
    tpu.wait_dma2 semaphore(%arg22 : memref<!tpu.dma_semaphore, #tpu.memory_space<semaphore_mem>>) src(%dma_wait3A_214 : memref<64x128xf32, #tpu.memory_space<vmem>>) dst(%dma_wait3A_210 : memref<64x128xf32, #tpu.memory_space<hbm>>)
    %add3A_215 = arith.constant 4032 : i32
    %add3A_216 = arith.addi %mul3A_2, %add3A_215 : i32
    %dma_wait3A_217 = arith.constant 7 : i32
    %dma_wait3A_218 = arith.constant 0 : i32
    %dma_wait3A_219 = arith.constant 0 : i32
    %dma_wait3A_220 = tpu.memref_slice %arg6[%dma_wait3A_217, %dma_wait3A_218, %dma_wait3A_219] : memref<8x64x128xf32, #tpu.memory_space<vmem>> -> memref<1x64x128xf32, #tpu.memory_space<vmem>>
    %dma_wait3A_221 = tpu.memref_squeeze %dma_wait3A_220 : memref<1x64x128xf32, #tpu.memory_space<vmem>> -> memref<64x128xf32, #tpu.memory_space<vmem>>
    %dma_wait3A_222 = arith.constant 0 : i32
    %dma_wait3A_223 = tpu.memref_slice %arg4[%add3A_216, %dma_wait3A_222] : memref<131072x128xf32, #tpu.memory_space<hbm>> -> memref<64x128xf32, #tpu.memory_space<hbm>>
    %dma_wait3A_224 = arith.constant 0 : i32
    %dma_wait3A_225 = tpu.memref_slice %arg4[%add3A_216, %dma_wait3A_224] : memref<131072x128xf32, #tpu.memory_space<hbm>> -> memref<64x128xf32, #tpu.memory_space<hbm>>
    %dma_wait3A_226 = arith.constant 0 : i32
    %dma_wait3A_227 = arith.constant 0 : i32
    %dma_wait3A_228 = tpu.memref_slice %arg6[%dma_wait3A_217, %dma_wait3A_226, %dma_wait3A_227] : memref<8x64x128xf32, #tpu.memory_space<vmem>> -> memref<1x64x128xf32, #tpu.memory_space<vmem>>
    %dma_wait3A_229 = tpu.memref_squeeze %dma_wait3A_228 : memref<1x64x128xf32, #tpu.memory_space<vmem>> -> memref<64x128xf32, #tpu.memory_space<vmem>>
    tpu.wait_dma2 semaphore(%arg23 : memref<!tpu.dma_semaphore, #tpu.memory_space<semaphore_mem>>) src(%dma_wait3A_229 : memref<64x128xf32, #tpu.memory_space<vmem>>) dst(%dma_wait3A_225 : memref<64x128xf32, #tpu.memory_space<hbm>>)
    return
  }
}

#map = affine_map<(d0, d1) -> (0, 0)>
module attributes {stable_mosaic.version = 14 : i64} {
  func.func @chase(%arg0: i32, %arg1: i32, %arg2: memref<64x2048xi32, #tpu.memory_space<hbm>>, %arg3: memref<64x2048xi32, #tpu.memory_space<hbm>>, %arg4: memref<64x2048xi32, #tpu.memory_space<hbm>>, %arg5: memref<32768xi32, #tpu.memory_space<vmem>>, %arg6: memref<32768xi32, #tpu.memory_space<vmem>>, %arg7: memref<!tpu.dma_semaphore, #tpu.memory_space<semaphore_mem>>) attributes {dimension_semantics = [#tpu.dimension_semantics<core_parallel>, #tpu.dimension_semantics<subcore_parallel>], iteration_bounds = array<i64: 2, 16>, scalar_prefetch = 0 : i64, scratch_operands = 3 : i64, tpu.core_type = #tpu.core_type<sc_vector_subcore>, window_params = [{transform_indices = #map}, {transform_indices = #map}, {transform_indices = #map}]} {
    %mul3A = arith.constant 2 : i32
    %mul3A_0 = arith.muli %arg1, %mul3A : i32
    %add3A = arith.addi %mul3A_0, %arg0 : i32
    %lt3A = arith.constant 4 : i32
    %lt3A_1 = arith.cmpi slt, %add3A, %lt3A : i32
    %convert_element_type3A = arith.extui %lt3A_1 : i1 to i32
    %cond3A = arith.constant 0 : i32
    %cond3A_2 = arith.cmpi ne, %convert_element_type3A, %cond3A : i32
    scf.if %cond3A_2 {
      %mul3A_3 = arith.constant 16 : i32
      %mul3A_4 = arith.muli %add3A, %mul3A_3 : i32
      %add3A_5 = arith.constant 0 : i32
      %add3A_6 = arith.addi %mul3A_4, %add3A_5 : i32
      %dma_start3A = arith.constant 0 : i32
      %dma_start3A_7 = tpu.memref_slice %arg5[%dma_start3A] : memref<32768xi32, #tpu.memory_space<vmem>> -> memref<2048xi32, #tpu.memory_space<vmem>>
      %dma_start3A_8 = arith.constant 0 : i32
      %dma_start3A_9 = tpu.memref_slice %arg2[%add3A_6, %dma_start3A_8] : memref<64x2048xi32, #tpu.memory_space<hbm>> -> memref<1x2048xi32, #tpu.memory_space<hbm>>
      %dma_start3A_10 = tpu.memref_squeeze %dma_start3A_9 : memref<1x2048xi32, #tpu.memory_space<hbm>> -> memref<2048xi32, #tpu.memory_space<hbm>>
      %dma_start3A_11 = arith.constant 0 : i32
      %dma_start3A_12 = tpu.memref_slice %arg5[%dma_start3A_11] : memref<32768xi32, #tpu.memory_space<vmem>> -> memref<2048xi32, #tpu.memory_space<vmem>>
      %dma_start3A_13 = arith.constant 0 : i32
      %dma_start3A_14 = tpu.memref_slice %arg2[%add3A_6, %dma_start3A_13] : memref<64x2048xi32, #tpu.memory_space<hbm>> -> memref<1x2048xi32, #tpu.memory_space<hbm>>
      %dma_start3A_15 = tpu.memref_squeeze %dma_start3A_14 : memref<1x2048xi32, #tpu.memory_space<hbm>> -> memref<2048xi32, #tpu.memory_space<hbm>>
      tpu.enqueue_dma source(%dma_start3A_15 : memref<2048xi32, #tpu.memory_space<hbm>>) target(%dma_start3A_12 : memref<2048xi32, #tpu.memory_space<vmem>>) target_semaphore(%arg7 : memref<!tpu.dma_semaphore, #tpu.memory_space<semaphore_mem>>)
      %add3A_16 = arith.constant 0 : i32
      %add3A_17 = arith.addi %mul3A_4, %add3A_16 : i32
      %dma_start3A_18 = arith.constant 0 : i32
      %dma_start3A_19 = tpu.memref_slice %arg6[%dma_start3A_18] : memref<32768xi32, #tpu.memory_space<vmem>> -> memref<2048xi32, #tpu.memory_space<vmem>>
      %dma_start3A_20 = arith.constant 0 : i32
      %dma_start3A_21 = tpu.memref_slice %arg3[%add3A_17, %dma_start3A_20] : memref<64x2048xi32, #tpu.memory_space<hbm>> -> memref<1x2048xi32, #tpu.memory_space<hbm>>
      %dma_start3A_22 = tpu.memref_squeeze %dma_start3A_21 : memref<1x2048xi32, #tpu.memory_space<hbm>> -> memref<2048xi32, #tpu.memory_space<hbm>>
      %dma_start3A_23 = arith.constant 0 : i32
      %dma_start3A_24 = tpu.memref_slice %arg6[%dma_start3A_23] : memref<32768xi32, #tpu.memory_space<vmem>> -> memref<2048xi32, #tpu.memory_space<vmem>>
      %dma_start3A_25 = arith.constant 0 : i32
      %dma_start3A_26 = tpu.memref_slice %arg3[%add3A_17, %dma_start3A_25] : memref<64x2048xi32, #tpu.memory_space<hbm>> -> memref<1x2048xi32, #tpu.memory_space<hbm>>
      %dma_start3A_27 = tpu.memref_squeeze %dma_start3A_26 : memref<1x2048xi32, #tpu.memory_space<hbm>> -> memref<2048xi32, #tpu.memory_space<hbm>>
      tpu.enqueue_dma source(%dma_start3A_27 : memref<2048xi32, #tpu.memory_space<hbm>>) target(%dma_start3A_24 : memref<2048xi32, #tpu.memory_space<vmem>>) target_semaphore(%arg7 : memref<!tpu.dma_semaphore, #tpu.memory_space<semaphore_mem>>)
      %add3A_28 = arith.constant 1 : i32
      %add3A_29 = arith.addi %mul3A_4, %add3A_28 : i32
      %dma_start3A_30 = arith.constant 2048 : i32
      %dma_start3A_31 = tpu.memref_slice %arg5[%dma_start3A_30] : memref<32768xi32, #tpu.memory_space<vmem>> -> memref<2048xi32, #tpu.memory_space<vmem>>
      %dma_start3A_32 = arith.constant 0 : i32
      %dma_start3A_33 = tpu.memref_slice %arg2[%add3A_29, %dma_start3A_32] : memref<64x2048xi32, #tpu.memory_space<hbm>> -> memref<1x2048xi32, #tpu.memory_space<hbm>>
      %dma_start3A_34 = tpu.memref_squeeze %dma_start3A_33 : memref<1x2048xi32, #tpu.memory_space<hbm>> -> memref<2048xi32, #tpu.memory_space<hbm>>
      %dma_start3A_35 = arith.constant 2048 : i32
      %dma_start3A_36 = tpu.memref_slice %arg5[%dma_start3A_35] : memref<32768xi32, #tpu.memory_space<vmem>> -> memref<2048xi32, #tpu.memory_space<vmem>>
      %dma_start3A_37 = arith.constant 0 : i32
      %dma_start3A_38 = tpu.memref_slice %arg2[%add3A_29, %dma_start3A_37] : memref<64x2048xi32, #tpu.memory_space<hbm>> -> memref<1x2048xi32, #tpu.memory_space<hbm>>
      %dma_start3A_39 = tpu.memref_squeeze %dma_start3A_38 : memref<1x2048xi32, #tpu.memory_space<hbm>> -> memref<2048xi32, #tpu.memory_space<hbm>>
      tpu.enqueue_dma source(%dma_start3A_39 : memref<2048xi32, #tpu.memory_space<hbm>>) target(%dma_start3A_36 : memref<2048xi32, #tpu.memory_space<vmem>>) target_semaphore(%arg7 : memref<!tpu.dma_semaphore, #tpu.memory_space<semaphore_mem>>)
      %add3A_40 = arith.constant 1 : i32
      %add3A_41 = arith.addi %mul3A_4, %add3A_40 : i32
      %dma_start3A_42 = arith.constant 2048 : i32
      %dma_start3A_43 = tpu.memref_slice %arg6[%dma_start3A_42] : memref<32768xi32, #tpu.memory_space<vmem>> -> memref<2048xi32, #tpu.memory_space<vmem>>
      %dma_start3A_44 = arith.constant 0 : i32
      %dma_start3A_45 = tpu.memref_slice %arg3[%add3A_41, %dma_start3A_44] : memref<64x2048xi32, #tpu.memory_space<hbm>> -> memref<1x2048xi32, #tpu.memory_space<hbm>>
      %dma_start3A_46 = tpu.memref_squeeze %dma_start3A_45 : memref<1x2048xi32, #tpu.memory_space<hbm>> -> memref<2048xi32, #tpu.memory_space<hbm>>
      %dma_start3A_47 = arith.constant 2048 : i32
      %dma_start3A_48 = tpu.memref_slice %arg6[%dma_start3A_47] : memref<32768xi32, #tpu.memory_space<vmem>> -> memref<2048xi32, #tpu.memory_space<vmem>>
      %dma_start3A_49 = arith.constant 0 : i32
      %dma_start3A_50 = tpu.memref_slice %arg3[%add3A_41, %dma_start3A_49] : memref<64x2048xi32, #tpu.memory_space<hbm>> -> memref<1x2048xi32, #tpu.memory_space<hbm>>
      %dma_start3A_51 = tpu.memref_squeeze %dma_start3A_50 : memref<1x2048xi32, #tpu.memory_space<hbm>> -> memref<2048xi32, #tpu.memory_space<hbm>>
      tpu.enqueue_dma source(%dma_start3A_51 : memref<2048xi32, #tpu.memory_space<hbm>>) target(%dma_start3A_48 : memref<2048xi32, #tpu.memory_space<vmem>>) target_semaphore(%arg7 : memref<!tpu.dma_semaphore, #tpu.memory_space<semaphore_mem>>)
      %add3A_52 = arith.constant 2 : i32
      %add3A_53 = arith.addi %mul3A_4, %add3A_52 : i32
      %dma_start3A_54 = arith.constant 4096 : i32
      %dma_start3A_55 = tpu.memref_slice %arg5[%dma_start3A_54] : memref<32768xi32, #tpu.memory_space<vmem>> -> memref<2048xi32, #tpu.memory_space<vmem>>
      %dma_start3A_56 = arith.constant 0 : i32
      %dma_start3A_57 = tpu.memref_slice %arg2[%add3A_53, %dma_start3A_56] : memref<64x2048xi32, #tpu.memory_space<hbm>> -> memref<1x2048xi32, #tpu.memory_space<hbm>>
      %dma_start3A_58 = tpu.memref_squeeze %dma_start3A_57 : memref<1x2048xi32, #tpu.memory_space<hbm>> -> memref<2048xi32, #tpu.memory_space<hbm>>
      %dma_start3A_59 = arith.constant 4096 : i32
      %dma_start3A_60 = tpu.memref_slice %arg5[%dma_start3A_59] : memref<32768xi32, #tpu.memory_space<vmem>> -> memref<2048xi32, #tpu.memory_space<vmem>>
      %dma_start3A_61 = arith.constant 0 : i32
      %dma_start3A_62 = tpu.memref_slice %arg2[%add3A_53, %dma_start3A_61] : memref<64x2048xi32, #tpu.memory_space<hbm>> -> memref<1x2048xi32, #tpu.memory_space<hbm>>
      %dma_start3A_63 = tpu.memref_squeeze %dma_start3A_62 : memref<1x2048xi32, #tpu.memory_space<hbm>> -> memref<2048xi32, #tpu.memory_space<hbm>>
      tpu.enqueue_dma source(%dma_start3A_63 : memref<2048xi32, #tpu.memory_space<hbm>>) target(%dma_start3A_60 : memref<2048xi32, #tpu.memory_space<vmem>>) target_semaphore(%arg7 : memref<!tpu.dma_semaphore, #tpu.memory_space<semaphore_mem>>)
      %add3A_64 = arith.constant 2 : i32
      %add3A_65 = arith.addi %mul3A_4, %add3A_64 : i32
      %dma_start3A_66 = arith.constant 4096 : i32
      %dma_start3A_67 = tpu.memref_slice %arg6[%dma_start3A_66] : memref<32768xi32, #tpu.memory_space<vmem>> -> memref<2048xi32, #tpu.memory_space<vmem>>
      %dma_start3A_68 = arith.constant 0 : i32
      %dma_start3A_69 = tpu.memref_slice %arg3[%add3A_65, %dma_start3A_68] : memref<64x2048xi32, #tpu.memory_space<hbm>> -> memref<1x2048xi32, #tpu.memory_space<hbm>>
      %dma_start3A_70 = tpu.memref_squeeze %dma_start3A_69 : memref<1x2048xi32, #tpu.memory_space<hbm>> -> memref<2048xi32, #tpu.memory_space<hbm>>
      %dma_start3A_71 = arith.constant 4096 : i32
      %dma_start3A_72 = tpu.memref_slice %arg6[%dma_start3A_71] : memref<32768xi32, #tpu.memory_space<vmem>> -> memref<2048xi32, #tpu.memory_space<vmem>>
      %dma_start3A_73 = arith.constant 0 : i32
      %dma_start3A_74 = tpu.memref_slice %arg3[%add3A_65, %dma_start3A_73] : memref<64x2048xi32, #tpu.memory_space<hbm>> -> memref<1x2048xi32, #tpu.memory_space<hbm>>
      %dma_start3A_75 = tpu.memref_squeeze %dma_start3A_74 : memref<1x2048xi32, #tpu.memory_space<hbm>> -> memref<2048xi32, #tpu.memory_space<hbm>>
      tpu.enqueue_dma source(%dma_start3A_75 : memref<2048xi32, #tpu.memory_space<hbm>>) target(%dma_start3A_72 : memref<2048xi32, #tpu.memory_space<vmem>>) target_semaphore(%arg7 : memref<!tpu.dma_semaphore, #tpu.memory_space<semaphore_mem>>)
      %add3A_76 = arith.constant 3 : i32
      %add3A_77 = arith.addi %mul3A_4, %add3A_76 : i32
      %dma_start3A_78 = arith.constant 6144 : i32
      %dma_start3A_79 = tpu.memref_slice %arg5[%dma_start3A_78] : memref<32768xi32, #tpu.memory_space<vmem>> -> memref<2048xi32, #tpu.memory_space<vmem>>
      %dma_start3A_80 = arith.constant 0 : i32
      %dma_start3A_81 = tpu.memref_slice %arg2[%add3A_77, %dma_start3A_80] : memref<64x2048xi32, #tpu.memory_space<hbm>> -> memref<1x2048xi32, #tpu.memory_space<hbm>>
      %dma_start3A_82 = tpu.memref_squeeze %dma_start3A_81 : memref<1x2048xi32, #tpu.memory_space<hbm>> -> memref<2048xi32, #tpu.memory_space<hbm>>
      %dma_start3A_83 = arith.constant 6144 : i32
      %dma_start3A_84 = tpu.memref_slice %arg5[%dma_start3A_83] : memref<32768xi32, #tpu.memory_space<vmem>> -> memref<2048xi32, #tpu.memory_space<vmem>>
      %dma_start3A_85 = arith.constant 0 : i32
      %dma_start3A_86 = tpu.memref_slice %arg2[%add3A_77, %dma_start3A_85] : memref<64x2048xi32, #tpu.memory_space<hbm>> -> memref<1x2048xi32, #tpu.memory_space<hbm>>
      %dma_start3A_87 = tpu.memref_squeeze %dma_start3A_86 : memref<1x2048xi32, #tpu.memory_space<hbm>> -> memref<2048xi32, #tpu.memory_space<hbm>>
      tpu.enqueue_dma source(%dma_start3A_87 : memref<2048xi32, #tpu.memory_space<hbm>>) target(%dma_start3A_84 : memref<2048xi32, #tpu.memory_space<vmem>>) target_semaphore(%arg7 : memref<!tpu.dma_semaphore, #tpu.memory_space<semaphore_mem>>)
      %add3A_88 = arith.constant 3 : i32
      %add3A_89 = arith.addi %mul3A_4, %add3A_88 : i32
      %dma_start3A_90 = arith.constant 6144 : i32
      %dma_start3A_91 = tpu.memref_slice %arg6[%dma_start3A_90] : memref<32768xi32, #tpu.memory_space<vmem>> -> memref<2048xi32, #tpu.memory_space<vmem>>
      %dma_start3A_92 = arith.constant 0 : i32
      %dma_start3A_93 = tpu.memref_slice %arg3[%add3A_89, %dma_start3A_92] : memref<64x2048xi32, #tpu.memory_space<hbm>> -> memref<1x2048xi32, #tpu.memory_space<hbm>>
      %dma_start3A_94 = tpu.memref_squeeze %dma_start3A_93 : memref<1x2048xi32, #tpu.memory_space<hbm>> -> memref<2048xi32, #tpu.memory_space<hbm>>
      %dma_start3A_95 = arith.constant 6144 : i32
      %dma_start3A_96 = tpu.memref_slice %arg6[%dma_start3A_95] : memref<32768xi32, #tpu.memory_space<vmem>> -> memref<2048xi32, #tpu.memory_space<vmem>>
      %dma_start3A_97 = arith.constant 0 : i32
      %dma_start3A_98 = tpu.memref_slice %arg3[%add3A_89, %dma_start3A_97] : memref<64x2048xi32, #tpu.memory_space<hbm>> -> memref<1x2048xi32, #tpu.memory_space<hbm>>
      %dma_start3A_99 = tpu.memref_squeeze %dma_start3A_98 : memref<1x2048xi32, #tpu.memory_space<hbm>> -> memref<2048xi32, #tpu.memory_space<hbm>>
      tpu.enqueue_dma source(%dma_start3A_99 : memref<2048xi32, #tpu.memory_space<hbm>>) target(%dma_start3A_96 : memref<2048xi32, #tpu.memory_space<vmem>>) target_semaphore(%arg7 : memref<!tpu.dma_semaphore, #tpu.memory_space<semaphore_mem>>)
      %add3A_100 = arith.constant 4 : i32
      %add3A_101 = arith.addi %mul3A_4, %add3A_100 : i32
      %dma_start3A_102 = arith.constant 8192 : i32
      %dma_start3A_103 = tpu.memref_slice %arg5[%dma_start3A_102] : memref<32768xi32, #tpu.memory_space<vmem>> -> memref<2048xi32, #tpu.memory_space<vmem>>
      %dma_start3A_104 = arith.constant 0 : i32
      %dma_start3A_105 = tpu.memref_slice %arg2[%add3A_101, %dma_start3A_104] : memref<64x2048xi32, #tpu.memory_space<hbm>> -> memref<1x2048xi32, #tpu.memory_space<hbm>>
      %dma_start3A_106 = tpu.memref_squeeze %dma_start3A_105 : memref<1x2048xi32, #tpu.memory_space<hbm>> -> memref<2048xi32, #tpu.memory_space<hbm>>
      %dma_start3A_107 = arith.constant 8192 : i32
      %dma_start3A_108 = tpu.memref_slice %arg5[%dma_start3A_107] : memref<32768xi32, #tpu.memory_space<vmem>> -> memref<2048xi32, #tpu.memory_space<vmem>>
      %dma_start3A_109 = arith.constant 0 : i32
      %dma_start3A_110 = tpu.memref_slice %arg2[%add3A_101, %dma_start3A_109] : memref<64x2048xi32, #tpu.memory_space<hbm>> -> memref<1x2048xi32, #tpu.memory_space<hbm>>
      %dma_start3A_111 = tpu.memref_squeeze %dma_start3A_110 : memref<1x2048xi32, #tpu.memory_space<hbm>> -> memref<2048xi32, #tpu.memory_space<hbm>>
      tpu.enqueue_dma source(%dma_start3A_111 : memref<2048xi32, #tpu.memory_space<hbm>>) target(%dma_start3A_108 : memref<2048xi32, #tpu.memory_space<vmem>>) target_semaphore(%arg7 : memref<!tpu.dma_semaphore, #tpu.memory_space<semaphore_mem>>)
      %add3A_112 = arith.constant 4 : i32
      %add3A_113 = arith.addi %mul3A_4, %add3A_112 : i32
      %dma_start3A_114 = arith.constant 8192 : i32
      %dma_start3A_115 = tpu.memref_slice %arg6[%dma_start3A_114] : memref<32768xi32, #tpu.memory_space<vmem>> -> memref<2048xi32, #tpu.memory_space<vmem>>
      %dma_start3A_116 = arith.constant 0 : i32
      %dma_start3A_117 = tpu.memref_slice %arg3[%add3A_113, %dma_start3A_116] : memref<64x2048xi32, #tpu.memory_space<hbm>> -> memref<1x2048xi32, #tpu.memory_space<hbm>>
      %dma_start3A_118 = tpu.memref_squeeze %dma_start3A_117 : memref<1x2048xi32, #tpu.memory_space<hbm>> -> memref<2048xi32, #tpu.memory_space<hbm>>
      %dma_start3A_119 = arith.constant 8192 : i32
      %dma_start3A_120 = tpu.memref_slice %arg6[%dma_start3A_119] : memref<32768xi32, #tpu.memory_space<vmem>> -> memref<2048xi32, #tpu.memory_space<vmem>>
      %dma_start3A_121 = arith.constant 0 : i32
      %dma_start3A_122 = tpu.memref_slice %arg3[%add3A_113, %dma_start3A_121] : memref<64x2048xi32, #tpu.memory_space<hbm>> -> memref<1x2048xi32, #tpu.memory_space<hbm>>
      %dma_start3A_123 = tpu.memref_squeeze %dma_start3A_122 : memref<1x2048xi32, #tpu.memory_space<hbm>> -> memref<2048xi32, #tpu.memory_space<hbm>>
      tpu.enqueue_dma source(%dma_start3A_123 : memref<2048xi32, #tpu.memory_space<hbm>>) target(%dma_start3A_120 : memref<2048xi32, #tpu.memory_space<vmem>>) target_semaphore(%arg7 : memref<!tpu.dma_semaphore, #tpu.memory_space<semaphore_mem>>)
      %add3A_124 = arith.constant 5 : i32
      %add3A_125 = arith.addi %mul3A_4, %add3A_124 : i32
      %dma_start3A_126 = arith.constant 10240 : i32
      %dma_start3A_127 = tpu.memref_slice %arg5[%dma_start3A_126] : memref<32768xi32, #tpu.memory_space<vmem>> -> memref<2048xi32, #tpu.memory_space<vmem>>
      %dma_start3A_128 = arith.constant 0 : i32
      %dma_start3A_129 = tpu.memref_slice %arg2[%add3A_125, %dma_start3A_128] : memref<64x2048xi32, #tpu.memory_space<hbm>> -> memref<1x2048xi32, #tpu.memory_space<hbm>>
      %dma_start3A_130 = tpu.memref_squeeze %dma_start3A_129 : memref<1x2048xi32, #tpu.memory_space<hbm>> -> memref<2048xi32, #tpu.memory_space<hbm>>
      %dma_start3A_131 = arith.constant 10240 : i32
      %dma_start3A_132 = tpu.memref_slice %arg5[%dma_start3A_131] : memref<32768xi32, #tpu.memory_space<vmem>> -> memref<2048xi32, #tpu.memory_space<vmem>>
      %dma_start3A_133 = arith.constant 0 : i32
      %dma_start3A_134 = tpu.memref_slice %arg2[%add3A_125, %dma_start3A_133] : memref<64x2048xi32, #tpu.memory_space<hbm>> -> memref<1x2048xi32, #tpu.memory_space<hbm>>
      %dma_start3A_135 = tpu.memref_squeeze %dma_start3A_134 : memref<1x2048xi32, #tpu.memory_space<hbm>> -> memref<2048xi32, #tpu.memory_space<hbm>>
      tpu.enqueue_dma source(%dma_start3A_135 : memref<2048xi32, #tpu.memory_space<hbm>>) target(%dma_start3A_132 : memref<2048xi32, #tpu.memory_space<vmem>>) target_semaphore(%arg7 : memref<!tpu.dma_semaphore, #tpu.memory_space<semaphore_mem>>)
      %add3A_136 = arith.constant 5 : i32
      %add3A_137 = arith.addi %mul3A_4, %add3A_136 : i32
      %dma_start3A_138 = arith.constant 10240 : i32
      %dma_start3A_139 = tpu.memref_slice %arg6[%dma_start3A_138] : memref<32768xi32, #tpu.memory_space<vmem>> -> memref<2048xi32, #tpu.memory_space<vmem>>
      %dma_start3A_140 = arith.constant 0 : i32
      %dma_start3A_141 = tpu.memref_slice %arg3[%add3A_137, %dma_start3A_140] : memref<64x2048xi32, #tpu.memory_space<hbm>> -> memref<1x2048xi32, #tpu.memory_space<hbm>>
      %dma_start3A_142 = tpu.memref_squeeze %dma_start3A_141 : memref<1x2048xi32, #tpu.memory_space<hbm>> -> memref<2048xi32, #tpu.memory_space<hbm>>
      %dma_start3A_143 = arith.constant 10240 : i32
      %dma_start3A_144 = tpu.memref_slice %arg6[%dma_start3A_143] : memref<32768xi32, #tpu.memory_space<vmem>> -> memref<2048xi32, #tpu.memory_space<vmem>>
      %dma_start3A_145 = arith.constant 0 : i32
      %dma_start3A_146 = tpu.memref_slice %arg3[%add3A_137, %dma_start3A_145] : memref<64x2048xi32, #tpu.memory_space<hbm>> -> memref<1x2048xi32, #tpu.memory_space<hbm>>
      %dma_start3A_147 = tpu.memref_squeeze %dma_start3A_146 : memref<1x2048xi32, #tpu.memory_space<hbm>> -> memref<2048xi32, #tpu.memory_space<hbm>>
      tpu.enqueue_dma source(%dma_start3A_147 : memref<2048xi32, #tpu.memory_space<hbm>>) target(%dma_start3A_144 : memref<2048xi32, #tpu.memory_space<vmem>>) target_semaphore(%arg7 : memref<!tpu.dma_semaphore, #tpu.memory_space<semaphore_mem>>)
      %add3A_148 = arith.constant 6 : i32
      %add3A_149 = arith.addi %mul3A_4, %add3A_148 : i32
      %dma_start3A_150 = arith.constant 12288 : i32
      %dma_start3A_151 = tpu.memref_slice %arg5[%dma_start3A_150] : memref<32768xi32, #tpu.memory_space<vmem>> -> memref<2048xi32, #tpu.memory_space<vmem>>
      %dma_start3A_152 = arith.constant 0 : i32
      %dma_start3A_153 = tpu.memref_slice %arg2[%add3A_149, %dma_start3A_152] : memref<64x2048xi32, #tpu.memory_space<hbm>> -> memref<1x2048xi32, #tpu.memory_space<hbm>>
      %dma_start3A_154 = tpu.memref_squeeze %dma_start3A_153 : memref<1x2048xi32, #tpu.memory_space<hbm>> -> memref<2048xi32, #tpu.memory_space<hbm>>
      %dma_start3A_155 = arith.constant 12288 : i32
      %dma_start3A_156 = tpu.memref_slice %arg5[%dma_start3A_155] : memref<32768xi32, #tpu.memory_space<vmem>> -> memref<2048xi32, #tpu.memory_space<vmem>>
      %dma_start3A_157 = arith.constant 0 : i32
      %dma_start3A_158 = tpu.memref_slice %arg2[%add3A_149, %dma_start3A_157] : memref<64x2048xi32, #tpu.memory_space<hbm>> -> memref<1x2048xi32, #tpu.memory_space<hbm>>
      %dma_start3A_159 = tpu.memref_squeeze %dma_start3A_158 : memref<1x2048xi32, #tpu.memory_space<hbm>> -> memref<2048xi32, #tpu.memory_space<hbm>>
      tpu.enqueue_dma source(%dma_start3A_159 : memref<2048xi32, #tpu.memory_space<hbm>>) target(%dma_start3A_156 : memref<2048xi32, #tpu.memory_space<vmem>>) target_semaphore(%arg7 : memref<!tpu.dma_semaphore, #tpu.memory_space<semaphore_mem>>)
      %add3A_160 = arith.constant 6 : i32
      %add3A_161 = arith.addi %mul3A_4, %add3A_160 : i32
      %dma_start3A_162 = arith.constant 12288 : i32
      %dma_start3A_163 = tpu.memref_slice %arg6[%dma_start3A_162] : memref<32768xi32, #tpu.memory_space<vmem>> -> memref<2048xi32, #tpu.memory_space<vmem>>
      %dma_start3A_164 = arith.constant 0 : i32
      %dma_start3A_165 = tpu.memref_slice %arg3[%add3A_161, %dma_start3A_164] : memref<64x2048xi32, #tpu.memory_space<hbm>> -> memref<1x2048xi32, #tpu.memory_space<hbm>>
      %dma_start3A_166 = tpu.memref_squeeze %dma_start3A_165 : memref<1x2048xi32, #tpu.memory_space<hbm>> -> memref<2048xi32, #tpu.memory_space<hbm>>
      %dma_start3A_167 = arith.constant 12288 : i32
      %dma_start3A_168 = tpu.memref_slice %arg6[%dma_start3A_167] : memref<32768xi32, #tpu.memory_space<vmem>> -> memref<2048xi32, #tpu.memory_space<vmem>>
      %dma_start3A_169 = arith.constant 0 : i32
      %dma_start3A_170 = tpu.memref_slice %arg3[%add3A_161, %dma_start3A_169] : memref<64x2048xi32, #tpu.memory_space<hbm>> -> memref<1x2048xi32, #tpu.memory_space<hbm>>
      %dma_start3A_171 = tpu.memref_squeeze %dma_start3A_170 : memref<1x2048xi32, #tpu.memory_space<hbm>> -> memref<2048xi32, #tpu.memory_space<hbm>>
      tpu.enqueue_dma source(%dma_start3A_171 : memref<2048xi32, #tpu.memory_space<hbm>>) target(%dma_start3A_168 : memref<2048xi32, #tpu.memory_space<vmem>>) target_semaphore(%arg7 : memref<!tpu.dma_semaphore, #tpu.memory_space<semaphore_mem>>)
      %add3A_172 = arith.constant 7 : i32
      %add3A_173 = arith.addi %mul3A_4, %add3A_172 : i32
      %dma_start3A_174 = arith.constant 14336 : i32
      %dma_start3A_175 = tpu.memref_slice %arg5[%dma_start3A_174] : memref<32768xi32, #tpu.memory_space<vmem>> -> memref<2048xi32, #tpu.memory_space<vmem>>
      %dma_start3A_176 = arith.constant 0 : i32
      %dma_start3A_177 = tpu.memref_slice %arg2[%add3A_173, %dma_start3A_176] : memref<64x2048xi32, #tpu.memory_space<hbm>> -> memref<1x2048xi32, #tpu.memory_space<hbm>>
      %dma_start3A_178 = tpu.memref_squeeze %dma_start3A_177 : memref<1x2048xi32, #tpu.memory_space<hbm>> -> memref<2048xi32, #tpu.memory_space<hbm>>
      %dma_start3A_179 = arith.constant 14336 : i32
      %dma_start3A_180 = tpu.memref_slice %arg5[%dma_start3A_179] : memref<32768xi32, #tpu.memory_space<vmem>> -> memref<2048xi32, #tpu.memory_space<vmem>>
      %dma_start3A_181 = arith.constant 0 : i32
      %dma_start3A_182 = tpu.memref_slice %arg2[%add3A_173, %dma_start3A_181] : memref<64x2048xi32, #tpu.memory_space<hbm>> -> memref<1x2048xi32, #tpu.memory_space<hbm>>
      %dma_start3A_183 = tpu.memref_squeeze %dma_start3A_182 : memref<1x2048xi32, #tpu.memory_space<hbm>> -> memref<2048xi32, #tpu.memory_space<hbm>>
      tpu.enqueue_dma source(%dma_start3A_183 : memref<2048xi32, #tpu.memory_space<hbm>>) target(%dma_start3A_180 : memref<2048xi32, #tpu.memory_space<vmem>>) target_semaphore(%arg7 : memref<!tpu.dma_semaphore, #tpu.memory_space<semaphore_mem>>)
      %add3A_184 = arith.constant 7 : i32
      %add3A_185 = arith.addi %mul3A_4, %add3A_184 : i32
      %dma_start3A_186 = arith.constant 14336 : i32
      %dma_start3A_187 = tpu.memref_slice %arg6[%dma_start3A_186] : memref<32768xi32, #tpu.memory_space<vmem>> -> memref<2048xi32, #tpu.memory_space<vmem>>
      %dma_start3A_188 = arith.constant 0 : i32
      %dma_start3A_189 = tpu.memref_slice %arg3[%add3A_185, %dma_start3A_188] : memref<64x2048xi32, #tpu.memory_space<hbm>> -> memref<1x2048xi32, #tpu.memory_space<hbm>>
      %dma_start3A_190 = tpu.memref_squeeze %dma_start3A_189 : memref<1x2048xi32, #tpu.memory_space<hbm>> -> memref<2048xi32, #tpu.memory_space<hbm>>
      %dma_start3A_191 = arith.constant 14336 : i32
      %dma_start3A_192 = tpu.memref_slice %arg6[%dma_start3A_191] : memref<32768xi32, #tpu.memory_space<vmem>> -> memref<2048xi32, #tpu.memory_space<vmem>>
      %dma_start3A_193 = arith.constant 0 : i32
      %dma_start3A_194 = tpu.memref_slice %arg3[%add3A_185, %dma_start3A_193] : memref<64x2048xi32, #tpu.memory_space<hbm>> -> memref<1x2048xi32, #tpu.memory_space<hbm>>
      %dma_start3A_195 = tpu.memref_squeeze %dma_start3A_194 : memref<1x2048xi32, #tpu.memory_space<hbm>> -> memref<2048xi32, #tpu.memory_space<hbm>>
      tpu.enqueue_dma source(%dma_start3A_195 : memref<2048xi32, #tpu.memory_space<hbm>>) target(%dma_start3A_192 : memref<2048xi32, #tpu.memory_space<vmem>>) target_semaphore(%arg7 : memref<!tpu.dma_semaphore, #tpu.memory_space<semaphore_mem>>)
      %add3A_196 = arith.constant 8 : i32
      %add3A_197 = arith.addi %mul3A_4, %add3A_196 : i32
      %dma_start3A_198 = arith.constant 16384 : i32
      %dma_start3A_199 = tpu.memref_slice %arg5[%dma_start3A_198] : memref<32768xi32, #tpu.memory_space<vmem>> -> memref<2048xi32, #tpu.memory_space<vmem>>
      %dma_start3A_200 = arith.constant 0 : i32
      %dma_start3A_201 = tpu.memref_slice %arg2[%add3A_197, %dma_start3A_200] : memref<64x2048xi32, #tpu.memory_space<hbm>> -> memref<1x2048xi32, #tpu.memory_space<hbm>>
      %dma_start3A_202 = tpu.memref_squeeze %dma_start3A_201 : memref<1x2048xi32, #tpu.memory_space<hbm>> -> memref<2048xi32, #tpu.memory_space<hbm>>
      %dma_start3A_203 = arith.constant 16384 : i32
      %dma_start3A_204 = tpu.memref_slice %arg5[%dma_start3A_203] : memref<32768xi32, #tpu.memory_space<vmem>> -> memref<2048xi32, #tpu.memory_space<vmem>>
      %dma_start3A_205 = arith.constant 0 : i32
      %dma_start3A_206 = tpu.memref_slice %arg2[%add3A_197, %dma_start3A_205] : memref<64x2048xi32, #tpu.memory_space<hbm>> -> memref<1x2048xi32, #tpu.memory_space<hbm>>
      %dma_start3A_207 = tpu.memref_squeeze %dma_start3A_206 : memref<1x2048xi32, #tpu.memory_space<hbm>> -> memref<2048xi32, #tpu.memory_space<hbm>>
      tpu.enqueue_dma source(%dma_start3A_207 : memref<2048xi32, #tpu.memory_space<hbm>>) target(%dma_start3A_204 : memref<2048xi32, #tpu.memory_space<vmem>>) target_semaphore(%arg7 : memref<!tpu.dma_semaphore, #tpu.memory_space<semaphore_mem>>)
      %add3A_208 = arith.constant 8 : i32
      %add3A_209 = arith.addi %mul3A_4, %add3A_208 : i32
      %dma_start3A_210 = arith.constant 16384 : i32
      %dma_start3A_211 = tpu.memref_slice %arg6[%dma_start3A_210] : memref<32768xi32, #tpu.memory_space<vmem>> -> memref<2048xi32, #tpu.memory_space<vmem>>
      %dma_start3A_212 = arith.constant 0 : i32
      %dma_start3A_213 = tpu.memref_slice %arg3[%add3A_209, %dma_start3A_212] : memref<64x2048xi32, #tpu.memory_space<hbm>> -> memref<1x2048xi32, #tpu.memory_space<hbm>>
      %dma_start3A_214 = tpu.memref_squeeze %dma_start3A_213 : memref<1x2048xi32, #tpu.memory_space<hbm>> -> memref<2048xi32, #tpu.memory_space<hbm>>
      %dma_start3A_215 = arith.constant 16384 : i32
      %dma_start3A_216 = tpu.memref_slice %arg6[%dma_start3A_215] : memref<32768xi32, #tpu.memory_space<vmem>> -> memref<2048xi32, #tpu.memory_space<vmem>>
      %dma_start3A_217 = arith.constant 0 : i32
      %dma_start3A_218 = tpu.memref_slice %arg3[%add3A_209, %dma_start3A_217] : memref<64x2048xi32, #tpu.memory_space<hbm>> -> memref<1x2048xi32, #tpu.memory_space<hbm>>
      %dma_start3A_219 = tpu.memref_squeeze %dma_start3A_218 : memref<1x2048xi32, #tpu.memory_space<hbm>> -> memref<2048xi32, #tpu.memory_space<hbm>>
      tpu.enqueue_dma source(%dma_start3A_219 : memref<2048xi32, #tpu.memory_space<hbm>>) target(%dma_start3A_216 : memref<2048xi32, #tpu.memory_space<vmem>>) target_semaphore(%arg7 : memref<!tpu.dma_semaphore, #tpu.memory_space<semaphore_mem>>)
      %add3A_220 = arith.constant 9 : i32
      %add3A_221 = arith.addi %mul3A_4, %add3A_220 : i32
      %dma_start3A_222 = arith.constant 18432 : i32
      %dma_start3A_223 = tpu.memref_slice %arg5[%dma_start3A_222] : memref<32768xi32, #tpu.memory_space<vmem>> -> memref<2048xi32, #tpu.memory_space<vmem>>
      %dma_start3A_224 = arith.constant 0 : i32
      %dma_start3A_225 = tpu.memref_slice %arg2[%add3A_221, %dma_start3A_224] : memref<64x2048xi32, #tpu.memory_space<hbm>> -> memref<1x2048xi32, #tpu.memory_space<hbm>>
      %dma_start3A_226 = tpu.memref_squeeze %dma_start3A_225 : memref<1x2048xi32, #tpu.memory_space<hbm>> -> memref<2048xi32, #tpu.memory_space<hbm>>
      %dma_start3A_227 = arith.constant 18432 : i32
      %dma_start3A_228 = tpu.memref_slice %arg5[%dma_start3A_227] : memref<32768xi32, #tpu.memory_space<vmem>> -> memref<2048xi32, #tpu.memory_space<vmem>>
      %dma_start3A_229 = arith.constant 0 : i32
      %dma_start3A_230 = tpu.memref_slice %arg2[%add3A_221, %dma_start3A_229] : memref<64x2048xi32, #tpu.memory_space<hbm>> -> memref<1x2048xi32, #tpu.memory_space<hbm>>
      %dma_start3A_231 = tpu.memref_squeeze %dma_start3A_230 : memref<1x2048xi32, #tpu.memory_space<hbm>> -> memref<2048xi32, #tpu.memory_space<hbm>>
      tpu.enqueue_dma source(%dma_start3A_231 : memref<2048xi32, #tpu.memory_space<hbm>>) target(%dma_start3A_228 : memref<2048xi32, #tpu.memory_space<vmem>>) target_semaphore(%arg7 : memref<!tpu.dma_semaphore, #tpu.memory_space<semaphore_mem>>)
      %add3A_232 = arith.constant 9 : i32
      %add3A_233 = arith.addi %mul3A_4, %add3A_232 : i32
      %dma_start3A_234 = arith.constant 18432 : i32
      %dma_start3A_235 = tpu.memref_slice %arg6[%dma_start3A_234] : memref<32768xi32, #tpu.memory_space<vmem>> -> memref<2048xi32, #tpu.memory_space<vmem>>
      %dma_start3A_236 = arith.constant 0 : i32
      %dma_start3A_237 = tpu.memref_slice %arg3[%add3A_233, %dma_start3A_236] : memref<64x2048xi32, #tpu.memory_space<hbm>> -> memref<1x2048xi32, #tpu.memory_space<hbm>>
      %dma_start3A_238 = tpu.memref_squeeze %dma_start3A_237 : memref<1x2048xi32, #tpu.memory_space<hbm>> -> memref<2048xi32, #tpu.memory_space<hbm>>
      %dma_start3A_239 = arith.constant 18432 : i32
      %dma_start3A_240 = tpu.memref_slice %arg6[%dma_start3A_239] : memref<32768xi32, #tpu.memory_space<vmem>> -> memref<2048xi32, #tpu.memory_space<vmem>>
      %dma_start3A_241 = arith.constant 0 : i32
      %dma_start3A_242 = tpu.memref_slice %arg3[%add3A_233, %dma_start3A_241] : memref<64x2048xi32, #tpu.memory_space<hbm>> -> memref<1x2048xi32, #tpu.memory_space<hbm>>
      %dma_start3A_243 = tpu.memref_squeeze %dma_start3A_242 : memref<1x2048xi32, #tpu.memory_space<hbm>> -> memref<2048xi32, #tpu.memory_space<hbm>>
      tpu.enqueue_dma source(%dma_start3A_243 : memref<2048xi32, #tpu.memory_space<hbm>>) target(%dma_start3A_240 : memref<2048xi32, #tpu.memory_space<vmem>>) target_semaphore(%arg7 : memref<!tpu.dma_semaphore, #tpu.memory_space<semaphore_mem>>)
      %add3A_244 = arith.constant 10 : i32
      %add3A_245 = arith.addi %mul3A_4, %add3A_244 : i32
      %dma_start3A_246 = arith.constant 20480 : i32
      %dma_start3A_247 = tpu.memref_slice %arg5[%dma_start3A_246] : memref<32768xi32, #tpu.memory_space<vmem>> -> memref<2048xi32, #tpu.memory_space<vmem>>
      %dma_start3A_248 = arith.constant 0 : i32
      %dma_start3A_249 = tpu.memref_slice %arg2[%add3A_245, %dma_start3A_248] : memref<64x2048xi32, #tpu.memory_space<hbm>> -> memref<1x2048xi32, #tpu.memory_space<hbm>>
      %dma_start3A_250 = tpu.memref_squeeze %dma_start3A_249 : memref<1x2048xi32, #tpu.memory_space<hbm>> -> memref<2048xi32, #tpu.memory_space<hbm>>
      %dma_start3A_251 = arith.constant 20480 : i32
      %dma_start3A_252 = tpu.memref_slice %arg5[%dma_start3A_251] : memref<32768xi32, #tpu.memory_space<vmem>> -> memref<2048xi32, #tpu.memory_space<vmem>>
      %dma_start3A_253 = arith.constant 0 : i32
      %dma_start3A_254 = tpu.memref_slice %arg2[%add3A_245, %dma_start3A_253] : memref<64x2048xi32, #tpu.memory_space<hbm>> -> memref<1x2048xi32, #tpu.memory_space<hbm>>
      %dma_start3A_255 = tpu.memref_squeeze %dma_start3A_254 : memref<1x2048xi32, #tpu.memory_space<hbm>> -> memref<2048xi32, #tpu.memory_space<hbm>>
      tpu.enqueue_dma source(%dma_start3A_255 : memref<2048xi32, #tpu.memory_space<hbm>>) target(%dma_start3A_252 : memref<2048xi32, #tpu.memory_space<vmem>>) target_semaphore(%arg7 : memref<!tpu.dma_semaphore, #tpu.memory_space<semaphore_mem>>)
      %add3A_256 = arith.constant 10 : i32
      %add3A_257 = arith.addi %mul3A_4, %add3A_256 : i32
      %dma_start3A_258 = arith.constant 20480 : i32
      %dma_start3A_259 = tpu.memref_slice %arg6[%dma_start3A_258] : memref<32768xi32, #tpu.memory_space<vmem>> -> memref<2048xi32, #tpu.memory_space<vmem>>
      %dma_start3A_260 = arith.constant 0 : i32
      %dma_start3A_261 = tpu.memref_slice %arg3[%add3A_257, %dma_start3A_260] : memref<64x2048xi32, #tpu.memory_space<hbm>> -> memref<1x2048xi32, #tpu.memory_space<hbm>>
      %dma_start3A_262 = tpu.memref_squeeze %dma_start3A_261 : memref<1x2048xi32, #tpu.memory_space<hbm>> -> memref<2048xi32, #tpu.memory_space<hbm>>
      %dma_start3A_263 = arith.constant 20480 : i32
      %dma_start3A_264 = tpu.memref_slice %arg6[%dma_start3A_263] : memref<32768xi32, #tpu.memory_space<vmem>> -> memref<2048xi32, #tpu.memory_space<vmem>>
      %dma_start3A_265 = arith.constant 0 : i32
      %dma_start3A_266 = tpu.memref_slice %arg3[%add3A_257, %dma_start3A_265] : memref<64x2048xi32, #tpu.memory_space<hbm>> -> memref<1x2048xi32, #tpu.memory_space<hbm>>
      %dma_start3A_267 = tpu.memref_squeeze %dma_start3A_266 : memref<1x2048xi32, #tpu.memory_space<hbm>> -> memref<2048xi32, #tpu.memory_space<hbm>>
      tpu.enqueue_dma source(%dma_start3A_267 : memref<2048xi32, #tpu.memory_space<hbm>>) target(%dma_start3A_264 : memref<2048xi32, #tpu.memory_space<vmem>>) target_semaphore(%arg7 : memref<!tpu.dma_semaphore, #tpu.memory_space<semaphore_mem>>)
      %add3A_268 = arith.constant 11 : i32
      %add3A_269 = arith.addi %mul3A_4, %add3A_268 : i32
      %dma_start3A_270 = arith.constant 22528 : i32
      %dma_start3A_271 = tpu.memref_slice %arg5[%dma_start3A_270] : memref<32768xi32, #tpu.memory_space<vmem>> -> memref<2048xi32, #tpu.memory_space<vmem>>
      %dma_start3A_272 = arith.constant 0 : i32
      %dma_start3A_273 = tpu.memref_slice %arg2[%add3A_269, %dma_start3A_272] : memref<64x2048xi32, #tpu.memory_space<hbm>> -> memref<1x2048xi32, #tpu.memory_space<hbm>>
      %dma_start3A_274 = tpu.memref_squeeze %dma_start3A_273 : memref<1x2048xi32, #tpu.memory_space<hbm>> -> memref<2048xi32, #tpu.memory_space<hbm>>
      %dma_start3A_275 = arith.constant 22528 : i32
      %dma_start3A_276 = tpu.memref_slice %arg5[%dma_start3A_275] : memref<32768xi32, #tpu.memory_space<vmem>> -> memref<2048xi32, #tpu.memory_space<vmem>>
      %dma_start3A_277 = arith.constant 0 : i32
      %dma_start3A_278 = tpu.memref_slice %arg2[%add3A_269, %dma_start3A_277] : memref<64x2048xi32, #tpu.memory_space<hbm>> -> memref<1x2048xi32, #tpu.memory_space<hbm>>
      %dma_start3A_279 = tpu.memref_squeeze %dma_start3A_278 : memref<1x2048xi32, #tpu.memory_space<hbm>> -> memref<2048xi32, #tpu.memory_space<hbm>>
      tpu.enqueue_dma source(%dma_start3A_279 : memref<2048xi32, #tpu.memory_space<hbm>>) target(%dma_start3A_276 : memref<2048xi32, #tpu.memory_space<vmem>>) target_semaphore(%arg7 : memref<!tpu.dma_semaphore, #tpu.memory_space<semaphore_mem>>)
      %add3A_280 = arith.constant 11 : i32
      %add3A_281 = arith.addi %mul3A_4, %add3A_280 : i32
      %dma_start3A_282 = arith.constant 22528 : i32
      %dma_start3A_283 = tpu.memref_slice %arg6[%dma_start3A_282] : memref<32768xi32, #tpu.memory_space<vmem>> -> memref<2048xi32, #tpu.memory_space<vmem>>
      %dma_start3A_284 = arith.constant 0 : i32
      %dma_start3A_285 = tpu.memref_slice %arg3[%add3A_281, %dma_start3A_284] : memref<64x2048xi32, #tpu.memory_space<hbm>> -> memref<1x2048xi32, #tpu.memory_space<hbm>>
      %dma_start3A_286 = tpu.memref_squeeze %dma_start3A_285 : memref<1x2048xi32, #tpu.memory_space<hbm>> -> memref<2048xi32, #tpu.memory_space<hbm>>
      %dma_start3A_287 = arith.constant 22528 : i32
      %dma_start3A_288 = tpu.memref_slice %arg6[%dma_start3A_287] : memref<32768xi32, #tpu.memory_space<vmem>> -> memref<2048xi32, #tpu.memory_space<vmem>>
      %dma_start3A_289 = arith.constant 0 : i32
      %dma_start3A_290 = tpu.memref_slice %arg3[%add3A_281, %dma_start3A_289] : memref<64x2048xi32, #tpu.memory_space<hbm>> -> memref<1x2048xi32, #tpu.memory_space<hbm>>
      %dma_start3A_291 = tpu.memref_squeeze %dma_start3A_290 : memref<1x2048xi32, #tpu.memory_space<hbm>> -> memref<2048xi32, #tpu.memory_space<hbm>>
      tpu.enqueue_dma source(%dma_start3A_291 : memref<2048xi32, #tpu.memory_space<hbm>>) target(%dma_start3A_288 : memref<2048xi32, #tpu.memory_space<vmem>>) target_semaphore(%arg7 : memref<!tpu.dma_semaphore, #tpu.memory_space<semaphore_mem>>)
      %add3A_292 = arith.constant 12 : i32
      %add3A_293 = arith.addi %mul3A_4, %add3A_292 : i32
      %dma_start3A_294 = arith.constant 24576 : i32
      %dma_start3A_295 = tpu.memref_slice %arg5[%dma_start3A_294] : memref<32768xi32, #tpu.memory_space<vmem>> -> memref<2048xi32, #tpu.memory_space<vmem>>
      %dma_start3A_296 = arith.constant 0 : i32
      %dma_start3A_297 = tpu.memref_slice %arg2[%add3A_293, %dma_start3A_296] : memref<64x2048xi32, #tpu.memory_space<hbm>> -> memref<1x2048xi32, #tpu.memory_space<hbm>>
      %dma_start3A_298 = tpu.memref_squeeze %dma_start3A_297 : memref<1x2048xi32, #tpu.memory_space<hbm>> -> memref<2048xi32, #tpu.memory_space<hbm>>
      %dma_start3A_299 = arith.constant 24576 : i32
      %dma_start3A_300 = tpu.memref_slice %arg5[%dma_start3A_299] : memref<32768xi32, #tpu.memory_space<vmem>> -> memref<2048xi32, #tpu.memory_space<vmem>>
      %dma_start3A_301 = arith.constant 0 : i32
      %dma_start3A_302 = tpu.memref_slice %arg2[%add3A_293, %dma_start3A_301] : memref<64x2048xi32, #tpu.memory_space<hbm>> -> memref<1x2048xi32, #tpu.memory_space<hbm>>
      %dma_start3A_303 = tpu.memref_squeeze %dma_start3A_302 : memref<1x2048xi32, #tpu.memory_space<hbm>> -> memref<2048xi32, #tpu.memory_space<hbm>>
      tpu.enqueue_dma source(%dma_start3A_303 : memref<2048xi32, #tpu.memory_space<hbm>>) target(%dma_start3A_300 : memref<2048xi32, #tpu.memory_space<vmem>>) target_semaphore(%arg7 : memref<!tpu.dma_semaphore, #tpu.memory_space<semaphore_mem>>)
      %add3A_304 = arith.constant 12 : i32
      %add3A_305 = arith.addi %mul3A_4, %add3A_304 : i32
      %dma_start3A_306 = arith.constant 24576 : i32
      %dma_start3A_307 = tpu.memref_slice %arg6[%dma_start3A_306] : memref<32768xi32, #tpu.memory_space<vmem>> -> memref<2048xi32, #tpu.memory_space<vmem>>
      %dma_start3A_308 = arith.constant 0 : i32
      %dma_start3A_309 = tpu.memref_slice %arg3[%add3A_305, %dma_start3A_308] : memref<64x2048xi32, #tpu.memory_space<hbm>> -> memref<1x2048xi32, #tpu.memory_space<hbm>>
      %dma_start3A_310 = tpu.memref_squeeze %dma_start3A_309 : memref<1x2048xi32, #tpu.memory_space<hbm>> -> memref<2048xi32, #tpu.memory_space<hbm>>
      %dma_start3A_311 = arith.constant 24576 : i32
      %dma_start3A_312 = tpu.memref_slice %arg6[%dma_start3A_311] : memref<32768xi32, #tpu.memory_space<vmem>> -> memref<2048xi32, #tpu.memory_space<vmem>>
      %dma_start3A_313 = arith.constant 0 : i32
      %dma_start3A_314 = tpu.memref_slice %arg3[%add3A_305, %dma_start3A_313] : memref<64x2048xi32, #tpu.memory_space<hbm>> -> memref<1x2048xi32, #tpu.memory_space<hbm>>
      %dma_start3A_315 = tpu.memref_squeeze %dma_start3A_314 : memref<1x2048xi32, #tpu.memory_space<hbm>> -> memref<2048xi32, #tpu.memory_space<hbm>>
      tpu.enqueue_dma source(%dma_start3A_315 : memref<2048xi32, #tpu.memory_space<hbm>>) target(%dma_start3A_312 : memref<2048xi32, #tpu.memory_space<vmem>>) target_semaphore(%arg7 : memref<!tpu.dma_semaphore, #tpu.memory_space<semaphore_mem>>)
      %add3A_316 = arith.constant 13 : i32
      %add3A_317 = arith.addi %mul3A_4, %add3A_316 : i32
      %dma_start3A_318 = arith.constant 26624 : i32
      %dma_start3A_319 = tpu.memref_slice %arg5[%dma_start3A_318] : memref<32768xi32, #tpu.memory_space<vmem>> -> memref<2048xi32, #tpu.memory_space<vmem>>
      %dma_start3A_320 = arith.constant 0 : i32
      %dma_start3A_321 = tpu.memref_slice %arg2[%add3A_317, %dma_start3A_320] : memref<64x2048xi32, #tpu.memory_space<hbm>> -> memref<1x2048xi32, #tpu.memory_space<hbm>>
      %dma_start3A_322 = tpu.memref_squeeze %dma_start3A_321 : memref<1x2048xi32, #tpu.memory_space<hbm>> -> memref<2048xi32, #tpu.memory_space<hbm>>
      %dma_start3A_323 = arith.constant 26624 : i32
      %dma_start3A_324 = tpu.memref_slice %arg5[%dma_start3A_323] : memref<32768xi32, #tpu.memory_space<vmem>> -> memref<2048xi32, #tpu.memory_space<vmem>>
      %dma_start3A_325 = arith.constant 0 : i32
      %dma_start3A_326 = tpu.memref_slice %arg2[%add3A_317, %dma_start3A_325] : memref<64x2048xi32, #tpu.memory_space<hbm>> -> memref<1x2048xi32, #tpu.memory_space<hbm>>
      %dma_start3A_327 = tpu.memref_squeeze %dma_start3A_326 : memref<1x2048xi32, #tpu.memory_space<hbm>> -> memref<2048xi32, #tpu.memory_space<hbm>>
      tpu.enqueue_dma source(%dma_start3A_327 : memref<2048xi32, #tpu.memory_space<hbm>>) target(%dma_start3A_324 : memref<2048xi32, #tpu.memory_space<vmem>>) target_semaphore(%arg7 : memref<!tpu.dma_semaphore, #tpu.memory_space<semaphore_mem>>)
      %add3A_328 = arith.constant 13 : i32
      %add3A_329 = arith.addi %mul3A_4, %add3A_328 : i32
      %dma_start3A_330 = arith.constant 26624 : i32
      %dma_start3A_331 = tpu.memref_slice %arg6[%dma_start3A_330] : memref<32768xi32, #tpu.memory_space<vmem>> -> memref<2048xi32, #tpu.memory_space<vmem>>
      %dma_start3A_332 = arith.constant 0 : i32
      %dma_start3A_333 = tpu.memref_slice %arg3[%add3A_329, %dma_start3A_332] : memref<64x2048xi32, #tpu.memory_space<hbm>> -> memref<1x2048xi32, #tpu.memory_space<hbm>>
      %dma_start3A_334 = tpu.memref_squeeze %dma_start3A_333 : memref<1x2048xi32, #tpu.memory_space<hbm>> -> memref<2048xi32, #tpu.memory_space<hbm>>
      %dma_start3A_335 = arith.constant 26624 : i32
      %dma_start3A_336 = tpu.memref_slice %arg6[%dma_start3A_335] : memref<32768xi32, #tpu.memory_space<vmem>> -> memref<2048xi32, #tpu.memory_space<vmem>>
      %dma_start3A_337 = arith.constant 0 : i32
      %dma_start3A_338 = tpu.memref_slice %arg3[%add3A_329, %dma_start3A_337] : memref<64x2048xi32, #tpu.memory_space<hbm>> -> memref<1x2048xi32, #tpu.memory_space<hbm>>
      %dma_start3A_339 = tpu.memref_squeeze %dma_start3A_338 : memref<1x2048xi32, #tpu.memory_space<hbm>> -> memref<2048xi32, #tpu.memory_space<hbm>>
      tpu.enqueue_dma source(%dma_start3A_339 : memref<2048xi32, #tpu.memory_space<hbm>>) target(%dma_start3A_336 : memref<2048xi32, #tpu.memory_space<vmem>>) target_semaphore(%arg7 : memref<!tpu.dma_semaphore, #tpu.memory_space<semaphore_mem>>)
      %add3A_340 = arith.constant 14 : i32
      %add3A_341 = arith.addi %mul3A_4, %add3A_340 : i32
      %dma_start3A_342 = arith.constant 28672 : i32
      %dma_start3A_343 = tpu.memref_slice %arg5[%dma_start3A_342] : memref<32768xi32, #tpu.memory_space<vmem>> -> memref<2048xi32, #tpu.memory_space<vmem>>
      %dma_start3A_344 = arith.constant 0 : i32
      %dma_start3A_345 = tpu.memref_slice %arg2[%add3A_341, %dma_start3A_344] : memref<64x2048xi32, #tpu.memory_space<hbm>> -> memref<1x2048xi32, #tpu.memory_space<hbm>>
      %dma_start3A_346 = tpu.memref_squeeze %dma_start3A_345 : memref<1x2048xi32, #tpu.memory_space<hbm>> -> memref<2048xi32, #tpu.memory_space<hbm>>
      %dma_start3A_347 = arith.constant 28672 : i32
      %dma_start3A_348 = tpu.memref_slice %arg5[%dma_start3A_347] : memref<32768xi32, #tpu.memory_space<vmem>> -> memref<2048xi32, #tpu.memory_space<vmem>>
      %dma_start3A_349 = arith.constant 0 : i32
      %dma_start3A_350 = tpu.memref_slice %arg2[%add3A_341, %dma_start3A_349] : memref<64x2048xi32, #tpu.memory_space<hbm>> -> memref<1x2048xi32, #tpu.memory_space<hbm>>
      %dma_start3A_351 = tpu.memref_squeeze %dma_start3A_350 : memref<1x2048xi32, #tpu.memory_space<hbm>> -> memref<2048xi32, #tpu.memory_space<hbm>>
      tpu.enqueue_dma source(%dma_start3A_351 : memref<2048xi32, #tpu.memory_space<hbm>>) target(%dma_start3A_348 : memref<2048xi32, #tpu.memory_space<vmem>>) target_semaphore(%arg7 : memref<!tpu.dma_semaphore, #tpu.memory_space<semaphore_mem>>)
      %add3A_352 = arith.constant 14 : i32
      %add3A_353 = arith.addi %mul3A_4, %add3A_352 : i32
      %dma_start3A_354 = arith.constant 28672 : i32
      %dma_start3A_355 = tpu.memref_slice %arg6[%dma_start3A_354] : memref<32768xi32, #tpu.memory_space<vmem>> -> memref<2048xi32, #tpu.memory_space<vmem>>
      %dma_start3A_356 = arith.constant 0 : i32
      %dma_start3A_357 = tpu.memref_slice %arg3[%add3A_353, %dma_start3A_356] : memref<64x2048xi32, #tpu.memory_space<hbm>> -> memref<1x2048xi32, #tpu.memory_space<hbm>>
      %dma_start3A_358 = tpu.memref_squeeze %dma_start3A_357 : memref<1x2048xi32, #tpu.memory_space<hbm>> -> memref<2048xi32, #tpu.memory_space<hbm>>
      %dma_start3A_359 = arith.constant 28672 : i32
      %dma_start3A_360 = tpu.memref_slice %arg6[%dma_start3A_359] : memref<32768xi32, #tpu.memory_space<vmem>> -> memref<2048xi32, #tpu.memory_space<vmem>>
      %dma_start3A_361 = arith.constant 0 : i32
      %dma_start3A_362 = tpu.memref_slice %arg3[%add3A_353, %dma_start3A_361] : memref<64x2048xi32, #tpu.memory_space<hbm>> -> memref<1x2048xi32, #tpu.memory_space<hbm>>
      %dma_start3A_363 = tpu.memref_squeeze %dma_start3A_362 : memref<1x2048xi32, #tpu.memory_space<hbm>> -> memref<2048xi32, #tpu.memory_space<hbm>>
      tpu.enqueue_dma source(%dma_start3A_363 : memref<2048xi32, #tpu.memory_space<hbm>>) target(%dma_start3A_360 : memref<2048xi32, #tpu.memory_space<vmem>>) target_semaphore(%arg7 : memref<!tpu.dma_semaphore, #tpu.memory_space<semaphore_mem>>)
      %add3A_364 = arith.constant 15 : i32
      %add3A_365 = arith.addi %mul3A_4, %add3A_364 : i32
      %dma_start3A_366 = arith.constant 30720 : i32
      %dma_start3A_367 = tpu.memref_slice %arg5[%dma_start3A_366] : memref<32768xi32, #tpu.memory_space<vmem>> -> memref<2048xi32, #tpu.memory_space<vmem>>
      %dma_start3A_368 = arith.constant 0 : i32
      %dma_start3A_369 = tpu.memref_slice %arg2[%add3A_365, %dma_start3A_368] : memref<64x2048xi32, #tpu.memory_space<hbm>> -> memref<1x2048xi32, #tpu.memory_space<hbm>>
      %dma_start3A_370 = tpu.memref_squeeze %dma_start3A_369 : memref<1x2048xi32, #tpu.memory_space<hbm>> -> memref<2048xi32, #tpu.memory_space<hbm>>
      %dma_start3A_371 = arith.constant 30720 : i32
      %dma_start3A_372 = tpu.memref_slice %arg5[%dma_start3A_371] : memref<32768xi32, #tpu.memory_space<vmem>> -> memref<2048xi32, #tpu.memory_space<vmem>>
      %dma_start3A_373 = arith.constant 0 : i32
      %dma_start3A_374 = tpu.memref_slice %arg2[%add3A_365, %dma_start3A_373] : memref<64x2048xi32, #tpu.memory_space<hbm>> -> memref<1x2048xi32, #tpu.memory_space<hbm>>
      %dma_start3A_375 = tpu.memref_squeeze %dma_start3A_374 : memref<1x2048xi32, #tpu.memory_space<hbm>> -> memref<2048xi32, #tpu.memory_space<hbm>>
      tpu.enqueue_dma source(%dma_start3A_375 : memref<2048xi32, #tpu.memory_space<hbm>>) target(%dma_start3A_372 : memref<2048xi32, #tpu.memory_space<vmem>>) target_semaphore(%arg7 : memref<!tpu.dma_semaphore, #tpu.memory_space<semaphore_mem>>)
      %add3A_376 = arith.constant 15 : i32
      %add3A_377 = arith.addi %mul3A_4, %add3A_376 : i32
      %dma_start3A_378 = arith.constant 30720 : i32
      %dma_start3A_379 = tpu.memref_slice %arg6[%dma_start3A_378] : memref<32768xi32, #tpu.memory_space<vmem>> -> memref<2048xi32, #tpu.memory_space<vmem>>
      %dma_start3A_380 = arith.constant 0 : i32
      %dma_start3A_381 = tpu.memref_slice %arg3[%add3A_377, %dma_start3A_380] : memref<64x2048xi32, #tpu.memory_space<hbm>> -> memref<1x2048xi32, #tpu.memory_space<hbm>>
      %dma_start3A_382 = tpu.memref_squeeze %dma_start3A_381 : memref<1x2048xi32, #tpu.memory_space<hbm>> -> memref<2048xi32, #tpu.memory_space<hbm>>
      %dma_start3A_383 = arith.constant 30720 : i32
      %dma_start3A_384 = tpu.memref_slice %arg6[%dma_start3A_383] : memref<32768xi32, #tpu.memory_space<vmem>> -> memref<2048xi32, #tpu.memory_space<vmem>>
      %dma_start3A_385 = arith.constant 0 : i32
      %dma_start3A_386 = tpu.memref_slice %arg3[%add3A_377, %dma_start3A_385] : memref<64x2048xi32, #tpu.memory_space<hbm>> -> memref<1x2048xi32, #tpu.memory_space<hbm>>
      %dma_start3A_387 = tpu.memref_squeeze %dma_start3A_386 : memref<1x2048xi32, #tpu.memory_space<hbm>> -> memref<2048xi32, #tpu.memory_space<hbm>>
      tpu.enqueue_dma source(%dma_start3A_387 : memref<2048xi32, #tpu.memory_space<hbm>>) target(%dma_start3A_384 : memref<2048xi32, #tpu.memory_space<vmem>>) target_semaphore(%arg7 : memref<!tpu.dma_semaphore, #tpu.memory_space<semaphore_mem>>)
      %add3A_388 = arith.constant 0 : i32
      %add3A_389 = arith.addi %mul3A_4, %add3A_388 : i32
      %dma_wait3A = arith.constant 0 : i32
      %dma_wait3A_390 = tpu.memref_slice %arg5[%dma_wait3A] : memref<32768xi32, #tpu.memory_space<vmem>> -> memref<2048xi32, #tpu.memory_space<vmem>>
      %dma_wait3A_391 = arith.constant 0 : i32
      %dma_wait3A_392 = tpu.memref_slice %arg2[%add3A_389, %dma_wait3A_391] : memref<64x2048xi32, #tpu.memory_space<hbm>> -> memref<1x2048xi32, #tpu.memory_space<hbm>>
      %dma_wait3A_393 = tpu.memref_squeeze %dma_wait3A_392 : memref<1x2048xi32, #tpu.memory_space<hbm>> -> memref<2048xi32, #tpu.memory_space<hbm>>
      %dma_wait3A_394 = arith.constant 0 : i32
      %dma_wait3A_395 = tpu.memref_slice %arg5[%dma_wait3A_394] : memref<32768xi32, #tpu.memory_space<vmem>> -> memref<2048xi32, #tpu.memory_space<vmem>>
      %dma_wait3A_396 = arith.constant 0 : i32
      %dma_wait3A_397 = tpu.memref_slice %arg2[%add3A_389, %dma_wait3A_396] : memref<64x2048xi32, #tpu.memory_space<hbm>> -> memref<1x2048xi32, #tpu.memory_space<hbm>>
      %dma_wait3A_398 = tpu.memref_squeeze %dma_wait3A_397 : memref<1x2048xi32, #tpu.memory_space<hbm>> -> memref<2048xi32, #tpu.memory_space<hbm>>
      tpu.wait_dma2 semaphore(%arg7 : memref<!tpu.dma_semaphore, #tpu.memory_space<semaphore_mem>>) src(%dma_wait3A_398 : memref<2048xi32, #tpu.memory_space<hbm>>) dst(%dma_wait3A_395 : memref<2048xi32, #tpu.memory_space<vmem>>)
      %add3A_399 = arith.constant 0 : i32
      %add3A_400 = arith.addi %mul3A_4, %add3A_399 : i32
      %dma_wait3A_401 = arith.constant 0 : i32
      %dma_wait3A_402 = tpu.memref_slice %arg6[%dma_wait3A_401] : memref<32768xi32, #tpu.memory_space<vmem>> -> memref<2048xi32, #tpu.memory_space<vmem>>
      %dma_wait3A_403 = arith.constant 0 : i32
      %dma_wait3A_404 = tpu.memref_slice %arg3[%add3A_400, %dma_wait3A_403] : memref<64x2048xi32, #tpu.memory_space<hbm>> -> memref<1x2048xi32, #tpu.memory_space<hbm>>
      %dma_wait3A_405 = tpu.memref_squeeze %dma_wait3A_404 : memref<1x2048xi32, #tpu.memory_space<hbm>> -> memref<2048xi32, #tpu.memory_space<hbm>>
      %dma_wait3A_406 = arith.constant 0 : i32
      %dma_wait3A_407 = tpu.memref_slice %arg6[%dma_wait3A_406] : memref<32768xi32, #tpu.memory_space<vmem>> -> memref<2048xi32, #tpu.memory_space<vmem>>
      %dma_wait3A_408 = arith.constant 0 : i32
      %dma_wait3A_409 = tpu.memref_slice %arg3[%add3A_400, %dma_wait3A_408] : memref<64x2048xi32, #tpu.memory_space<hbm>> -> memref<1x2048xi32, #tpu.memory_space<hbm>>
      %dma_wait3A_410 = tpu.memref_squeeze %dma_wait3A_409 : memref<1x2048xi32, #tpu.memory_space<hbm>> -> memref<2048xi32, #tpu.memory_space<hbm>>
      tpu.wait_dma2 semaphore(%arg7 : memref<!tpu.dma_semaphore, #tpu.memory_space<semaphore_mem>>) src(%dma_wait3A_410 : memref<2048xi32, #tpu.memory_space<hbm>>) dst(%dma_wait3A_407 : memref<2048xi32, #tpu.memory_space<vmem>>)
      %add3A_411 = arith.constant 1 : i32
      %add3A_412 = arith.addi %mul3A_4, %add3A_411 : i32
      %dma_wait3A_413 = arith.constant 2048 : i32
      %dma_wait3A_414 = tpu.memref_slice %arg5[%dma_wait3A_413] : memref<32768xi32, #tpu.memory_space<vmem>> -> memref<2048xi32, #tpu.memory_space<vmem>>
      %dma_wait3A_415 = arith.constant 0 : i32
      %dma_wait3A_416 = tpu.memref_slice %arg2[%add3A_412, %dma_wait3A_415] : memref<64x2048xi32, #tpu.memory_space<hbm>> -> memref<1x2048xi32, #tpu.memory_space<hbm>>
      %dma_wait3A_417 = tpu.memref_squeeze %dma_wait3A_416 : memref<1x2048xi32, #tpu.memory_space<hbm>> -> memref<2048xi32, #tpu.memory_space<hbm>>
      %dma_wait3A_418 = arith.constant 2048 : i32
      %dma_wait3A_419 = tpu.memref_slice %arg5[%dma_wait3A_418] : memref<32768xi32, #tpu.memory_space<vmem>> -> memref<2048xi32, #tpu.memory_space<vmem>>
      %dma_wait3A_420 = arith.constant 0 : i32
      %dma_wait3A_421 = tpu.memref_slice %arg2[%add3A_412, %dma_wait3A_420] : memref<64x2048xi32, #tpu.memory_space<hbm>> -> memref<1x2048xi32, #tpu.memory_space<hbm>>
      %dma_wait3A_422 = tpu.memref_squeeze %dma_wait3A_421 : memref<1x2048xi32, #tpu.memory_space<hbm>> -> memref<2048xi32, #tpu.memory_space<hbm>>
      tpu.wait_dma2 semaphore(%arg7 : memref<!tpu.dma_semaphore, #tpu.memory_space<semaphore_mem>>) src(%dma_wait3A_422 : memref<2048xi32, #tpu.memory_space<hbm>>) dst(%dma_wait3A_419 : memref<2048xi32, #tpu.memory_space<vmem>>)
      %add3A_423 = arith.constant 1 : i32
      %add3A_424 = arith.addi %mul3A_4, %add3A_423 : i32
      %dma_wait3A_425 = arith.constant 2048 : i32
      %dma_wait3A_426 = tpu.memref_slice %arg6[%dma_wait3A_425] : memref<32768xi32, #tpu.memory_space<vmem>> -> memref<2048xi32, #tpu.memory_space<vmem>>
      %dma_wait3A_427 = arith.constant 0 : i32
      %dma_wait3A_428 = tpu.memref_slice %arg3[%add3A_424, %dma_wait3A_427] : memref<64x2048xi32, #tpu.memory_space<hbm>> -> memref<1x2048xi32, #tpu.memory_space<hbm>>
      %dma_wait3A_429 = tpu.memref_squeeze %dma_wait3A_428 : memref<1x2048xi32, #tpu.memory_space<hbm>> -> memref<2048xi32, #tpu.memory_space<hbm>>
      %dma_wait3A_430 = arith.constant 2048 : i32
      %dma_wait3A_431 = tpu.memref_slice %arg6[%dma_wait3A_430] : memref<32768xi32, #tpu.memory_space<vmem>> -> memref<2048xi32, #tpu.memory_space<vmem>>
      %dma_wait3A_432 = arith.constant 0 : i32
      %dma_wait3A_433 = tpu.memref_slice %arg3[%add3A_424, %dma_wait3A_432] : memref<64x2048xi32, #tpu.memory_space<hbm>> -> memref<1x2048xi32, #tpu.memory_space<hbm>>
      %dma_wait3A_434 = tpu.memref_squeeze %dma_wait3A_433 : memref<1x2048xi32, #tpu.memory_space<hbm>> -> memref<2048xi32, #tpu.memory_space<hbm>>
      tpu.wait_dma2 semaphore(%arg7 : memref<!tpu.dma_semaphore, #tpu.memory_space<semaphore_mem>>) src(%dma_wait3A_434 : memref<2048xi32, #tpu.memory_space<hbm>>) dst(%dma_wait3A_431 : memref<2048xi32, #tpu.memory_space<vmem>>)
      %add3A_435 = arith.constant 2 : i32
      %add3A_436 = arith.addi %mul3A_4, %add3A_435 : i32
      %dma_wait3A_437 = arith.constant 4096 : i32
      %dma_wait3A_438 = tpu.memref_slice %arg5[%dma_wait3A_437] : memref<32768xi32, #tpu.memory_space<vmem>> -> memref<2048xi32, #tpu.memory_space<vmem>>
      %dma_wait3A_439 = arith.constant 0 : i32
      %dma_wait3A_440 = tpu.memref_slice %arg2[%add3A_436, %dma_wait3A_439] : memref<64x2048xi32, #tpu.memory_space<hbm>> -> memref<1x2048xi32, #tpu.memory_space<hbm>>
      %dma_wait3A_441 = tpu.memref_squeeze %dma_wait3A_440 : memref<1x2048xi32, #tpu.memory_space<hbm>> -> memref<2048xi32, #tpu.memory_space<hbm>>
      %dma_wait3A_442 = arith.constant 4096 : i32
      %dma_wait3A_443 = tpu.memref_slice %arg5[%dma_wait3A_442] : memref<32768xi32, #tpu.memory_space<vmem>> -> memref<2048xi32, #tpu.memory_space<vmem>>
      %dma_wait3A_444 = arith.constant 0 : i32
      %dma_wait3A_445 = tpu.memref_slice %arg2[%add3A_436, %dma_wait3A_444] : memref<64x2048xi32, #tpu.memory_space<hbm>> -> memref<1x2048xi32, #tpu.memory_space<hbm>>
      %dma_wait3A_446 = tpu.memref_squeeze %dma_wait3A_445 : memref<1x2048xi32, #tpu.memory_space<hbm>> -> memref<2048xi32, #tpu.memory_space<hbm>>
      tpu.wait_dma2 semaphore(%arg7 : memref<!tpu.dma_semaphore, #tpu.memory_space<semaphore_mem>>) src(%dma_wait3A_446 : memref<2048xi32, #tpu.memory_space<hbm>>) dst(%dma_wait3A_443 : memref<2048xi32, #tpu.memory_space<vmem>>)
      %add3A_447 = arith.constant 2 : i32
      %add3A_448 = arith.addi %mul3A_4, %add3A_447 : i32
      %dma_wait3A_449 = arith.constant 4096 : i32
      %dma_wait3A_450 = tpu.memref_slice %arg6[%dma_wait3A_449] : memref<32768xi32, #tpu.memory_space<vmem>> -> memref<2048xi32, #tpu.memory_space<vmem>>
      %dma_wait3A_451 = arith.constant 0 : i32
      %dma_wait3A_452 = tpu.memref_slice %arg3[%add3A_448, %dma_wait3A_451] : memref<64x2048xi32, #tpu.memory_space<hbm>> -> memref<1x2048xi32, #tpu.memory_space<hbm>>
      %dma_wait3A_453 = tpu.memref_squeeze %dma_wait3A_452 : memref<1x2048xi32, #tpu.memory_space<hbm>> -> memref<2048xi32, #tpu.memory_space<hbm>>
      %dma_wait3A_454 = arith.constant 4096 : i32
      %dma_wait3A_455 = tpu.memref_slice %arg6[%dma_wait3A_454] : memref<32768xi32, #tpu.memory_space<vmem>> -> memref<2048xi32, #tpu.memory_space<vmem>>
      %dma_wait3A_456 = arith.constant 0 : i32
      %dma_wait3A_457 = tpu.memref_slice %arg3[%add3A_448, %dma_wait3A_456] : memref<64x2048xi32, #tpu.memory_space<hbm>> -> memref<1x2048xi32, #tpu.memory_space<hbm>>
      %dma_wait3A_458 = tpu.memref_squeeze %dma_wait3A_457 : memref<1x2048xi32, #tpu.memory_space<hbm>> -> memref<2048xi32, #tpu.memory_space<hbm>>
      tpu.wait_dma2 semaphore(%arg7 : memref<!tpu.dma_semaphore, #tpu.memory_space<semaphore_mem>>) src(%dma_wait3A_458 : memref<2048xi32, #tpu.memory_space<hbm>>) dst(%dma_wait3A_455 : memref<2048xi32, #tpu.memory_space<vmem>>)
      %add3A_459 = arith.constant 3 : i32
      %add3A_460 = arith.addi %mul3A_4, %add3A_459 : i32
      %dma_wait3A_461 = arith.constant 6144 : i32
      %dma_wait3A_462 = tpu.memref_slice %arg5[%dma_wait3A_461] : memref<32768xi32, #tpu.memory_space<vmem>> -> memref<2048xi32, #tpu.memory_space<vmem>>
      %dma_wait3A_463 = arith.constant 0 : i32
      %dma_wait3A_464 = tpu.memref_slice %arg2[%add3A_460, %dma_wait3A_463] : memref<64x2048xi32, #tpu.memory_space<hbm>> -> memref<1x2048xi32, #tpu.memory_space<hbm>>
      %dma_wait3A_465 = tpu.memref_squeeze %dma_wait3A_464 : memref<1x2048xi32, #tpu.memory_space<hbm>> -> memref<2048xi32, #tpu.memory_space<hbm>>
      %dma_wait3A_466 = arith.constant 6144 : i32
      %dma_wait3A_467 = tpu.memref_slice %arg5[%dma_wait3A_466] : memref<32768xi32, #tpu.memory_space<vmem>> -> memref<2048xi32, #tpu.memory_space<vmem>>
      %dma_wait3A_468 = arith.constant 0 : i32
      %dma_wait3A_469 = tpu.memref_slice %arg2[%add3A_460, %dma_wait3A_468] : memref<64x2048xi32, #tpu.memory_space<hbm>> -> memref<1x2048xi32, #tpu.memory_space<hbm>>
      %dma_wait3A_470 = tpu.memref_squeeze %dma_wait3A_469 : memref<1x2048xi32, #tpu.memory_space<hbm>> -> memref<2048xi32, #tpu.memory_space<hbm>>
      tpu.wait_dma2 semaphore(%arg7 : memref<!tpu.dma_semaphore, #tpu.memory_space<semaphore_mem>>) src(%dma_wait3A_470 : memref<2048xi32, #tpu.memory_space<hbm>>) dst(%dma_wait3A_467 : memref<2048xi32, #tpu.memory_space<vmem>>)
      %add3A_471 = arith.constant 3 : i32
      %add3A_472 = arith.addi %mul3A_4, %add3A_471 : i32
      %dma_wait3A_473 = arith.constant 6144 : i32
      %dma_wait3A_474 = tpu.memref_slice %arg6[%dma_wait3A_473] : memref<32768xi32, #tpu.memory_space<vmem>> -> memref<2048xi32, #tpu.memory_space<vmem>>
      %dma_wait3A_475 = arith.constant 0 : i32
      %dma_wait3A_476 = tpu.memref_slice %arg3[%add3A_472, %dma_wait3A_475] : memref<64x2048xi32, #tpu.memory_space<hbm>> -> memref<1x2048xi32, #tpu.memory_space<hbm>>
      %dma_wait3A_477 = tpu.memref_squeeze %dma_wait3A_476 : memref<1x2048xi32, #tpu.memory_space<hbm>> -> memref<2048xi32, #tpu.memory_space<hbm>>
      %dma_wait3A_478 = arith.constant 6144 : i32
      %dma_wait3A_479 = tpu.memref_slice %arg6[%dma_wait3A_478] : memref<32768xi32, #tpu.memory_space<vmem>> -> memref<2048xi32, #tpu.memory_space<vmem>>
      %dma_wait3A_480 = arith.constant 0 : i32
      %dma_wait3A_481 = tpu.memref_slice %arg3[%add3A_472, %dma_wait3A_480] : memref<64x2048xi32, #tpu.memory_space<hbm>> -> memref<1x2048xi32, #tpu.memory_space<hbm>>
      %dma_wait3A_482 = tpu.memref_squeeze %dma_wait3A_481 : memref<1x2048xi32, #tpu.memory_space<hbm>> -> memref<2048xi32, #tpu.memory_space<hbm>>
      tpu.wait_dma2 semaphore(%arg7 : memref<!tpu.dma_semaphore, #tpu.memory_space<semaphore_mem>>) src(%dma_wait3A_482 : memref<2048xi32, #tpu.memory_space<hbm>>) dst(%dma_wait3A_479 : memref<2048xi32, #tpu.memory_space<vmem>>)
      %add3A_483 = arith.constant 4 : i32
      %add3A_484 = arith.addi %mul3A_4, %add3A_483 : i32
      %dma_wait3A_485 = arith.constant 8192 : i32
      %dma_wait3A_486 = tpu.memref_slice %arg5[%dma_wait3A_485] : memref<32768xi32, #tpu.memory_space<vmem>> -> memref<2048xi32, #tpu.memory_space<vmem>>
      %dma_wait3A_487 = arith.constant 0 : i32
      %dma_wait3A_488 = tpu.memref_slice %arg2[%add3A_484, %dma_wait3A_487] : memref<64x2048xi32, #tpu.memory_space<hbm>> -> memref<1x2048xi32, #tpu.memory_space<hbm>>
      %dma_wait3A_489 = tpu.memref_squeeze %dma_wait3A_488 : memref<1x2048xi32, #tpu.memory_space<hbm>> -> memref<2048xi32, #tpu.memory_space<hbm>>
      %dma_wait3A_490 = arith.constant 8192 : i32
      %dma_wait3A_491 = tpu.memref_slice %arg5[%dma_wait3A_490] : memref<32768xi32, #tpu.memory_space<vmem>> -> memref<2048xi32, #tpu.memory_space<vmem>>
      %dma_wait3A_492 = arith.constant 0 : i32
      %dma_wait3A_493 = tpu.memref_slice %arg2[%add3A_484, %dma_wait3A_492] : memref<64x2048xi32, #tpu.memory_space<hbm>> -> memref<1x2048xi32, #tpu.memory_space<hbm>>
      %dma_wait3A_494 = tpu.memref_squeeze %dma_wait3A_493 : memref<1x2048xi32, #tpu.memory_space<hbm>> -> memref<2048xi32, #tpu.memory_space<hbm>>
      tpu.wait_dma2 semaphore(%arg7 : memref<!tpu.dma_semaphore, #tpu.memory_space<semaphore_mem>>) src(%dma_wait3A_494 : memref<2048xi32, #tpu.memory_space<hbm>>) dst(%dma_wait3A_491 : memref<2048xi32, #tpu.memory_space<vmem>>)
      %add3A_495 = arith.constant 4 : i32
      %add3A_496 = arith.addi %mul3A_4, %add3A_495 : i32
      %dma_wait3A_497 = arith.constant 8192 : i32
      %dma_wait3A_498 = tpu.memref_slice %arg6[%dma_wait3A_497] : memref<32768xi32, #tpu.memory_space<vmem>> -> memref<2048xi32, #tpu.memory_space<vmem>>
      %dma_wait3A_499 = arith.constant 0 : i32
      %dma_wait3A_500 = tpu.memref_slice %arg3[%add3A_496, %dma_wait3A_499] : memref<64x2048xi32, #tpu.memory_space<hbm>> -> memref<1x2048xi32, #tpu.memory_space<hbm>>
      %dma_wait3A_501 = tpu.memref_squeeze %dma_wait3A_500 : memref<1x2048xi32, #tpu.memory_space<hbm>> -> memref<2048xi32, #tpu.memory_space<hbm>>
      %dma_wait3A_502 = arith.constant 8192 : i32
      %dma_wait3A_503 = tpu.memref_slice %arg6[%dma_wait3A_502] : memref<32768xi32, #tpu.memory_space<vmem>> -> memref<2048xi32, #tpu.memory_space<vmem>>
      %dma_wait3A_504 = arith.constant 0 : i32
      %dma_wait3A_505 = tpu.memref_slice %arg3[%add3A_496, %dma_wait3A_504] : memref<64x2048xi32, #tpu.memory_space<hbm>> -> memref<1x2048xi32, #tpu.memory_space<hbm>>
      %dma_wait3A_506 = tpu.memref_squeeze %dma_wait3A_505 : memref<1x2048xi32, #tpu.memory_space<hbm>> -> memref<2048xi32, #tpu.memory_space<hbm>>
      tpu.wait_dma2 semaphore(%arg7 : memref<!tpu.dma_semaphore, #tpu.memory_space<semaphore_mem>>) src(%dma_wait3A_506 : memref<2048xi32, #tpu.memory_space<hbm>>) dst(%dma_wait3A_503 : memref<2048xi32, #tpu.memory_space<vmem>>)
      %add3A_507 = arith.constant 5 : i32
      %add3A_508 = arith.addi %mul3A_4, %add3A_507 : i32
      %dma_wait3A_509 = arith.constant 10240 : i32
      %dma_wait3A_510 = tpu.memref_slice %arg5[%dma_wait3A_509] : memref<32768xi32, #tpu.memory_space<vmem>> -> memref<2048xi32, #tpu.memory_space<vmem>>
      %dma_wait3A_511 = arith.constant 0 : i32
      %dma_wait3A_512 = tpu.memref_slice %arg2[%add3A_508, %dma_wait3A_511] : memref<64x2048xi32, #tpu.memory_space<hbm>> -> memref<1x2048xi32, #tpu.memory_space<hbm>>
      %dma_wait3A_513 = tpu.memref_squeeze %dma_wait3A_512 : memref<1x2048xi32, #tpu.memory_space<hbm>> -> memref<2048xi32, #tpu.memory_space<hbm>>
      %dma_wait3A_514 = arith.constant 10240 : i32
      %dma_wait3A_515 = tpu.memref_slice %arg5[%dma_wait3A_514] : memref<32768xi32, #tpu.memory_space<vmem>> -> memref<2048xi32, #tpu.memory_space<vmem>>
      %dma_wait3A_516 = arith.constant 0 : i32
      %dma_wait3A_517 = tpu.memref_slice %arg2[%add3A_508, %dma_wait3A_516] : memref<64x2048xi32, #tpu.memory_space<hbm>> -> memref<1x2048xi32, #tpu.memory_space<hbm>>
      %dma_wait3A_518 = tpu.memref_squeeze %dma_wait3A_517 : memref<1x2048xi32, #tpu.memory_space<hbm>> -> memref<2048xi32, #tpu.memory_space<hbm>>
      tpu.wait_dma2 semaphore(%arg7 : memref<!tpu.dma_semaphore, #tpu.memory_space<semaphore_mem>>) src(%dma_wait3A_518 : memref<2048xi32, #tpu.memory_space<hbm>>) dst(%dma_wait3A_515 : memref<2048xi32, #tpu.memory_space<vmem>>)
      %add3A_519 = arith.constant 5 : i32
      %add3A_520 = arith.addi %mul3A_4, %add3A_519 : i32
      %dma_wait3A_521 = arith.constant 10240 : i32
      %dma_wait3A_522 = tpu.memref_slice %arg6[%dma_wait3A_521] : memref<32768xi32, #tpu.memory_space<vmem>> -> memref<2048xi32, #tpu.memory_space<vmem>>
      %dma_wait3A_523 = arith.constant 0 : i32
      %dma_wait3A_524 = tpu.memref_slice %arg3[%add3A_520, %dma_wait3A_523] : memref<64x2048xi32, #tpu.memory_space<hbm>> -> memref<1x2048xi32, #tpu.memory_space<hbm>>
      %dma_wait3A_525 = tpu.memref_squeeze %dma_wait3A_524 : memref<1x2048xi32, #tpu.memory_space<hbm>> -> memref<2048xi32, #tpu.memory_space<hbm>>
      %dma_wait3A_526 = arith.constant 10240 : i32
      %dma_wait3A_527 = tpu.memref_slice %arg6[%dma_wait3A_526] : memref<32768xi32, #tpu.memory_space<vmem>> -> memref<2048xi32, #tpu.memory_space<vmem>>
      %dma_wait3A_528 = arith.constant 0 : i32
      %dma_wait3A_529 = tpu.memref_slice %arg3[%add3A_520, %dma_wait3A_528] : memref<64x2048xi32, #tpu.memory_space<hbm>> -> memref<1x2048xi32, #tpu.memory_space<hbm>>
      %dma_wait3A_530 = tpu.memref_squeeze %dma_wait3A_529 : memref<1x2048xi32, #tpu.memory_space<hbm>> -> memref<2048xi32, #tpu.memory_space<hbm>>
      tpu.wait_dma2 semaphore(%arg7 : memref<!tpu.dma_semaphore, #tpu.memory_space<semaphore_mem>>) src(%dma_wait3A_530 : memref<2048xi32, #tpu.memory_space<hbm>>) dst(%dma_wait3A_527 : memref<2048xi32, #tpu.memory_space<vmem>>)
      %add3A_531 = arith.constant 6 : i32
      %add3A_532 = arith.addi %mul3A_4, %add3A_531 : i32
      %dma_wait3A_533 = arith.constant 12288 : i32
      %dma_wait3A_534 = tpu.memref_slice %arg5[%dma_wait3A_533] : memref<32768xi32, #tpu.memory_space<vmem>> -> memref<2048xi32, #tpu.memory_space<vmem>>
      %dma_wait3A_535 = arith.constant 0 : i32
      %dma_wait3A_536 = tpu.memref_slice %arg2[%add3A_532, %dma_wait3A_535] : memref<64x2048xi32, #tpu.memory_space<hbm>> -> memref<1x2048xi32, #tpu.memory_space<hbm>>
      %dma_wait3A_537 = tpu.memref_squeeze %dma_wait3A_536 : memref<1x2048xi32, #tpu.memory_space<hbm>> -> memref<2048xi32, #tpu.memory_space<hbm>>
      %dma_wait3A_538 = arith.constant 12288 : i32
      %dma_wait3A_539 = tpu.memref_slice %arg5[%dma_wait3A_538] : memref<32768xi32, #tpu.memory_space<vmem>> -> memref<2048xi32, #tpu.memory_space<vmem>>
      %dma_wait3A_540 = arith.constant 0 : i32
      %dma_wait3A_541 = tpu.memref_slice %arg2[%add3A_532, %dma_wait3A_540] : memref<64x2048xi32, #tpu.memory_space<hbm>> -> memref<1x2048xi32, #tpu.memory_space<hbm>>
      %dma_wait3A_542 = tpu.memref_squeeze %dma_wait3A_541 : memref<1x2048xi32, #tpu.memory_space<hbm>> -> memref<2048xi32, #tpu.memory_space<hbm>>
      tpu.wait_dma2 semaphore(%arg7 : memref<!tpu.dma_semaphore, #tpu.memory_space<semaphore_mem>>) src(%dma_wait3A_542 : memref<2048xi32, #tpu.memory_space<hbm>>) dst(%dma_wait3A_539 : memref<2048xi32, #tpu.memory_space<vmem>>)
      %add3A_543 = arith.constant 6 : i32
      %add3A_544 = arith.addi %mul3A_4, %add3A_543 : i32
      %dma_wait3A_545 = arith.constant 12288 : i32
      %dma_wait3A_546 = tpu.memref_slice %arg6[%dma_wait3A_545] : memref<32768xi32, #tpu.memory_space<vmem>> -> memref<2048xi32, #tpu.memory_space<vmem>>
      %dma_wait3A_547 = arith.constant 0 : i32
      %dma_wait3A_548 = tpu.memref_slice %arg3[%add3A_544, %dma_wait3A_547] : memref<64x2048xi32, #tpu.memory_space<hbm>> -> memref<1x2048xi32, #tpu.memory_space<hbm>>
      %dma_wait3A_549 = tpu.memref_squeeze %dma_wait3A_548 : memref<1x2048xi32, #tpu.memory_space<hbm>> -> memref<2048xi32, #tpu.memory_space<hbm>>
      %dma_wait3A_550 = arith.constant 12288 : i32
      %dma_wait3A_551 = tpu.memref_slice %arg6[%dma_wait3A_550] : memref<32768xi32, #tpu.memory_space<vmem>> -> memref<2048xi32, #tpu.memory_space<vmem>>
      %dma_wait3A_552 = arith.constant 0 : i32
      %dma_wait3A_553 = tpu.memref_slice %arg3[%add3A_544, %dma_wait3A_552] : memref<64x2048xi32, #tpu.memory_space<hbm>> -> memref<1x2048xi32, #tpu.memory_space<hbm>>
      %dma_wait3A_554 = tpu.memref_squeeze %dma_wait3A_553 : memref<1x2048xi32, #tpu.memory_space<hbm>> -> memref<2048xi32, #tpu.memory_space<hbm>>
      tpu.wait_dma2 semaphore(%arg7 : memref<!tpu.dma_semaphore, #tpu.memory_space<semaphore_mem>>) src(%dma_wait3A_554 : memref<2048xi32, #tpu.memory_space<hbm>>) dst(%dma_wait3A_551 : memref<2048xi32, #tpu.memory_space<vmem>>)
      %add3A_555 = arith.constant 7 : i32
      %add3A_556 = arith.addi %mul3A_4, %add3A_555 : i32
      %dma_wait3A_557 = arith.constant 14336 : i32
      %dma_wait3A_558 = tpu.memref_slice %arg5[%dma_wait3A_557] : memref<32768xi32, #tpu.memory_space<vmem>> -> memref<2048xi32, #tpu.memory_space<vmem>>
      %dma_wait3A_559 = arith.constant 0 : i32
      %dma_wait3A_560 = tpu.memref_slice %arg2[%add3A_556, %dma_wait3A_559] : memref<64x2048xi32, #tpu.memory_space<hbm>> -> memref<1x2048xi32, #tpu.memory_space<hbm>>
      %dma_wait3A_561 = tpu.memref_squeeze %dma_wait3A_560 : memref<1x2048xi32, #tpu.memory_space<hbm>> -> memref<2048xi32, #tpu.memory_space<hbm>>
      %dma_wait3A_562 = arith.constant 14336 : i32
      %dma_wait3A_563 = tpu.memref_slice %arg5[%dma_wait3A_562] : memref<32768xi32, #tpu.memory_space<vmem>> -> memref<2048xi32, #tpu.memory_space<vmem>>
      %dma_wait3A_564 = arith.constant 0 : i32
      %dma_wait3A_565 = tpu.memref_slice %arg2[%add3A_556, %dma_wait3A_564] : memref<64x2048xi32, #tpu.memory_space<hbm>> -> memref<1x2048xi32, #tpu.memory_space<hbm>>
      %dma_wait3A_566 = tpu.memref_squeeze %dma_wait3A_565 : memref<1x2048xi32, #tpu.memory_space<hbm>> -> memref<2048xi32, #tpu.memory_space<hbm>>
      tpu.wait_dma2 semaphore(%arg7 : memref<!tpu.dma_semaphore, #tpu.memory_space<semaphore_mem>>) src(%dma_wait3A_566 : memref<2048xi32, #tpu.memory_space<hbm>>) dst(%dma_wait3A_563 : memref<2048xi32, #tpu.memory_space<vmem>>)
      %add3A_567 = arith.constant 7 : i32
      %add3A_568 = arith.addi %mul3A_4, %add3A_567 : i32
      %dma_wait3A_569 = arith.constant 14336 : i32
      %dma_wait3A_570 = tpu.memref_slice %arg6[%dma_wait3A_569] : memref<32768xi32, #tpu.memory_space<vmem>> -> memref<2048xi32, #tpu.memory_space<vmem>>
      %dma_wait3A_571 = arith.constant 0 : i32
      %dma_wait3A_572 = tpu.memref_slice %arg3[%add3A_568, %dma_wait3A_571] : memref<64x2048xi32, #tpu.memory_space<hbm>> -> memref<1x2048xi32, #tpu.memory_space<hbm>>
      %dma_wait3A_573 = tpu.memref_squeeze %dma_wait3A_572 : memref<1x2048xi32, #tpu.memory_space<hbm>> -> memref<2048xi32, #tpu.memory_space<hbm>>
      %dma_wait3A_574 = arith.constant 14336 : i32
      %dma_wait3A_575 = tpu.memref_slice %arg6[%dma_wait3A_574] : memref<32768xi32, #tpu.memory_space<vmem>> -> memref<2048xi32, #tpu.memory_space<vmem>>
      %dma_wait3A_576 = arith.constant 0 : i32
      %dma_wait3A_577 = tpu.memref_slice %arg3[%add3A_568, %dma_wait3A_576] : memref<64x2048xi32, #tpu.memory_space<hbm>> -> memref<1x2048xi32, #tpu.memory_space<hbm>>
      %dma_wait3A_578 = tpu.memref_squeeze %dma_wait3A_577 : memref<1x2048xi32, #tpu.memory_space<hbm>> -> memref<2048xi32, #tpu.memory_space<hbm>>
      tpu.wait_dma2 semaphore(%arg7 : memref<!tpu.dma_semaphore, #tpu.memory_space<semaphore_mem>>) src(%dma_wait3A_578 : memref<2048xi32, #tpu.memory_space<hbm>>) dst(%dma_wait3A_575 : memref<2048xi32, #tpu.memory_space<vmem>>)
      %add3A_579 = arith.constant 8 : i32
      %add3A_580 = arith.addi %mul3A_4, %add3A_579 : i32
      %dma_wait3A_581 = arith.constant 16384 : i32
      %dma_wait3A_582 = tpu.memref_slice %arg5[%dma_wait3A_581] : memref<32768xi32, #tpu.memory_space<vmem>> -> memref<2048xi32, #tpu.memory_space<vmem>>
      %dma_wait3A_583 = arith.constant 0 : i32
      %dma_wait3A_584 = tpu.memref_slice %arg2[%add3A_580, %dma_wait3A_583] : memref<64x2048xi32, #tpu.memory_space<hbm>> -> memref<1x2048xi32, #tpu.memory_space<hbm>>
      %dma_wait3A_585 = tpu.memref_squeeze %dma_wait3A_584 : memref<1x2048xi32, #tpu.memory_space<hbm>> -> memref<2048xi32, #tpu.memory_space<hbm>>
      %dma_wait3A_586 = arith.constant 16384 : i32
      %dma_wait3A_587 = tpu.memref_slice %arg5[%dma_wait3A_586] : memref<32768xi32, #tpu.memory_space<vmem>> -> memref<2048xi32, #tpu.memory_space<vmem>>
      %dma_wait3A_588 = arith.constant 0 : i32
      %dma_wait3A_589 = tpu.memref_slice %arg2[%add3A_580, %dma_wait3A_588] : memref<64x2048xi32, #tpu.memory_space<hbm>> -> memref<1x2048xi32, #tpu.memory_space<hbm>>
      %dma_wait3A_590 = tpu.memref_squeeze %dma_wait3A_589 : memref<1x2048xi32, #tpu.memory_space<hbm>> -> memref<2048xi32, #tpu.memory_space<hbm>>
      tpu.wait_dma2 semaphore(%arg7 : memref<!tpu.dma_semaphore, #tpu.memory_space<semaphore_mem>>) src(%dma_wait3A_590 : memref<2048xi32, #tpu.memory_space<hbm>>) dst(%dma_wait3A_587 : memref<2048xi32, #tpu.memory_space<vmem>>)
      %add3A_591 = arith.constant 8 : i32
      %add3A_592 = arith.addi %mul3A_4, %add3A_591 : i32
      %dma_wait3A_593 = arith.constant 16384 : i32
      %dma_wait3A_594 = tpu.memref_slice %arg6[%dma_wait3A_593] : memref<32768xi32, #tpu.memory_space<vmem>> -> memref<2048xi32, #tpu.memory_space<vmem>>
      %dma_wait3A_595 = arith.constant 0 : i32
      %dma_wait3A_596 = tpu.memref_slice %arg3[%add3A_592, %dma_wait3A_595] : memref<64x2048xi32, #tpu.memory_space<hbm>> -> memref<1x2048xi32, #tpu.memory_space<hbm>>
      %dma_wait3A_597 = tpu.memref_squeeze %dma_wait3A_596 : memref<1x2048xi32, #tpu.memory_space<hbm>> -> memref<2048xi32, #tpu.memory_space<hbm>>
      %dma_wait3A_598 = arith.constant 16384 : i32
      %dma_wait3A_599 = tpu.memref_slice %arg6[%dma_wait3A_598] : memref<32768xi32, #tpu.memory_space<vmem>> -> memref<2048xi32, #tpu.memory_space<vmem>>
      %dma_wait3A_600 = arith.constant 0 : i32
      %dma_wait3A_601 = tpu.memref_slice %arg3[%add3A_592, %dma_wait3A_600] : memref<64x2048xi32, #tpu.memory_space<hbm>> -> memref<1x2048xi32, #tpu.memory_space<hbm>>
      %dma_wait3A_602 = tpu.memref_squeeze %dma_wait3A_601 : memref<1x2048xi32, #tpu.memory_space<hbm>> -> memref<2048xi32, #tpu.memory_space<hbm>>
      tpu.wait_dma2 semaphore(%arg7 : memref<!tpu.dma_semaphore, #tpu.memory_space<semaphore_mem>>) src(%dma_wait3A_602 : memref<2048xi32, #tpu.memory_space<hbm>>) dst(%dma_wait3A_599 : memref<2048xi32, #tpu.memory_space<vmem>>)
      %add3A_603 = arith.constant 9 : i32
      %add3A_604 = arith.addi %mul3A_4, %add3A_603 : i32
      %dma_wait3A_605 = arith.constant 18432 : i32
      %dma_wait3A_606 = tpu.memref_slice %arg5[%dma_wait3A_605] : memref<32768xi32, #tpu.memory_space<vmem>> -> memref<2048xi32, #tpu.memory_space<vmem>>
      %dma_wait3A_607 = arith.constant 0 : i32
      %dma_wait3A_608 = tpu.memref_slice %arg2[%add3A_604, %dma_wait3A_607] : memref<64x2048xi32, #tpu.memory_space<hbm>> -> memref<1x2048xi32, #tpu.memory_space<hbm>>
      %dma_wait3A_609 = tpu.memref_squeeze %dma_wait3A_608 : memref<1x2048xi32, #tpu.memory_space<hbm>> -> memref<2048xi32, #tpu.memory_space<hbm>>
      %dma_wait3A_610 = arith.constant 18432 : i32
      %dma_wait3A_611 = tpu.memref_slice %arg5[%dma_wait3A_610] : memref<32768xi32, #tpu.memory_space<vmem>> -> memref<2048xi32, #tpu.memory_space<vmem>>
      %dma_wait3A_612 = arith.constant 0 : i32
      %dma_wait3A_613 = tpu.memref_slice %arg2[%add3A_604, %dma_wait3A_612] : memref<64x2048xi32, #tpu.memory_space<hbm>> -> memref<1x2048xi32, #tpu.memory_space<hbm>>
      %dma_wait3A_614 = tpu.memref_squeeze %dma_wait3A_613 : memref<1x2048xi32, #tpu.memory_space<hbm>> -> memref<2048xi32, #tpu.memory_space<hbm>>
      tpu.wait_dma2 semaphore(%arg7 : memref<!tpu.dma_semaphore, #tpu.memory_space<semaphore_mem>>) src(%dma_wait3A_614 : memref<2048xi32, #tpu.memory_space<hbm>>) dst(%dma_wait3A_611 : memref<2048xi32, #tpu.memory_space<vmem>>)
      %add3A_615 = arith.constant 9 : i32
      %add3A_616 = arith.addi %mul3A_4, %add3A_615 : i32
      %dma_wait3A_617 = arith.constant 18432 : i32
      %dma_wait3A_618 = tpu.memref_slice %arg6[%dma_wait3A_617] : memref<32768xi32, #tpu.memory_space<vmem>> -> memref<2048xi32, #tpu.memory_space<vmem>>
      %dma_wait3A_619 = arith.constant 0 : i32
      %dma_wait3A_620 = tpu.memref_slice %arg3[%add3A_616, %dma_wait3A_619] : memref<64x2048xi32, #tpu.memory_space<hbm>> -> memref<1x2048xi32, #tpu.memory_space<hbm>>
      %dma_wait3A_621 = tpu.memref_squeeze %dma_wait3A_620 : memref<1x2048xi32, #tpu.memory_space<hbm>> -> memref<2048xi32, #tpu.memory_space<hbm>>
      %dma_wait3A_622 = arith.constant 18432 : i32
      %dma_wait3A_623 = tpu.memref_slice %arg6[%dma_wait3A_622] : memref<32768xi32, #tpu.memory_space<vmem>> -> memref<2048xi32, #tpu.memory_space<vmem>>
      %dma_wait3A_624 = arith.constant 0 : i32
      %dma_wait3A_625 = tpu.memref_slice %arg3[%add3A_616, %dma_wait3A_624] : memref<64x2048xi32, #tpu.memory_space<hbm>> -> memref<1x2048xi32, #tpu.memory_space<hbm>>
      %dma_wait3A_626 = tpu.memref_squeeze %dma_wait3A_625 : memref<1x2048xi32, #tpu.memory_space<hbm>> -> memref<2048xi32, #tpu.memory_space<hbm>>
      tpu.wait_dma2 semaphore(%arg7 : memref<!tpu.dma_semaphore, #tpu.memory_space<semaphore_mem>>) src(%dma_wait3A_626 : memref<2048xi32, #tpu.memory_space<hbm>>) dst(%dma_wait3A_623 : memref<2048xi32, #tpu.memory_space<vmem>>)
      %add3A_627 = arith.constant 10 : i32
      %add3A_628 = arith.addi %mul3A_4, %add3A_627 : i32
      %dma_wait3A_629 = arith.constant 20480 : i32
      %dma_wait3A_630 = tpu.memref_slice %arg5[%dma_wait3A_629] : memref<32768xi32, #tpu.memory_space<vmem>> -> memref<2048xi32, #tpu.memory_space<vmem>>
      %dma_wait3A_631 = arith.constant 0 : i32
      %dma_wait3A_632 = tpu.memref_slice %arg2[%add3A_628, %dma_wait3A_631] : memref<64x2048xi32, #tpu.memory_space<hbm>> -> memref<1x2048xi32, #tpu.memory_space<hbm>>
      %dma_wait3A_633 = tpu.memref_squeeze %dma_wait3A_632 : memref<1x2048xi32, #tpu.memory_space<hbm>> -> memref<2048xi32, #tpu.memory_space<hbm>>
      %dma_wait3A_634 = arith.constant 20480 : i32
      %dma_wait3A_635 = tpu.memref_slice %arg5[%dma_wait3A_634] : memref<32768xi32, #tpu.memory_space<vmem>> -> memref<2048xi32, #tpu.memory_space<vmem>>
      %dma_wait3A_636 = arith.constant 0 : i32
      %dma_wait3A_637 = tpu.memref_slice %arg2[%add3A_628, %dma_wait3A_636] : memref<64x2048xi32, #tpu.memory_space<hbm>> -> memref<1x2048xi32, #tpu.memory_space<hbm>>
      %dma_wait3A_638 = tpu.memref_squeeze %dma_wait3A_637 : memref<1x2048xi32, #tpu.memory_space<hbm>> -> memref<2048xi32, #tpu.memory_space<hbm>>
      tpu.wait_dma2 semaphore(%arg7 : memref<!tpu.dma_semaphore, #tpu.memory_space<semaphore_mem>>) src(%dma_wait3A_638 : memref<2048xi32, #tpu.memory_space<hbm>>) dst(%dma_wait3A_635 : memref<2048xi32, #tpu.memory_space<vmem>>)
      %add3A_639 = arith.constant 10 : i32
      %add3A_640 = arith.addi %mul3A_4, %add3A_639 : i32
      %dma_wait3A_641 = arith.constant 20480 : i32
      %dma_wait3A_642 = tpu.memref_slice %arg6[%dma_wait3A_641] : memref<32768xi32, #tpu.memory_space<vmem>> -> memref<2048xi32, #tpu.memory_space<vmem>>
      %dma_wait3A_643 = arith.constant 0 : i32
      %dma_wait3A_644 = tpu.memref_slice %arg3[%add3A_640, %dma_wait3A_643] : memref<64x2048xi32, #tpu.memory_space<hbm>> -> memref<1x2048xi32, #tpu.memory_space<hbm>>
      %dma_wait3A_645 = tpu.memref_squeeze %dma_wait3A_644 : memref<1x2048xi32, #tpu.memory_space<hbm>> -> memref<2048xi32, #tpu.memory_space<hbm>>
      %dma_wait3A_646 = arith.constant 20480 : i32
      %dma_wait3A_647 = tpu.memref_slice %arg6[%dma_wait3A_646] : memref<32768xi32, #tpu.memory_space<vmem>> -> memref<2048xi32, #tpu.memory_space<vmem>>
      %dma_wait3A_648 = arith.constant 0 : i32
      %dma_wait3A_649 = tpu.memref_slice %arg3[%add3A_640, %dma_wait3A_648] : memref<64x2048xi32, #tpu.memory_space<hbm>> -> memref<1x2048xi32, #tpu.memory_space<hbm>>
      %dma_wait3A_650 = tpu.memref_squeeze %dma_wait3A_649 : memref<1x2048xi32, #tpu.memory_space<hbm>> -> memref<2048xi32, #tpu.memory_space<hbm>>
      tpu.wait_dma2 semaphore(%arg7 : memref<!tpu.dma_semaphore, #tpu.memory_space<semaphore_mem>>) src(%dma_wait3A_650 : memref<2048xi32, #tpu.memory_space<hbm>>) dst(%dma_wait3A_647 : memref<2048xi32, #tpu.memory_space<vmem>>)
      %add3A_651 = arith.constant 11 : i32
      %add3A_652 = arith.addi %mul3A_4, %add3A_651 : i32
      %dma_wait3A_653 = arith.constant 22528 : i32
      %dma_wait3A_654 = tpu.memref_slice %arg5[%dma_wait3A_653] : memref<32768xi32, #tpu.memory_space<vmem>> -> memref<2048xi32, #tpu.memory_space<vmem>>
      %dma_wait3A_655 = arith.constant 0 : i32
      %dma_wait3A_656 = tpu.memref_slice %arg2[%add3A_652, %dma_wait3A_655] : memref<64x2048xi32, #tpu.memory_space<hbm>> -> memref<1x2048xi32, #tpu.memory_space<hbm>>
      %dma_wait3A_657 = tpu.memref_squeeze %dma_wait3A_656 : memref<1x2048xi32, #tpu.memory_space<hbm>> -> memref<2048xi32, #tpu.memory_space<hbm>>
      %dma_wait3A_658 = arith.constant 22528 : i32
      %dma_wait3A_659 = tpu.memref_slice %arg5[%dma_wait3A_658] : memref<32768xi32, #tpu.memory_space<vmem>> -> memref<2048xi32, #tpu.memory_space<vmem>>
      %dma_wait3A_660 = arith.constant 0 : i32
      %dma_wait3A_661 = tpu.memref_slice %arg2[%add3A_652, %dma_wait3A_660] : memref<64x2048xi32, #tpu.memory_space<hbm>> -> memref<1x2048xi32, #tpu.memory_space<hbm>>
      %dma_wait3A_662 = tpu.memref_squeeze %dma_wait3A_661 : memref<1x2048xi32, #tpu.memory_space<hbm>> -> memref<2048xi32, #tpu.memory_space<hbm>>
      tpu.wait_dma2 semaphore(%arg7 : memref<!tpu.dma_semaphore, #tpu.memory_space<semaphore_mem>>) src(%dma_wait3A_662 : memref<2048xi32, #tpu.memory_space<hbm>>) dst(%dma_wait3A_659 : memref<2048xi32, #tpu.memory_space<vmem>>)
      %add3A_663 = arith.constant 11 : i32
      %add3A_664 = arith.addi %mul3A_4, %add3A_663 : i32
      %dma_wait3A_665 = arith.constant 22528 : i32
      %dma_wait3A_666 = tpu.memref_slice %arg6[%dma_wait3A_665] : memref<32768xi32, #tpu.memory_space<vmem>> -> memref<2048xi32, #tpu.memory_space<vmem>>
      %dma_wait3A_667 = arith.constant 0 : i32
      %dma_wait3A_668 = tpu.memref_slice %arg3[%add3A_664, %dma_wait3A_667] : memref<64x2048xi32, #tpu.memory_space<hbm>> -> memref<1x2048xi32, #tpu.memory_space<hbm>>
      %dma_wait3A_669 = tpu.memref_squeeze %dma_wait3A_668 : memref<1x2048xi32, #tpu.memory_space<hbm>> -> memref<2048xi32, #tpu.memory_space<hbm>>
      %dma_wait3A_670 = arith.constant 22528 : i32
      %dma_wait3A_671 = tpu.memref_slice %arg6[%dma_wait3A_670] : memref<32768xi32, #tpu.memory_space<vmem>> -> memref<2048xi32, #tpu.memory_space<vmem>>
      %dma_wait3A_672 = arith.constant 0 : i32
      %dma_wait3A_673 = tpu.memref_slice %arg3[%add3A_664, %dma_wait3A_672] : memref<64x2048xi32, #tpu.memory_space<hbm>> -> memref<1x2048xi32, #tpu.memory_space<hbm>>
      %dma_wait3A_674 = tpu.memref_squeeze %dma_wait3A_673 : memref<1x2048xi32, #tpu.memory_space<hbm>> -> memref<2048xi32, #tpu.memory_space<hbm>>
      tpu.wait_dma2 semaphore(%arg7 : memref<!tpu.dma_semaphore, #tpu.memory_space<semaphore_mem>>) src(%dma_wait3A_674 : memref<2048xi32, #tpu.memory_space<hbm>>) dst(%dma_wait3A_671 : memref<2048xi32, #tpu.memory_space<vmem>>)
      %add3A_675 = arith.constant 12 : i32
      %add3A_676 = arith.addi %mul3A_4, %add3A_675 : i32
      %dma_wait3A_677 = arith.constant 24576 : i32
      %dma_wait3A_678 = tpu.memref_slice %arg5[%dma_wait3A_677] : memref<32768xi32, #tpu.memory_space<vmem>> -> memref<2048xi32, #tpu.memory_space<vmem>>
      %dma_wait3A_679 = arith.constant 0 : i32
      %dma_wait3A_680 = tpu.memref_slice %arg2[%add3A_676, %dma_wait3A_679] : memref<64x2048xi32, #tpu.memory_space<hbm>> -> memref<1x2048xi32, #tpu.memory_space<hbm>>
      %dma_wait3A_681 = tpu.memref_squeeze %dma_wait3A_680 : memref<1x2048xi32, #tpu.memory_space<hbm>> -> memref<2048xi32, #tpu.memory_space<hbm>>
      %dma_wait3A_682 = arith.constant 24576 : i32
      %dma_wait3A_683 = tpu.memref_slice %arg5[%dma_wait3A_682] : memref<32768xi32, #tpu.memory_space<vmem>> -> memref<2048xi32, #tpu.memory_space<vmem>>
      %dma_wait3A_684 = arith.constant 0 : i32
      %dma_wait3A_685 = tpu.memref_slice %arg2[%add3A_676, %dma_wait3A_684] : memref<64x2048xi32, #tpu.memory_space<hbm>> -> memref<1x2048xi32, #tpu.memory_space<hbm>>
      %dma_wait3A_686 = tpu.memref_squeeze %dma_wait3A_685 : memref<1x2048xi32, #tpu.memory_space<hbm>> -> memref<2048xi32, #tpu.memory_space<hbm>>
      tpu.wait_dma2 semaphore(%arg7 : memref<!tpu.dma_semaphore, #tpu.memory_space<semaphore_mem>>) src(%dma_wait3A_686 : memref<2048xi32, #tpu.memory_space<hbm>>) dst(%dma_wait3A_683 : memref<2048xi32, #tpu.memory_space<vmem>>)
      %add3A_687 = arith.constant 12 : i32
      %add3A_688 = arith.addi %mul3A_4, %add3A_687 : i32
      %dma_wait3A_689 = arith.constant 24576 : i32
      %dma_wait3A_690 = tpu.memref_slice %arg6[%dma_wait3A_689] : memref<32768xi32, #tpu.memory_space<vmem>> -> memref<2048xi32, #tpu.memory_space<vmem>>
      %dma_wait3A_691 = arith.constant 0 : i32
      %dma_wait3A_692 = tpu.memref_slice %arg3[%add3A_688, %dma_wait3A_691] : memref<64x2048xi32, #tpu.memory_space<hbm>> -> memref<1x2048xi32, #tpu.memory_space<hbm>>
      %dma_wait3A_693 = tpu.memref_squeeze %dma_wait3A_692 : memref<1x2048xi32, #tpu.memory_space<hbm>> -> memref<2048xi32, #tpu.memory_space<hbm>>
      %dma_wait3A_694 = arith.constant 24576 : i32
      %dma_wait3A_695 = tpu.memref_slice %arg6[%dma_wait3A_694] : memref<32768xi32, #tpu.memory_space<vmem>> -> memref<2048xi32, #tpu.memory_space<vmem>>
      %dma_wait3A_696 = arith.constant 0 : i32
      %dma_wait3A_697 = tpu.memref_slice %arg3[%add3A_688, %dma_wait3A_696] : memref<64x2048xi32, #tpu.memory_space<hbm>> -> memref<1x2048xi32, #tpu.memory_space<hbm>>
      %dma_wait3A_698 = tpu.memref_squeeze %dma_wait3A_697 : memref<1x2048xi32, #tpu.memory_space<hbm>> -> memref<2048xi32, #tpu.memory_space<hbm>>
      tpu.wait_dma2 semaphore(%arg7 : memref<!tpu.dma_semaphore, #tpu.memory_space<semaphore_mem>>) src(%dma_wait3A_698 : memref<2048xi32, #tpu.memory_space<hbm>>) dst(%dma_wait3A_695 : memref<2048xi32, #tpu.memory_space<vmem>>)
      %add3A_699 = arith.constant 13 : i32
      %add3A_700 = arith.addi %mul3A_4, %add3A_699 : i32
      %dma_wait3A_701 = arith.constant 26624 : i32
      %dma_wait3A_702 = tpu.memref_slice %arg5[%dma_wait3A_701] : memref<32768xi32, #tpu.memory_space<vmem>> -> memref<2048xi32, #tpu.memory_space<vmem>>
      %dma_wait3A_703 = arith.constant 0 : i32
      %dma_wait3A_704 = tpu.memref_slice %arg2[%add3A_700, %dma_wait3A_703] : memref<64x2048xi32, #tpu.memory_space<hbm>> -> memref<1x2048xi32, #tpu.memory_space<hbm>>
      %dma_wait3A_705 = tpu.memref_squeeze %dma_wait3A_704 : memref<1x2048xi32, #tpu.memory_space<hbm>> -> memref<2048xi32, #tpu.memory_space<hbm>>
      %dma_wait3A_706 = arith.constant 26624 : i32
      %dma_wait3A_707 = tpu.memref_slice %arg5[%dma_wait3A_706] : memref<32768xi32, #tpu.memory_space<vmem>> -> memref<2048xi32, #tpu.memory_space<vmem>>
      %dma_wait3A_708 = arith.constant 0 : i32
      %dma_wait3A_709 = tpu.memref_slice %arg2[%add3A_700, %dma_wait3A_708] : memref<64x2048xi32, #tpu.memory_space<hbm>> -> memref<1x2048xi32, #tpu.memory_space<hbm>>
      %dma_wait3A_710 = tpu.memref_squeeze %dma_wait3A_709 : memref<1x2048xi32, #tpu.memory_space<hbm>> -> memref<2048xi32, #tpu.memory_space<hbm>>
      tpu.wait_dma2 semaphore(%arg7 : memref<!tpu.dma_semaphore, #tpu.memory_space<semaphore_mem>>) src(%dma_wait3A_710 : memref<2048xi32, #tpu.memory_space<hbm>>) dst(%dma_wait3A_707 : memref<2048xi32, #tpu.memory_space<vmem>>)
      %add3A_711 = arith.constant 13 : i32
      %add3A_712 = arith.addi %mul3A_4, %add3A_711 : i32
      %dma_wait3A_713 = arith.constant 26624 : i32
      %dma_wait3A_714 = tpu.memref_slice %arg6[%dma_wait3A_713] : memref<32768xi32, #tpu.memory_space<vmem>> -> memref<2048xi32, #tpu.memory_space<vmem>>
      %dma_wait3A_715 = arith.constant 0 : i32
      %dma_wait3A_716 = tpu.memref_slice %arg3[%add3A_712, %dma_wait3A_715] : memref<64x2048xi32, #tpu.memory_space<hbm>> -> memref<1x2048xi32, #tpu.memory_space<hbm>>
      %dma_wait3A_717 = tpu.memref_squeeze %dma_wait3A_716 : memref<1x2048xi32, #tpu.memory_space<hbm>> -> memref<2048xi32, #tpu.memory_space<hbm>>
      %dma_wait3A_718 = arith.constant 26624 : i32
      %dma_wait3A_719 = tpu.memref_slice %arg6[%dma_wait3A_718] : memref<32768xi32, #tpu.memory_space<vmem>> -> memref<2048xi32, #tpu.memory_space<vmem>>
      %dma_wait3A_720 = arith.constant 0 : i32
      %dma_wait3A_721 = tpu.memref_slice %arg3[%add3A_712, %dma_wait3A_720] : memref<64x2048xi32, #tpu.memory_space<hbm>> -> memref<1x2048xi32, #tpu.memory_space<hbm>>
      %dma_wait3A_722 = tpu.memref_squeeze %dma_wait3A_721 : memref<1x2048xi32, #tpu.memory_space<hbm>> -> memref<2048xi32, #tpu.memory_space<hbm>>
      tpu.wait_dma2 semaphore(%arg7 : memref<!tpu.dma_semaphore, #tpu.memory_space<semaphore_mem>>) src(%dma_wait3A_722 : memref<2048xi32, #tpu.memory_space<hbm>>) dst(%dma_wait3A_719 : memref<2048xi32, #tpu.memory_space<vmem>>)
      %add3A_723 = arith.constant 14 : i32
      %add3A_724 = arith.addi %mul3A_4, %add3A_723 : i32
      %dma_wait3A_725 = arith.constant 28672 : i32
      %dma_wait3A_726 = tpu.memref_slice %arg5[%dma_wait3A_725] : memref<32768xi32, #tpu.memory_space<vmem>> -> memref<2048xi32, #tpu.memory_space<vmem>>
      %dma_wait3A_727 = arith.constant 0 : i32
      %dma_wait3A_728 = tpu.memref_slice %arg2[%add3A_724, %dma_wait3A_727] : memref<64x2048xi32, #tpu.memory_space<hbm>> -> memref<1x2048xi32, #tpu.memory_space<hbm>>
      %dma_wait3A_729 = tpu.memref_squeeze %dma_wait3A_728 : memref<1x2048xi32, #tpu.memory_space<hbm>> -> memref<2048xi32, #tpu.memory_space<hbm>>
      %dma_wait3A_730 = arith.constant 28672 : i32
      %dma_wait3A_731 = tpu.memref_slice %arg5[%dma_wait3A_730] : memref<32768xi32, #tpu.memory_space<vmem>> -> memref<2048xi32, #tpu.memory_space<vmem>>
      %dma_wait3A_732 = arith.constant 0 : i32
      %dma_wait3A_733 = tpu.memref_slice %arg2[%add3A_724, %dma_wait3A_732] : memref<64x2048xi32, #tpu.memory_space<hbm>> -> memref<1x2048xi32, #tpu.memory_space<hbm>>
      %dma_wait3A_734 = tpu.memref_squeeze %dma_wait3A_733 : memref<1x2048xi32, #tpu.memory_space<hbm>> -> memref<2048xi32, #tpu.memory_space<hbm>>
      tpu.wait_dma2 semaphore(%arg7 : memref<!tpu.dma_semaphore, #tpu.memory_space<semaphore_mem>>) src(%dma_wait3A_734 : memref<2048xi32, #tpu.memory_space<hbm>>) dst(%dma_wait3A_731 : memref<2048xi32, #tpu.memory_space<vmem>>)
      %add3A_735 = arith.constant 14 : i32
      %add3A_736 = arith.addi %mul3A_4, %add3A_735 : i32
      %dma_wait3A_737 = arith.constant 28672 : i32
      %dma_wait3A_738 = tpu.memref_slice %arg6[%dma_wait3A_737] : memref<32768xi32, #tpu.memory_space<vmem>> -> memref<2048xi32, #tpu.memory_space<vmem>>
      %dma_wait3A_739 = arith.constant 0 : i32
      %dma_wait3A_740 = tpu.memref_slice %arg3[%add3A_736, %dma_wait3A_739] : memref<64x2048xi32, #tpu.memory_space<hbm>> -> memref<1x2048xi32, #tpu.memory_space<hbm>>
      %dma_wait3A_741 = tpu.memref_squeeze %dma_wait3A_740 : memref<1x2048xi32, #tpu.memory_space<hbm>> -> memref<2048xi32, #tpu.memory_space<hbm>>
      %dma_wait3A_742 = arith.constant 28672 : i32
      %dma_wait3A_743 = tpu.memref_slice %arg6[%dma_wait3A_742] : memref<32768xi32, #tpu.memory_space<vmem>> -> memref<2048xi32, #tpu.memory_space<vmem>>
      %dma_wait3A_744 = arith.constant 0 : i32
      %dma_wait3A_745 = tpu.memref_slice %arg3[%add3A_736, %dma_wait3A_744] : memref<64x2048xi32, #tpu.memory_space<hbm>> -> memref<1x2048xi32, #tpu.memory_space<hbm>>
      %dma_wait3A_746 = tpu.memref_squeeze %dma_wait3A_745 : memref<1x2048xi32, #tpu.memory_space<hbm>> -> memref<2048xi32, #tpu.memory_space<hbm>>
      tpu.wait_dma2 semaphore(%arg7 : memref<!tpu.dma_semaphore, #tpu.memory_space<semaphore_mem>>) src(%dma_wait3A_746 : memref<2048xi32, #tpu.memory_space<hbm>>) dst(%dma_wait3A_743 : memref<2048xi32, #tpu.memory_space<vmem>>)
      %add3A_747 = arith.constant 15 : i32
      %add3A_748 = arith.addi %mul3A_4, %add3A_747 : i32
      %dma_wait3A_749 = arith.constant 30720 : i32
      %dma_wait3A_750 = tpu.memref_slice %arg5[%dma_wait3A_749] : memref<32768xi32, #tpu.memory_space<vmem>> -> memref<2048xi32, #tpu.memory_space<vmem>>
      %dma_wait3A_751 = arith.constant 0 : i32
      %dma_wait3A_752 = tpu.memref_slice %arg2[%add3A_748, %dma_wait3A_751] : memref<64x2048xi32, #tpu.memory_space<hbm>> -> memref<1x2048xi32, #tpu.memory_space<hbm>>
      %dma_wait3A_753 = tpu.memref_squeeze %dma_wait3A_752 : memref<1x2048xi32, #tpu.memory_space<hbm>> -> memref<2048xi32, #tpu.memory_space<hbm>>
      %dma_wait3A_754 = arith.constant 30720 : i32
      %dma_wait3A_755 = tpu.memref_slice %arg5[%dma_wait3A_754] : memref<32768xi32, #tpu.memory_space<vmem>> -> memref<2048xi32, #tpu.memory_space<vmem>>
      %dma_wait3A_756 = arith.constant 0 : i32
      %dma_wait3A_757 = tpu.memref_slice %arg2[%add3A_748, %dma_wait3A_756] : memref<64x2048xi32, #tpu.memory_space<hbm>> -> memref<1x2048xi32, #tpu.memory_space<hbm>>
      %dma_wait3A_758 = tpu.memref_squeeze %dma_wait3A_757 : memref<1x2048xi32, #tpu.memory_space<hbm>> -> memref<2048xi32, #tpu.memory_space<hbm>>
      tpu.wait_dma2 semaphore(%arg7 : memref<!tpu.dma_semaphore, #tpu.memory_space<semaphore_mem>>) src(%dma_wait3A_758 : memref<2048xi32, #tpu.memory_space<hbm>>) dst(%dma_wait3A_755 : memref<2048xi32, #tpu.memory_space<vmem>>)
      %add3A_759 = arith.constant 15 : i32
      %add3A_760 = arith.addi %mul3A_4, %add3A_759 : i32
      %dma_wait3A_761 = arith.constant 30720 : i32
      %dma_wait3A_762 = tpu.memref_slice %arg6[%dma_wait3A_761] : memref<32768xi32, #tpu.memory_space<vmem>> -> memref<2048xi32, #tpu.memory_space<vmem>>
      %dma_wait3A_763 = arith.constant 0 : i32
      %dma_wait3A_764 = tpu.memref_slice %arg3[%add3A_760, %dma_wait3A_763] : memref<64x2048xi32, #tpu.memory_space<hbm>> -> memref<1x2048xi32, #tpu.memory_space<hbm>>
      %dma_wait3A_765 = tpu.memref_squeeze %dma_wait3A_764 : memref<1x2048xi32, #tpu.memory_space<hbm>> -> memref<2048xi32, #tpu.memory_space<hbm>>
      %dma_wait3A_766 = arith.constant 30720 : i32
      %dma_wait3A_767 = tpu.memref_slice %arg6[%dma_wait3A_766] : memref<32768xi32, #tpu.memory_space<vmem>> -> memref<2048xi32, #tpu.memory_space<vmem>>
      %dma_wait3A_768 = arith.constant 0 : i32
      %dma_wait3A_769 = tpu.memref_slice %arg3[%add3A_760, %dma_wait3A_768] : memref<64x2048xi32, #tpu.memory_space<hbm>> -> memref<1x2048xi32, #tpu.memory_space<hbm>>
      %dma_wait3A_770 = tpu.memref_squeeze %dma_wait3A_769 : memref<1x2048xi32, #tpu.memory_space<hbm>> -> memref<2048xi32, #tpu.memory_space<hbm>>
      tpu.wait_dma2 semaphore(%arg7 : memref<!tpu.dma_semaphore, #tpu.memory_space<semaphore_mem>>) src(%dma_wait3A_770 : memref<2048xi32, #tpu.memory_space<hbm>>) dst(%dma_wait3A_767 : memref<2048xi32, #tpu.memory_space<vmem>>)
      %iota3A = tpu.iota {dimensions = array<i32: 0>} : vector<16xi32>
      %mul3A_771 = arith.constant 2048 : i32
      %mul3A_772 = vector.broadcast %mul3A_771 : i32 to vector<16xi32>
      %mul3A_773 = arith.muli %iota3A, %mul3A_772 : vector<16xi32>
      %broadcast_in_dim3A = arith.constant 1 : i32
      %broadcast_in_dim3A_774 = vector.broadcast %broadcast_in_dim3A : i32 to vector<16xi32>
      %scan3A = arith.constant 0 : i32
      %scan3A_775 = arith.constant 2048 : i32
      %scan3A_776 = arith.addi %scan3A, %scan3A_775 : i32
      %scan3A_777 = arith.constant 8 : i32
      %scan3A_778:2 = scf.for %scan3A_1164 = %scan3A to %scan3A_776 step %scan3A_777 iter_args(%scan3A_1165 = %mul3A_773, %scan3A_1166 = %broadcast_in_dim3A_774) -> (vector<16xi32>, vector<16xi32>)  : i32 {
        %gather3A = tpu.vector_load_idx %arg5[%scan3A_1165] : memref<32768xi32, #tpu.memory_space<vmem>>[vector<16xi32>], vector<16xi32>,
        tpu.vector_store_idx %arg6[%gather3A], %scan3A_1166 : memref<32768xi32, #tpu.memory_space<vmem>>[vector<16xi32>], vector<16xi32>,
        %add3A_1167 = arith.addi %scan3A_1166, %broadcast_in_dim3A_774 : vector<16xi32>
        %scan3A_1168 = arith.constant 1 : i32
        %scan3A_1169 = arith.addi %scan3A_1164, %scan3A_1168 : i32
        %gather3A_1170 = tpu.vector_load_idx %arg5[%gather3A] : memref<32768xi32, #tpu.memory_space<vmem>>[vector<16xi32>], vector<16xi32>,
        tpu.vector_store_idx %arg6[%gather3A_1170], %add3A_1167 : memref<32768xi32, #tpu.memory_space<vmem>>[vector<16xi32>], vector<16xi32>,
        %add3A_1171 = arith.addi %add3A_1167, %broadcast_in_dim3A_774 : vector<16xi32>
        %scan3A_1172 = arith.constant 2 : i32
        %scan3A_1173 = arith.addi %scan3A_1164, %scan3A_1172 : i32
        %gather3A_1174 = tpu.vector_load_idx %arg5[%gather3A_1170] : memref<32768xi32, #tpu.memory_space<vmem>>[vector<16xi32>], vector<16xi32>,
        tpu.vector_store_idx %arg6[%gather3A_1174], %add3A_1171 : memref<32768xi32, #tpu.memory_space<vmem>>[vector<16xi32>], vector<16xi32>,
        %add3A_1175 = arith.addi %add3A_1171, %broadcast_in_dim3A_774 : vector<16xi32>
        %scan3A_1176 = arith.constant 3 : i32
        %scan3A_1177 = arith.addi %scan3A_1164, %scan3A_1176 : i32
        %gather3A_1178 = tpu.vector_load_idx %arg5[%gather3A_1174] : memref<32768xi32, #tpu.memory_space<vmem>>[vector<16xi32>], vector<16xi32>,
        tpu.vector_store_idx %arg6[%gather3A_1178], %add3A_1175 : memref<32768xi32, #tpu.memory_space<vmem>>[vector<16xi32>], vector<16xi32>,
        %add3A_1179 = arith.addi %add3A_1175, %broadcast_in_dim3A_774 : vector<16xi32>
        %scan3A_1180 = arith.constant 4 : i32
        %scan3A_1181 = arith.addi %scan3A_1164, %scan3A_1180 : i32
        %gather3A_1182 = tpu.vector_load_idx %arg5[%gather3A_1178] : memref<32768xi32, #tpu.memory_space<vmem>>[vector<16xi32>], vector<16xi32>,
        tpu.vector_store_idx %arg6[%gather3A_1182], %add3A_1179 : memref<32768xi32, #tpu.memory_space<vmem>>[vector<16xi32>], vector<16xi32>,
        %add3A_1183 = arith.addi %add3A_1179, %broadcast_in_dim3A_774 : vector<16xi32>
        %scan3A_1184 = arith.constant 5 : i32
        %scan3A_1185 = arith.addi %scan3A_1164, %scan3A_1184 : i32
        %gather3A_1186 = tpu.vector_load_idx %arg5[%gather3A_1182] : memref<32768xi32, #tpu.memory_space<vmem>>[vector<16xi32>], vector<16xi32>,
        tpu.vector_store_idx %arg6[%gather3A_1186], %add3A_1183 : memref<32768xi32, #tpu.memory_space<vmem>>[vector<16xi32>], vector<16xi32>,
        %add3A_1187 = arith.addi %add3A_1183, %broadcast_in_dim3A_774 : vector<16xi32>
        %scan3A_1188 = arith.constant 6 : i32
        %scan3A_1189 = arith.addi %scan3A_1164, %scan3A_1188 : i32
        %gather3A_1190 = tpu.vector_load_idx %arg5[%gather3A_1186] : memref<32768xi32, #tpu.memory_space<vmem>>[vector<16xi32>], vector<16xi32>,
        tpu.vector_store_idx %arg6[%gather3A_1190], %add3A_1187 : memref<32768xi32, #tpu.memory_space<vmem>>[vector<16xi32>], vector<16xi32>,
        %add3A_1191 = arith.addi %add3A_1187, %broadcast_in_dim3A_774 : vector<16xi32>
        %scan3A_1192 = arith.constant 7 : i32
        %scan3A_1193 = arith.addi %scan3A_1164, %scan3A_1192 : i32
        %gather3A_1194 = tpu.vector_load_idx %arg5[%gather3A_1190] : memref<32768xi32, #tpu.memory_space<vmem>>[vector<16xi32>], vector<16xi32>,
        tpu.vector_store_idx %arg6[%gather3A_1194], %add3A_1191 : memref<32768xi32, #tpu.memory_space<vmem>>[vector<16xi32>], vector<16xi32>,
        %add3A_1195 = arith.addi %add3A_1191, %broadcast_in_dim3A_774 : vector<16xi32>
        scf.yield %gather3A_1194, %add3A_1195 : vector<16xi32>, vector<16xi32>
      }
      %scan3A_779 = arith.constant 2048 : i32
      %add3A_780 = arith.constant 0 : i32
      %add3A_781 = arith.addi %mul3A_4, %add3A_780 : i32
      %dma_start3A_782 = arith.constant 0 : i32
      %dma_start3A_783 = tpu.memref_slice %arg6[%dma_start3A_782] : memref<32768xi32, #tpu.memory_space<vmem>> -> memref<2048xi32, #tpu.memory_space<vmem>>
      %dma_start3A_784 = arith.constant 0 : i32
      %dma_start3A_785 = tpu.memref_slice %arg4[%add3A_781, %dma_start3A_784] : memref<64x2048xi32, #tpu.memory_space<hbm>> -> memref<1x2048xi32, #tpu.memory_space<hbm>>
      %dma_start3A_786 = tpu.memref_squeeze %dma_start3A_785 : memref<1x2048xi32, #tpu.memory_space<hbm>> -> memref<2048xi32, #tpu.memory_space<hbm>>
      %dma_start3A_787 = arith.constant 0 : i32
      %dma_start3A_788 = tpu.memref_slice %arg4[%add3A_781, %dma_start3A_787] : memref<64x2048xi32, #tpu.memory_space<hbm>> -> memref<1x2048xi32, #tpu.memory_space<hbm>>
      %dma_start3A_789 = tpu.memref_squeeze %dma_start3A_788 : memref<1x2048xi32, #tpu.memory_space<hbm>> -> memref<2048xi32, #tpu.memory_space<hbm>>
      %dma_start3A_790 = arith.constant 0 : i32
      %dma_start3A_791 = tpu.memref_slice %arg6[%dma_start3A_790] : memref<32768xi32, #tpu.memory_space<vmem>> -> memref<2048xi32, #tpu.memory_space<vmem>>
      tpu.enqueue_dma source(%dma_start3A_791 : memref<2048xi32, #tpu.memory_space<vmem>>) target(%dma_start3A_789 : memref<2048xi32, #tpu.memory_space<hbm>>) target_semaphore(%arg7 : memref<!tpu.dma_semaphore, #tpu.memory_space<semaphore_mem>>)
      %add3A_792 = arith.constant 1 : i32
      %add3A_793 = arith.addi %mul3A_4, %add3A_792 : i32
      %dma_start3A_794 = arith.constant 2048 : i32
      %dma_start3A_795 = tpu.memref_slice %arg6[%dma_start3A_794] : memref<32768xi32, #tpu.memory_space<vmem>> -> memref<2048xi32, #tpu.memory_space<vmem>>
      %dma_start3A_796 = arith.constant 0 : i32
      %dma_start3A_797 = tpu.memref_slice %arg4[%add3A_793, %dma_start3A_796] : memref<64x2048xi32, #tpu.memory_space<hbm>> -> memref<1x2048xi32, #tpu.memory_space<hbm>>
      %dma_start3A_798 = tpu.memref_squeeze %dma_start3A_797 : memref<1x2048xi32, #tpu.memory_space<hbm>> -> memref<2048xi32, #tpu.memory_space<hbm>>
      %dma_start3A_799 = arith.constant 0 : i32
      %dma_start3A_800 = tpu.memref_slice %arg4[%add3A_793, %dma_start3A_799] : memref<64x2048xi32, #tpu.memory_space<hbm>> -> memref<1x2048xi32, #tpu.memory_space<hbm>>
      %dma_start3A_801 = tpu.memref_squeeze %dma_start3A_800 : memref<1x2048xi32, #tpu.memory_space<hbm>> -> memref<2048xi32, #tpu.memory_space<hbm>>
      %dma_start3A_802 = arith.constant 2048 : i32
      %dma_start3A_803 = tpu.memref_slice %arg6[%dma_start3A_802] : memref<32768xi32, #tpu.memory_space<vmem>> -> memref<2048xi32, #tpu.memory_space<vmem>>
      tpu.enqueue_dma source(%dma_start3A_803 : memref<2048xi32, #tpu.memory_space<vmem>>) target(%dma_start3A_801 : memref<2048xi32, #tpu.memory_space<hbm>>) target_semaphore(%arg7 : memref<!tpu.dma_semaphore, #tpu.memory_space<semaphore_mem>>)
      %add3A_804 = arith.constant 2 : i32
      %add3A_805 = arith.addi %mul3A_4, %add3A_804 : i32
      %dma_start3A_806 = arith.constant 4096 : i32
      %dma_start3A_807 = tpu.memref_slice %arg6[%dma_start3A_806] : memref<32768xi32, #tpu.memory_space<vmem>> -> memref<2048xi32, #tpu.memory_space<vmem>>
      %dma_start3A_808 = arith.constant 0 : i32
      %dma_start3A_809 = tpu.memref_slice %arg4[%add3A_805, %dma_start3A_808] : memref<64x2048xi32, #tpu.memory_space<hbm>> -> memref<1x2048xi32, #tpu.memory_space<hbm>>
      %dma_start3A_810 = tpu.memref_squeeze %dma_start3A_809 : memref<1x2048xi32, #tpu.memory_space<hbm>> -> memref<2048xi32, #tpu.memory_space<hbm>>
      %dma_start3A_811 = arith.constant 0 : i32
      %dma_start3A_812 = tpu.memref_slice %arg4[%add3A_805, %dma_start3A_811] : memref<64x2048xi32, #tpu.memory_space<hbm>> -> memref<1x2048xi32, #tpu.memory_space<hbm>>
      %dma_start3A_813 = tpu.memref_squeeze %dma_start3A_812 : memref<1x2048xi32, #tpu.memory_space<hbm>> -> memref<2048xi32, #tpu.memory_space<hbm>>
      %dma_start3A_814 = arith.constant 4096 : i32
      %dma_start3A_815 = tpu.memref_slice %arg6[%dma_start3A_814] : memref<32768xi32, #tpu.memory_space<vmem>> -> memref<2048xi32, #tpu.memory_space<vmem>>
      tpu.enqueue_dma source(%dma_start3A_815 : memref<2048xi32, #tpu.memory_space<vmem>>) target(%dma_start3A_813 : memref<2048xi32, #tpu.memory_space<hbm>>) target_semaphore(%arg7 : memref<!tpu.dma_semaphore, #tpu.memory_space<semaphore_mem>>)
      %add3A_816 = arith.constant 3 : i32
      %add3A_817 = arith.addi %mul3A_4, %add3A_816 : i32
      %dma_start3A_818 = arith.constant 6144 : i32
      %dma_start3A_819 = tpu.memref_slice %arg6[%dma_start3A_818] : memref<32768xi32, #tpu.memory_space<vmem>> -> memref<2048xi32, #tpu.memory_space<vmem>>
      %dma_start3A_820 = arith.constant 0 : i32
      %dma_start3A_821 = tpu.memref_slice %arg4[%add3A_817, %dma_start3A_820] : memref<64x2048xi32, #tpu.memory_space<hbm>> -> memref<1x2048xi32, #tpu.memory_space<hbm>>
      %dma_start3A_822 = tpu.memref_squeeze %dma_start3A_821 : memref<1x2048xi32, #tpu.memory_space<hbm>> -> memref<2048xi32, #tpu.memory_space<hbm>>
      %dma_start3A_823 = arith.constant 0 : i32
      %dma_start3A_824 = tpu.memref_slice %arg4[%add3A_817, %dma_start3A_823] : memref<64x2048xi32, #tpu.memory_space<hbm>> -> memref<1x2048xi32, #tpu.memory_space<hbm>>
      %dma_start3A_825 = tpu.memref_squeeze %dma_start3A_824 : memref<1x2048xi32, #tpu.memory_space<hbm>> -> memref<2048xi32, #tpu.memory_space<hbm>>
      %dma_start3A_826 = arith.constant 6144 : i32
      %dma_start3A_827 = tpu.memref_slice %arg6[%dma_start3A_826] : memref<32768xi32, #tpu.memory_space<vmem>> -> memref<2048xi32, #tpu.memory_space<vmem>>
      tpu.enqueue_dma source(%dma_start3A_827 : memref<2048xi32, #tpu.memory_space<vmem>>) target(%dma_start3A_825 : memref<2048xi32, #tpu.memory_space<hbm>>) target_semaphore(%arg7 : memref<!tpu.dma_semaphore, #tpu.memory_space<semaphore_mem>>)
      %add3A_828 = arith.constant 4 : i32
      %add3A_829 = arith.addi %mul3A_4, %add3A_828 : i32
      %dma_start3A_830 = arith.constant 8192 : i32
      %dma_start3A_831 = tpu.memref_slice %arg6[%dma_start3A_830] : memref<32768xi32, #tpu.memory_space<vmem>> -> memref<2048xi32, #tpu.memory_space<vmem>>
      %dma_start3A_832 = arith.constant 0 : i32
      %dma_start3A_833 = tpu.memref_slice %arg4[%add3A_829, %dma_start3A_832] : memref<64x2048xi32, #tpu.memory_space<hbm>> -> memref<1x2048xi32, #tpu.memory_space<hbm>>
      %dma_start3A_834 = tpu.memref_squeeze %dma_start3A_833 : memref<1x2048xi32, #tpu.memory_space<hbm>> -> memref<2048xi32, #tpu.memory_space<hbm>>
      %dma_start3A_835 = arith.constant 0 : i32
      %dma_start3A_836 = tpu.memref_slice %arg4[%add3A_829, %dma_start3A_835] : memref<64x2048xi32, #tpu.memory_space<hbm>> -> memref<1x2048xi32, #tpu.memory_space<hbm>>
      %dma_start3A_837 = tpu.memref_squeeze %dma_start3A_836 : memref<1x2048xi32, #tpu.memory_space<hbm>> -> memref<2048xi32, #tpu.memory_space<hbm>>
      %dma_start3A_838 = arith.constant 8192 : i32
      %dma_start3A_839 = tpu.memref_slice %arg6[%dma_start3A_838] : memref<32768xi32, #tpu.memory_space<vmem>> -> memref<2048xi32, #tpu.memory_space<vmem>>
      tpu.enqueue_dma source(%dma_start3A_839 : memref<2048xi32, #tpu.memory_space<vmem>>) target(%dma_start3A_837 : memref<2048xi32, #tpu.memory_space<hbm>>) target_semaphore(%arg7 : memref<!tpu.dma_semaphore, #tpu.memory_space<semaphore_mem>>)
      %add3A_840 = arith.constant 5 : i32
      %add3A_841 = arith.addi %mul3A_4, %add3A_840 : i32
      %dma_start3A_842 = arith.constant 10240 : i32
      %dma_start3A_843 = tpu.memref_slice %arg6[%dma_start3A_842] : memref<32768xi32, #tpu.memory_space<vmem>> -> memref<2048xi32, #tpu.memory_space<vmem>>
      %dma_start3A_844 = arith.constant 0 : i32
      %dma_start3A_845 = tpu.memref_slice %arg4[%add3A_841, %dma_start3A_844] : memref<64x2048xi32, #tpu.memory_space<hbm>> -> memref<1x2048xi32, #tpu.memory_space<hbm>>
      %dma_start3A_846 = tpu.memref_squeeze %dma_start3A_845 : memref<1x2048xi32, #tpu.memory_space<hbm>> -> memref<2048xi32, #tpu.memory_space<hbm>>
      %dma_start3A_847 = arith.constant 0 : i32
      %dma_start3A_848 = tpu.memref_slice %arg4[%add3A_841, %dma_start3A_847] : memref<64x2048xi32, #tpu.memory_space<hbm>> -> memref<1x2048xi32, #tpu.memory_space<hbm>>
      %dma_start3A_849 = tpu.memref_squeeze %dma_start3A_848 : memref<1x2048xi32, #tpu.memory_space<hbm>> -> memref<2048xi32, #tpu.memory_space<hbm>>
      %dma_start3A_850 = arith.constant 10240 : i32
      %dma_start3A_851 = tpu.memref_slice %arg6[%dma_start3A_850] : memref<32768xi32, #tpu.memory_space<vmem>> -> memref<2048xi32, #tpu.memory_space<vmem>>
      tpu.enqueue_dma source(%dma_start3A_851 : memref<2048xi32, #tpu.memory_space<vmem>>) target(%dma_start3A_849 : memref<2048xi32, #tpu.memory_space<hbm>>) target_semaphore(%arg7 : memref<!tpu.dma_semaphore, #tpu.memory_space<semaphore_mem>>)
      %add3A_852 = arith.constant 6 : i32
      %add3A_853 = arith.addi %mul3A_4, %add3A_852 : i32
      %dma_start3A_854 = arith.constant 12288 : i32
      %dma_start3A_855 = tpu.memref_slice %arg6[%dma_start3A_854] : memref<32768xi32, #tpu.memory_space<vmem>> -> memref<2048xi32, #tpu.memory_space<vmem>>
      %dma_start3A_856 = arith.constant 0 : i32
      %dma_start3A_857 = tpu.memref_slice %arg4[%add3A_853, %dma_start3A_856] : memref<64x2048xi32, #tpu.memory_space<hbm>> -> memref<1x2048xi32, #tpu.memory_space<hbm>>
      %dma_start3A_858 = tpu.memref_squeeze %dma_start3A_857 : memref<1x2048xi32, #tpu.memory_space<hbm>> -> memref<2048xi32, #tpu.memory_space<hbm>>
      %dma_start3A_859 = arith.constant 0 : i32
      %dma_start3A_860 = tpu.memref_slice %arg4[%add3A_853, %dma_start3A_859] : memref<64x2048xi32, #tpu.memory_space<hbm>> -> memref<1x2048xi32, #tpu.memory_space<hbm>>
      %dma_start3A_861 = tpu.memref_squeeze %dma_start3A_860 : memref<1x2048xi32, #tpu.memory_space<hbm>> -> memref<2048xi32, #tpu.memory_space<hbm>>
      %dma_start3A_862 = arith.constant 12288 : i32
      %dma_start3A_863 = tpu.memref_slice %arg6[%dma_start3A_862] : memref<32768xi32, #tpu.memory_space<vmem>> -> memref<2048xi32, #tpu.memory_space<vmem>>
      tpu.enqueue_dma source(%dma_start3A_863 : memref<2048xi32, #tpu.memory_space<vmem>>) target(%dma_start3A_861 : memref<2048xi32, #tpu.memory_space<hbm>>) target_semaphore(%arg7 : memref<!tpu.dma_semaphore, #tpu.memory_space<semaphore_mem>>)
      %add3A_864 = arith.constant 7 : i32
      %add3A_865 = arith.addi %mul3A_4, %add3A_864 : i32
      %dma_start3A_866 = arith.constant 14336 : i32
      %dma_start3A_867 = tpu.memref_slice %arg6[%dma_start3A_866] : memref<32768xi32, #tpu.memory_space<vmem>> -> memref<2048xi32, #tpu.memory_space<vmem>>
      %dma_start3A_868 = arith.constant 0 : i32
      %dma_start3A_869 = tpu.memref_slice %arg4[%add3A_865, %dma_start3A_868] : memref<64x2048xi32, #tpu.memory_space<hbm>> -> memref<1x2048xi32, #tpu.memory_space<hbm>>
      %dma_start3A_870 = tpu.memref_squeeze %dma_start3A_869 : memref<1x2048xi32, #tpu.memory_space<hbm>> -> memref<2048xi32, #tpu.memory_space<hbm>>
      %dma_start3A_871 = arith.constant 0 : i32
      %dma_start3A_872 = tpu.memref_slice %arg4[%add3A_865, %dma_start3A_871] : memref<64x2048xi32, #tpu.memory_space<hbm>> -> memref<1x2048xi32, #tpu.memory_space<hbm>>
      %dma_start3A_873 = tpu.memref_squeeze %dma_start3A_872 : memref<1x2048xi32, #tpu.memory_space<hbm>> -> memref<2048xi32, #tpu.memory_space<hbm>>
      %dma_start3A_874 = arith.constant 14336 : i32
      %dma_start3A_875 = tpu.memref_slice %arg6[%dma_start3A_874] : memref<32768xi32, #tpu.memory_space<vmem>> -> memref<2048xi32, #tpu.memory_space<vmem>>
      tpu.enqueue_dma source(%dma_start3A_875 : memref<2048xi32, #tpu.memory_space<vmem>>) target(%dma_start3A_873 : memref<2048xi32, #tpu.memory_space<hbm>>) target_semaphore(%arg7 : memref<!tpu.dma_semaphore, #tpu.memory_space<semaphore_mem>>)
      %add3A_876 = arith.constant 8 : i32
      %add3A_877 = arith.addi %mul3A_4, %add3A_876 : i32
      %dma_start3A_878 = arith.constant 16384 : i32
      %dma_start3A_879 = tpu.memref_slice %arg6[%dma_start3A_878] : memref<32768xi32, #tpu.memory_space<vmem>> -> memref<2048xi32, #tpu.memory_space<vmem>>
      %dma_start3A_880 = arith.constant 0 : i32
      %dma_start3A_881 = tpu.memref_slice %arg4[%add3A_877, %dma_start3A_880] : memref<64x2048xi32, #tpu.memory_space<hbm>> -> memref<1x2048xi32, #tpu.memory_space<hbm>>
      %dma_start3A_882 = tpu.memref_squeeze %dma_start3A_881 : memref<1x2048xi32, #tpu.memory_space<hbm>> -> memref<2048xi32, #tpu.memory_space<hbm>>
      %dma_start3A_883 = arith.constant 0 : i32
      %dma_start3A_884 = tpu.memref_slice %arg4[%add3A_877, %dma_start3A_883] : memref<64x2048xi32, #tpu.memory_space<hbm>> -> memref<1x2048xi32, #tpu.memory_space<hbm>>
      %dma_start3A_885 = tpu.memref_squeeze %dma_start3A_884 : memref<1x2048xi32, #tpu.memory_space<hbm>> -> memref<2048xi32, #tpu.memory_space<hbm>>
      %dma_start3A_886 = arith.constant 16384 : i32
      %dma_start3A_887 = tpu.memref_slice %arg6[%dma_start3A_886] : memref<32768xi32, #tpu.memory_space<vmem>> -> memref<2048xi32, #tpu.memory_space<vmem>>
      tpu.enqueue_dma source(%dma_start3A_887 : memref<2048xi32, #tpu.memory_space<vmem>>) target(%dma_start3A_885 : memref<2048xi32, #tpu.memory_space<hbm>>) target_semaphore(%arg7 : memref<!tpu.dma_semaphore, #tpu.memory_space<semaphore_mem>>)
      %add3A_888 = arith.constant 9 : i32
      %add3A_889 = arith.addi %mul3A_4, %add3A_888 : i32
      %dma_start3A_890 = arith.constant 18432 : i32
      %dma_start3A_891 = tpu.memref_slice %arg6[%dma_start3A_890] : memref<32768xi32, #tpu.memory_space<vmem>> -> memref<2048xi32, #tpu.memory_space<vmem>>
      %dma_start3A_892 = arith.constant 0 : i32
      %dma_start3A_893 = tpu.memref_slice %arg4[%add3A_889, %dma_start3A_892] : memref<64x2048xi32, #tpu.memory_space<hbm>> -> memref<1x2048xi32, #tpu.memory_space<hbm>>
      %dma_start3A_894 = tpu.memref_squeeze %dma_start3A_893 : memref<1x2048xi32, #tpu.memory_space<hbm>> -> memref<2048xi32, #tpu.memory_space<hbm>>
      %dma_start3A_895 = arith.constant 0 : i32
      %dma_start3A_896 = tpu.memref_slice %arg4[%add3A_889, %dma_start3A_895] : memref<64x2048xi32, #tpu.memory_space<hbm>> -> memref<1x2048xi32, #tpu.memory_space<hbm>>
      %dma_start3A_897 = tpu.memref_squeeze %dma_start3A_896 : memref<1x2048xi32, #tpu.memory_space<hbm>> -> memref<2048xi32, #tpu.memory_space<hbm>>
      %dma_start3A_898 = arith.constant 18432 : i32
      %dma_start3A_899 = tpu.memref_slice %arg6[%dma_start3A_898] : memref<32768xi32, #tpu.memory_space<vmem>> -> memref<2048xi32, #tpu.memory_space<vmem>>
      tpu.enqueue_dma source(%dma_start3A_899 : memref<2048xi32, #tpu.memory_space<vmem>>) target(%dma_start3A_897 : memref<2048xi32, #tpu.memory_space<hbm>>) target_semaphore(%arg7 : memref<!tpu.dma_semaphore, #tpu.memory_space<semaphore_mem>>)
      %add3A_900 = arith.constant 10 : i32
      %add3A_901 = arith.addi %mul3A_4, %add3A_900 : i32
      %dma_start3A_902 = arith.constant 20480 : i32
      %dma_start3A_903 = tpu.memref_slice %arg6[%dma_start3A_902] : memref<32768xi32, #tpu.memory_space<vmem>> -> memref<2048xi32, #tpu.memory_space<vmem>>
      %dma_start3A_904 = arith.constant 0 : i32
      %dma_start3A_905 = tpu.memref_slice %arg4[%add3A_901, %dma_start3A_904] : memref<64x2048xi32, #tpu.memory_space<hbm>> -> memref<1x2048xi32, #tpu.memory_space<hbm>>
      %dma_start3A_906 = tpu.memref_squeeze %dma_start3A_905 : memref<1x2048xi32, #tpu.memory_space<hbm>> -> memref<2048xi32, #tpu.memory_space<hbm>>
      %dma_start3A_907 = arith.constant 0 : i32
      %dma_start3A_908 = tpu.memref_slice %arg4[%add3A_901, %dma_start3A_907] : memref<64x2048xi32, #tpu.memory_space<hbm>> -> memref<1x2048xi32, #tpu.memory_space<hbm>>
      %dma_start3A_909 = tpu.memref_squeeze %dma_start3A_908 : memref<1x2048xi32, #tpu.memory_space<hbm>> -> memref<2048xi32, #tpu.memory_space<hbm>>
      %dma_start3A_910 = arith.constant 20480 : i32
      %dma_start3A_911 = tpu.memref_slice %arg6[%dma_start3A_910] : memref<32768xi32, #tpu.memory_space<vmem>> -> memref<2048xi32, #tpu.memory_space<vmem>>
      tpu.enqueue_dma source(%dma_start3A_911 : memref<2048xi32, #tpu.memory_space<vmem>>) target(%dma_start3A_909 : memref<2048xi32, #tpu.memory_space<hbm>>) target_semaphore(%arg7 : memref<!tpu.dma_semaphore, #tpu.memory_space<semaphore_mem>>)
      %add3A_912 = arith.constant 11 : i32
      %add3A_913 = arith.addi %mul3A_4, %add3A_912 : i32
      %dma_start3A_914 = arith.constant 22528 : i32
      %dma_start3A_915 = tpu.memref_slice %arg6[%dma_start3A_914] : memref<32768xi32, #tpu.memory_space<vmem>> -> memref<2048xi32, #tpu.memory_space<vmem>>
      %dma_start3A_916 = arith.constant 0 : i32
      %dma_start3A_917 = tpu.memref_slice %arg4[%add3A_913, %dma_start3A_916] : memref<64x2048xi32, #tpu.memory_space<hbm>> -> memref<1x2048xi32, #tpu.memory_space<hbm>>
      %dma_start3A_918 = tpu.memref_squeeze %dma_start3A_917 : memref<1x2048xi32, #tpu.memory_space<hbm>> -> memref<2048xi32, #tpu.memory_space<hbm>>
      %dma_start3A_919 = arith.constant 0 : i32
      %dma_start3A_920 = tpu.memref_slice %arg4[%add3A_913, %dma_start3A_919] : memref<64x2048xi32, #tpu.memory_space<hbm>> -> memref<1x2048xi32, #tpu.memory_space<hbm>>
      %dma_start3A_921 = tpu.memref_squeeze %dma_start3A_920 : memref<1x2048xi32, #tpu.memory_space<hbm>> -> memref<2048xi32, #tpu.memory_space<hbm>>
      %dma_start3A_922 = arith.constant 22528 : i32
      %dma_start3A_923 = tpu.memref_slice %arg6[%dma_start3A_922] : memref<32768xi32, #tpu.memory_space<vmem>> -> memref<2048xi32, #tpu.memory_space<vmem>>
      tpu.enqueue_dma source(%dma_start3A_923 : memref<2048xi32, #tpu.memory_space<vmem>>) target(%dma_start3A_921 : memref<2048xi32, #tpu.memory_space<hbm>>) target_semaphore(%arg7 : memref<!tpu.dma_semaphore, #tpu.memory_space<semaphore_mem>>)
      %add3A_924 = arith.constant 12 : i32
      %add3A_925 = arith.addi %mul3A_4, %add3A_924 : i32
      %dma_start3A_926 = arith.constant 24576 : i32
      %dma_start3A_927 = tpu.memref_slice %arg6[%dma_start3A_926] : memref<32768xi32, #tpu.memory_space<vmem>> -> memref<2048xi32, #tpu.memory_space<vmem>>
      %dma_start3A_928 = arith.constant 0 : i32
      %dma_start3A_929 = tpu.memref_slice %arg4[%add3A_925, %dma_start3A_928] : memref<64x2048xi32, #tpu.memory_space<hbm>> -> memref<1x2048xi32, #tpu.memory_space<hbm>>
      %dma_start3A_930 = tpu.memref_squeeze %dma_start3A_929 : memref<1x2048xi32, #tpu.memory_space<hbm>> -> memref<2048xi32, #tpu.memory_space<hbm>>
      %dma_start3A_931 = arith.constant 0 : i32
      %dma_start3A_932 = tpu.memref_slice %arg4[%add3A_925, %dma_start3A_931] : memref<64x2048xi32, #tpu.memory_space<hbm>> -> memref<1x2048xi32, #tpu.memory_space<hbm>>
      %dma_start3A_933 = tpu.memref_squeeze %dma_start3A_932 : memref<1x2048xi32, #tpu.memory_space<hbm>> -> memref<2048xi32, #tpu.memory_space<hbm>>
      %dma_start3A_934 = arith.constant 24576 : i32
      %dma_start3A_935 = tpu.memref_slice %arg6[%dma_start3A_934] : memref<32768xi32, #tpu.memory_space<vmem>> -> memref<2048xi32, #tpu.memory_space<vmem>>
      tpu.enqueue_dma source(%dma_start3A_935 : memref<2048xi32, #tpu.memory_space<vmem>>) target(%dma_start3A_933 : memref<2048xi32, #tpu.memory_space<hbm>>) target_semaphore(%arg7 : memref<!tpu.dma_semaphore, #tpu.memory_space<semaphore_mem>>)
      %add3A_936 = arith.constant 13 : i32
      %add3A_937 = arith.addi %mul3A_4, %add3A_936 : i32
      %dma_start3A_938 = arith.constant 26624 : i32
      %dma_start3A_939 = tpu.memref_slice %arg6[%dma_start3A_938] : memref<32768xi32, #tpu.memory_space<vmem>> -> memref<2048xi32, #tpu.memory_space<vmem>>
      %dma_start3A_940 = arith.constant 0 : i32
      %dma_start3A_941 = tpu.memref_slice %arg4[%add3A_937, %dma_start3A_940] : memref<64x2048xi32, #tpu.memory_space<hbm>> -> memref<1x2048xi32, #tpu.memory_space<hbm>>
      %dma_start3A_942 = tpu.memref_squeeze %dma_start3A_941 : memref<1x2048xi32, #tpu.memory_space<hbm>> -> memref<2048xi32, #tpu.memory_space<hbm>>
      %dma_start3A_943 = arith.constant 0 : i32
      %dma_start3A_944 = tpu.memref_slice %arg4[%add3A_937, %dma_start3A_943] : memref<64x2048xi32, #tpu.memory_space<hbm>> -> memref<1x2048xi32, #tpu.memory_space<hbm>>
      %dma_start3A_945 = tpu.memref_squeeze %dma_start3A_944 : memref<1x2048xi32, #tpu.memory_space<hbm>> -> memref<2048xi32, #tpu.memory_space<hbm>>
      %dma_start3A_946 = arith.constant 26624 : i32
      %dma_start3A_947 = tpu.memref_slice %arg6[%dma_start3A_946] : memref<32768xi32, #tpu.memory_space<vmem>> -> memref<2048xi32, #tpu.memory_space<vmem>>
      tpu.enqueue_dma source(%dma_start3A_947 : memref<2048xi32, #tpu.memory_space<vmem>>) target(%dma_start3A_945 : memref<2048xi32, #tpu.memory_space<hbm>>) target_semaphore(%arg7 : memref<!tpu.dma_semaphore, #tpu.memory_space<semaphore_mem>>)
      %add3A_948 = arith.constant 14 : i32
      %add3A_949 = arith.addi %mul3A_4, %add3A_948 : i32
      %dma_start3A_950 = arith.constant 28672 : i32
      %dma_start3A_951 = tpu.memref_slice %arg6[%dma_start3A_950] : memref<32768xi32, #tpu.memory_space<vmem>> -> memref<2048xi32, #tpu.memory_space<vmem>>
      %dma_start3A_952 = arith.constant 0 : i32
      %dma_start3A_953 = tpu.memref_slice %arg4[%add3A_949, %dma_start3A_952] : memref<64x2048xi32, #tpu.memory_space<hbm>> -> memref<1x2048xi32, #tpu.memory_space<hbm>>
      %dma_start3A_954 = tpu.memref_squeeze %dma_start3A_953 : memref<1x2048xi32, #tpu.memory_space<hbm>> -> memref<2048xi32, #tpu.memory_space<hbm>>
      %dma_start3A_955 = arith.constant 0 : i32
      %dma_start3A_956 = tpu.memref_slice %arg4[%add3A_949, %dma_start3A_955] : memref<64x2048xi32, #tpu.memory_space<hbm>> -> memref<1x2048xi32, #tpu.memory_space<hbm>>
      %dma_start3A_957 = tpu.memref_squeeze %dma_start3A_956 : memref<1x2048xi32, #tpu.memory_space<hbm>> -> memref<2048xi32, #tpu.memory_space<hbm>>
      %dma_start3A_958 = arith.constant 28672 : i32
      %dma_start3A_959 = tpu.memref_slice %arg6[%dma_start3A_958] : memref<32768xi32, #tpu.memory_space<vmem>> -> memref<2048xi32, #tpu.memory_space<vmem>>
      tpu.enqueue_dma source(%dma_start3A_959 : memref<2048xi32, #tpu.memory_space<vmem>>) target(%dma_start3A_957 : memref<2048xi32, #tpu.memory_space<hbm>>) target_semaphore(%arg7 : memref<!tpu.dma_semaphore, #tpu.memory_space<semaphore_mem>>)
      %add3A_960 = arith.constant 15 : i32
      %add3A_961 = arith.addi %mul3A_4, %add3A_960 : i32
      %dma_start3A_962 = arith.constant 30720 : i32
      %dma_start3A_963 = tpu.memref_slice %arg6[%dma_start3A_962] : memref<32768xi32, #tpu.memory_space<vmem>> -> memref<2048xi32, #tpu.memory_space<vmem>>
      %dma_start3A_964 = arith.constant 0 : i32
      %dma_start3A_965 = tpu.memref_slice %arg4[%add3A_961, %dma_start3A_964] : memref<64x2048xi32, #tpu.memory_space<hbm>> -> memref<1x2048xi32, #tpu.memory_space<hbm>>
      %dma_start3A_966 = tpu.memref_squeeze %dma_start3A_965 : memref<1x2048xi32, #tpu.memory_space<hbm>> -> memref<2048xi32, #tpu.memory_space<hbm>>
      %dma_start3A_967 = arith.constant 0 : i32
      %dma_start3A_968 = tpu.memref_slice %arg4[%add3A_961, %dma_start3A_967] : memref<64x2048xi32, #tpu.memory_space<hbm>> -> memref<1x2048xi32, #tpu.memory_space<hbm>>
      %dma_start3A_969 = tpu.memref_squeeze %dma_start3A_968 : memref<1x2048xi32, #tpu.memory_space<hbm>> -> memref<2048xi32, #tpu.memory_space<hbm>>
      %dma_start3A_970 = arith.constant 30720 : i32
      %dma_start3A_971 = tpu.memref_slice %arg6[%dma_start3A_970] : memref<32768xi32, #tpu.memory_space<vmem>> -> memref<2048xi32, #tpu.memory_space<vmem>>
      tpu.enqueue_dma source(%dma_start3A_971 : memref<2048xi32, #tpu.memory_space<vmem>>) target(%dma_start3A_969 : memref<2048xi32, #tpu.memory_space<hbm>>) target_semaphore(%arg7 : memref<!tpu.dma_semaphore, #tpu.memory_space<semaphore_mem>>)
      %add3A_972 = arith.constant 0 : i32
      %add3A_973 = arith.addi %mul3A_4, %add3A_972 : i32
      %dma_wait3A_974 = arith.constant 0 : i32
      %dma_wait3A_975 = tpu.memref_slice %arg6[%dma_wait3A_974] : memref<32768xi32, #tpu.memory_space<vmem>> -> memref<2048xi32, #tpu.memory_space<vmem>>
      %dma_wait3A_976 = arith.constant 0 : i32
      %dma_wait3A_977 = tpu.memref_slice %arg4[%add3A_973, %dma_wait3A_976] : memref<64x2048xi32, #tpu.memory_space<hbm>> -> memref<1x2048xi32, #tpu.memory_space<hbm>>
      %dma_wait3A_978 = tpu.memref_squeeze %dma_wait3A_977 : memref<1x2048xi32, #tpu.memory_space<hbm>> -> memref<2048xi32, #tpu.memory_space<hbm>>
      %dma_wait3A_979 = arith.constant 0 : i32
      %dma_wait3A_980 = tpu.memref_slice %arg4[%add3A_973, %dma_wait3A_979] : memref<64x2048xi32, #tpu.memory_space<hbm>> -> memref<1x2048xi32, #tpu.memory_space<hbm>>
      %dma_wait3A_981 = tpu.memref_squeeze %dma_wait3A_980 : memref<1x2048xi32, #tpu.memory_space<hbm>> -> memref<2048xi32, #tpu.memory_space<hbm>>
      %dma_wait3A_982 = arith.constant 0 : i32
      %dma_wait3A_983 = tpu.memref_slice %arg6[%dma_wait3A_982] : memref<32768xi32, #tpu.memory_space<vmem>> -> memref<2048xi32, #tpu.memory_space<vmem>>
      tpu.wait_dma2 semaphore(%arg7 : memref<!tpu.dma_semaphore, #tpu.memory_space<semaphore_mem>>) src(%dma_wait3A_983 : memref<2048xi32, #tpu.memory_space<vmem>>) dst(%dma_wait3A_981 : memref<2048xi32, #tpu.memory_space<hbm>>)
      %add3A_984 = arith.constant 1 : i32
      %add3A_985 = arith.addi %mul3A_4, %add3A_984 : i32
      %dma_wait3A_986 = arith.constant 2048 : i32
      %dma_wait3A_987 = tpu.memref_slice %arg6[%dma_wait3A_986] : memref<32768xi32, #tpu.memory_space<vmem>> -> memref<2048xi32, #tpu.memory_space<vmem>>
      %dma_wait3A_988 = arith.constant 0 : i32
      %dma_wait3A_989 = tpu.memref_slice %arg4[%add3A_985, %dma_wait3A_988] : memref<64x2048xi32, #tpu.memory_space<hbm>> -> memref<1x2048xi32, #tpu.memory_space<hbm>>
      %dma_wait3A_990 = tpu.memref_squeeze %dma_wait3A_989 : memref<1x2048xi32, #tpu.memory_space<hbm>> -> memref<2048xi32, #tpu.memory_space<hbm>>
      %dma_wait3A_991 = arith.constant 0 : i32
      %dma_wait3A_992 = tpu.memref_slice %arg4[%add3A_985, %dma_wait3A_991] : memref<64x2048xi32, #tpu.memory_space<hbm>> -> memref<1x2048xi32, #tpu.memory_space<hbm>>
      %dma_wait3A_993 = tpu.memref_squeeze %dma_wait3A_992 : memref<1x2048xi32, #tpu.memory_space<hbm>> -> memref<2048xi32, #tpu.memory_space<hbm>>
      %dma_wait3A_994 = arith.constant 2048 : i32
      %dma_wait3A_995 = tpu.memref_slice %arg6[%dma_wait3A_994] : memref<32768xi32, #tpu.memory_space<vmem>> -> memref<2048xi32, #tpu.memory_space<vmem>>
      tpu.wait_dma2 semaphore(%arg7 : memref<!tpu.dma_semaphore, #tpu.memory_space<semaphore_mem>>) src(%dma_wait3A_995 : memref<2048xi32, #tpu.memory_space<vmem>>) dst(%dma_wait3A_993 : memref<2048xi32, #tpu.memory_space<hbm>>)
      %add3A_996 = arith.constant 2 : i32
      %add3A_997 = arith.addi %mul3A_4, %add3A_996 : i32
      %dma_wait3A_998 = arith.constant 4096 : i32
      %dma_wait3A_999 = tpu.memref_slice %arg6[%dma_wait3A_998] : memref<32768xi32, #tpu.memory_space<vmem>> -> memref<2048xi32, #tpu.memory_space<vmem>>
      %dma_wait3A_1000 = arith.constant 0 : i32
      %dma_wait3A_1001 = tpu.memref_slice %arg4[%add3A_997, %dma_wait3A_1000] : memref<64x2048xi32, #tpu.memory_space<hbm>> -> memref<1x2048xi32, #tpu.memory_space<hbm>>
      %dma_wait3A_1002 = tpu.memref_squeeze %dma_wait3A_1001 : memref<1x2048xi32, #tpu.memory_space<hbm>> -> memref<2048xi32, #tpu.memory_space<hbm>>
      %dma_wait3A_1003 = arith.constant 0 : i32
      %dma_wait3A_1004 = tpu.memref_slice %arg4[%add3A_997, %dma_wait3A_1003] : memref<64x2048xi32, #tpu.memory_space<hbm>> -> memref<1x2048xi32, #tpu.memory_space<hbm>>
      %dma_wait3A_1005 = tpu.memref_squeeze %dma_wait3A_1004 : memref<1x2048xi32, #tpu.memory_space<hbm>> -> memref<2048xi32, #tpu.memory_space<hbm>>
      %dma_wait3A_1006 = arith.constant 4096 : i32
      %dma_wait3A_1007 = tpu.memref_slice %arg6[%dma_wait3A_1006] : memref<32768xi32, #tpu.memory_space<vmem>> -> memref<2048xi32, #tpu.memory_space<vmem>>
      tpu.wait_dma2 semaphore(%arg7 : memref<!tpu.dma_semaphore, #tpu.memory_space<semaphore_mem>>) src(%dma_wait3A_1007 : memref<2048xi32, #tpu.memory_space<vmem>>) dst(%dma_wait3A_1005 : memref<2048xi32, #tpu.memory_space<hbm>>)
      %add3A_1008 = arith.constant 3 : i32
      %add3A_1009 = arith.addi %mul3A_4, %add3A_1008 : i32
      %dma_wait3A_1010 = arith.constant 6144 : i32
      %dma_wait3A_1011 = tpu.memref_slice %arg6[%dma_wait3A_1010] : memref<32768xi32, #tpu.memory_space<vmem>> -> memref<2048xi32, #tpu.memory_space<vmem>>
      %dma_wait3A_1012 = arith.constant 0 : i32
      %dma_wait3A_1013 = tpu.memref_slice %arg4[%add3A_1009, %dma_wait3A_1012] : memref<64x2048xi32, #tpu.memory_space<hbm>> -> memref<1x2048xi32, #tpu.memory_space<hbm>>
      %dma_wait3A_1014 = tpu.memref_squeeze %dma_wait3A_1013 : memref<1x2048xi32, #tpu.memory_space<hbm>> -> memref<2048xi32, #tpu.memory_space<hbm>>
      %dma_wait3A_1015 = arith.constant 0 : i32
      %dma_wait3A_1016 = tpu.memref_slice %arg4[%add3A_1009, %dma_wait3A_1015] : memref<64x2048xi32, #tpu.memory_space<hbm>> -> memref<1x2048xi32, #tpu.memory_space<hbm>>
      %dma_wait3A_1017 = tpu.memref_squeeze %dma_wait3A_1016 : memref<1x2048xi32, #tpu.memory_space<hbm>> -> memref<2048xi32, #tpu.memory_space<hbm>>
      %dma_wait3A_1018 = arith.constant 6144 : i32
      %dma_wait3A_1019 = tpu.memref_slice %arg6[%dma_wait3A_1018] : memref<32768xi32, #tpu.memory_space<vmem>> -> memref<2048xi32, #tpu.memory_space<vmem>>
      tpu.wait_dma2 semaphore(%arg7 : memref<!tpu.dma_semaphore, #tpu.memory_space<semaphore_mem>>) src(%dma_wait3A_1019 : memref<2048xi32, #tpu.memory_space<vmem>>) dst(%dma_wait3A_1017 : memref<2048xi32, #tpu.memory_space<hbm>>)
      %add3A_1020 = arith.constant 4 : i32
      %add3A_1021 = arith.addi %mul3A_4, %add3A_1020 : i32
      %dma_wait3A_1022 = arith.constant 8192 : i32
      %dma_wait3A_1023 = tpu.memref_slice %arg6[%dma_wait3A_1022] : memref<32768xi32, #tpu.memory_space<vmem>> -> memref<2048xi32, #tpu.memory_space<vmem>>
      %dma_wait3A_1024 = arith.constant 0 : i32
      %dma_wait3A_1025 = tpu.memref_slice %arg4[%add3A_1021, %dma_wait3A_1024] : memref<64x2048xi32, #tpu.memory_space<hbm>> -> memref<1x2048xi32, #tpu.memory_space<hbm>>
      %dma_wait3A_1026 = tpu.memref_squeeze %dma_wait3A_1025 : memref<1x2048xi32, #tpu.memory_space<hbm>> -> memref<2048xi32, #tpu.memory_space<hbm>>
      %dma_wait3A_1027 = arith.constant 0 : i32
      %dma_wait3A_1028 = tpu.memref_slice %arg4[%add3A_1021, %dma_wait3A_1027] : memref<64x2048xi32, #tpu.memory_space<hbm>> -> memref<1x2048xi32, #tpu.memory_space<hbm>>
      %dma_wait3A_1029 = tpu.memref_squeeze %dma_wait3A_1028 : memref<1x2048xi32, #tpu.memory_space<hbm>> -> memref<2048xi32, #tpu.memory_space<hbm>>
      %dma_wait3A_1030 = arith.constant 8192 : i32
      %dma_wait3A_1031 = tpu.memref_slice %arg6[%dma_wait3A_1030] : memref<32768xi32, #tpu.memory_space<vmem>> -> memref<2048xi32, #tpu.memory_space<vmem>>
      tpu.wait_dma2 semaphore(%arg7 : memref<!tpu.dma_semaphore, #tpu.memory_space<semaphore_mem>>) src(%dma_wait3A_1031 : memref<2048xi32, #tpu.memory_space<vmem>>) dst(%dma_wait3A_1029 : memref<2048xi32, #tpu.memory_space<hbm>>)
      %add3A_1032 = arith.constant 5 : i32
      %add3A_1033 = arith.addi %mul3A_4, %add3A_1032 : i32
      %dma_wait3A_1034 = arith.constant 10240 : i32
      %dma_wait3A_1035 = tpu.memref_slice %arg6[%dma_wait3A_1034] : memref<32768xi32, #tpu.memory_space<vmem>> -> memref<2048xi32, #tpu.memory_space<vmem>>
      %dma_wait3A_1036 = arith.constant 0 : i32
      %dma_wait3A_1037 = tpu.memref_slice %arg4[%add3A_1033, %dma_wait3A_1036] : memref<64x2048xi32, #tpu.memory_space<hbm>> -> memref<1x2048xi32, #tpu.memory_space<hbm>>
      %dma_wait3A_1038 = tpu.memref_squeeze %dma_wait3A_1037 : memref<1x2048xi32, #tpu.memory_space<hbm>> -> memref<2048xi32, #tpu.memory_space<hbm>>
      %dma_wait3A_1039 = arith.constant 0 : i32
      %dma_wait3A_1040 = tpu.memref_slice %arg4[%add3A_1033, %dma_wait3A_1039] : memref<64x2048xi32, #tpu.memory_space<hbm>> -> memref<1x2048xi32, #tpu.memory_space<hbm>>
      %dma_wait3A_1041 = tpu.memref_squeeze %dma_wait3A_1040 : memref<1x2048xi32, #tpu.memory_space<hbm>> -> memref<2048xi32, #tpu.memory_space<hbm>>
      %dma_wait3A_1042 = arith.constant 10240 : i32
      %dma_wait3A_1043 = tpu.memref_slice %arg6[%dma_wait3A_1042] : memref<32768xi32, #tpu.memory_space<vmem>> -> memref<2048xi32, #tpu.memory_space<vmem>>
      tpu.wait_dma2 semaphore(%arg7 : memref<!tpu.dma_semaphore, #tpu.memory_space<semaphore_mem>>) src(%dma_wait3A_1043 : memref<2048xi32, #tpu.memory_space<vmem>>) dst(%dma_wait3A_1041 : memref<2048xi32, #tpu.memory_space<hbm>>)
      %add3A_1044 = arith.constant 6 : i32
      %add3A_1045 = arith.addi %mul3A_4, %add3A_1044 : i32
      %dma_wait3A_1046 = arith.constant 12288 : i32
      %dma_wait3A_1047 = tpu.memref_slice %arg6[%dma_wait3A_1046] : memref<32768xi32, #tpu.memory_space<vmem>> -> memref<2048xi32, #tpu.memory_space<vmem>>
      %dma_wait3A_1048 = arith.constant 0 : i32
      %dma_wait3A_1049 = tpu.memref_slice %arg4[%add3A_1045, %dma_wait3A_1048] : memref<64x2048xi32, #tpu.memory_space<hbm>> -> memref<1x2048xi32, #tpu.memory_space<hbm>>
      %dma_wait3A_1050 = tpu.memref_squeeze %dma_wait3A_1049 : memref<1x2048xi32, #tpu.memory_space<hbm>> -> memref<2048xi32, #tpu.memory_space<hbm>>
      %dma_wait3A_1051 = arith.constant 0 : i32
      %dma_wait3A_1052 = tpu.memref_slice %arg4[%add3A_1045, %dma_wait3A_1051] : memref<64x2048xi32, #tpu.memory_space<hbm>> -> memref<1x2048xi32, #tpu.memory_space<hbm>>
      %dma_wait3A_1053 = tpu.memref_squeeze %dma_wait3A_1052 : memref<1x2048xi32, #tpu.memory_space<hbm>> -> memref<2048xi32, #tpu.memory_space<hbm>>
      %dma_wait3A_1054 = arith.constant 12288 : i32
      %dma_wait3A_1055 = tpu.memref_slice %arg6[%dma_wait3A_1054] : memref<32768xi32, #tpu.memory_space<vmem>> -> memref<2048xi32, #tpu.memory_space<vmem>>
      tpu.wait_dma2 semaphore(%arg7 : memref<!tpu.dma_semaphore, #tpu.memory_space<semaphore_mem>>) src(%dma_wait3A_1055 : memref<2048xi32, #tpu.memory_space<vmem>>) dst(%dma_wait3A_1053 : memref<2048xi32, #tpu.memory_space<hbm>>)
      %add3A_1056 = arith.constant 7 : i32
      %add3A_1057 = arith.addi %mul3A_4, %add3A_1056 : i32
      %dma_wait3A_1058 = arith.constant 14336 : i32
      %dma_wait3A_1059 = tpu.memref_slice %arg6[%dma_wait3A_1058] : memref<32768xi32, #tpu.memory_space<vmem>> -> memref<2048xi32, #tpu.memory_space<vmem>>
      %dma_wait3A_1060 = arith.constant 0 : i32
      %dma_wait3A_1061 = tpu.memref_slice %arg4[%add3A_1057, %dma_wait3A_1060] : memref<64x2048xi32, #tpu.memory_space<hbm>> -> memref<1x2048xi32, #tpu.memory_space<hbm>>
      %dma_wait3A_1062 = tpu.memref_squeeze %dma_wait3A_1061 : memref<1x2048xi32, #tpu.memory_space<hbm>> -> memref<2048xi32, #tpu.memory_space<hbm>>
      %dma_wait3A_1063 = arith.constant 0 : i32
      %dma_wait3A_1064 = tpu.memref_slice %arg4[%add3A_1057, %dma_wait3A_1063] : memref<64x2048xi32, #tpu.memory_space<hbm>> -> memref<1x2048xi32, #tpu.memory_space<hbm>>
      %dma_wait3A_1065 = tpu.memref_squeeze %dma_wait3A_1064 : memref<1x2048xi32, #tpu.memory_space<hbm>> -> memref<2048xi32, #tpu.memory_space<hbm>>
      %dma_wait3A_1066 = arith.constant 14336 : i32
      %dma_wait3A_1067 = tpu.memref_slice %arg6[%dma_wait3A_1066] : memref<32768xi32, #tpu.memory_space<vmem>> -> memref<2048xi32, #tpu.memory_space<vmem>>
      tpu.wait_dma2 semaphore(%arg7 : memref<!tpu.dma_semaphore, #tpu.memory_space<semaphore_mem>>) src(%dma_wait3A_1067 : memref<2048xi32, #tpu.memory_space<vmem>>) dst(%dma_wait3A_1065 : memref<2048xi32, #tpu.memory_space<hbm>>)
      %add3A_1068 = arith.constant 8 : i32
      %add3A_1069 = arith.addi %mul3A_4, %add3A_1068 : i32
      %dma_wait3A_1070 = arith.constant 16384 : i32
      %dma_wait3A_1071 = tpu.memref_slice %arg6[%dma_wait3A_1070] : memref<32768xi32, #tpu.memory_space<vmem>> -> memref<2048xi32, #tpu.memory_space<vmem>>
      %dma_wait3A_1072 = arith.constant 0 : i32
      %dma_wait3A_1073 = tpu.memref_slice %arg4[%add3A_1069, %dma_wait3A_1072] : memref<64x2048xi32, #tpu.memory_space<hbm>> -> memref<1x2048xi32, #tpu.memory_space<hbm>>
      %dma_wait3A_1074 = tpu.memref_squeeze %dma_wait3A_1073 : memref<1x2048xi32, #tpu.memory_space<hbm>> -> memref<2048xi32, #tpu.memory_space<hbm>>
      %dma_wait3A_1075 = arith.constant 0 : i32
      %dma_wait3A_1076 = tpu.memref_slice %arg4[%add3A_1069, %dma_wait3A_1075] : memref<64x2048xi32, #tpu.memory_space<hbm>> -> memref<1x2048xi32, #tpu.memory_space<hbm>>
      %dma_wait3A_1077 = tpu.memref_squeeze %dma_wait3A_1076 : memref<1x2048xi32, #tpu.memory_space<hbm>> -> memref<2048xi32, #tpu.memory_space<hbm>>
      %dma_wait3A_1078 = arith.constant 16384 : i32
      %dma_wait3A_1079 = tpu.memref_slice %arg6[%dma_wait3A_1078] : memref<32768xi32, #tpu.memory_space<vmem>> -> memref<2048xi32, #tpu.memory_space<vmem>>
      tpu.wait_dma2 semaphore(%arg7 : memref<!tpu.dma_semaphore, #tpu.memory_space<semaphore_mem>>) src(%dma_wait3A_1079 : memref<2048xi32, #tpu.memory_space<vmem>>) dst(%dma_wait3A_1077 : memref<2048xi32, #tpu.memory_space<hbm>>)
      %add3A_1080 = arith.constant 9 : i32
      %add3A_1081 = arith.addi %mul3A_4, %add3A_1080 : i32
      %dma_wait3A_1082 = arith.constant 18432 : i32
      %dma_wait3A_1083 = tpu.memref_slice %arg6[%dma_wait3A_1082] : memref<32768xi32, #tpu.memory_space<vmem>> -> memref<2048xi32, #tpu.memory_space<vmem>>
      %dma_wait3A_1084 = arith.constant 0 : i32
      %dma_wait3A_1085 = tpu.memref_slice %arg4[%add3A_1081, %dma_wait3A_1084] : memref<64x2048xi32, #tpu.memory_space<hbm>> -> memref<1x2048xi32, #tpu.memory_space<hbm>>
      %dma_wait3A_1086 = tpu.memref_squeeze %dma_wait3A_1085 : memref<1x2048xi32, #tpu.memory_space<hbm>> -> memref<2048xi32, #tpu.memory_space<hbm>>
      %dma_wait3A_1087 = arith.constant 0 : i32
      %dma_wait3A_1088 = tpu.memref_slice %arg4[%add3A_1081, %dma_wait3A_1087] : memref<64x2048xi32, #tpu.memory_space<hbm>> -> memref<1x2048xi32, #tpu.memory_space<hbm>>
      %dma_wait3A_1089 = tpu.memref_squeeze %dma_wait3A_1088 : memref<1x2048xi32, #tpu.memory_space<hbm>> -> memref<2048xi32, #tpu.memory_space<hbm>>
      %dma_wait3A_1090 = arith.constant 18432 : i32
      %dma_wait3A_1091 = tpu.memref_slice %arg6[%dma_wait3A_1090] : memref<32768xi32, #tpu.memory_space<vmem>> -> memref<2048xi32, #tpu.memory_space<vmem>>
      tpu.wait_dma2 semaphore(%arg7 : memref<!tpu.dma_semaphore, #tpu.memory_space<semaphore_mem>>) src(%dma_wait3A_1091 : memref<2048xi32, #tpu.memory_space<vmem>>) dst(%dma_wait3A_1089 : memref<2048xi32, #tpu.memory_space<hbm>>)
      %add3A_1092 = arith.constant 10 : i32
      %add3A_1093 = arith.addi %mul3A_4, %add3A_1092 : i32
      %dma_wait3A_1094 = arith.constant 20480 : i32
      %dma_wait3A_1095 = tpu.memref_slice %arg6[%dma_wait3A_1094] : memref<32768xi32, #tpu.memory_space<vmem>> -> memref<2048xi32, #tpu.memory_space<vmem>>
      %dma_wait3A_1096 = arith.constant 0 : i32
      %dma_wait3A_1097 = tpu.memref_slice %arg4[%add3A_1093, %dma_wait3A_1096] : memref<64x2048xi32, #tpu.memory_space<hbm>> -> memref<1x2048xi32, #tpu.memory_space<hbm>>
      %dma_wait3A_1098 = tpu.memref_squeeze %dma_wait3A_1097 : memref<1x2048xi32, #tpu.memory_space<hbm>> -> memref<2048xi32, #tpu.memory_space<hbm>>
      %dma_wait3A_1099 = arith.constant 0 : i32
      %dma_wait3A_1100 = tpu.memref_slice %arg4[%add3A_1093, %dma_wait3A_1099] : memref<64x2048xi32, #tpu.memory_space<hbm>> -> memref<1x2048xi32, #tpu.memory_space<hbm>>
      %dma_wait3A_1101 = tpu.memref_squeeze %dma_wait3A_1100 : memref<1x2048xi32, #tpu.memory_space<hbm>> -> memref<2048xi32, #tpu.memory_space<hbm>>
      %dma_wait3A_1102 = arith.constant 20480 : i32
      %dma_wait3A_1103 = tpu.memref_slice %arg6[%dma_wait3A_1102] : memref<32768xi32, #tpu.memory_space<vmem>> -> memref<2048xi32, #tpu.memory_space<vmem>>
      tpu.wait_dma2 semaphore(%arg7 : memref<!tpu.dma_semaphore, #tpu.memory_space<semaphore_mem>>) src(%dma_wait3A_1103 : memref<2048xi32, #tpu.memory_space<vmem>>) dst(%dma_wait3A_1101 : memref<2048xi32, #tpu.memory_space<hbm>>)
      %add3A_1104 = arith.constant 11 : i32
      %add3A_1105 = arith.addi %mul3A_4, %add3A_1104 : i32
      %dma_wait3A_1106 = arith.constant 22528 : i32
      %dma_wait3A_1107 = tpu.memref_slice %arg6[%dma_wait3A_1106] : memref<32768xi32, #tpu.memory_space<vmem>> -> memref<2048xi32, #tpu.memory_space<vmem>>
      %dma_wait3A_1108 = arith.constant 0 : i32
      %dma_wait3A_1109 = tpu.memref_slice %arg4[%add3A_1105, %dma_wait3A_1108] : memref<64x2048xi32, #tpu.memory_space<hbm>> -> memref<1x2048xi32, #tpu.memory_space<hbm>>
      %dma_wait3A_1110 = tpu.memref_squeeze %dma_wait3A_1109 : memref<1x2048xi32, #tpu.memory_space<hbm>> -> memref<2048xi32, #tpu.memory_space<hbm>>
      %dma_wait3A_1111 = arith.constant 0 : i32
      %dma_wait3A_1112 = tpu.memref_slice %arg4[%add3A_1105, %dma_wait3A_1111] : memref<64x2048xi32, #tpu.memory_space<hbm>> -> memref<1x2048xi32, #tpu.memory_space<hbm>>
      %dma_wait3A_1113 = tpu.memref_squeeze %dma_wait3A_1112 : memref<1x2048xi32, #tpu.memory_space<hbm>> -> memref<2048xi32, #tpu.memory_space<hbm>>
      %dma_wait3A_1114 = arith.constant 22528 : i32
      %dma_wait3A_1115 = tpu.memref_slice %arg6[%dma_wait3A_1114] : memref<32768xi32, #tpu.memory_space<vmem>> -> memref<2048xi32, #tpu.memory_space<vmem>>
      tpu.wait_dma2 semaphore(%arg7 : memref<!tpu.dma_semaphore, #tpu.memory_space<semaphore_mem>>) src(%dma_wait3A_1115 : memref<2048xi32, #tpu.memory_space<vmem>>) dst(%dma_wait3A_1113 : memref<2048xi32, #tpu.memory_space<hbm>>)
      %add3A_1116 = arith.constant 12 : i32
      %add3A_1117 = arith.addi %mul3A_4, %add3A_1116 : i32
      %dma_wait3A_1118 = arith.constant 24576 : i32
      %dma_wait3A_1119 = tpu.memref_slice %arg6[%dma_wait3A_1118] : memref<32768xi32, #tpu.memory_space<vmem>> -> memref<2048xi32, #tpu.memory_space<vmem>>
      %dma_wait3A_1120 = arith.constant 0 : i32
      %dma_wait3A_1121 = tpu.memref_slice %arg4[%add3A_1117, %dma_wait3A_1120] : memref<64x2048xi32, #tpu.memory_space<hbm>> -> memref<1x2048xi32, #tpu.memory_space<hbm>>
      %dma_wait3A_1122 = tpu.memref_squeeze %dma_wait3A_1121 : memref<1x2048xi32, #tpu.memory_space<hbm>> -> memref<2048xi32, #tpu.memory_space<hbm>>
      %dma_wait3A_1123 = arith.constant 0 : i32
      %dma_wait3A_1124 = tpu.memref_slice %arg4[%add3A_1117, %dma_wait3A_1123] : memref<64x2048xi32, #tpu.memory_space<hbm>> -> memref<1x2048xi32, #tpu.memory_space<hbm>>
      %dma_wait3A_1125 = tpu.memref_squeeze %dma_wait3A_1124 : memref<1x2048xi32, #tpu.memory_space<hbm>> -> memref<2048xi32, #tpu.memory_space<hbm>>
      %dma_wait3A_1126 = arith.constant 24576 : i32
      %dma_wait3A_1127 = tpu.memref_slice %arg6[%dma_wait3A_1126] : memref<32768xi32, #tpu.memory_space<vmem>> -> memref<2048xi32, #tpu.memory_space<vmem>>
      tpu.wait_dma2 semaphore(%arg7 : memref<!tpu.dma_semaphore, #tpu.memory_space<semaphore_mem>>) src(%dma_wait3A_1127 : memref<2048xi32, #tpu.memory_space<vmem>>) dst(%dma_wait3A_1125 : memref<2048xi32, #tpu.memory_space<hbm>>)
      %add3A_1128 = arith.constant 13 : i32
      %add3A_1129 = arith.addi %mul3A_4, %add3A_1128 : i32
      %dma_wait3A_1130 = arith.constant 26624 : i32
      %dma_wait3A_1131 = tpu.memref_slice %arg6[%dma_wait3A_1130] : memref<32768xi32, #tpu.memory_space<vmem>> -> memref<2048xi32, #tpu.memory_space<vmem>>
      %dma_wait3A_1132 = arith.constant 0 : i32
      %dma_wait3A_1133 = tpu.memref_slice %arg4[%add3A_1129, %dma_wait3A_1132] : memref<64x2048xi32, #tpu.memory_space<hbm>> -> memref<1x2048xi32, #tpu.memory_space<hbm>>
      %dma_wait3A_1134 = tpu.memref_squeeze %dma_wait3A_1133 : memref<1x2048xi32, #tpu.memory_space<hbm>> -> memref<2048xi32, #tpu.memory_space<hbm>>
      %dma_wait3A_1135 = arith.constant 0 : i32
      %dma_wait3A_1136 = tpu.memref_slice %arg4[%add3A_1129, %dma_wait3A_1135] : memref<64x2048xi32, #tpu.memory_space<hbm>> -> memref<1x2048xi32, #tpu.memory_space<hbm>>
      %dma_wait3A_1137 = tpu.memref_squeeze %dma_wait3A_1136 : memref<1x2048xi32, #tpu.memory_space<hbm>> -> memref<2048xi32, #tpu.memory_space<hbm>>
      %dma_wait3A_1138 = arith.constant 26624 : i32
      %dma_wait3A_1139 = tpu.memref_slice %arg6[%dma_wait3A_1138] : memref<32768xi32, #tpu.memory_space<vmem>> -> memref<2048xi32, #tpu.memory_space<vmem>>
      tpu.wait_dma2 semaphore(%arg7 : memref<!tpu.dma_semaphore, #tpu.memory_space<semaphore_mem>>) src(%dma_wait3A_1139 : memref<2048xi32, #tpu.memory_space<vmem>>) dst(%dma_wait3A_1137 : memref<2048xi32, #tpu.memory_space<hbm>>)
      %add3A_1140 = arith.constant 14 : i32
      %add3A_1141 = arith.addi %mul3A_4, %add3A_1140 : i32
      %dma_wait3A_1142 = arith.constant 28672 : i32
      %dma_wait3A_1143 = tpu.memref_slice %arg6[%dma_wait3A_1142] : memref<32768xi32, #tpu.memory_space<vmem>> -> memref<2048xi32, #tpu.memory_space<vmem>>
      %dma_wait3A_1144 = arith.constant 0 : i32
      %dma_wait3A_1145 = tpu.memref_slice %arg4[%add3A_1141, %dma_wait3A_1144] : memref<64x2048xi32, #tpu.memory_space<hbm>> -> memref<1x2048xi32, #tpu.memory_space<hbm>>
      %dma_wait3A_1146 = tpu.memref_squeeze %dma_wait3A_1145 : memref<1x2048xi32, #tpu.memory_space<hbm>> -> memref<2048xi32, #tpu.memory_space<hbm>>
      %dma_wait3A_1147 = arith.constant 0 : i32
      %dma_wait3A_1148 = tpu.memref_slice %arg4[%add3A_1141, %dma_wait3A_1147] : memref<64x2048xi32, #tpu.memory_space<hbm>> -> memref<1x2048xi32, #tpu.memory_space<hbm>>
      %dma_wait3A_1149 = tpu.memref_squeeze %dma_wait3A_1148 : memref<1x2048xi32, #tpu.memory_space<hbm>> -> memref<2048xi32, #tpu.memory_space<hbm>>
      %dma_wait3A_1150 = arith.constant 28672 : i32
      %dma_wait3A_1151 = tpu.memref_slice %arg6[%dma_wait3A_1150] : memref<32768xi32, #tpu.memory_space<vmem>> -> memref<2048xi32, #tpu.memory_space<vmem>>
      tpu.wait_dma2 semaphore(%arg7 : memref<!tpu.dma_semaphore, #tpu.memory_space<semaphore_mem>>) src(%dma_wait3A_1151 : memref<2048xi32, #tpu.memory_space<vmem>>) dst(%dma_wait3A_1149 : memref<2048xi32, #tpu.memory_space<hbm>>)
      %add3A_1152 = arith.constant 15 : i32
      %add3A_1153 = arith.addi %mul3A_4, %add3A_1152 : i32
      %dma_wait3A_1154 = arith.constant 30720 : i32
      %dma_wait3A_1155 = tpu.memref_slice %arg6[%dma_wait3A_1154] : memref<32768xi32, #tpu.memory_space<vmem>> -> memref<2048xi32, #tpu.memory_space<vmem>>
      %dma_wait3A_1156 = arith.constant 0 : i32
      %dma_wait3A_1157 = tpu.memref_slice %arg4[%add3A_1153, %dma_wait3A_1156] : memref<64x2048xi32, #tpu.memory_space<hbm>> -> memref<1x2048xi32, #tpu.memory_space<hbm>>
      %dma_wait3A_1158 = tpu.memref_squeeze %dma_wait3A_1157 : memref<1x2048xi32, #tpu.memory_space<hbm>> -> memref<2048xi32, #tpu.memory_space<hbm>>
      %dma_wait3A_1159 = arith.constant 0 : i32
      %dma_wait3A_1160 = tpu.memref_slice %arg4[%add3A_1153, %dma_wait3A_1159] : memref<64x2048xi32, #tpu.memory_space<hbm>> -> memref<1x2048xi32, #tpu.memory_space<hbm>>
      %dma_wait3A_1161 = tpu.memref_squeeze %dma_wait3A_1160 : memref<1x2048xi32, #tpu.memory_space<hbm>> -> memref<2048xi32, #tpu.memory_space<hbm>>
      %dma_wait3A_1162 = arith.constant 30720 : i32
      %dma_wait3A_1163 = tpu.memref_slice %arg6[%dma_wait3A_1162] : memref<32768xi32, #tpu.memory_space<vmem>> -> memref<2048xi32, #tpu.memory_space<vmem>>
      tpu.wait_dma2 semaphore(%arg7 : memref<!tpu.dma_semaphore, #tpu.memory_space<semaphore_mem>>) src(%dma_wait3A_1163 : memref<2048xi32, #tpu.memory_space<vmem>>) dst(%dma_wait3A_1161 : memref<2048xi32, #tpu.memory_space<hbm>>)
    } else {
    }
    return
  }
}

module attributes {stable_mosaic.version = 14 : i64} {
  func.func @mm(%arg0: i32, %arg1: memref<8x2x2048xf32, #tpu.memory_space<vmem>>, %arg2: memref<2x128xf32, #tpu.memory_space<vmem>>, %arg3: memref<8x2048x128xf32, #tpu.memory_space<vmem>>) attributes {dimension_semantics = [#tpu.dimension_semantics<arbitrary>], iteration_bounds = array<i64: 8>, scalar_prefetch = 0 : i64, scratch_operands = 0 : i64, tpu.core_type = #tpu.core_type<tc>, window_params = [{transform_indices = @transform_0, window_bounds = array<i64: 8, 2, 2048>}, {pipeline_mode = #tpu.pipeline_mode<synchronous>, transform_indices = @transform_1, window_bounds = array<i64: 2, 128>}, {transform_indices = @transform_2, window_bounds = array<i64: 8, 2048, 128>}]} {
    %get3A = arith.constant 0 : index
    %get3A_0 = arith.constant 0 : index
    %get3A_1 = arith.constant 0 : index
    %get3A_2 = vector.load %arg1[%get3A, %get3A_0, %get3A_1] : memref<8x2x2048xf32, #tpu.memory_space<vmem>>, vector<1x2x2048xf32>
    %get3A_3 = vector.shape_cast %get3A_2 : vector<1x2x2048xf32> to vector<2x2048xf32>
    %get3A_4 = arith.constant 0 : index
    %get3A_5 = arith.constant 0 : index
    %get3A_6 = vector.load %arg2[%get3A_4, %get3A_5] : memref<2x128xf32, #tpu.memory_space<vmem>>, vector<2x128xf32>
    %dot_general3A = arith.constant dense<0.000000e+00> : vector<2048x128xf32>
    %dot_general3A_7 = tpu.matmul %get3A_3, %get3A_6, %dot_general3A {dimension_numbers = #tpu.dot_dimension_numbers<[0], [0], [1], [1], [0, 1, 1, 1], [], []>, transpose_lhs_hint = false} : vector<2x2048xf32>, vector<2x128xf32>, vector<2048x128xf32> -> vector<2048x128xf32>
    %swap3A = arith.constant 0 : index
    %swap3A_8 = arith.constant 0 : index
    %swap3A_9 = arith.constant 0 : index
    %swap3A_10 = vector.load %arg3[%swap3A, %swap3A_8, %swap3A_9] : memref<8x2048x128xf32, #tpu.memory_space<vmem>>, vector<1x2048x128xf32>
    %swap3A_11 = vector.shape_cast %swap3A_10 : vector<1x2048x128xf32> to vector<2048x128xf32>
    %swap3A_12 = vector.shape_cast %dot_general3A_7 : vector<2048x128xf32> to vector<1x2048x128xf32>
    tpu.vector_store %arg3[%swap3A, %swap3A_8, %swap3A_9], %swap3A_12 {strides = array<i32>} : memref<8x2048x128xf32, #tpu.memory_space<vmem>>, vector<1x2048x128xf32>,
    %get3A_13 = arith.constant 1 : index
    %get3A_14 = arith.constant 0 : index
    %get3A_15 = arith.constant 0 : index
    %get3A_16 = vector.load %arg1[%get3A_13, %get3A_14, %get3A_15] : memref<8x2x2048xf32, #tpu.memory_space<vmem>>, vector<1x2x2048xf32>
    %get3A_17 = vector.shape_cast %get3A_16 : vector<1x2x2048xf32> to vector<2x2048xf32>
    %get3A_18 = arith.constant 0 : index
    %get3A_19 = arith.constant 0 : index
    %get3A_20 = vector.load %arg2[%get3A_18, %get3A_19] : memref<2x128xf32, #tpu.memory_space<vmem>>, vector<2x128xf32>
    %dot_general3A_21 = arith.constant dense<0.000000e+00> : vector<2048x128xf32>
    %dot_general3A_22 = tpu.matmul %get3A_17, %get3A_20, %dot_general3A_21 {dimension_numbers = #tpu.dot_dimension_numbers<[0], [0], [1], [1], [0, 1, 1, 1], [], []>, transpose_lhs_hint = false} : vector<2x2048xf32>, vector<2x128xf32>, vector<2048x128xf32> -> vector<2048x128xf32>
    %swap3A_23 = arith.constant 1 : index
    %swap3A_24 = arith.constant 0 : index
    %swap3A_25 = arith.constant 0 : index
    %swap3A_26 = vector.load %arg3[%swap3A_23, %swap3A_24, %swap3A_25] : memref<8x2048x128xf32, #tpu.memory_space<vmem>>, vector<1x2048x128xf32>
    %swap3A_27 = vector.shape_cast %swap3A_26 : vector<1x2048x128xf32> to vector<2048x128xf32>
    %swap3A_28 = vector.shape_cast %dot_general3A_22 : vector<2048x128xf32> to vector<1x2048x128xf32>
    tpu.vector_store %arg3[%swap3A_23, %swap3A_24, %swap3A_25], %swap3A_28 {strides = array<i32>} : memref<8x2048x128xf32, #tpu.memory_space<vmem>>, vector<1x2048x128xf32>,
    %get3A_29 = arith.constant 2 : index
    %get3A_30 = arith.constant 0 : index
    %get3A_31 = arith.constant 0 : index
    %get3A_32 = vector.load %arg1[%get3A_29, %get3A_30, %get3A_31] : memref<8x2x2048xf32, #tpu.memory_space<vmem>>, vector<1x2x2048xf32>
    %get3A_33 = vector.shape_cast %get3A_32 : vector<1x2x2048xf32> to vector<2x2048xf32>
    %get3A_34 = arith.constant 0 : index
    %get3A_35 = arith.constant 0 : index
    %get3A_36 = vector.load %arg2[%get3A_34, %get3A_35] : memref<2x128xf32, #tpu.memory_space<vmem>>, vector<2x128xf32>
    %dot_general3A_37 = arith.constant dense<0.000000e+00> : vector<2048x128xf32>
    %dot_general3A_38 = tpu.matmul %get3A_33, %get3A_36, %dot_general3A_37 {dimension_numbers = #tpu.dot_dimension_numbers<[0], [0], [1], [1], [0, 1, 1, 1], [], []>, transpose_lhs_hint = false} : vector<2x2048xf32>, vector<2x128xf32>, vector<2048x128xf32> -> vector<2048x128xf32>
    %swap3A_39 = arith.constant 2 : index
    %swap3A_40 = arith.constant 0 : index
    %swap3A_41 = arith.constant 0 : index
    %swap3A_42 = vector.load %arg3[%swap3A_39, %swap3A_40, %swap3A_41] : memref<8x2048x128xf32, #tpu.memory_space<vmem>>, vector<1x2048x128xf32>
    %swap3A_43 = vector.shape_cast %swap3A_42 : vector<1x2048x128xf32> to vector<2048x128xf32>
    %swap3A_44 = vector.shape_cast %dot_general3A_38 : vector<2048x128xf32> to vector<1x2048x128xf32>
    tpu.vector_store %arg3[%swap3A_39, %swap3A_40, %swap3A_41], %swap3A_44 {strides = array<i32>} : memref<8x2048x128xf32, #tpu.memory_space<vmem>>, vector<1x2048x128xf32>,
    %get3A_45 = arith.constant 3 : index
    %get3A_46 = arith.constant 0 : index
    %get3A_47 = arith.constant 0 : index
    %get3A_48 = vector.load %arg1[%get3A_45, %get3A_46, %get3A_47] : memref<8x2x2048xf32, #tpu.memory_space<vmem>>, vector<1x2x2048xf32>
    %get3A_49 = vector.shape_cast %get3A_48 : vector<1x2x2048xf32> to vector<2x2048xf32>
    %get3A_50 = arith.constant 0 : index
    %get3A_51 = arith.constant 0 : index
    %get3A_52 = vector.load %arg2[%get3A_50, %get3A_51] : memref<2x128xf32, #tpu.memory_space<vmem>>, vector<2x128xf32>
    %dot_general3A_53 = arith.constant dense<0.000000e+00> : vector<2048x128xf32>
    %dot_general3A_54 = tpu.matmul %get3A_49, %get3A_52, %dot_general3A_53 {dimension_numbers = #tpu.dot_dimension_numbers<[0], [0], [1], [1], [0, 1, 1, 1], [], []>, transpose_lhs_hint = false} : vector<2x2048xf32>, vector<2x128xf32>, vector<2048x128xf32> -> vector<2048x128xf32>
    %swap3A_55 = arith.constant 3 : index
    %swap3A_56 = arith.constant 0 : index
    %swap3A_57 = arith.constant 0 : index
    %swap3A_58 = vector.load %arg3[%swap3A_55, %swap3A_56, %swap3A_57] : memref<8x2048x128xf32, #tpu.memory_space<vmem>>, vector<1x2048x128xf32>
    %swap3A_59 = vector.shape_cast %swap3A_58 : vector<1x2048x128xf32> to vector<2048x128xf32>
    %swap3A_60 = vector.shape_cast %dot_general3A_54 : vector<2048x128xf32> to vector<1x2048x128xf32>
    tpu.vector_store %arg3[%swap3A_55, %swap3A_56, %swap3A_57], %swap3A_60 {strides = array<i32>} : memref<8x2048x128xf32, #tpu.memory_space<vmem>>, vector<1x2048x128xf32>,
    %get3A_61 = arith.constant 4 : index
    %get3A_62 = arith.constant 0 : index
    %get3A_63 = arith.constant 0 : index
    %get3A_64 = vector.load %arg1[%get3A_61, %get3A_62, %get3A_63] : memref<8x2x2048xf32, #tpu.memory_space<vmem>>, vector<1x2x2048xf32>
    %get3A_65 = vector.shape_cast %get3A_64 : vector<1x2x2048xf32> to vector<2x2048xf32>
    %get3A_66 = arith.constant 0 : index
    %get3A_67 = arith.constant 0 : index
    %get3A_68 = vector.load %arg2[%get3A_66, %get3A_67] : memref<2x128xf32, #tpu.memory_space<vmem>>, vector<2x128xf32>
    %dot_general3A_69 = arith.constant dense<0.000000e+00> : vector<2048x128xf32>
    %dot_general3A_70 = tpu.matmul %get3A_65, %get3A_68, %dot_general3A_69 {dimension_numbers = #tpu.dot_dimension_numbers<[0], [0], [1], [1], [0, 1, 1, 1], [], []>, transpose_lhs_hint = false} : vector<2x2048xf32>, vector<2x128xf32>, vector<2048x128xf32> -> vector<2048x128xf32>
    %swap3A_71 = arith.constant 4 : index
    %swap3A_72 = arith.constant 0 : index
    %swap3A_73 = arith.constant 0 : index
    %swap3A_74 = vector.load %arg3[%swap3A_71, %swap3A_72, %swap3A_73] : memref<8x2048x128xf32, #tpu.memory_space<vmem>>, vector<1x2048x128xf32>
    %swap3A_75 = vector.shape_cast %swap3A_74 : vector<1x2048x128xf32> to vector<2048x128xf32>
    %swap3A_76 = vector.shape_cast %dot_general3A_70 : vector<2048x128xf32> to vector<1x2048x128xf32>
    tpu.vector_store %arg3[%swap3A_71, %swap3A_72, %swap3A_73], %swap3A_76 {strides = array<i32>} : memref<8x2048x128xf32, #tpu.memory_space<vmem>>, vector<1x2048x128xf32>,
    %get3A_77 = arith.constant 5 : index
    %get3A_78 = arith.constant 0 : index
    %get3A_79 = arith.constant 0 : index
    %get3A_80 = vector.load %arg1[%get3A_77, %get3A_78, %get3A_79] : memref<8x2x2048xf32, #tpu.memory_space<vmem>>, vector<1x2x2048xf32>
    %get3A_81 = vector.shape_cast %get3A_80 : vector<1x2x2048xf32> to vector<2x2048xf32>
    %get3A_82 = arith.constant 0 : index
    %get3A_83 = arith.constant 0 : index
    %get3A_84 = vector.load %arg2[%get3A_82, %get3A_83] : memref<2x128xf32, #tpu.memory_space<vmem>>, vector<2x128xf32>
    %dot_general3A_85 = arith.constant dense<0.000000e+00> : vector<2048x128xf32>
    %dot_general3A_86 = tpu.matmul %get3A_81, %get3A_84, %dot_general3A_85 {dimension_numbers = #tpu.dot_dimension_numbers<[0], [0], [1], [1], [0, 1, 1, 1], [], []>, transpose_lhs_hint = false} : vector<2x2048xf32>, vector<2x128xf32>, vector<2048x128xf32> -> vector<2048x128xf32>
    %swap3A_87 = arith.constant 5 : index
    %swap3A_88 = arith.constant 0 : index
    %swap3A_89 = arith.constant 0 : index
    %swap3A_90 = vector.load %arg3[%swap3A_87, %swap3A_88, %swap3A_89] : memref<8x2048x128xf32, #tpu.memory_space<vmem>>, vector<1x2048x128xf32>
    %swap3A_91 = vector.shape_cast %swap3A_90 : vector<1x2048x128xf32> to vector<2048x128xf32>
    %swap3A_92 = vector.shape_cast %dot_general3A_86 : vector<2048x128xf32> to vector<1x2048x128xf32>
    tpu.vector_store %arg3[%swap3A_87, %swap3A_88, %swap3A_89], %swap3A_92 {strides = array<i32>} : memref<8x2048x128xf32, #tpu.memory_space<vmem>>, vector<1x2048x128xf32>,
    %get3A_93 = arith.constant 6 : index
    %get3A_94 = arith.constant 0 : index
    %get3A_95 = arith.constant 0 : index
    %get3A_96 = vector.load %arg1[%get3A_93, %get3A_94, %get3A_95] : memref<8x2x2048xf32, #tpu.memory_space<vmem>>, vector<1x2x2048xf32>
    %get3A_97 = vector.shape_cast %get3A_96 : vector<1x2x2048xf32> to vector<2x2048xf32>
    %get3A_98 = arith.constant 0 : index
    %get3A_99 = arith.constant 0 : index
    %get3A_100 = vector.load %arg2[%get3A_98, %get3A_99] : memref<2x128xf32, #tpu.memory_space<vmem>>, vector<2x128xf32>
    %dot_general3A_101 = arith.constant dense<0.000000e+00> : vector<2048x128xf32>
    %dot_general3A_102 = tpu.matmul %get3A_97, %get3A_100, %dot_general3A_101 {dimension_numbers = #tpu.dot_dimension_numbers<[0], [0], [1], [1], [0, 1, 1, 1], [], []>, transpose_lhs_hint = false} : vector<2x2048xf32>, vector<2x128xf32>, vector<2048x128xf32> -> vector<2048x128xf32>
    %swap3A_103 = arith.constant 6 : index
    %swap3A_104 = arith.constant 0 : index
    %swap3A_105 = arith.constant 0 : index
    %swap3A_106 = vector.load %arg3[%swap3A_103, %swap3A_104, %swap3A_105] : memref<8x2048x128xf32, #tpu.memory_space<vmem>>, vector<1x2048x128xf32>
    %swap3A_107 = vector.shape_cast %swap3A_106 : vector<1x2048x128xf32> to vector<2048x128xf32>
    %swap3A_108 = vector.shape_cast %dot_general3A_102 : vector<2048x128xf32> to vector<1x2048x128xf32>
    tpu.vector_store %arg3[%swap3A_103, %swap3A_104, %swap3A_105], %swap3A_108 {strides = array<i32>} : memref<8x2048x128xf32, #tpu.memory_space<vmem>>, vector<1x2048x128xf32>,
    %get3A_109 = arith.constant 7 : index
    %get3A_110 = arith.constant 0 : index
    %get3A_111 = arith.constant 0 : index
    %get3A_112 = vector.load %arg1[%get3A_109, %get3A_110, %get3A_111] : memref<8x2x2048xf32, #tpu.memory_space<vmem>>, vector<1x2x2048xf32>
    %get3A_113 = vector.shape_cast %get3A_112 : vector<1x2x2048xf32> to vector<2x2048xf32>
    %get3A_114 = arith.constant 0 : index
    %get3A_115 = arith.constant 0 : index
    %get3A_116 = vector.load %arg2[%get3A_114, %get3A_115] : memref<2x128xf32, #tpu.memory_space<vmem>>, vector<2x128xf32>
    %dot_general3A_117 = arith.constant dense<0.000000e+00> : vector<2048x128xf32>
    %dot_general3A_118 = tpu.matmul %get3A_113, %get3A_116, %dot_general3A_117 {dimension_numbers = #tpu.dot_dimension_numbers<[0], [0], [1], [1], [0, 1, 1, 1], [], []>, transpose_lhs_hint = false} : vector<2x2048xf32>, vector<2x128xf32>, vector<2048x128xf32> -> vector<2048x128xf32>
    %swap3A_119 = arith.constant 7 : index
    %swap3A_120 = arith.constant 0 : index
    %swap3A_121 = arith.constant 0 : index
    %swap3A_122 = vector.load %arg3[%swap3A_119, %swap3A_120, %swap3A_121] : memref<8x2048x128xf32, #tpu.memory_space<vmem>>, vector<1x2048x128xf32>
    %swap3A_123 = vector.shape_cast %swap3A_122 : vector<1x2048x128xf32> to vector<2048x128xf32>
    %swap3A_124 = vector.shape_cast %dot_general3A_118 : vector<2048x128xf32> to vector<1x2048x128xf32>
    tpu.vector_store %arg3[%swap3A_119, %swap3A_120, %swap3A_121], %swap3A_124 {strides = array<i32>} : memref<8x2048x128xf32, #tpu.memory_space<vmem>>, vector<1x2048x128xf32>,
    return
  }
  func.func @transform_0(%arg0: i32) -> (i32, i32, i32) {
    %c0_i32 = arith.constant 0 : i32
    %c0_i32_0 = arith.constant 0 : i32
    %c0_i32_1 = arith.constant 0 : i32
    return %arg0, %c0_i32, %c0_i32_0 : i32, i32, i32
  }
  func.func @transform_1(%arg0: i32) -> (i32, i32) {
    %c0_i32 = arith.constant 0 : i32
    %c0_i32_0 = arith.constant 0 : i32
    %c0_i32_1 = arith.constant 0 : i32
    return %c0_i32, %c0_i32_0 : i32, i32
  }
  func.func @transform_2(%arg0: i32) -> (i32, i32, i32) {
    %c0_i32 = arith.constant 0 : i32
    %c0_i32_0 = arith.constant 0 : i32
    %c0_i32_1 = arith.constant 0 : i32
    return %arg0, %c0_i32, %c0_i32_0 : i32, i32, i32
  }
}

</mosaic_0001>

<sc_bundles>
// kernel: kernel.5.cloned.1.call-start
scs
__scs_entry_jumppad:
0x0: {  	(pc) =	sbr.rel $0x88, $3  }
0x1: {  	(tag) =	ssettag $0x0;
	lr =	simm.s32 $0x1  }
0x2: {  	[smem:$0x3F9D] =	sst lr;
	_ =	strace $0xD0000000  }
0x3: {  	_ = 	snop  }
0x4: {  	_ = 	snop  }
0x5: {  	_ = 	snop  }
0x6: {  	_ = 	snop  }
0x7: {  	_ = 	snop  }
__scs_overlays_trampoline_lowered:
0x8: {  	[smem:$0x3FAC] =	sst s0  }
0x9: {  	[smem:$0x3FAD] =	sst s1  }
0xa: {  	[smem:$0x3FAE] =	sst s2  }
0xb: {  	[smem:$0x3FAF] =	sst s3  }
0xc: {  	[smem:$0x3FB0] =	sst s4  }
0xd: {  	[smem:$0x3FB1] =	sst s5  }
0xe: {  	[smem:$0x3FB2] =	sst s6  }
0xf: {  	[smem:$0x3FB3] =	sst s7  }
0x10: {  	[smem:$0x3FB4] =	sst s8  }
0x11: {  	[smem:$0x3FB5] =	sst s9;
	s0 =	simm.s32 @!p0 $0x0  }
0x12: {  	s1 =	sld [smem:$0x3F9B];
	s0 =	simm.s32 @p0 $0x1  }
0x13: {  	[smem:$0x3FB6] =	sst s0;
	s0 =	simm.s32 @!p1 $0x0  }
0x14: {  	s2 =	sld [smem:$0x3F9A];
	s0 =	simm.s32 @p1 $0x1  }
0x15: {  	[smem:$0x3FB7] =	sst s0;
	s0 =	simm.s32 @!p2 $0x0  }
0x16: {  	s3 =	sld [smem:$0x3FDB];
	s0 =	simm.s32 @p2 $0x1  }
0x17: {  	s4 =	simm.s32 $0x1BF5;
	[smem:$0x3FB9] =	sst s0  }
0x18: {  	s0 =	sld [smem:$0x3F9C];
	_ =	swait.ge [sflag:s4], $0x0  }
0x19: {  	s7 =	sld [smem:$0x3F9D]  }
0x1a: {  	s8 =	sadd.s32 $0xFFFFE003, lr  }
0x1b: {  	s9 =	sadd.s32 $0xFFFFFEF7, lr;
	s5 =	simm.s32 $0xFFFFFFFF;
	p2 =	slt.u32 s8, $0xFFFFF086  }
0x1c: {  	p1 =	slt.u32 s9, $0xF7A;
	s5 =	simm.s32 @!p2 $0x0  }
0x1d: {  	s5 =	simm.s32 @p1 $0x1;
	p0 =	seq.s32 s7, s2  }
0x1e: {  	s7 =	smul.u32 @!p0 $0xF7A, s2;
	p2 =	seq.s32 @!p0 s5, $0x0  }
0x1f: {  	s9 =	smul.u32 $0xF7A, s1;
	s8 =	simm.s32 @!p0 $0x1BF5;
	p2 =	por !p2, p0  }
0x20: {  	[sflag:s8] =	ssyncset.s32 @!p0 $0xFFFFF086;
	s6 =	sadd.s32 @!p0 s3, s7;
	s7 =	simm.s32 @!p0 $0x108  }
0x21: {  	s3 =	sadd.s32 s3, s9;
	s6 =	sadd.s32 @!p0 $0x88, s6;
	s7 =	simm.s32 @p2 $0x1082  }
0x22: {  	[simem:s7], [sflag:s8] =	dma.local @!p0 [hbm:s6], $0xF7A  }
0x23: {  	s9 =	sor.u32 $0xD0000000, s2;
	s6 =	simm.s32 $0x108;
	_ =	swait.ge @!p0 [sflag:s8], $0x0  }
0x24: {  	s3 =	sadd.s32 $0x88, s3;
	s6 =	simm.s32 @!p1 $0x1082;
	[sflag:s4] =	ssyncset.s32 $0xFFFFF086  }
0x25: {  	[simem:s6], [sflag:s4] =	dma.local [hbm:s3], $0xF7A  }
0x26: {  	[smem:$0x3F9D] =	sst s1;
	(tag) =	ssettag s2;
	_ =	strace s9  }
0x27: {  	s1 =	sld [smem:$0x3FAD]  }
0x28: {  	s2 =	sld [smem:$0x3FAE]  }
0x29: {  	s4 =	sld [smem:$0x3FB0]  }
0x2a: {  	p0 =	seq.s32 s5, $0x0;
	s5 =	sld [smem:$0x3FB1]  }
0x2b: {  	s6 =	sld [smem:$0x3FB2]  }
0x2c: {  	s7 =	sld [smem:$0x3FB3]  }
0x2d: {  	s3 =	simm.s32 $0x108;
	s8 =	sld [smem:$0x3FB4]  }
0x2e: {  	s3 =	simm.s32 @!p0 $0x1082;
	s9 =	sld [smem:$0x3FB5]  }
0x2f: {  	lr =	sadd.s32 s0, s3;
	s0 =	sld [smem:$0x3FAC]  }
0x30: {  	s3 =	sld [smem:$0x3FAF]  }
0x31: {  	[smem:$0x3FB8] =	sst s10  }
0x32: {  	s10 =	sld [smem:$0x3FB6];
	_ =	sdelay $0x3  }
0x33: {  	p0 =	seq.s32 s10, $0x1;
	s10 =	sld [smem:$0x3FB8];
	_ =	sdelay $0x3  }
0x34: {  	[smem:$0x3FB8] =	sst s10  }
0x35: {  	s10 =	sld [smem:$0x3FB7];
	_ =	sdelay $0x3  }
0x36: {  	p1 =	seq.s32 s10, $0x1;
	s10 =	sld [smem:$0x3FB8];
	_ =	sdelay $0x3  }
0x37: {  	[smem:$0x3FB8] =	sst s10  }
0x38: {  	s10 =	sld [smem:$0x3FB9]  }
0x39: {  	_ = 	snop;
	(pc) =	sbr.ind lr, $3  }
0x3a: {  	_ = 	snop  }
0x3b: {  	_ = 	snop  }
0x3c: {  	p2 =	seq.s32 s10, $0x1;
	s10 =	sld [smem:$0x3FB8]  }
0x3d: {  	_ =	shalt  }
0x3e: {  	_ =	shalt  }
0x3f: {  	_ =	shalt  }
0x40: {  	_ =	shalt  }
0x41: {  	_ =	shalt  }
0x42: {  	_ =	shalt  }
0x43: {  	_ =	shalt  }
0x44: {  	_ =	shalt  }
0x45: {  	_ =	shalt  }
0x46: {  	_ =	shalt  }
0x47: {  	_ =	shalt  }
0x48: {  	_ =	shalt  }
0x49: {  	_ =	shalt  }
0x4a: {  	_ =	shalt  }
0x4b: {  	_ =	shalt  }
0x4c: {  	_ =	shalt  }
0x4d: {  	_ =	shalt  }
0x4e: {  	_ =	shalt  }
0x4f: {  	_ =	shalt  }
0x50: {  	_ =	shalt  }
0x51: {  	_ =	shalt  }
0x52: {  	_ =	shalt  }
0x53: {  	_ =	shalt  }
0x54: {  	_ =	shalt  }
0x55: {  	_ =	shalt  }
0x56: {  	_ =	shalt  }
0x57: {  	_ =	shalt  }
0x58: {  	_ =	shalt  }
0x59: {  	_ =	shalt  }
0x5a: {  	_ =	shalt  }
0x5b: {  	_ =	shalt  }
0x5c: {  	_ =	shalt  }
0x5d: {  	_ =	shalt  }
0x5e: {  	_ =	shalt  }
0x5f: {  	_ =	shalt  }
0x60: {  	_ =	shalt  }
0x61: {  	_ =	shalt  }
0x62: {  	_ =	shalt  }
0x63: {  	_ =	shalt  }
0x64: {  	_ =	shalt  }
0x65: {  	_ =	shalt  }
0x66: {  	_ =	shalt  }
0x67: {  	_ =	shalt  }
0x68: {  	_ =	shalt  }
0x69: {  	_ =	shalt  }
0x6a: {  	_ =	shalt  }
0x6b: {  	_ =	shalt  }
0x6c: {  	_ =	shalt  }
0x6d: {  	_ =	shalt  }
0x6e: {  	_ =	shalt  }
0x6f: {  	_ =	shalt  }
0x70: {  	_ =	shalt  }
0x71: {  	_ =	shalt  }
0x72: {  	_ =	shalt  }
0x73: {  	_ =	shalt  }
0x74: {  	_ =	shalt  }
0x75: {  	_ =	shalt  }
0x76: {  	_ =	shalt  }
0x77: {  	_ =	shalt  }
0x78: {  	_ =	shalt  }
0x79: {  	_ =	shalt  }
0x7a: {  	_ =	shalt  }
0x7b: {  	_ =	shalt  }
0x7c: {  	_ =	shalt  }
0x7d: {  	_ =	shalt  }
0x7e: {  	_ =	shalt  }
0x7f: {  	_ =	shalt  }
0x80: {  	_ =	shalt  }
0x81: {  	_ =	shalt  }
0x82: {  	_ =	shalt  }
0x83: {  	_ =	shalt  }
0x84: {  	_ =	shalt  }
0x85: {  	_ =	shalt  }
0x86: {  	_ =	shalt  }
0x87: {  	_ =	shalt  }
.Lfunc_end0:
.L_simem_size_0:
called_computation_lowered:
.L_overlay_start_0:
0x88: {  	s2 =	sld [smem:$0x3FD9]  }
0x89: {  	s3 =	sld [smem:$0x3FFE];
	_ =	sdelay $0x1  }
0x8a: {  	s1 =	srdreg.scid  }
0x8b: {  	s0 =	sand.u32 $0x1, s1  }
0x8c: {  	s15 =	sshll.u32 s0, $0xA;
	s2 =	sadd.s32 s3, s2  }
0x8d: {  	s2 =	sadd.s32 s2, s15  }
0x8e: {  	[smem:$0x3FC4] =	sst s2  }
0x8f: {  	_ = 	snop  }
0x90: {  	s2 =	sld [smem:$0x3FD0];
	_ =	sdelay $0x2  }
0x91: {  	s16 =	simm.s32 $0xA;
	s4 =	simm.s32 $0x10  }
0x92: {  	[smem:s4], [sflag:s16] =	dma.local [hbm:s2], $0x1  }
0x93: {  	_ =	swait.eq [sflag:s16], $0x1  }
0x94: {  	s17 =	sld [smem:$0x10];
	[sflag:s16] =	ssyncset.done $0x0  }
0x95: {  	s18 =	sld [smem:$0x11];
	[sflag:s16] =	ssyncadd.s32 $0xFFFFFFFF  }
0x96: {  	s19 =	sld [smem:$0x12];
	(tm) =	ssettm $0x1  }
0x97: {  	s5 =	sld [smem:$0x3FFB];
	_ =	sdelay $0x3  }
0x98: {  	_ =	strace s5  }
0x99: {  	s5 =	sld [smem:$0x3FFC];
	_ =	sdelay $0x3  }
0x9a: {  	_ =	strace s5  }
0x9b: {  	s5 =	sld [smem:$0x3FFD];
	_ =	sdelay $0x3  }
0x9c: {  	_ =	strace s5  }
0x9d: {  	_ =	strace $0x8FFFFFFF  }
0x9e: {  	s20 =	sld [smem:$0x3FDB];
	_ =	sdelay $0x1  }
0x9f: {  	s6 =	simm.s32 $_scs_section_size  }
0xa0: {  	s7 =	simm.s32 $_size__tile_overlayer_lowered;
	s8 =	simm.s32 $_tile_overlayer_lowered  }
0xa1: {  	s23 =	simm.s32 $0x1BFF;
	s22 =	sshll.u32 s8, $0x1;
	s5 =	sadd.s32 s6, s20  }
0xa2: {  	s9 =	simm.s32 $0x0;
	s21 =	sshll.u32 s7, $0x1;
	s7 =	sadd.s32 s22, s5  }
0xa3: {  	[timem:s9], [sflag:s23] =	dma.local [hbm:s7], s21  }
0xa4: {  	_ =	swait.ge [sflag:s23], s21  }
0xa5: {  	s6 =	ssub.s32 $0x0, s21;
	[sflag:s23] =	ssyncset.done $0x0  }
0xa6: {  	[sflag:s23] =	ssyncadd.s32 s6;
	_ =	sdelay $0x1  }
0xa7: {  	s24 =	simm.s32 $0x1B8B  }
0xa8: {  	_ =	swait.ge [sflag:s24], $0x1  }
0xa9: {  	[sflag:s24] =	ssyncset.done $0x0  }
0xaa: {  	s25 =	simm.s32 $0x1B8E;
	[sflag:s24] =	ssyncadd.s32 $0xFFFFFFFF  }
0xab: {  	s26 =	simm.s32 $execute0_lowered;
	[smem:$0x3FD2] =	sst s25  }
0xac: {  	s6 =	sshll.u32 s26, $0x1;
	_ =	strace $0x80000046;
	[dreg:$0x1] =	wrdreg $0xFFFFFFFF  }
0xad: {  	s28 =	simm.s32 $_size_execute0_lowered;
	s5 =	sadd.s32 s5, s6;
	[dreg:$0x0] =	wrdreg $0x0  }
0xae: {  	s6 =	sshll.u32 s28, $0x1;
	[dreg:$0x2] =	wrdreg s5  }
0xaf: {  	[dreg:$0x3] =	wrdreg s6  }
0xb0: {  	[dreg:$0x4] =	wrdreg $0xC0  }
0xb1: {  	_ =	task [dreg:s9], $0x5FFFF  }
0xb2: {  	[dreg:$0x1] =	wrdreg $0xFFFFFFFF  }
0xb3: {  	[dreg:$0x0] =	wrdreg $0x60  }
0xb4: {  	[dreg:$0x2] =	wrdreg s18  }
0xb5: {  	[dreg:$0x3] =	wrdreg s17  }
0xb6: {  	[dreg:$0x4] =	wrdreg s19  }
0xb7: {  	[dreg:$0x5] =	wrdreg $0x9  }
0xb8: {  	_ =	task.clear_ibuf [dreg:s9], $0x6FFFF;
	_ =	strace $0x90000046  }
0xb9: {  	s29 =	simm.s32 $0x9;
	_ =	strace $0x80000048  }
0xba: {  	_ =	swait.ge [sflag:s29], $0x1  }
0xbb: {  	[sflag:s29] =	ssyncadd.s32 $0xFFFFFFFF  }
0xbc: {  	_ =	strace $0x90000048  }
0xbd: {  	_ =	sfence  }
0xbe: {  	s30 =	sld [smem:$0x0];
	_ =	sdelay $0x2  }
0xbf: {  	s31 =	sshll.u32 s1, $0xD;
	s1 =	sshrl.u32 s1, $0x2  }
0xc0: {  	s3 =	sand.u32 $0x4000, s31;
	s1 =	sadd.s32 s1, s30  }
0xc1: {  	s0 =	sor.u32 s3, s0;
	s1 =	sshll.u32 s1, $0x11  }
0xc2: {  	s0 =	sor.u32 s1, s0  }
0xc3: {  	s0 =	sadd.s32 $0x8F2B, s0  }
0xc4: {  	[sflag:s0] =	ssyncadd.remote.s32 $0x1  }
0xc5: {  	_ =	sfence.sel $0xFFFF  }
0xc6: {  	[dreg:$0x0] =	wrdreg $0xFFFFFFFF;
	(pc) =	sbr.abs _section_cstart, $3  }
0xc7: {  	[dreg:$0x1] =	wrdreg $0xFFFFFFFF  }
0xc8: {  	_ =	task.clear_ibuf [dreg:s9], $0x2FFFF;
	_ =	strace $0x9FFFFFFF  }
0xc9: {  	(tm) =	ssettm $0x7FFFFFFF  }
tec
execute0_lowered:
.L_overlay_start_1:
0x0: {  	(tag) =	ssettag $0x1  }
0x1: {  	s3 =	stileid.u32  }
0x2: {  	p0 =	sgt.u32 s3, $0x1  }
.Ltmp0:
0x3: {  	_ = 	snop;
	(pc) =	sbr.rel @p0 .LBB2_5-.Ltmp0, $4  }
0x4: {  	s0 =	rddreg [dreg:$0x0]  }
0x5: {  	s1 =	rddreg [dreg:$0x1];
	s2 =	simm.s32 $0x0  }
0x6: {  	[smem:$0x7FF] =	sst s2  }
0x7: {  	s5 =	rddreg [dreg:$0x2];
	_ =	strace $0x80000047  }
0x8: {  	s3 =	srdreg.scid  }
0x9: {  	s22 =	stileid.u32;
	s6 =	sand.u32 $0x1, s3  }
0xa: {  	s3 =	sshll.u32 s22, $0xD;
	s4 =	sshll.u32 s6, $0xC;
	s6 =	ssub.s32 $0x2, s6  }
0xb: {  	s3 =	sor.u32 s4, s3;
	s26 =	sshrl.u32 s6, $0x1  }
0xc: {  	s4 =	sor.u32 $0x10, s3;
	s7 =	sor.u32 $0x20, s3;
	s21 =	sadd.s32 s5, s3  }
0xd: {  	s8 =	sor.u32 $0x30, s3;
	[dreg:$0x4] =	wrdreg s21;
	s23 =	sadd.s32 s5, s4  }
0xe: {  	s9 =	sor.u32 $0x40, s3;
	s24 =	sadd.s32 s5, s7;
	[dreg:$0x5] =	wrdreg s23  }
0xf: {  	s14 =	sor.u32 $0x810, s3;
	s25 =	sadd.s32 s5, s8;
	[dreg:$0x6] =	wrdreg s24  }
0x10: {  	s20 =	sor.u32 $0x870, s3;
	s22 =	sadd.s32 s5, s9;
	[dreg:$0x7] =	wrdreg s25  }
0x11: {  	s6 =	ssub.s32 s6, s26;
	s26 =	sadd.s32 s5, s14;
	[dreg:$0x8] =	wrdreg s22  }
0x12: {  	s10 =	sor.u32 $0x50, s3;
	s21 =	sadd.s32 s5, s20;
	[dreg:$0xd] =	wrdreg s26  }
0x13: {  	s11 =	sor.u32 $0x60, s3;
	s22 =	sadd.s32 s5, s10;
	[dreg:$0x13] =	wrdreg s21  }
0x14: {  	s12 =	sor.u32 $0x70, s3;
	s23 =	sadd.s32 s5, s11;
	[dreg:$0x9] =	wrdreg s22  }
0x15: {  	s13 =	sor.u32 $0x800, s3;
	s24 =	sadd.s32 s5, s12;
	[dreg:$0xa] =	wrdreg s23  }
0x16: {  	s19 =	sor.u32 $0x860, s3;
	s25 =	sadd.s32 s5, s13;
	[dreg:$0xb] =	wrdreg s24  }
0x17: {  	s17 =	sor.u32 $0x840, s3;
	s26 =	sadd.s32 s5, s19;
	[dreg:$0xc] =	wrdreg s25  }
0x18: {  	s15 =	sor.u32 $0x820, s3;
	s21 =	sadd.s32 s0, s17;
	[dreg:$0x12] =	wrdreg s26  }
0x19: {  	s16 =	sor.u32 $0x830, s3;
	s22 =	sadd.s32 s5, s15;
	[dreg:$0x1b] =	wrdreg s21  }
0x1a: {  	s23 =	sadd.s32 s5, s16;
	[dreg:$0xe] =	wrdreg s22  }
0x1b: {  	s18 =	sor.u32 $0x850, s3;
	s24 =	sadd.s32 s5, s17;
	[dreg:$0xf] =	wrdreg s23  }
0x1c: {  	s25 =	sadd.s32 s5, s18;
	[dreg:$0x10] =	wrdreg s24  }
0x1d: {  	s26 =	sadd.s32 s1, s18;
	[dreg:$0x11] =	wrdreg s25  }
0x1e: {  	s21 =	sadd.s32 s0, s11;
	[dreg:$0x18] =	wrdreg s26  }
0x1f: {  	s22 =	sadd.s32 s1, s20;
	[smem:$0x7F8] =	sst s21  }
0x20: {  	s23 =	sadd.s32 s0, s20;
	[dreg:$0x14] =	wrdreg s22  }
0x21: {  	s24 =	sadd.s32 s1, s19;
	[dreg:$0x15] =	wrdreg s23  }
0x22: {  	s25 =	sadd.s32 s0, s19;
	[dreg:$0x16] =	wrdreg s24  }
0x23: {  	s19 =	sadd.s32 s0, s18;
	[dreg:$0x17] =	wrdreg s25  }
0x24: {  	s28 =	simm.s32 $0x9800;
	s20 =	sadd.s32 s1, s17;
	[dreg:$0x19] =	wrdreg s19  }
0x25: {  	s29 =	simm.s32 $0xA000;
	s26 =	sadd.s32 s1, s14;
	[dreg:$0x1a] =	wrdreg s20  }
0x26: {  	s30 =	simm.s32 $0xA800;
	s17 =	sadd.s32 s0, s13;
	[smem:$0x7F1] =	sst s26  }
0x27: {  	s31 =	simm.s32 $0xB000;
	s18 =	sadd.s32 s1, s12;
	[smem:$0x7F4] =	sst s17  }
0x28: {  	s5 =	simm.s32 $0xD800;
	s22 =	sadd.s32 s1, s16;
	[smem:$0x7F5] =	sst s18  }
0x29: {  	s21 =	smax.u32 s6, $0x1;
	s23 =	sadd.s32 s0, s16;
	[dreg:$0x1c] =	wrdreg s22  }
0x2a: {  	s6 =	simm.s32 $0xE000;
	s24 =	sadd.s32 s1, s15;
	[dreg:$0x1d] =	wrdreg s23  }
0x2b: {  	s25 =	sadd.s32 s0, s15;
	s15 =	sadd.s32 s0, s14;
	[dreg:$0x1e] =	wrdreg s24  }
0x2c: {  	s16 =	sadd.s32 s1, s13;
	s19 =	sadd.s32 s0, s12;
	[dreg:$0x1f] =	wrdreg s25  }
0x2d: {  	s20 =	sadd.s32 s1, s11;
	s26 =	sadd.s32 s1, s8;
	[smem:$0x7F2] =	sst s15  }
0x2e: {  	s14 =	sadd.s32 s0, s8;
	s17 =	sadd.s32 s1, s4;
	[smem:$0x7F3] =	sst s16  }
0x2f: {  	s18 =	sadd.s32 s0, s4;
	s4 =	simm.s32 $0xD000;
	[smem:$0x7F6] =	sst s19  }
0x30: {  	s8 =	simm.s32 $0xF000;
	s11 =	simm.s32 $0x0;
	[smem:$0x7F7] =	sst s20  }
0x31: {  	s22 =	sadd.s32 s1, s10;
	s23 =	sadd.s32 s0, s10;
	s24 =	sadd.s32 s1, s9  }
0x32: {  	s25 =	sadd.s32 s0, s9;
	[smem:$0x7FD] =	sst s26;
	s15 =	sadd.s32 s1, s7  }
0x33: {  	s16 =	sadd.s32 s0, s7;
	s19 =	sadd.s32 s1, s3;
	s20 =	sadd.s32 s0, s3  }
0x34: {  	s26 =	simm.s32 $0x9000;
	s0 =	simm.s32 $0xB800;
	[smem:$0x7F9] =	sst s22  }
0x35: {  	s1 =	simm.s32 $0xC000;
	s3 =	simm.s32 $0xC800;
	[smem:$0x7FA] =	sst s23  }
0x36: {  	s7 =	simm.s32 $0xE800;
	s9 =	simm.s32 $0xF800;
	[smem:$0x7FB] =	sst s24  }
0x37: {  	v0 =	vlaneseq.u32;
	s10 =	simm.s32 $0x1;
	[smem:$0x7FC] =	sst s25;
	s22 =	simm.s32 $0x80  }
0x38: {  	v0 =	vmul.u32 $0x800, v0;
	s23 =	simm.s32 $0x400;
	s24 =	simm.s32 $0x8000;
	s25 =	simm.s32 $0x8800  }
.LBB2_2:
0x39: {  	[tilespmem:s2], [sflag:$0x1] =	stream.strided.gather [hbm4b:s20+s22], $0x800, s23, s22, $0x38;
	[tilespmem:$0x10000] =	vst v63  }
0x3a: {  	_ = 	snop  }
0x3b: {  	[tilespmem:s24], [sflag:$0x1] =	stream.strided.gather [hbm4b:s19+s22], $0x800, s23, s22, $0x38;
	[tilespmem:$0x10000] =	vst v63  }
0x3c: {  	s12 =	simm.s32 $0x800  }
0x3d: {  	[tilespmem:s12], [sflag:$0x1] =	stream.strided.gather [hbm4b:s18+s22], $0x800, s23, s22, $0x38;
	[tilespmem:$0x10000] =	vst v63  }
0x3e: {  	_ = 	snop  }
0x3f: {  	[tilespmem:s25], [sflag:$0x1] =	stream.strided.gather [hbm4b:s17+s22], $0x800, s23, s22, $0x38;
	[tilespmem:$0x10000] =	vst v63  }
0x40: {  	s13 =	simm.s32 $0x1000  }
0x41: {  	[tilespmem:s13], [sflag:$0x1] =	stream.strided.gather [hbm4b:s16+s22], $0x800, s23, s22, $0x38;
	[tilespmem:$0x10000] =	vst v63  }
0x42: {  	_ = 	snop  }
0x43: {  	[tilespmem:s26], [sflag:$0x1] =	stream.strided.gather [hbm4b:s15+s22], $0x800, s23, s22, $0x38;
	[tilespmem:$0x10000] =	vst v63  }
0x44: {  	s13 =	simm.s32 $0x1800  }
0x45: {  	[tilespmem:s13], [sflag:$0x1] =	stream.strided.gather [hbm4b:s14+s22], $0x800, s23, s22, $0x38;
	[tilespmem:$0x10000] =	vst v63  }
0x46: {  	s13 =	sld [smem:$0x7FD];
	_ =	sdelay $0x1  }
0x47: {  	s12 =	sld [smem:$0x7FC]  }
0x48: {  	[tilespmem:s28], [sflag:$0x1] =	stream.strided.gather [hbm4b:s13+s22], $0x800, s23, s22, $0x38;
	[tilespmem:$0x10000] =	vst v63  }
0x49: {  	s13 =	simm.s32 $0x2000  }
0x4a: {  	[tilespmem:s13], [sflag:$0x1] =	stream.strided.gather [hbm4b:s12+s22], $0x800, s23, s22, $0x38;
	[tilespmem:$0x10000] =	vst v63  }
0x4b: {  	s13 =	sld [smem:$0x7FB];
	_ =	sdelay $0x1  }
0x4c: {  	s12 =	sld [smem:$0x7FA]  }
0x4d: {  	[tilespmem:s29], [sflag:$0x1] =	stream.strided.gather [hbm4b:s13+s22], $0x800, s23, s22, $0x38;
	[tilespmem:$0x10000] =	vst v63  }
0x4e: {  	s13 =	simm.s32 $0x2800  }
0x4f: {  	[tilespmem:s13], [sflag:$0x1] =	stream.strided.gather [hbm4b:s12+s22], $0x800, s23, s22, $0x38;
	[tilespmem:$0x10000] =	vst v63  }
0x50: {  	s13 =	sld [smem:$0x7F9];
	_ =	sdelay $0x1  }
0x51: {  	s12 =	sld [smem:$0x7F8]  }
0x52: {  	[tilespmem:s30], [sflag:$0x1] =	stream.strided.gather [hbm4b:s13+s22], $0x800, s23, s22, $0x38;
	[tilespmem:$0x10000] =	vst v63  }
0x53: {  	s13 =	simm.s32 $0x3000  }
0x54: {  	[tilespmem:s13], [sflag:$0x1] =	stream.strided.gather [hbm4b:s12+s22], $0x800, s23, s22, $0x38;
	[tilespmem:$0x10000] =	vst v63  }
0x55: {  	s13 =	sld [smem:$0x7F7];
	_ =	sdelay $0x1  }
0x56: {  	s12 =	sld [smem:$0x7F6]  }
0x57: {  	[tilespmem:s31], [sflag:$0x1] =	stream.strided.gather [hbm4b:s13+s22], $0x800, s23, s22, $0x38;
	[tilespmem:$0x10000] =	vst v63  }
0x58: {  	s13 =	simm.s32 $0x3800  }
0x59: {  	[tilespmem:s13], [sflag:$0x1] =	stream.strided.gather [hbm4b:s12+s22], $0x800, s23, s22, $0x38;
	[tilespmem:$0x10000] =	vst v63  }
0x5a: {  	s13 =	sld [smem:$0x7F5];
	_ =	sdelay $0x1  }
0x5b: {  	s12 =	sld [smem:$0x7F4]  }
0x5c: {  	[tilespmem:s0], [sflag:$0x1] =	stream.strided.gather [hbm4b:s13+s22], $0x800, s23, s22, $0x38;
	[tilespmem:$0x10000] =	vst v63  }
0x5d: {  	s13 =	simm.s32 $0x4000  }
0x5e: {  	[tilespmem:s13], [sflag:$0x1] =	stream.strided.gather [hbm4b:s12+s22], $0x800, s23, s22, $0x38;
	[tilespmem:$0x10000] =	vst v63  }
0x5f: {  	s13 =	sld [smem:$0x7F3];
	_ =	sdelay $0x1  }
0x60: {  	s12 =	sld [smem:$0x7F2]  }
0x61: {  	[tilespmem:s1], [sflag:$0x1] =	stream.strided.gather [hbm4b:s13+s22], $0x800, s23, s22, $0x38;
	[tilespmem:$0x10000] =	vst v63  }
0x62: {  	s13 =	simm.s32 $0x4800  }
0x63: {  	[tilespmem:s13], [sflag:$0x1] =	stream.strided.gather [hbm4b:s12+s22], $0x800, s23, s22, $0x38;
	[tilespmem:$0x10000] =	vst v63  }
0x64: {  	s13 =	sld [smem:$0x7F1];
	_ =	sdelay $0x2  }
0x65: {  	[tilespmem:s3], [sflag:$0x1] =	stream.strided.gather [hbm4b:s13+s22], $0x800, s23, s22, $0x38;
	[tilespmem:$0x10000] =	vst v63  }
0x66: {  	s12 =	rddreg [dreg:$0x1f];
	s13 =	simm.s32 $0x5000  }
0x67: {  	[tilespmem:s13], [sflag:$0x1] =	stream.strided.gather [hbm4b:s12+s22], $0x800, s23, s22, $0x38;
	[tilespmem:$0x10000] =	vst v63  }
0x68: {  	s13 =	rddreg [dreg:$0x1e]  }
0x69: {  	[tilespmem:s4], [sflag:$0x1] =	stream.strided.gather [hbm4b:s13+s22], $0x800, s23, s22, $0x38;
	[tilespmem:$0x10000] =	vst v63  }
0x6a: {  	s12 =	rddreg [dreg:$0x1d];
	s13 =	simm.s32 $0x5800  }
0x6b: {  	[tilespmem:s13], [sflag:$0x1] =	stream.strided.gather [hbm4b:s12+s22], $0x800, s23, s22, $0x38;
	[tilespmem:$0x10000] =	vst v63  }
0x6c: {  	s13 =	rddreg [dreg:$0x1c]  }
0x6d: {  	[tilespmem:s5], [sflag:$0x1] =	stream.strided.gather [hbm4b:s13+s22], $0x800, s23, s22, $0x38;
	[tilespmem:$0x10000] =	vst v63  }
0x6e: {  	s12 =	rddreg [dreg:$0x1b];
	s13 =	simm.s32 $0x6000  }
0x6f: {  	[tilespmem:s13], [sflag:$0x1] =	stream.strided.gather [hbm4b:s12+s22], $0x800, s23, s22, $0x38;
	[tilespmem:$0x10000] =	vst v63  }
0x70: {  	s13 =	rddreg [dreg:$0x1a]  }
0x71: {  	[tilespmem:s6], [sflag:$0x1] =	stream.strided.gather [hbm4b:s13+s22], $0x800, s23, s22, $0x38;
	[tilespmem:$0x10000] =	vst v63  }
0x72: {  	s12 =	rddreg [dreg:$0x19];
	s13 =	simm.s32 $0x6800  }
0x73: {  	[tilespmem:s13], [sflag:$0x1] =	stream.strided.gather [hbm4b:s12+s22], $0x800, s23, s22, $0x38;
	[tilespmem:$0x10000] =	vst v63  }
0x74: {  	s13 =	rddreg [dreg:$0x18]  }
0x75: {  	[tilespmem:s7], [sflag:$0x1] =	stream.strided.gather [hbm4b:s13+s22], $0x800, s23, s22, $0x38;
	[tilespmem:$0x10000] =	vst v63  }
0x76: {  	s12 =	rddreg [dreg:$0x17];
	s13 =	simm.s32 $0x7000  }
0x77: {  	[tilespmem:s13], [sflag:$0x1] =	stream.strided.gather [hbm4b:s12+s22], $0x800, s23, s22, $0x38;
	[tilespmem:$0x10000] =	vst v63  }
0x78: {  	s13 =	rddreg [dreg:$0x16]  }
0x79: {  	[tilespmem:s8], [sflag:$0x1] =	stream.strided.gather [hbm4b:s13+s22], $0x800, s23, s22, $0x38;
	[tilespmem:$0x10000] =	vst v63  }
0x7a: {  	s12 =	rddreg [dreg:$0x15];
	s13 =	simm.s32 $0x7800  }
0x7b: {  	[tilespmem:s13], [sflag:$0x1] =	stream.strided.gather [hbm4b:s12+s22], $0x800, s23, s22, $0x38;
	[tilespmem:$0x10000] =	vst v63  }
0x7c: {  	s13 =	rddreg [dreg:$0x14]  }
0x7d: {  	[tilespmem:s9], [sflag:$0x1] =	stream.strided.gather [hbm4b:s13+s22], $0x800, s23, s22, $0x38;
	[tilespmem:$0x10000] =	vst v63  }
0x7e: {  	_ =	swait.ge [sflag:s10], $0x800  }
0x7f: {  	[sflag:s10] =	ssyncset.done $0x0  }
0x80: {  	[sflag:s10] =	ssyncadd.s32 $0xFFFFF800  }
0x81: {  	_ =	swait.ge [sflag:s10], $0x800  }
0x82: {  	[sflag:s10] =	ssyncset.done $0x0  }
0x83: {  	[sflag:s10] =	ssyncadd.s32 $0xFFFFF800  }
0x84: {  	_ =	swait.ge [sflag:s10], $0x800  }
0x85: {  	[sflag:s10] =	ssyncset.done $0x0  }
0x86: {  	[sflag:s10] =	ssyncadd.s32 $0xFFFFF800  }
0x87: {  	_ =	swait.ge [sflag:s10], $0x800  }
0x88: {  	[sflag:s10] =	ssyncset.done $0x0  }
0x89: {  	[sflag:s10] =	ssyncadd.s32 $0xFFFFF800  }
0x8a: {  	_ =	swait.ge [sflag:s10], $0x800  }
0x8b: {  	[sflag:s10] =	ssyncset.done $0x0  }
0x8c: {  	[sflag:s10] =	ssyncadd.s32 $0xFFFFF800  }
0x8d: {  	_ =	swait.ge [sflag:s10], $0x800  }
0x8e: {  	[sflag:s10] =	ssyncset.done $0x0  }
0x8f: {  	[sflag:s10] =	ssyncadd.s32 $0xFFFFF800  }
0x90: {  	_ =	swait.ge [sflag:s10], $0x800  }
0x91: {  	[sflag:s10] =	ssyncset.done $0x0  }
0x92: {  	[sflag:s10] =	ssyncadd.s32 $0xFFFFF800  }
0x93: {  	_ =	swait.ge [sflag:s10], $0x800  }
0x94: {  	[sflag:s10] =	ssyncset.done $0x0  }
0x95: {  	[sflag:s10] =	ssyncadd.s32 $0xFFFFF800  }
0x96: {  	_ =	swait.ge [sflag:s10], $0x800  }
0x97: {  	[sflag:s10] =	ssyncset.done $0x0  }
0x98: {  	[sflag:s10] =	ssyncadd.s32 $0xFFFFF800  }
0x99: {  	_ =	swait.ge [sflag:s10], $0x800  }
0x9a: {  	[sflag:s10] =	ssyncset.done $0x0  }
0x9b: {  	[sflag:s10] =	ssyncadd.s32 $0xFFFFF800  }
0x9c: {  	_ =	swait.ge [sflag:s10], $0x800  }
0x9d: {  	[sflag:s10] =	ssyncset.done $0x0  }
0x9e: {  	[sflag:s10] =	ssyncadd.s32 $0xFFFFF800  }
0x9f: {  	_ =	swait.ge [sflag:s10], $0x800  }
0xa0: {  	[sflag:s10] =	ssyncset.done $0x0  }
0xa1: {  	[sflag:s10] =	ssyncadd.s32 $0xFFFFF800  }
0xa2: {  	_ =	swait.ge [sflag:s10], $0x800  }
0xa3: {  	[sflag:s10] =	ssyncset.done $0x0  }
0xa4: {  	[sflag:s10] =	ssyncadd.s32 $0xFFFFF800  }
0xa5: {  	_ =	swait.ge [sflag:s10], $0x800  }
0xa6: {  	[sflag:s10] =	ssyncset.done $0x0  }
0xa7: {  	[sflag:s10] =	ssyncadd.s32 $0xFFFFF800  }
0xa8: {  	_ =	swait.ge [sflag:s10], $0x800  }
0xa9: {  	[sflag:s10] =	ssyncset.done $0x0  }
0xaa: {  	[sflag:s10] =	ssyncadd.s32 $0xFFFFF800  }
0xab: {  	_ =	swait.ge [sflag:s10], $0x800  }
0xac: {  	[sflag:s10] =	ssyncset.done $0x0  }
0xad: {  	[sflag:s10] =	ssyncadd.s32 $0xFFFFF800  }
0xae: {  	_ =	swait.ge [sflag:s10], $0x800  }
0xaf: {  	[sflag:s10] =	ssyncset.done $0x0  }
0xb0: {  	[sflag:s10] =	ssyncadd.s32 $0xFFFFF800  }
0xb1: {  	_ =	swait.ge [sflag:s10], $0x800  }
0xb2: {  	[sflag:s10] =	ssyncset.done $0x0  }
0xb3: {  	[sflag:s10] =	ssyncadd.s32 $0xFFFFF800  }
0xb4: {  	_ =	swait.ge [sflag:s10], $0x800  }
0xb5: {  	[sflag:s10] =	ssyncset.done $0x0  }
0xb6: {  	[sflag:s10] =	ssyncadd.s32 $0xFFFFF800  }
0xb7: {  	_ =	swait.ge [sflag:s10], $0x800  }
0xb8: {  	[sflag:s10] =	ssyncset.done $0x0  }
0xb9: {  	[sflag:s10] =	ssyncadd.s32 $0xFFFFF800  }
0xba: {  	_ =	swait.ge [sflag:s10], $0x800  }
0xbb: {  	[sflag:s10] =	ssyncset.done $0x0  }
0xbc: {  	[sflag:s10] =	ssyncadd.s32 $0xFFFFF800  }
0xbd: {  	_ =	swait.ge [sflag:s10], $0x800  }
0xbe: {  	[sflag:s10] =	ssyncset.done $0x0  }
0xbf: {  	[sflag:s10] =	ssyncadd.s32 $0xFFFFF800  }
0xc0: {  	_ =	swait.ge [sflag:s10], $0x800  }
0xc1: {  	[sflag:s10] =	ssyncset.done $0x0  }
0xc2: {  	[sflag:s10] =	ssyncadd.s32 $0xFFFFF800  }
0xc3: {  	_ =	swait.ge [sflag:s10], $0x800  }
0xc4: {  	[sflag:s10] =	ssyncset.done $0x0  }
0xc5: {  	[sflag:s10] =	ssyncadd.s32 $0xFFFFF800  }
0xc6: {  	_ =	swait.ge [sflag:s10], $0x800  }
0xc7: {  	[sflag:s10] =	ssyncset.done $0x0  }
0xc8: {  	[sflag:s10] =	ssyncadd.s32 $0xFFFFF800  }
0xc9: {  	_ =	swait.ge [sflag:s10], $0x800  }
0xca: {  	[sflag:s10] =	ssyncset.done $0x0  }
0xcb: {  	[sflag:s10] =	ssyncadd.s32 $0xFFFFF800  }
0xcc: {  	_ =	swait.ge [sflag:s10], $0x800  }
0xcd: {  	[sflag:s10] =	ssyncset.done $0x0  }
0xce: {  	[sflag:s10] =	ssyncadd.s32 $0xFFFFF800  }
0xcf: {  	_ =	swait.ge [sflag:s10], $0x800  }
0xd0: {  	[sflag:s10] =	ssyncset.done $0x0  }
0xd1: {  	[sflag:s10] =	ssyncadd.s32 $0xFFFFF800  }
0xd2: {  	_ =	swait.ge [sflag:s10], $0x800  }
0xd3: {  	[sflag:s10] =	ssyncset.done $0x0  }
0xd4: {  	[sflag:s10] =	ssyncadd.s32 $0xFFFFF800  }
0xd5: {  	_ =	swait.ge [sflag:s10], $0x800  }
0xd6: {  	[sflag:s10] =	ssyncset.done $0x0  }
0xd7: {  	[sflag:s10] =	ssyncadd.s32 $0xFFFFF800  }
0xd8: {  	_ =	swait.ge [sflag:s10], $0x800  }
0xd9: {  	v2 =	vmov v0;
	[sflag:s10] =	ssyncset.done $0x0  }
0xda: {  	[sflag:s10] =	ssyncadd.s32 $0xFFFFF800  }
0xdb: {  	_ =	swait.ge [sflag:s10], $0x800  }
0xdc: {  	[sflag:s10] =	ssyncset.done $0x0  }
0xdd: {  	v1 =	vimm.s32 $0x1;
	s12 =	simm.s32 $0xFFFFFFF8;
	[sflag:s10] =	ssyncadd.s32 $0xFFFFF800  }
.LBB2_3:
0xde: {  	v2 =	vld.idx.msk [tilespmem:v2+s2+$0x0], $0xffff;
	_ =	sdelay $0x7  }
0xdf: {  	[tilespmem:v2+s24+$0x0] =	vst.idx.msk $0xffff, v1  }
0xe0: {  	v2 =	vld.idx.msk [tilespmem:v2+s2+$0x0], $0xffff;
	_ =	sdelay $0x6  }
0xe1: {  	v3 =	vadd.s32 $0x1, v1  }
0xe2: {  	[tilespmem:v2+s24+$0x0] =	vst.idx.msk $0xffff, v3  }
0xe3: {  	v2 =	vld.idx.msk [tilespmem:v2+s2+$0x0], $0xffff;
	_ =	sdelay $0x6  }
0xe4: {  	v3 =	vadd.s32 $0x2, v1  }
0xe5: {  	[tilespmem:v2+s24+$0x0] =	vst.idx.msk $0xffff, v3  }
0xe6: {  	v2 =	vld.idx.msk [tilespmem:v2+s2+$0x0], $0xffff;
	_ =	sdelay $0x6  }
0xe7: {  	v3 =	vadd.s32 $0x3, v1  }
0xe8: {  	[tilespmem:v2+s24+$0x0] =	vst.idx.msk $0xffff, v3  }
0xe9: {  	v2 =	vld.idx.msk [tilespmem:v2+s2+$0x0], $0xffff;
	_ =	sdelay $0x6  }
0xea: {  	v3 =	vadd.s32 $0x4, v1  }
0xeb: {  	[tilespmem:v2+s24+$0x0] =	vst.idx.msk $0xffff, v3  }
0xec: {  	v2 =	vld.idx.msk [tilespmem:v2+s2+$0x0], $0xffff;
	_ =	sdelay $0x6  }
0xed: {  	v3 =	vadd.s32 $0x5, v1  }
0xee: {  	[tilespmem:v2+s24+$0x0] =	vst.idx.msk $0xffff, v3  }
0xef: {  	v2 =	vld.idx.msk [tilespmem:v2+s2+$0x0], $0xffff;
	_ =	sdelay $0x6  }
0xf0: {  	v3 =	vadd.s32 $0x6, v1  }
0xf1: {  	[tilespmem:v2+s24+$0x0] =	vst.idx.msk $0xffff, v3  }
0xf2: {  	v2 =	vld.idx.msk [tilespmem:v2+s2+$0x0], $0xffff;
	_ =	sdelay $0x1  }
0xf3: {  	s12 =	sadd.s32 $0x8, s12  }
0xf4: {  	p0 =	slt.u32 s12, $0x7F8  }
.Ltmp1:
0xf5: {  	_ = 	snop;
	(pc) =	sbr.rel @p0 .LBB2_3-.Ltmp1, $3  }
0xf6: {  	_ =	sdelay $0x1  }
0xf7: {  	v3 =	vadd.s32 $0x7, v1  }
0xf8: {  	v1 =	vadd.s32 $0x8, v1;
	[tilespmem:v2+s24+$0x0] =	vst.idx.msk $0xffff, v3  }
0xf9: {  	s12 =	rddreg [dreg:$0x4]  }
0xfa: {  	[hbm4b:s12+s22] =	stream.strided.scatter [tilespmem:s24], [sflag:$0x1], $0x800, s23, s22, $0x38;
	[tilespmem:$0x10000] =	vst v63  }
0xfb: {  	s13 =	rddreg [dreg:$0x5]  }
0xfc: {  	[hbm4b:s13+s22] =	stream.strided.scatter [tilespmem:s25], [sflag:$0x1], $0x800, s23, s22, $0x38;
	[tilespmem:$0x10000] =	vst v63  }
0xfd: {  	s13 =	rddreg [dreg:$0x6]  }
0xfe: {  	[hbm4b:s13+s22] =	stream.strided.scatter [tilespmem:s26], [sflag:$0x1], $0x800, s23, s22, $0x38;
	[tilespmem:$0x10000] =	vst v63  }
0xff: {  	s13 =	rddreg [dreg:$0x7]  }
0x100: {  	[hbm4b:s13+s22] =	stream.strided.scatter [tilespmem:s28], [sflag:$0x1], $0x800, s23, s22, $0x38;
	[tilespmem:$0x10000] =	vst v63  }
0x101: {  	s13 =	rddreg [dreg:$0x8]  }
0x102: {  	[hbm4b:s13+s22] =	stream.strided.scatter [tilespmem:s29], [sflag:$0x1], $0x800, s23, s22, $0x38;
	[tilespmem:$0x10000] =	vst v63  }
0x103: {  	s13 =	rddreg [dreg:$0x9]  }
0x104: {  	[hbm4b:s13+s22] =	stream.strided.scatter [tilespmem:s30], [sflag:$0x1], $0x800, s23, s22, $0x38;
	[tilespmem:$0x10000] =	vst v63  }
0x105: {  	s13 =	rddreg [dreg:$0xa]  }
0x106: {  	[hbm4b:s13+s22] =	stream.strided.scatter [tilespmem:s31], [sflag:$0x1], $0x800, s23, s22, $0x38;
	[tilespmem:$0x10000] =	vst v63  }
0x107: {  	s13 =	rddreg [dreg:$0xb]  }
0x108: {  	[hbm4b:s13+s22] =	stream.strided.scatter [tilespmem:s0], [sflag:$0x1], $0x800, s23, s22, $0x38;
	[tilespmem:$0x10000] =	vst v63  }
0x109: {  	s13 =	rddreg [dreg:$0xc]  }
0x10a: {  	[hbm4b:s13+s22] =	stream.strided.scatter [tilespmem:s1], [sflag:$0x1], $0x800, s23, s22, $0x38;
	[tilespmem:$0x10000] =	vst v63  }
0x10b: {  	s13 =	rddreg [dreg:$0xd]  }
0x10c: {  	[hbm4b:s13+s22] =	stream.strided.scatter [tilespmem:s3], [sflag:$0x1], $0x800, s23, s22, $0x38;
	[tilespmem:$0x10000] =	vst v63  }
0x10d: {  	s13 =	rddreg [dreg:$0xe]  }
0x10e: {  	[hbm4b:s13+s22] =	stream.strided.scatter [tilespmem:s4], [sflag:$0x1], $0x800, s23, s22, $0x38;
	[tilespmem:$0x10000] =	vst v63  }
0x10f: {  	s13 =	rddreg [dreg:$0xf]  }
0x110: {  	[hbm4b:s13+s22] =	stream.strided.scatter [tilespmem:s5], [sflag:$0x1], $0x800, s23, s22, $0x38;
	[tilespmem:$0x10000] =	vst v63  }
0x111: {  	s13 =	rddreg [dreg:$0x10]  }
0x112: {  	[hbm4b:s13+s22] =	stream.strided.scatter [tilespmem:s6], [sflag:$0x1], $0x800, s23, s22, $0x38;
	[tilespmem:$0x10000] =	vst v63  }
0x113: {  	s13 =	rddreg [dreg:$0x11]  }
0x114: {  	[hbm4b:s13+s22] =	stream.strided.scatter [tilespmem:s7], [sflag:$0x1], $0x800, s23, s22, $0x38;
	[tilespmem:$0x10000] =	vst v63  }
0x115: {  	s13 =	rddreg [dreg:$0x12]  }
0x116: {  	[hbm4b:s13+s22] =	stream.strided.scatter [tilespmem:s8], [sflag:$0x1], $0x800, s23, s22, $0x38;
	[tilespmem:$0x10000] =	vst v63  }
0x117: {  	s13 =	rddreg [dreg:$0x13]  }
0x118: {  	[hbm4b:s13+s22] =	stream.strided.scatter [tilespmem:s9], [sflag:$0x1], $0x800, s23, s22, $0x38;
	[tilespmem:$0x10000] =	vst v63  }
0x119: {  	_ =	swait.ge [sflag:s10], $0x800  }
0x11a: {  	[sflag:s10] =	ssyncset.done $0x0  }
0x11b: {  	[sflag:s10] =	ssyncadd.s32 $0xFFFFF800  }
0x11c: {  	_ =	swait.ge [sflag:s10], $0x800  }
0x11d: {  	[sflag:s10] =	ssyncset.done $0x0  }
0x11e: {  	[sflag:s10] =	ssyncadd.s32 $0xFFFFF800  }
0x11f: {  	_ =	swait.ge [sflag:s10], $0x800  }
0x120: {  	[sflag:s10] =	ssyncset.done $0x0  }
0x121: {  	[sflag:s10] =	ssyncadd.s32 $0xFFFFF800  }
0x122: {  	_ =	swait.ge [sflag:s10], $0x800  }
0x123: {  	[sflag:s10] =	ssyncset.done $0x0  }
0x124: {  	[sflag:s10] =	ssyncadd.s32 $0xFFFFF800  }
0x125: {  	_ =	swait.ge [sflag:s10], $0x800  }
0x126: {  	[sflag:s10] =	ssyncset.done $0x0  }
0x127: {  	[sflag:s10] =	ssyncadd.s32 $0xFFFFF800  }
0x128: {  	_ =	swait.ge [sflag:s10], $0x800  }
0x129: {  	[sflag:s10] =	ssyncset.done $0x0  }
0x12a: {  	[sflag:s10] =	ssyncadd.s32 $0xFFFFF800  }
0x12b: {  	_ =	swait.ge [sflag:s10], $0x800  }
0x12c: {  	[sflag:s10] =	ssyncset.done $0x0  }
0x12d: {  	[sflag:s10] =	ssyncadd.s32 $0xFFFFF800  }
0x12e: {  	_ =	swait.ge [sflag:s10], $0x800  }
0x12f: {  	[sflag:s10] =	ssyncset.done $0x0  }
0x130: {  	[sflag:s10] =	ssyncadd.s32 $0xFFFFF800  }
0x131: {  	_ =	swait.ge [sflag:s10], $0x800  }
0x132: {  	[sflag:s10] =	ssyncset.done $0x0  }
0x133: {  	[sflag:s10] =	ssyncadd.s32 $0xFFFFF800  }
0x134: {  	_ =	swait.ge [sflag:s10], $0x800  }
0x135: {  	[sflag:s10] =	ssyncset.done $0x0  }
0x136: {  	[sflag:s10] =	ssyncadd.s32 $0xFFFFF800  }
0x137: {  	_ =	swait.ge [sflag:s10], $0x800  }
0x138: {  	[sflag:s10] =	ssyncset.done $0x0  }
0x139: {  	[sflag:s10] =	ssyncadd.s32 $0xFFFFF800  }
0x13a: {  	_ =	swait.ge [sflag:s10], $0x800  }
0x13b: {  	[sflag:s10] =	ssyncset.done $0x0  }
0x13c: {  	[sflag:s10] =	ssyncadd.s32 $0xFFFFF800  }
0x13d: {  	_ =	swait.ge [sflag:s10], $0x800  }
0x13e: {  	[sflag:s10] =	ssyncset.done $0x0  }
0x13f: {  	[sflag:s10] =	ssyncadd.s32 $0xFFFFF800  }
0x140: {  	_ =	swait.ge [sflag:s10], $0x800  }
0x141: {  	[sflag:s10] =	ssyncset.done $0x0  }
0x142: {  	s11 =	sadd.s32 $0x1, s11;
	[sflag:s10] =	ssyncadd.s32 $0xFFFFF800  }
0x143: {  	p0 =	sne.s32 s11, s21;
	_ =	swait.ge [sflag:s10], $0x800  }
.Ltmp2:
0x144: {  	[sflag:s10] =	ssyncset.done $0x0;
	(pc) =	sbr.rel @p0 .LBB2_2-.Ltmp2, $4  }
0x145: {  	[sflag:s10] =	ssyncadd.s32 $0xFFFFF800  }
0x146: {  	_ =	swait.ge [sflag:s10], $0x800  }
0x147: {  	[sflag:s10] =	ssyncset.done $0x0  }
0x148: {  	[sflag:s10] =	ssyncadd.s32 $0xFFFFF800  }
.LBB2_5:
0x149: {  	_ =	sfence.sel $0x180000  }
0x14a: {  	[bflag:$0x0] =	sbarrier.arrive $0xFFFF  }
0x14b: {  	_ =	strace $0x90000047  }
0x14c: {  	s0 =	stileid.u32;
	[bflag:$0x2] =	sbarrier.arrive $0xFFFF  }
0x14d: {  	p0 =	sne.s32 s0, $0x0;
	s0 =	rddreg [dreg:$0x3]  }
0x14e: {  	s0 =	sadd.s32 @!p0 $0x100000, s0  }
0x14f: {  	[sflag:s0] =	ssyncadd.tile.s32 @!p0 $0x1;
	_ =	shalt  }
.Lfunc_end2:
_tile_overlayer_lowered:
.L_overlay_start_2:
0x150: {  	(tag) =	ssettag $0x2  }
0x151: {  	s0 =	rddreg [dreg:$0x0];
	s2 =	stileid.u32  }
0x152: {  	s1 =	rddreg [dreg:$0x1];
	p0 =	sne.s32 s2, $0x0  }
0x153: {  	s3 =	rddreg [dreg:$0x2];
	[bflag:$0x3] =	sbarrier.arrive $0xFFFF;
	s2 =	simm.s32 @!p0 $0x1C02  }
0x154: {  	[timem:s3], [sflag:s2] =	dma.local @!p0 [hbm:s0], s1  }
0x155: {  	s0 =	simm.s32 @!p0 $0x2  }
0x156: {  	_ =	swait.ge @!p0 [sflag:s0], s1  }
0x157: {  	s1 =	ssub.s32 @!p0 $0x0, s1;
	[sflag:s0] =	ssyncset.done @!p0 $0x0  }
0x158: {  	[sflag:s0] =	ssyncadd.s32 @!p0 s1  }
0x159: {  	[bflag:$0x3] =	sbarrier.arrive $0xFFFF  }
0x15a: {  	_ =	shalt  }

// kernel: kernel.8.cloned.1.call-start
scs
__scs_entry_jumppad:
0x0: {  	(pc) =	sbr.rel $0x88, $3  }
0x1: {  	(tag) =	ssettag $0x0;
	lr =	simm.s32 $0x1  }
0x2: {  	[smem:$0x3F9D] =	sst lr;
	_ =	strace $0xD0000000  }
0x3: {  	_ = 	snop  }
0x4: {  	_ = 	snop  }
0x5: {  	_ = 	snop  }
0x6: {  	_ = 	snop  }
0x7: {  	_ = 	snop  }
__scs_overlays_trampoline_lowered:
0x8: {  	[smem:$0x3FAC] =	sst s0  }
0x9: {  	[smem:$0x3FAD] =	sst s1  }
0xa: {  	[smem:$0x3FAE] =	sst s2  }
0xb: {  	[smem:$0x3FAF] =	sst s3  }
0xc: {  	[smem:$0x3FB0] =	sst s4  }
0xd: {  	[smem:$0x3FB1] =	sst s5  }
0xe: {  	[smem:$0x3FB2] =	sst s6  }
0xf: {  	[smem:$0x3FB3] =	sst s7  }
0x10: {  	[smem:$0x3FB4] =	sst s8  }
0x11: {  	[smem:$0x3FB5] =	sst s9;
	s0 =	simm.s32 @!p0 $0x0  }
0x12: {  	s1 =	sld [smem:$0x3F9B];
	s0 =	simm.s32 @p0 $0x1  }
0x13: {  	[smem:$0x3FB6] =	sst s0;
	s0 =	simm.s32 @!p1 $0x0  }
0x14: {  	s2 =	sld [smem:$0x3F9A];
	s0 =	simm.s32 @p1 $0x1  }
0x15: {  	[smem:$0x3FB7] =	sst s0;
	s0 =	simm.s32 @!p2 $0x0  }
0x16: {  	s3 =	sld [smem:$0x3FDB];
	s0 =	simm.s32 @p2 $0x1  }
0x17: {  	s4 =	simm.s32 $0x1BF5;
	[smem:$0x3FB9] =	sst s0  }
0x18: {  	s0 =	sld [smem:$0x3F9C];
	_ =	swait.ge [sflag:s4], $0x0  }
0x19: {  	s7 =	sld [smem:$0x3F9D]  }
0x1a: {  	s8 =	sadd.s32 $0xFFFFE003, lr  }
0x1b: {  	s9 =	sadd.s32 $0xFFFFFEF7, lr;
	s5 =	simm.s32 $0xFFFFFFFF;
	p2 =	slt.u32 s8, $0xFFFFF086  }
0x1c: {  	p1 =	slt.u32 s9, $0xF7A;
	s5 =	simm.s32 @!p2 $0x0  }
0x1d: {  	s5 =	simm.s32 @p1 $0x1;
	p0 =	seq.s32 s7, s2  }
0x1e: {  	s7 =	smul.u32 @!p0 $0xF7A, s2;
	p2 =	seq.s32 @!p0 s5, $0x0  }
0x1f: {  	s9 =	smul.u32 $0xF7A, s1;
	s8 =	simm.s32 @!p0 $0x1BF5;
	p2 =	por !p2, p0  }
0x20: {  	[sflag:s8] =	ssyncset.s32 @!p0 $0xFFFFF086;
	s6 =	sadd.s32 @!p0 s3, s7;
	s7 =	simm.s32 @!p0 $0x108  }
0x21: {  	s3 =	sadd.s32 s3, s9;
	s6 =	sadd.s32 @!p0 $0x88, s6;
	s7 =	simm.s32 @p2 $0x1082  }
0x22: {  	[simem:s7], [sflag:s8] =	dma.local @!p0 [hbm:s6], $0xF7A  }
0x23: {  	s9 =	sor.u32 $0xD0000000, s2;
	s6 =	simm.s32 $0x108;
	_ =	swait.ge @!p0 [sflag:s8], $0x0  }
0x24: {  	s3 =	sadd.s32 $0x88, s3;
	s6 =	simm.s32 @!p1 $0x1082;
	[sflag:s4] =	ssyncset.s32 $0xFFFFF086  }
0x25: {  	[simem:s6], [sflag:s4] =	dma.local [hbm:s3], $0xF7A  }
0x26: {  	[smem:$0x3F9D] =	sst s1;
	(tag) =	ssettag s2;
	_ =	strace s9  }
0x27: {  	s1 =	sld [smem:$0x3FAD]  }
0x28: {  	s2 =	sld [smem:$0x3FAE]  }
0x29: {  	s4 =	sld [smem:$0x3FB0]  }
0x2a: {  	p0 =	seq.s32 s5, $0x0;
	s5 =	sld [smem:$0x3FB1]  }
0x2b: {  	s6 =	sld [smem:$0x3FB2]  }
0x2c: {  	s7 =	sld [smem:$0x3FB3]  }
0x2d: {  	s3 =	simm.s32 $0x108;
	s8 =	sld [smem:$0x3FB4]  }
0x2e: {  	s3 =	simm.s32 @!p0 $0x1082;
	s9 =	sld [smem:$0x3FB5]  }
0x2f: {  	lr =	sadd.s32 s0, s3;
	s0 =	sld [smem:$0x3FAC]  }
0x30: {  	s3 =	sld [smem:$0x3FAF]  }
0x31: {  	[smem:$0x3FB8] =	sst s10  }
0x32: {  	s10 =	sld [smem:$0x3FB6];
	_ =	sdelay $0x3  }
0x33: {  	p0 =	seq.s32 s10, $0x1;
	s10 =	sld [smem:$0x3FB8];
	_ =	sdelay $0x3  }
0x34: {  	[smem:$0x3FB8] =	sst s10  }
0x35: {  	s10 =	sld [smem:$0x3FB7];
	_ =	sdelay $0x3  }
0x36: {  	p1 =	seq.s32 s10, $0x1;
	s10 =	sld [smem:$0x3FB8];
	_ =	sdelay $0x3  }
0x37: {  	[smem:$0x3FB8] =	sst s10  }
0x38: {  	s10 =	sld [smem:$0x3FB9]  }
0x39: {  	_ = 	snop;
	(pc) =	sbr.ind lr, $3  }
0x3a: {  	_ = 	snop  }
0x3b: {  	_ = 	snop  }
0x3c: {  	p2 =	seq.s32 s10, $0x1;
	s10 =	sld [smem:$0x3FB8]  }
0x3d: {  	_ =	shalt  }
0x3e: {  	_ =	shalt  }
0x3f: {  	_ =	shalt  }
0x40: {  	_ =	shalt  }
0x41: {  	_ =	shalt  }
0x42: {  	_ =	shalt  }
0x43: {  	_ =	shalt  }
0x44: {  	_ =	shalt  }
0x45: {  	_ =	shalt  }
0x46: {  	_ =	shalt  }
0x47: {  	_ =	shalt  }
0x48: {  	_ =	shalt  }
0x49: {  	_ =	shalt  }
0x4a: {  	_ =	shalt  }
0x4b: {  	_ =	shalt  }
0x4c: {  	_ =	shalt  }
0x4d: {  	_ =	shalt  }
0x4e: {  	_ =	shalt  }
0x4f: {  	_ =	shalt  }
0x50: {  	_ =	shalt  }
0x51: {  	_ =	shalt  }
0x52: {  	_ =	shalt  }
0x53: {  	_ =	shalt  }
0x54: {  	_ =	shalt  }
0x55: {  	_ =	shalt  }
0x56: {  	_ =	shalt  }
0x57: {  	_ =	shalt  }
0x58: {  	_ =	shalt  }
0x59: {  	_ =	shalt  }
0x5a: {  	_ =	shalt  }
0x5b: {  	_ =	shalt  }
0x5c: {  	_ =	shalt  }
0x5d: {  	_ =	shalt  }
0x5e: {  	_ =	shalt  }
0x5f: {  	_ =	shalt  }
0x60: {  	_ =	shalt  }
0x61: {  	_ =	shalt  }
0x62: {  	_ =	shalt  }
0x63: {  	_ =	shalt  }
0x64: {  	_ =	shalt  }
0x65: {  	_ =	shalt  }
0x66: {  	_ =	shalt  }
0x67: {  	_ =	shalt  }
0x68: {  	_ =	shalt  }
0x69: {  	_ =	shalt  }
0x6a: {  	_ =	shalt  }
0x6b: {  	_ =	shalt  }
0x6c: {  	_ =	shalt  }
0x6d: {  	_ =	shalt  }
0x6e: {  	_ =	shalt  }
0x6f: {  	_ =	shalt  }
0x70: {  	_ =	shalt  }
0x71: {  	_ =	shalt  }
0x72: {  	_ =	shalt  }
0x73: {  	_ =	shalt  }
0x74: {  	_ =	shalt  }
0x75: {  	_ =	shalt  }
0x76: {  	_ =	shalt  }
0x77: {  	_ =	shalt  }
0x78: {  	_ =	shalt  }
0x79: {  	_ =	shalt  }
0x7a: {  	_ =	shalt  }
0x7b: {  	_ =	shalt  }
0x7c: {  	_ =	shalt  }
0x7d: {  	_ =	shalt  }
0x7e: {  	_ =	shalt  }
0x7f: {  	_ =	shalt  }
0x80: {  	_ =	shalt  }
0x81: {  	_ =	shalt  }
0x82: {  	_ =	shalt  }
0x83: {  	_ =	shalt  }
0x84: {  	_ =	shalt  }
0x85: {  	_ =	shalt  }
0x86: {  	_ =	shalt  }
0x87: {  	_ =	shalt  }
.Lfunc_end0:
.L_simem_size_0:
called_computation.1_lowered:
.L_overlay_start_0:
0x88: {  	s2 =	sld [smem:$0x3FD9]  }
0x89: {  	s3 =	sld [smem:$0x3FFE];
	_ =	sdelay $0x1  }
0x8a: {  	s1 =	srdreg.scid  }
0x8b: {  	s0 =	sand.u32 $0x1, s1  }
0x8c: {  	s15 =	sshll.u32 s0, $0xA;
	s2 =	sadd.s32 s3, s2  }
0x8d: {  	s2 =	sadd.s32 s2, s15  }
0x8e: {  	[smem:$0x3FC4] =	sst s2  }
0x8f: {  	_ = 	snop  }
0x90: {  	s2 =	sld [smem:$0x3FD0];
	_ =	sdelay $0x2  }
0x91: {  	s4 =	simm.s32 $0xA;
	s5 =	simm.s32 $0x10;
	s16 =	sld [smem:$0x3FC6]  }
0x92: {  	[smem:s5], [sflag:s4] =	dma.local [hbm:s2], $0x1  }
0x93: {  	_ =	swait.eq [sflag:s4], $0x1  }
0x94: {  	[sflag:s4] =	ssyncset.done $0x0  }
0x95: {  	s17 =	sld [smem:$0x11];
	[sflag:s4] =	ssyncadd.s32 $0xFFFFFFFF  }
0x96: {  	s18 =	sld [smem:$0x12];
	(tm) =	ssettm $0x1  }
0x97: {  	s19 =	sld [smem:$0x3FFB];
	_ =	sdelay $0x3  }
0x98: {  	_ =	strace s19  }
0x99: {  	s5 =	sld [smem:$0x3FFC];
	_ =	sdelay $0x3  }
0x9a: {  	_ =	strace s5  }
0x9b: {  	s5 =	sld [smem:$0x3FFD];
	_ =	sdelay $0x3  }
0x9c: {  	_ =	strace s5  }
0x9d: {  	_ =	strace $0x8FFFFFFF  }
0x9e: {  	s20 =	sld [smem:$0x3FDB];
	_ =	sdelay $0x1  }
0x9f: {  	s6 =	simm.s32 $_scs_section_size  }
0xa0: {  	s7 =	simm.s32 $_size__tile_overlayer_lowered;
	s8 =	simm.s32 $_tile_overlayer_lowered  }
0xa1: {  	s23 =	simm.s32 $0x1BFF;
	s22 =	sshll.u32 s8, $0x1;
	s5 =	sadd.s32 s6, s20  }
0xa2: {  	s9 =	simm.s32 $0x0;
	s21 =	sshll.u32 s7, $0x1;
	s7 =	sadd.s32 s22, s5  }
0xa3: {  	[timem:s9], [sflag:s23] =	dma.local [hbm:s7], s21  }
0xa4: {  	_ =	swait.ge [sflag:s23], s21  }
0xa5: {  	s6 =	ssub.s32 $0x0, s21;
	[sflag:s23] =	ssyncset.done $0x0  }
0xa6: {  	[sflag:s23] =	ssyncadd.s32 s6;
	_ =	sdelay $0x1  }
0xa7: {  	s24 =	simm.s32 $0x1B8B  }
0xa8: {  	_ =	swait.ge [sflag:s24], $0x1  }
0xa9: {  	[sflag:s24] =	ssyncset.done $0x0  }
0xaa: {  	s25 =	simm.s32 $0x1B8E;
	[sflag:s24] =	ssyncadd.s32 $0xFFFFFFFF  }
0xab: {  	s26 =	simm.s32 $execute0_lowered;
	[smem:$0x3FD2] =	sst s25  }
0xac: {  	s6 =	sshll.u32 s26, $0x1;
	_ =	strace $0x80000049;
	[dreg:$0x1] =	wrdreg $0xFFFFFFFF  }
0xad: {  	s28 =	simm.s32 $_size_execute0_lowered;
	s5 =	sadd.s32 s5, s6;
	[dreg:$0x0] =	wrdreg $0x0  }
0xae: {  	s6 =	sshll.u32 s28, $0x1;
	[dreg:$0x2] =	wrdreg s5  }
0xaf: {  	[dreg:$0x3] =	wrdreg s6  }
0xb0: {  	[dreg:$0x4] =	wrdreg $0xC0  }
0xb1: {  	_ =	task [dreg:s9], $0x5FFFF  }
0xb2: {  	[dreg:$0x1] =	wrdreg $0xFFFFFFFF  }
0xb3: {  	[dreg:$0x0] =	wrdreg $0x60  }
0xb4: {  	[dreg:$0x2] =	wrdreg s18  }
0xb5: {  	[dreg:$0x3] =	wrdreg s16  }
0xb6: {  	[dreg:$0x4] =	wrdreg s17  }
0xb7: {  	[dreg:$0x5] =	wrdreg $0x110000  }
0xb8: {  	[dreg:$0x6] =	wrdreg $0x9  }
0xb9: {  	_ =	task.clear_ibuf [dreg:s9], $0x7FFFF;
	_ =	strace $0x90000049  }
0xba: {  	s29 =	simm.s32 $0x9;
	_ =	strace $0x8000004B  }
0xbb: {  	_ =	swait.ge [sflag:s29], $0x1  }
0xbc: {  	[sflag:s29] =	ssyncadd.s32 $0xFFFFFFFF  }
0xbd: {  	_ =	strace $0x9000004B  }
0xbe: {  	_ =	sfence  }
0xbf: {  	s30 =	sld [smem:$0x0];
	_ =	sdelay $0x2  }
0xc0: {  	s31 =	sshll.u32 s1, $0xD;
	s1 =	sshrl.u32 s1, $0x2  }
0xc1: {  	s3 =	sand.u32 $0x4000, s31;
	s1 =	sadd.s32 s1, s30  }
0xc2: {  	s0 =	sor.u32 s3, s0;
	s1 =	sshll.u32 s1, $0x11  }
0xc3: {  	s0 =	sor.u32 s1, s0  }
0xc4: {  	s0 =	sadd.s32 $0x8F2B, s0  }
0xc5: {  	[sflag:s0] =	ssyncadd.remote.s32 $0x1  }
0xc6: {  	_ =	sfence.sel $0xFFFF  }
0xc7: {  	[dreg:$0x0] =	wrdreg $0xFFFFFFFF;
	(pc) =	sbr.abs _section_cstart, $3  }
0xc8: {  	[dreg:$0x1] =	wrdreg $0xFFFFFFFF  }
0xc9: {  	_ =	task.clear_ibuf [dreg:s9], $0x2FFFF;
	_ =	strace $0x9FFFFFFF  }
0xca: {  	(tm) =	ssettm $0x7FFFFFFF  }
0xcb: {  	_ =	shalt  }
tec
execute0_lowered:
.L_overlay_start_1:
0x0: {  	(tag) =	ssettag $0x1  }
0x1: {  	s0 =	rddreg [dreg:$0x0]  }
0x2: {  	s12 =	rddreg [dreg:$0x1]  }
0x3: {  	s1 =	rddreg [dreg:$0x2]  }
0x4: {  	s2 =	rddreg [dreg:$0x3]  }
0x5: {  	s3 =	srdreg.scid;
	s6 =	stileid.u32  }
0x6: {  	s28 =	simm.s32 $0xF000;
	s29 =	simm.s32 $0x1;
	s30 =	simm.s32 $0x2  }
0x7: {  	s31 =	simm.s32 $0x3;
	s14 =	simm.s32 $0x6;
	s4 =	sand.u32 $0x1, s3  }
0x8: {  	s3 =	simm.s32 $0x0;
	s8 =	sshll.u32 s6, $0x1;
	s16 =	sshll.u32 s6, $0xD  }
0x9: {  	s17 =	sshll.u32 s6, $0xE;
	s11 =	sshll.u32 s6, $0xB;
	s19 =	sshll.u32 s6, $0x6  }
0xa: {  	s23 =	sshll.u32 s6, $0x11;
	p0 =	sne.s32 s6, $0x0;
	s6 =	simm.s32 $0xE  }
0xb: {  	s5 =	ssub.s32 $0x2, s4;
	[smem:$0x7FF] =	sst s3;
	s15 =	sor.u32 s4, s8  }
0xc: {  	s8 =	sadd.s32 s17, s2;
	s18 =	sadd.s32 s12, s11;
	s21 =	sor.u32 $0x1C11, s19  }
0xd: {  	s4 =	sshll.u32 s4, $0x10;
	s17 =	simm.s32 $0x3000;
	s19 =	simm.s32 $0x8  }
0xe: {  	s7 =	sshrl.u32 s5, $0x1;
	_ =	strace $0x8000004A;
	[dreg:$0x5] =	wrdreg s18  }
0xf: {  	s10 =	sshll.u32 s15, $0x8;
	[dreg:$0x6] =	wrdreg s21;
	s22 =	sshll.u32 s15, $0x10  }
0x10: {  	s26 =	sshrl.u32 s8, $0x3;
	s9 =	ssub.s32 s5, s7;
	s5 =	sor.u32 s10, s16  }
0x11: {  	s15 =	simm.s32 $0x40;
	s18 =	simm.s32 $0x5000;
	s20 =	sand.u32 $0x1C300, s5  }
0x12: {  	[dreg:$0xa] =	wrdreg s26;
	s24 =	smax.u32 s9, $0x1;
	s11 =	sshrl.u32 s20, $0x3  }
0x13: {  	s10 =	sadd.s32 $0x40000, s2;
	[dreg:$0x8] =	wrdreg s24;
	s0 =	sadd.s32 s0, s11  }
0x14: {  	s16 =	simm.s32 $0x1000;
	s20 =	simm.s32 $0x7000;
	[dreg:$0x7] =	wrdreg s0  }
.Ltmp0:
0x15: {  	s0 =	sadd.s32 s22, s1;
	s1 =	sadd.s32 s23, s1;
	(pc) =	sbr.rel .LBB2_1-.Ltmp0, $4  }
0x16: {  	s24 =	simm.s32 $0xB000;
	s11 =	simm.s32 $0x11;
	s25 =	sadd.s32 s4, s1  }
0x17: {  	s22 =	simm.s32 $0x9000;
	s7 =	sadd.s32 $0xF800, s0;
	s0 =	sadd.s32 $0x1000, s25  }
0x18: {  	s1 =	simm.s32 $0x5;
	[dreg:$0x9] =	wrdreg s0;
	s0 =	sshrl.u32 @!p0 s10, $0x3  }
0x19: {  	s10 =	simm.s32 $0x0;
	[dreg:$0xb] =	wrdreg s0;
	s0 =	simm.s32 $0x4  }
.LBB2_4:
0x1a: {  	s4 =	simm.s32 $0x9  }
0x1b: {  	_ =	swait.ge [sflag:s4], $0x2000  }
0x1c: {  	[sflag:s4] =	ssyncset.done $0x0  }
0x1d: {  	s12 =	simm.s32 $0xA;
	[sflag:s4] =	ssyncadd.s32 $0xFFFFE000  }
0x1e: {  	_ =	swait.ge [sflag:s12], $0x2000  }
0x1f: {  	[sflag:s12] =	ssyncset.done $0x0  }
0x20: {  	s13 =	simm.s32 $0xB;
	[sflag:s12] =	ssyncadd.s32 $0xFFFFE000  }
0x21: {  	_ =	swait.ge [sflag:s13], $0x2000  }
0x22: {  	[sflag:s13] =	ssyncset.done $0x0  }
0x23: {  	s21 =	simm.s32 $0xC;
	[sflag:s13] =	ssyncadd.s32 $0xFFFFE000  }
0x24: {  	_ =	swait.ge [sflag:s21], $0x2000  }
0x25: {  	[sflag:s21] =	ssyncset.done $0x0  }
0x26: {  	s23 =	simm.s32 $0xD;
	[sflag:s21] =	ssyncadd.s32 $0xFFFFE000  }
0x27: {  	_ =	swait.ge [sflag:s23], $0x2000  }
0x28: {  	[sflag:s23] =	ssyncset.done $0x0  }
0x29: {  	[sflag:s23] =	ssyncadd.s32 $0xFFFFE000  }
0x2a: {  	_ =	swait.ge [sflag:s6], $0x2000  }
0x2b: {  	[sflag:s6] =	ssyncset.done $0x0  }
0x2c: {  	s25 =	simm.s32 $0xF;
	[sflag:s6] =	ssyncadd.s32 $0xFFFFE000  }
0x2d: {  	_ =	swait.ge [sflag:s25], $0x2000  }
0x2e: {  	[sflag:s25] =	ssyncset.done $0x0  }
0x2f: {  	s5 =	simm.s32 $0x10;
	[sflag:s25] =	ssyncadd.s32 $0xFFFFE000  }
0x30: {  	_ =	swait.ge [sflag:s5], $0x2000  }
0x31: {  	s10 =	sadd.s32 $0x1, s10;
	s26 =	rddreg [dreg:$0x8]  }
0x32: {  	p1 =	sne.s32 s10, s26  }
.Ltmp1:
0x33: {  	_ = 	snop;
	(pc) =	sbr.rel @!p1 .LBB2_5-.Ltmp1, $3  }
0x34: {  	_ =	sdelay $0x1  }
0x35: {  	[sflag:s5] =	ssyncset.done $0x0  }
0x36: {  	[sflag:s5] =	ssyncadd.s32 $0xFFFFE000  }
.LBB2_1:
0x37: {  	s4 =	rddreg [dreg:$0x5]  }
0x38: {  	s5 =	rddreg [dreg:$0x6]  }
0x39: {  	s8 =	rddreg [dreg:$0xa]  }
0x3a: {  	[spmem:s8], [sflag:s5] =	dma.local [hbm:s4], $0x800  }
0x3b: {  	_ =	swait.ge [sflag:s11], $0x800  }
0x3c: {  	[sflag:s11] =	ssyncset.done $0x0  }
0x3d: {  	s8 =	rddreg [dreg:$0xb];
	[sflag:s11] =	ssyncadd.s32 $0xFFFFF800  }
0x3e: {  	s9 =	simm.s32 @!p0 $0x11;
	s4 =	rddreg [dreg:$0x1]  }
0x3f: {  	[spmem:s8], [sflag:s5] =	dma.local @!p0 [hbm:s4], $0x10  }
0x40: {  	_ =	swait.ge @!p0 [sflag:s9], $0x10  }
0x41: {  	s12 =	simm.s32 $0x400;
	[sflag:s9] =	ssyncset.done @!p0 $0x0  }
0x42: {  	s8 =	rddreg [dreg:$0x7];
	[sflag:s9] =	ssyncadd.s32 @!p0 $0xFFFFFFF0;
	s9 =	simm.s32 $0x100  }
0x43: {  	[tilespmem:s3], [sflag:$0x11] =	stream.strided.gather [hbm4b:s8+s9], $0x1000, s12, s9, $0x38;
	[tilespmem:$0x15008] =	vst v63  }
0x44: {  	_ =	swait.ge [sflag:s11], $0x1000  }
0x45: {  	[sflag:s11] =	ssyncset.done $0x0  }
0x46: {  	[sflag:s11] =	ssyncadd.s32 $0xFFFFF000  }
0x47: {  	[bflag:$0x0] =	sbarrier.arrive $0xFFFF  }
0x48: {  	[tilespmem:s16], [sflag:$0x1] =	stream.indirect.gather [spmem:s2], $0x80, s3, s15, $0xb8;
	[tilespmem:$0x15008] =	vst v63  }
0x49: {  	_ = 	snop  }
0x4a: {  	[tilespmem:s17], [sflag:$0x2] =	stream.indirect.gather [spmem:s2], $0x80, s15, s15, $0xb8;
	[tilespmem:$0x15008] =	vst v63  }
0x4b: {  	_ = 	snop  }
0x4c: {  	[tilespmem:s18], [sflag:$0x3] =	stream.indirect.gather [spmem:s2], $0x80, s9, s15, $0xb8;
	[tilespmem:$0x15008] =	vst v63  }
0x4d: {  	s13 =	simm.s32 $0x140  }
0x4e: {  	[tilespmem:s20], [sflag:$0x4] =	stream.indirect.gather [spmem:s2], $0x80, s13, s15, $0xb8;
	[tilespmem:$0x15008] =	vst v63  }
0x4f: {  	s21 =	simm.s32 $0x200  }
0x50: {  	[tilespmem:s22], [sflag:$0x5] =	stream.indirect.gather [spmem:s2], $0x80, s21, s15, $0xb8;
	[tilespmem:$0x15008] =	vst v63  }
0x51: {  	s23 =	simm.s32 $0x240;
	s25 =	simm.s32 $0x300  }
0x52: {  	[tilespmem:s24], [sflag:$0x6] =	stream.indirect.gather [spmem:s2], $0x80, s23, s15, $0xb8;
	[tilespmem:$0x15008] =	vst v63  }
0x53: {  	s26 =	simm.s32 $0xD000;
	s12 =	simm.s32 $0x680;
	s9 =	simm.s32 $0x340  }
0x54: {  	[tilespmem:s26], [sflag:$0x7] =	stream.indirect.gather [spmem:s2], $0x80, s25, s15, $0xb8;
	[tilespmem:$0x15008] =	vst v63  }
0x55: {  	s21 =	simm.s32 $0xFFFFFFF8;
	s23 =	rddreg [dreg:$0x9];
	s25 =	simm.s32 $0x0  }
0x56: {  	[tilespmem:s28], [sflag:$0x8] =	stream.indirect.gather [spmem:s2], $0x80, s9, s15, $0xb8;
	[tilespmem:$0x15008] =	vst v63  }
.LBB2_2:
0x57: {  	_ =	swait.ge [sflag:s29], $0x2000  }
0x58: {  	[sflag:s29] =	ssyncset.done $0x0  }
0x59: {  	s26 =	sadd.s32 $0xFFFFF000, s23;
	p1 =	sgt.u32 s21, $0x37;
	[sflag:s29] =	ssyncadd.s32 $0xFFFFE000  }
0x5a: {  	[hbm4b:s26+s3] =	stream.linear.scatter [tilespmem:s16], [sflag:$0x9], $0x2000, $0x38;
	[tilespmem:$0x15008] =	vst v63  }
0x5b: {  	s26 =	simm.s32 @!p1 $0xF  }
0x5c: {  	_ =	swait.ge @!p1 [sflag:s26], $0x2000  }
0x5d: {  	s4 =	sadd.s32 @!p1 $0xFFFFFC80, s12;
	[sflag:s26] =	ssyncset.done @!p1 $0x0  }
0x5e: {  	s4 =	sand.u32 @!p1 $0xF00, s4;
	[sflag:s26] =	ssyncadd.s32 @!p1 $0xFFFFE000;
	s26 =	sand.u32 @!p1 $0x80, s25  }
0x5f: {  	s8 =	simm.s32 @!p1 $0xD000;
	s4 =	sor.u32 @!p1 s26, s4;
	s26 =	simm.s32 @!p1 $0x40  }
0x60: {  	[tilespmem:s8], [sflag:$0x7] =	stream.indirect.gather @!p1 [spmem:s2], $0x80, s4, s26, $0xb8;
	[tilespmem:$0x15008] =	vst v63  }
0x61: {  	_ =	swait.ge [sflag:s30], $0x2000  }
0x62: {  	p1 =	seq.s32 s12, $0x680;
	[sflag:s30] =	ssyncset.done $0x0  }
0x63: {  	s26 =	sadd.s32 $0xFFFFF400, s23;
	s4 =	simm.s32 @!p1 $0x10;
	[sflag:s30] =	ssyncadd.s32 $0xFFFFE000  }
0x64: {  	[hbm4b:s26+s3] =	stream.linear.scatter [tilespmem:s17], [sflag:$0xA], $0x2000, $0x38;
	[tilespmem:$0x15008] =	vst v63  }
0x65: {  	s8 =	sadd.s32 @!p1 $0xFFFFFD00, s12;
	_ =	swait.ge @!p1 [sflag:s4], $0x2000  }
0x66: {  	s8 =	sand.u32 @!p1 $0xF00, s8;
	s26 =	sand.u32 @!p1 $0x80, s25;
	[sflag:s4] =	ssyncset.done @!p1 $0x0  }
0x67: {  	[sflag:s4] =	ssyncadd.s32 @!p1 $0xFFFFE000;
	s4 =	sor.u32 @!p1 s26, s8  }
0x68: {  	s8 =	simm.s32 @!p1 $0x40;
	s26 =	simm.s32 @!p1 $0xF000;
	s4 =	sor.u32 @!p1 $0x40, s4  }
0x69: {  	[tilespmem:s26], [sflag:$0x8] =	stream.indirect.gather @!p1 [spmem:s2], $0x80, s4, s8, $0xb8;
	[tilespmem:$0x15008] =	vst v63  }
0x6a: {  	_ =	swait.ge [sflag:s31], $0x2000  }
0x6b: {  	p1 =	seq.s32 s12, $0x2280;
	[sflag:s31] =	ssyncset.done $0x0  }
0x6c: {  	s5 =	sadd.s32 $0xFFFFF800, s23;
	s4 =	simm.s32 @!p1 $0x9;
	[sflag:s31] =	ssyncadd.s32 $0xFFFFE000  }
0x6d: {  	[hbm4b:s5+s3] =	stream.linear.scatter [tilespmem:s18], [sflag:$0xB], $0x2000, $0x38;
	[tilespmem:$0x15008] =	vst v63  }
0x6e: {  	_ =	swait.ge @!p1 [sflag:s4], $0x2000  }
0x6f: {  	s8 =	sadd.s32 @!p1 $0xFFFFFD80, s12;
	s26 =	sadd.s32 @!p1 $0x20, s25;
	[sflag:s4] =	ssyncset.done @!p1 $0x0  }
0x70: {  	[sflag:s4] =	ssyncadd.s32 @!p1 $0xFFFFE000;
	s4 =	sand.u32 @!p1 $0xC00, s8;
	s8 =	sand.u32 @!p1 $0x80, s26  }
0x71: {  	s26 =	simm.s32 @!p1 $0x40;
	s4 =	sor.u32 @!p1 s8, s4;
	s8 =	simm.s32 @!p1 $0x1000  }
0x72: {  	[tilespmem:s8], [sflag:$0x1] =	stream.indirect.gather @!p1 [spmem:s2], $0x80, s4, s26, $0xb8;
	[tilespmem:$0x15008] =	vst v63  }
0x73: {  	_ =	swait.ge [sflag:s0], $0x2000  }
0x74: {  	[sflag:s0] =	ssyncset.done $0x0  }
0x75: {  	s13 =	sadd.s32 @!p1 $0xFFFFFE00, s12;
	s8 =	sadd.s32 $0xFFFFFC00, s23;
	[sflag:s0] =	ssyncadd.s32 $0xFFFFE000  }
0x76: {  	[hbm4b:s8+s3] =	stream.linear.scatter [tilespmem:s20], [sflag:$0xC], $0x2000, $0x38;
	[tilespmem:$0x15008] =	vst v63  }
0x77: {  	s13 =	sand.u32 @!p1 $0xC00, s13;
	s8 =	sadd.s32 @!p1 $0xFFFFFF00, s9  }
0x78: {  	s5 =	sadd.s32 @!p1 $0x24, s25;
	s4 =	simm.s32 @!p1 $0xA;
	s8 =	sand.u32 @!p1 $0x1000, s8  }
0x79: {  	s5 =	sand.u32 @!p1 $0x80, s5;
	_ =	swait.ge @!p1 [sflag:s4], $0x2000;
	s8 =	sor.u32 @!p1 s13, s8  }
0x7a: {  	[sflag:s4] =	ssyncset.done @!p1 $0x0;
	s5 =	sor.u32 @!p1 s5, s8  }
0x7b: {  	[sflag:s4] =	ssyncadd.s32 @!p1 $0xFFFFE000;
	s4 =	sor.u32 @!p1 $0x40, s5;
	s5 =	simm.s32 @!p1 $0x3000  }
0x7c: {  	[tilespmem:s5], [sflag:$0x2] =	stream.indirect.gather @!p1 [spmem:s2], $0x80, s4, s26, $0xb8;
	[tilespmem:$0x15008] =	vst v63  }
0x7d: {  	_ =	swait.ge [sflag:s1], $0x2000  }
0x7e: {  	s13 =	sadd.s32 @!p1 $0x28, s25;
	s8 =	sadd.s32 @!p1 $0xFFFFFE80, s12;
	[sflag:s1] =	ssyncset.done $0x0  }
0x7f: {  	s4 =	simm.s32 @!p1 $0xB;
	s5 =	sadd.s32 @!p1 $0xFFFFFF40, s9;
	[sflag:s1] =	ssyncadd.s32 $0xFFFFE000  }
0x80: {  	[hbm4b:s23+s3] =	stream.linear.scatter [tilespmem:s22], [sflag:$0xD], $0x2000, $0x38;
	[tilespmem:$0x15008] =	vst v63  }
0x81: {  	s8 =	sand.u32 @!p1 $0xD00, s8;
	s5 =	sand.u32 @!p1 $0x1000, s5;
	_ =	swait.ge @!p1 [sflag:s4], $0x2000  }
0x82: {  	s13 =	sand.u32 @!p1 $0x80, s13;
	s5 =	sor.u32 @!p1 s8, s5;
	[sflag:s4] =	ssyncset.done @!p1 $0x0  }
0x83: {  	[sflag:s4] =	ssyncadd.s32 @!p1 $0xFFFFE000;
	s4 =	sor.u32 @!p1 s13, s5;
	s5 =	simm.s32 @!p1 $0x5000  }
0x84: {  	[tilespmem:s5], [sflag:$0x3] =	stream.indirect.gather @!p1 [spmem:s2], $0x80, s4, s26, $0xb8;
	[tilespmem:$0x15008] =	vst v63  }
0x85: {  	_ =	swait.ge [sflag:s14], $0x2000  }
0x86: {  	[sflag:s14] =	ssyncset.done $0x0  }
0x87: {  	s13 =	sadd.s32 $0x400, s23;
	s4 =	simm.s32 @p1 $0x7;
	[sflag:s14] =	ssyncadd.s32 $0xFFFFE000  }
0x88: {  	[hbm4b:s13+s3] =	stream.linear.scatter [tilespmem:s24], [sflag:$0xE], $0x2000, $0x38;
	[tilespmem:$0x15008] =	vst v63  }
0x89: {  	_ =	swait.ge @p1 [sflag:s4], $0x2000  }
0x8a: {  	s8 =	sadd.s32 @!p1 $0xFFFFFF00, s12;
	[sflag:s4] =	ssyncset.done @p1 $0x0  }
0x8b: {  	s5 =	simm.s32 @p1 $0xD000;
	[sflag:s4] =	ssyncadd.s32 @p1 $0xFFFFE000;
	s4 =	simm.s32 @p1 $0x0  }
0x8c: {  	[hbm4b:s7+s4] =	stream.linear.scatter @p1 [tilespmem:s5], [sflag:$0xF], $0x2000, $0x38;
	[tilespmem:$0x15008] =	vst v63  }
0x8d: {  	s8 =	sand.u32 @!p1 $0xD00, s8;
	s5 =	sadd.s32 @!p1 $0xFFFFFF80, s9  }
0x8e: {  	s13 =	sadd.s32 @!p1 $0x2C, s25;
	s4 =	simm.s32 @!p1 $0xC;
	s5 =	sand.u32 @!p1 $0x1000, s5  }
0x8f: {  	s13 =	sand.u32 @!p1 $0x80, s13;
	_ =	swait.ge @!p1 [sflag:s4], $0x2000;
	s5 =	sor.u32 @!p1 s8, s5  }
0x90: {  	[sflag:s4] =	ssyncset.done @!p1 $0x0;
	s5 =	sor.u32 @!p1 s13, s5  }
0x91: {  	[sflag:s4] =	ssyncadd.s32 @!p1 $0xFFFFE000;
	s4 =	sor.u32 @!p1 $0x40, s5;
	s5 =	simm.s32 @!p1 $0x7000  }
0x92: {  	[tilespmem:s5], [sflag:$0x4] =	stream.indirect.gather @!p1 [spmem:s2], $0x80, s4, s26, $0xb8;
	[tilespmem:$0x15008] =	vst v63  }
0x93: {  	s4 =	simm.s32 @!p1 $0x7  }
0x94: {  	_ =	swait.ge @!p1 [sflag:s4], $0x2000  }
0x95: {  	s8 =	simm.s32 @!p1 $0xD000;
	s13 =	sadd.s32 @!p1 $0x30, s25;
	[sflag:s4] =	ssyncset.done @!p1 $0x0  }
0x96: {  	s5 =	simm.s32 @!p1 $0x0;
	[sflag:s4] =	ssyncadd.s32 @!p1 $0xFFFFE000;
	s4 =	sadd.s32 @!p1 $0x800, s23  }
0x97: {  	[hbm4b:s4+s5] =	stream.linear.scatter @!p1 [tilespmem:s8], [sflag:$0xF], $0x2000, $0x38;
	[tilespmem:$0x15008] =	vst v63  }
0x98: {  	s4 =	simm.s32 @!p1 $0xD;
	s5 =	sadd.s32 @!p1 $0xFFFFFFC0, s9;
	s8 =	sadd.s32 @!p1 $0xFFFFFF80, s12  }
0x99: {  	_ =	swait.ge @!p1 [sflag:s4], $0x2000;
	s5 =	sand.u32 @!p1 $0x1000, s5;
	s8 =	sand.u32 @!p1 $0xE00, s8  }
0x9a: {  	s5 =	sor.u32 @!p1 s8, s5;
	[sflag:s4] =	ssyncset.done @!p1 $0x0;
	s8 =	sand.u32 @!p1 $0x80, s13  }
0x9b: {  	[sflag:s4] =	ssyncadd.s32 @!p1 $0xFFFFE000;
	s4 =	sor.u32 @!p1 s8, s5;
	s5 =	simm.s32 @!p1 $0x9000  }
0x9c: {  	[tilespmem:s5], [sflag:$0x5] =	stream.indirect.gather @!p1 [spmem:s2], $0x80, s4, s26, $0xb8;
	[tilespmem:$0x15008] =	vst v63  }
.Ltmp2:
0x9d: {  	_ = 	snop;
	(pc) =	sbr.rel @p1 .LBB2_4-.Ltmp2, $4  }
0x9e: {  	_ =	swait.ge [sflag:s19], $0x2000  }
0x9f: {  	[sflag:s19] =	ssyncset.done $0x0  }
0xa0: {  	s26 =	sadd.s32 $0xC00, s23;
	[sflag:s19] =	ssyncadd.s32 $0xFFFFE000  }
0xa1: {  	[hbm4b:s26+s3] =	stream.linear.scatter [tilespmem:s28], [sflag:$0x10], $0x2000, $0x38;
	[tilespmem:$0x15008] =	vst v63  }
0xa2: {  	s4 =	sand.u32 $0x1000, s9  }
0xa3: {  	s5 =	sand.u32 $0xE00, s12;
	s8 =	sadd.s32 $0x34, s25;
	_ =	swait.ge [sflag:s6], $0x2000  }
.Ltmp3:
0xa4: {  	s25 =	sadd.s32 $0x20, s25;
	s23 =	sadd.s32 $0x2000, s23;
	(pc) =	sbr.rel .LBB2_2-.Ltmp3, $4  }
0xa5: {  	s12 =	sadd.s32 $0x400, s12;
	s8 =	sand.u32 $0x80, s8;
	s4 =	sor.u32 s5, s4  }
0xa6: {  	s9 =	sadd.s32 $0x200, s9;
	[sflag:s6] =	ssyncset.done $0x0;
	s4 =	sor.u32 s8, s4  }
0xa7: {  	s21 =	sadd.s32 $0x8, s21;
	[sflag:s6] =	ssyncadd.s32 $0xFFFFE000;
	s4 =	sor.u32 $0x40, s4  }
0xa8: {  	[tilespmem:s24], [sflag:$0x6] =	stream.indirect.gather [spmem:s2], $0x80, s4, s15, $0xb8;
	[tilespmem:$0x15008] =	vst v63  }
.LBB2_5:
0xa9: {  	_ =	sfence.sel $0x180000  }
0xaa: {  	[bflag:$0x0] =	sbarrier.arrive $0xFFFF  }
0xab: {  	_ =	strace $0x9000004A  }
0xac: {  	[bflag:$0x2] =	sbarrier.arrive $0xFFFF  }
0xad: {  	s0 =	rddreg [dreg:$0x4]  }
0xae: {  	s0 =	sadd.s32 @!p0 $0x100000, s0  }
0xaf: {  	[sflag:s0] =	ssyncadd.tile.s32 @!p0 $0x1;
	_ =	shalt  }
.Lfunc_end2:
_tile_overlayer_lowered:
.L_overlay_start_2:
0xb0: {  	(tag) =	ssettag $0x2  }
0xb1: {  	s0 =	rddreg [dreg:$0x0];
	s2 =	stileid.u32  }
0xb2: {  	s1 =	rddreg [dreg:$0x1];
	p0 =	sne.s32 s2, $0x0  }
0xb3: {  	s3 =	rddreg [dreg:$0x2];
	[bflag:$0x3] =	sbarrier.arrive $0xFFFF;
	s2 =	simm.s32 @!p0 $0x1C11  }
0xb4: {  	[timem:s3], [sflag:s2] =	dma.local @!p0 [hbm:s0], s1  }
0xb5: {  	s0 =	simm.s32 @!p0 $0x11  }
0xb6: {  	_ =	swait.ge @!p0 [sflag:s0], s1  }
0xb7: {  	s1 =	ssub.s32 @!p0 $0x0, s1;
	[sflag:s0] =	ssyncset.done @!p0 $0x0  }
0xb8: {  	[sflag:s0] =	ssyncadd.s32 @!p0 s1  }
0xb9: {  	[bflag:$0x3] =	sbarrier.arrive $0xFFFF  }
0xba: {  	_ =	shalt  }

</sc_bundles>
